<compile_context>
chip_gen: v7x
topology: tpu7x:2x2x1
jax: 0.10.2.dev20260603
libtpu: 0.0.44.dev20260713+nightly
codegen_flags: <defaults>
</compile_context>

<pallas_src>
import dataclasses
import functools

import jax
import jax.numpy as jnp
from jax import lax
from jax.experimental import pallas as pl
from jax.experimental.pallas import tpu as pltpu
from jax.experimental.pallas import tpu_sc as plsc

N = 10000
E = 320000
D = 128
DW = 16
C = 128
NCHUNK = E // C
NWORK = 32
BASE_CHUNKS = NCHUNK // NWORK
EXTRA = NCHUNK - BASE_CHUNKS * NWORK
B = 4
NBATCH = (BASE_CHUNKS + 1 + B - 1) // B
PAD_CHUNKS = NCHUNK + B

_SC_COMPILER_PARAMS = pltpu.CompilerParams(use_tc_tiling_on_sc=False)
if "needs_layout_passes" in pltpu.CompilerParams.__dataclass_fields__:
    _SC_COMPILER_PARAMS = dataclasses.replace(_SC_COMPILER_PARAMS, needs_layout_passes=False)

ROWS_PER_TILE = 624
SLAB = 104
TAIL_ROWS = N - 16 * ROWS_PER_TILE


def _scalar_table_body(fa_ref, fs_ref, fp_ref, lap_ref, rap_ref, lsp_ref, rsp_ref, out_ref):
    fa = fa_ref[...]
    fs = fs_ref[...]
    fp = fp_ref[...]
    el_ap = jnp.sum(fa * lap_ref[...][0][None, :], axis=1)
    er_ap = jnp.sum(fp * rap_ref[...][0][None, :], axis=1)
    el_sp = jnp.sum(fs * lsp_ref[...][0][None, :], axis=1)
    er_sp = jnp.sum(fp * rsp_ref[...][0][None, :], axis=1)
    out_ref[...] = jnp.stack([el_ap, er_ap, el_sp, er_sp], axis=0)


def _scalar_table(feat_author, feat_subject, feat_paper, attn_l_ap, attn_r_ap, attn_l_sp, attn_r_sp):
    return pl.pallas_call(
        _scalar_table_body,
        out_shape=jax.ShapeDtypeStruct((4, N), jnp.float32),
    )(feat_author, feat_subject, feat_paper, attn_l_ap, attn_r_ap, attn_l_sp, attn_r_sp)


def _sc_gat(scal, src_ap, dst_ap, src_sp, dst_sp, feat_a, feat_s):
    mesh = plsc.VectorSubcoreMesh(core_axis_name="c", subcore_axis_name="s")

    @functools.partial(
        pl.kernel,
        out_type=[
            jax.ShapeDtypeStruct((2, N, D), jnp.float32),
            jax.ShapeDtypeStruct((2, N, DW), jnp.float32),
            jax.ShapeDtypeStruct((2, N, D), jnp.float32),
            jax.ShapeDtypeStruct((2, N, DW), jnp.float32),
        ],
        mesh=mesh,
        scratch_types=[
            pltpu.VMEM((N,), jnp.float32),
            pltpu.VMEM((N,), jnp.float32),
            pltpu.VMEM((B, C), jnp.int32),
            pltpu.VMEM((B, C), jnp.int32),
            pltpu.VMEM((C, D), jnp.float32),
            pltpu.VMEM((C, DW), jnp.float32),
            pltpu.VMEM((C,), jnp.float32),
            pltpu.VMEM_SHARED((N, D), jnp.float32),
            pltpu.VMEM_SHARED((N, DW), jnp.float32),
            pltpu.SemaphoreType.DMA,
        ],
        compiler_params=_SC_COMPILER_PARAMS,
    )
    def kern(scal_hbm, src_ap_hbm, dst_ap_hbm, src_sp_hbm, dst_sp_hbm,
             feat_a_hbm, feat_s_hbm, out_ap_hbm, den_ap_hbm, out_sp_hbm, den_sp_hbm,
             el_t, er_t, src_t, dst_t, rows_g, p_rows, p_col, acc, accd, gs0):
        cid = lax.axis_index("c")
        sid = lax.axis_index("s")
        wid = sid * 2 + cid
        n_my = BASE_CHUNKS + jnp.where(wid < EXTRA, 1, 0)
        cstart = wid * BASE_CHUNKS + jnp.minimum(wid, EXTRA)

        col_iota = lax.iota(jnp.int32, 16)
        denom_mask = jnp.where(col_iota == 0, 1.0, 0.0).astype(jnp.float32)
        zz = jnp.zeros((16,), jnp.float32)

        def zero_local():
            @pl.loop(0, C)
            def _(r):
                for g in range(D // 16):
                    rows_g[r, pl.ds(16 * g, 16)] = zz
                p_rows[r, :] = zz

        def zero_acc():
            for k in range(ROWS_PER_TILE // SLAB):
                r0 = sid * ROWS_PER_TILE + k * SLAB
                pltpu.sync_copy(rows_g.at[pl.ds(0, SLAB), :], acc.at[pl.ds(r0, SLAB), :])
                pltpu.sync_copy(p_rows.at[pl.ds(0, SLAB), :], accd.at[pl.ds(r0, SLAB), :])

            @pl.when(sid == 15)
            def _():
                r0 = 16 * ROWS_PER_TILE
                pltpu.sync_copy(rows_g.at[pl.ds(0, TAIL_ROWS), :], acc.at[pl.ds(r0, TAIL_ROWS), :])
                pltpu.sync_copy(p_rows.at[pl.ds(0, TAIL_ROWS), :], accd.at[pl.ds(r0, TAIL_ROWS), :])

        def drain(out_hbm, den_hbm):
            for k in range(ROWS_PER_TILE // SLAB):
                r0 = sid * ROWS_PER_TILE + k * SLAB
                pltpu.sync_copy(acc.at[pl.ds(r0, SLAB), :], out_hbm.at[cid].at[pl.ds(r0, SLAB), :])
                pltpu.sync_copy(accd.at[pl.ds(r0, SLAB), :], den_hbm.at[cid].at[pl.ds(r0, SLAB), :])

            @pl.when(sid == 15)
            def _():
                r0 = 16 * ROWS_PER_TILE
                pltpu.sync_copy(acc.at[pl.ds(r0, TAIL_ROWS), :], out_hbm.at[cid].at[pl.ds(r0, TAIL_ROWS), :])
                pltpu.sync_copy(accd.at[pl.ds(r0, TAIL_ROWS), :], den_hbm.at[cid].at[pl.ds(r0, TAIL_ROWS), :])

        def run_relation(src_hbm, dst_hbm, feat_hbm, el_row, er_row):
            pltpu.sync_copy(scal_hbm.at[el_row], el_t)
            pltpu.sync_copy(scal_hbm.at[er_row], er_t)

            @pl.loop(0, NBATCH)
            def _(b):
                b0 = cstart + b * B
                pltpu.sync_copy(src_hbm.at[pl.ds(b0, B), :], src_t)
                pltpu.sync_copy(dst_hbm.at[pl.ds(b0, B), :], dst_t)
                jcount = jnp.minimum(n_my - b * B, B)

                @pl.loop(0, jcount)
                def _(j):
                    pltpu.async_copy(feat_hbm.at[src_t.at[j]], rows_g, gs0).wait()
                    for g in range(C // 16):
                        sv = src_t[j, pl.ds(16 * g, 16)]
                        dv = dst_t[j, pl.ds(16 * g, 16)]
                        e = plsc.load_gather(el_t, [sv]) + plsc.load_gather(er_t, [dv])
                        e = jnp.where(e >= 0.0, e, 0.01 * e)
                        p_col[pl.ds(16 * g, 16)] = jnp.exp(e)

                    @pl.loop(0, C)
                    def _(r):
                        psp = plsc.load_gather(p_col, [jnp.full((16,), r, jnp.int32)])
                        for g in range(D // 16):
                            rows_g[r, pl.ds(16 * g, 16)] = rows_g[r, pl.ds(16 * g, 16)] * psp
                        p_rows[r, :] = psp * denom_mask

                    pltpu.sync_copy(rows_g, acc.at[dst_t.at[j]], add=True)
                    pltpu.sync_copy(p_rows, accd.at[dst_t.at[j]], add=True)

        zero_local()
        zero_acc()
        plsc.subcore_barrier()
        run_relation(src_ap_hbm, dst_ap_hbm, feat_a_hbm, 0, 1)
        plsc.subcore_barrier()
        drain(out_ap_hbm, den_ap_hbm)
        zero_local()
        zero_acc()
        plsc.subcore_barrier()
        run_relation(src_sp_hbm, dst_sp_hbm, feat_s_hbm, 2, 3)
        plsc.subcore_barrier()
        drain(out_sp_hbm, den_sp_hbm)

    return kern(scal, src_ap, dst_ap, src_sp, dst_sp, feat_a, feat_s)


ROWS_TC = 1000
GRID_TC = N // ROWS_TC


def _post_body(ap_ref, dap_ref, sp_ref, dsp_ref, fcw_ref, fcb_ref,
               h_ap_ref, h_sp_ref, tsum_ref):
    step = pl.program_id(0)

    @pl.when(step == 0)
    def _():
        tsum_ref[...] = jnp.zeros_like(tsum_ref)

    fcw = fcw_ref[...]
    fcb = fcb_ref[...]
    for m, (part_ref, den_ref, h_ref) in enumerate(
            ((ap_ref, dap_ref, h_ap_ref), (sp_ref, dsp_ref, h_sp_ref))):
        num = part_ref[...][0] + part_ref[...][1]
        denf = den_ref[...][0] + den_ref[...][1]
        den = denf[:, 0:1]
        h = jnp.where(den > 0.0, num / jnp.where(den > 0.0, den, 1.0), 0.0)
        h = jnp.where(h > 0.0, h, jnp.exp(h) - 1.0)
        h_ref[...] = h
        t = jnp.tanh(
            jax.lax.dot_general(h, fcw, (((1,), (1,)), ((), ())),
                                preferred_element_type=jnp.float32) + fcb[None, :])
        tsum_ref[pl.ds(m, 1), :] += jnp.sum(t, axis=0, keepdims=True)


def _post(out_ap, den_ap, out_sp, den_sp, fc_w, fc_b):
    return pl.pallas_call(
        _post_body,
        grid=(GRID_TC,),
        in_specs=[
            pl.BlockSpec((2, ROWS_TC, D), lambda i: (0, i, 0)),
            pl.BlockSpec((2, ROWS_TC, DW), lambda i: (0, i, 0)),
            pl.BlockSpec((2, ROWS_TC, D), lambda i: (0, i, 0)),
            pl.BlockSpec((2, ROWS_TC, DW), lambda i: (0, i, 0)),
            pl.BlockSpec((D, D), lambda i: (0, 0)),
            pl.BlockSpec((D,), lambda i: (0,)),
        ],
        out_specs=[
            pl.BlockSpec((ROWS_TC, D), lambda i: (i, 0)),
            pl.BlockSpec((ROWS_TC, D), lambda i: (i, 0)),
            pl.BlockSpec((2, D), lambda i: (0, 0)),
        ],
        out_shape=[
            jax.ShapeDtypeStruct((N, D), jnp.float32),
            jax.ShapeDtypeStruct((N, D), jnp.float32),
            jax.ShapeDtypeStruct((2, D), jnp.float32),
        ],
    )(out_ap, den_ap, out_sp, den_sp, fc_w, fc_b)


def _combine_body(h_ap_ref, h_sp_ref, tsum_ref, sem_ref, out_ref):
    tmean = tsum_ref[...] * (1.0 / N)
    a = sem_ref[...][0]
    w0 = jnp.sum(tmean[0] * a)
    w1 = jnp.sum(tmean[1] * a)
    m = jnp.maximum(w0, w1)
    b0 = jnp.exp(w0 - m)
    b1 = jnp.exp(w1 - m)
    s = b0 + b1
    out_ref[...] = (b0 * h_ap_ref[...] + b1 * h_sp_ref[...]) / s


def _combine(h_ap, h_sp, tsum, attn_sem):
    return pl.pallas_call(
        _combine_body,
        grid=(GRID_TC,),
        in_specs=[
            pl.BlockSpec((ROWS_TC, D), lambda i: (i, 0)),
            pl.BlockSpec((ROWS_TC, D), lambda i: (i, 0)),
            pl.BlockSpec((2, D), lambda i: (0, 0)),
            pl.BlockSpec((1, D), lambda i: (0, 0)),
        ],
        out_specs=pl.BlockSpec((ROWS_TC, D), lambda i: (i, 0)),
        out_shape=jax.ShapeDtypeStruct((N, D), jnp.float32),
    )(h_ap, h_sp, tsum, attn_sem)


def _pad_chunks(x):
    return jnp.pad(x.reshape(NCHUNK, C), ((0, PAD_CHUNKS - NCHUNK), (0, 0)))


def kernel(feat_author, feat_subject, feat_paper, edge_index_ap, edge_index_sp,
           attn_l_ap, attn_r_ap, attn_l_sp, attn_r_sp, fc_w, fc_b, attn_sem):
    scal = _scalar_table(feat_author, feat_subject, feat_paper,
                         attn_l_ap, attn_r_ap, attn_l_sp, attn_r_sp)
    src_ap = _pad_chunks(edge_index_ap[0])
    dst_ap = _pad_chunks(edge_index_ap[1])
    src_sp = _pad_chunks(edge_index_sp[0])
    dst_sp = _pad_chunks(edge_index_sp[1])
    out_ap, den_ap, out_sp, den_sp = _sc_gat(scal, src_ap, dst_ap, src_sp, dst_sp,
                                             feat_author, feat_subject)
    h_ap, h_sp, tsum = _post(out_ap, den_ap, out_sp, den_sp, fc_w, fc_b)
    return _combine(h_ap, h_sp, tsum, attn_sem)

# --- scband reference (transcript-rebuilt; emitter-appended) ---
"""Pipeline reference for scband-network-schema-encoder-2044404433796 (READ-ONLY COPY).

The authoritative reference and input builder live on the scoring server;
editing this copy changes nothing except your own understanding.
"""

import jax, jax.numpy as jnp
import numpy as np

N_NODES = 10000
N_EDGES = 320000
D = 128


def setup_inputs(seed: int = 0) -> dict:
    key = jax.random.key(seed)
    ks = [jax.random.fold_in(key, i) for i in range(12)]
    inp = {}
    inp["feat_author"] = jax.random.normal(ks[0], (N_NODES, D), dtype=jnp.float32)
    inp["feat_subject"] = jax.random.normal(ks[1], (N_NODES, D), dtype=jnp.float32)
    inp["feat_paper"] = jax.random.normal(ks[2], (N_NODES, D), dtype=jnp.float32)
    inp["edge_index_ap"] = jax.random.randint(ks[3], (2, N_EDGES), 0, N_NODES, dtype=jnp.int32)
    inp["edge_index_sp"] = jax.random.randint(ks[4], (2, N_EDGES), 0, N_NODES, dtype=jnp.int32)
    # learned parameters (xavier-normal-like init)
    g = 1.0 / np.sqrt(D)
    inp["attn_l_ap"] = jax.random.normal(ks[5], (1, D), dtype=jnp.float32) * g
    inp["attn_r_ap"] = jax.random.normal(ks[6], (1, D), dtype=jnp.float32) * g
    inp["attn_l_sp"] = jax.random.normal(ks[7], (1, D), dtype=jnp.float32) * g
    inp["attn_r_sp"] = jax.random.normal(ks[8], (1, D), dtype=jnp.float32) * g
    inp["fc_w"] = jax.random.normal(ks[9], (D, D), dtype=jnp.float32) * g
    inp["fc_b"] = jnp.zeros((D,), dtype=jnp.float32)
    inp["attn_sem"] = jax.random.normal(ks[10], (1, D), dtype=jnp.float32) * g
    return inp


def _gat_conv(feat_src, feat_dst, edge_index, attn_l, attn_r, num_dst):
    src = edge_index[0]
    dst = edge_index[1]
    # attn_drop with p=0.0 is identity
    el = (feat_src * attn_l).sum(axis=-1)  # [N_src]
    er = (feat_dst * attn_r).sum(axis=-1)  # [N_dst]
    e = el[src] + er[dst]                  # u_add_v
    e = jnp.where(e >= 0, e, 0.01 * e)     # leaky_relu(negative_slope=0.01)
    # edge_softmax over incoming edges of each dst node
    emax = jax.ops.segment_max(e, dst, num_segments=num_dst)
    emax = jnp.where(jnp.isfinite(emax), emax, 0.0)
    ee = jnp.exp(e - emax[dst])
    denom = jax.ops.segment_sum(ee, dst, num_segments=num_dst)
    a = ee / denom[dst]
    # u_mul_e then sum-reduce to dst
    m = feat_src[src] * a[:, None]
    out = jax.ops.segment_sum(m, dst, num_segments=num_dst)
    return jax.nn.elu(out)


def reference(feat_author, feat_subject, feat_paper, edge_index_ap, edge_index_sp,
              attn_l_ap, attn_r_ap, attn_l_sp, attn_r_sp, fc_w, fc_b, attn_sem):
    num_dst = feat_paper.shape[0]
    h_ap = _gat_conv(feat_author, feat_paper, edge_index_ap, attn_l_ap, attn_r_ap, num_dst)
    h_sp = _gat_conv(feat_subject, feat_paper, edge_index_sp, attn_l_sp, attn_r_sp, num_dst)
    h = jnp.stack([h_ap, h_sp], axis=1)  # [N, M=2, d]
    # semantic attention
    w = jnp.tanh(h @ fc_w.T + fc_b).mean(axis=0) @ attn_sem.T  # [M, 1]
    beta = jax.nn.softmax(w, axis=0)                           # [M, 1]
    beta = jnp.broadcast_to(beta, (h.shape[0],) + beta.shape)  # [N, M, 1]
    return (beta * h).sum(axis=1)                              # [N, d]

if __name__ == "__main__":
    import jax
    _d = setup_inputs()
    print(jax.jit(kernel)(*tuple(_d.values())))

</pallas_src>

<mosaic_0001>
#map = affine_map<(d0, d1) -> (0, 0)>
#map1 = affine_map<(d0, d1) -> (0, 0, 0)>
module attributes {stable_mosaic.version = 14 : i64} {
  func.func @kern(%arg0: i32, %arg1: i32, %arg2: memref<4x10000xf32, #tpu.memory_space<hbm>>, %arg3: memref<2504x128xi32, #tpu.memory_space<hbm>>, %arg4: memref<2504x128xi32, #tpu.memory_space<hbm>>, %arg5: memref<2504x128xi32, #tpu.memory_space<hbm>>, %arg6: memref<2504x128xi32, #tpu.memory_space<hbm>>, %arg7: memref<10000x128xf32, #tpu.memory_space<hbm>>, %arg8: memref<10000x128xf32, #tpu.memory_space<hbm>>, %arg9: memref<2x10000x128xf32, #tpu.memory_space<hbm>>, %arg10: memref<2x10000x16xf32, #tpu.memory_space<hbm>>, %arg11: memref<2x10000x128xf32, #tpu.memory_space<hbm>>, %arg12: memref<2x10000x16xf32, #tpu.memory_space<hbm>>, %arg13: memref<10000xf32, #tpu.memory_space<vmem>>, %arg14: memref<10000xf32, #tpu.memory_space<vmem>>, %arg15: memref<4x128xi32, #tpu.memory_space<vmem>>, %arg16: memref<4x128xi32, #tpu.memory_space<vmem>>, %arg17: memref<128x128xf32, #tpu.memory_space<vmem>>, %arg18: memref<128x16xf32, #tpu.memory_space<vmem>>, %arg19: memref<128xf32, #tpu.memory_space<vmem>>, %arg20: memref<10000x128xf32, #tpu.memory_space<vmem_shared>>, %arg21: memref<10000x16xf32, #tpu.memory_space<vmem_shared>>, %arg22: memref<!tpu.dma_semaphore, #tpu.memory_space<semaphore_mem>>) attributes {dimension_semantics = [#tpu.dimension_semantics<core_parallel>, #tpu.dimension_semantics<subcore_parallel>], iteration_bounds = array<i64: 2, 16>, scalar_prefetch = 0 : i64, scratch_operands = 10 : i64, tpu.core_type = #tpu.core_type<sc_vector_subcore>, window_params = [{transform_indices = #map}, {transform_indices = #map}, {transform_indices = #map}, {transform_indices = #map}, {transform_indices = #map}, {transform_indices = #map}, {transform_indices = #map}, {transform_indices = #map1}, {transform_indices = #map1}, {transform_indices = #map1}, {transform_indices = #map1}]} {
    %mul3A = arith.constant 2 : i32
    %mul3A_0 = arith.muli %arg1, %mul3A : i32
    %add3A = arith.addi %mul3A_0, %arg0 : i32
    %lt3A = arith.constant 4 : i32
    %lt3A_1 = arith.cmpi slt, %add3A, %lt3A : i32
    %jit3A = arith.constant 1 : i32
    %jit3A_2 = arith.constant 0 : i32
    %select_n3A = arith.select %lt3A_1, %jit3A, %jit3A_2 : i32
    %add3A_3 = arith.constant 78 : i32
    %add3A_4 = arith.addi %add3A_3, %select_n3A : i32
    %mul3A_5 = arith.constant 78 : i32
    %mul3A_6 = arith.muli %add3A, %mul3A_5 : i32
    %min3A = arith.constant 4 : i32
    %min3A_7 = arith.minsi %add3A, %min3A : i32
    %add3A_8 = arith.addi %mul3A_6, %min3A_7 : i32
    %iota3A = tpu.iota {dimensions = array<i32: 0>} : vector<16xi32>
    %eq3A = arith.constant 0 : i32
    %eq3A_9 = vector.broadcast %eq3A : i32 to vector<16xi32>
    %eq3A_10 = arith.cmpi eq, %iota3A, %eq3A_9 : vector<16xi32>
    %jit3A_11 = arith.constant 1.000000e+00 : f32
    %jit3A_12 = arith.constant 0.000000e+00 : f32
    %broadcast_in_dim3A = vector.broadcast %jit3A_11 : f32 to vector<16xf32>
    %broadcast_in_dim3A_13 = vector.broadcast %jit3A_12 : f32 to vector<16xf32>
    %select_n3A_14 = arith.select %eq3A_10, %broadcast_in_dim3A, %broadcast_in_dim3A_13 : vector<16xi1>, vector<16xf32>
    %broadcast_in_dim3A_15 = arith.constant 0.000000e+00 : f32
    %broadcast_in_dim3A_16 = vector.broadcast %broadcast_in_dim3A_15 : f32 to vector<16xf32>
    %scan3A = arith.constant 0 : i32
    %scan3A_17 = arith.constant 128 : i32
    %scan3A_18 = arith.addi %scan3A, %scan3A_17 : i32
    %scan3A_19 = arith.constant 1 : i32
    scf.for %scan3A_156 = %scan3A to %scan3A_18 step %scan3A_19  : i32 {
      %mul3A_157 = arith.constant 1 : i32
      %mul3A_158 = arith.muli %scan3A_156, %mul3A_157 : i32
      %add3A_159 = arith.constant 0 : i32
      %add3A_160 = arith.addi %add3A_159, %mul3A_158 : i32
      %swap3A = arith.index_cast %add3A_160 : i32 to index
      %swap3A_161 = arith.constant 0 : index
      %swap3A_162 = tpu.vector_load %arg17[%swap3A, %swap3A_161] {strides = array<i32>} : memref<128x128xf32, #tpu.memory_space<vmem>>, vector<16xf32>,
      tpu.vector_store %arg17[%swap3A, %swap3A_161], %broadcast_in_dim3A_16 {strides = array<i32>} : memref<128x128xf32, #tpu.memory_space<vmem>>, vector<16xf32>,
      %swap3A_163 = arith.index_cast %add3A_160 : i32 to index
      %swap3A_164 = arith.constant 16 : index
      %swap3A_165 = tpu.vector_load %arg17[%swap3A_163, %swap3A_164] {strides = array<i32>} : memref<128x128xf32, #tpu.memory_space<vmem>>, vector<16xf32>,
      tpu.vector_store %arg17[%swap3A_163, %swap3A_164], %broadcast_in_dim3A_16 {strides = array<i32>} : memref<128x128xf32, #tpu.memory_space<vmem>>, vector<16xf32>,
      %swap3A_166 = arith.index_cast %add3A_160 : i32 to index
      %swap3A_167 = arith.constant 32 : index
      %swap3A_168 = tpu.vector_load %arg17[%swap3A_166, %swap3A_167] {strides = array<i32>} : memref<128x128xf32, #tpu.memory_space<vmem>>, vector<16xf32>,
      tpu.vector_store %arg17[%swap3A_166, %swap3A_167], %broadcast_in_dim3A_16 {strides = array<i32>} : memref<128x128xf32, #tpu.memory_space<vmem>>, vector<16xf32>,
      %swap3A_169 = arith.index_cast %add3A_160 : i32 to index
      %swap3A_170 = arith.constant 48 : index
      %swap3A_171 = tpu.vector_load %arg17[%swap3A_169, %swap3A_170] {strides = array<i32>} : memref<128x128xf32, #tpu.memory_space<vmem>>, vector<16xf32>,
      tpu.vector_store %arg17[%swap3A_169, %swap3A_170], %broadcast_in_dim3A_16 {strides = array<i32>} : memref<128x128xf32, #tpu.memory_space<vmem>>, vector<16xf32>,
      %swap3A_172 = arith.index_cast %add3A_160 : i32 to index
      %swap3A_173 = arith.constant 64 : index
      %swap3A_174 = tpu.vector_load %arg17[%swap3A_172, %swap3A_173] {strides = array<i32>} : memref<128x128xf32, #tpu.memory_space<vmem>>, vector<16xf32>,
      tpu.vector_store %arg17[%swap3A_172, %swap3A_173], %broadcast_in_dim3A_16 {strides = array<i32>} : memref<128x128xf32, #tpu.memory_space<vmem>>, vector<16xf32>,
      %swap3A_175 = arith.index_cast %add3A_160 : i32 to index
      %swap3A_176 = arith.constant 80 : index
      %swap3A_177 = tpu.vector_load %arg17[%swap3A_175, %swap3A_176] {strides = array<i32>} : memref<128x128xf32, #tpu.memory_space<vmem>>, vector<16xf32>,
      tpu.vector_store %arg17[%swap3A_175, %swap3A_176], %broadcast_in_dim3A_16 {strides = array<i32>} : memref<128x128xf32, #tpu.memory_space<vmem>>, vector<16xf32>,
      %swap3A_178 = arith.index_cast %add3A_160 : i32 to index
      %swap3A_179 = arith.constant 96 : index
      %swap3A_180 = tpu.vector_load %arg17[%swap3A_178, %swap3A_179] {strides = array<i32>} : memref<128x128xf32, #tpu.memory_space<vmem>>, vector<16xf32>,
      tpu.vector_store %arg17[%swap3A_178, %swap3A_179], %broadcast_in_dim3A_16 {strides = array<i32>} : memref<128x128xf32, #tpu.memory_space<vmem>>, vector<16xf32>,
      %swap3A_181 = arith.index_cast %add3A_160 : i32 to index
      %swap3A_182 = arith.constant 112 : index
      %swap3A_183 = tpu.vector_load %arg17[%swap3A_181, %swap3A_182] {strides = array<i32>} : memref<128x128xf32, #tpu.memory_space<vmem>>, vector<16xf32>,
      tpu.vector_store %arg17[%swap3A_181, %swap3A_182], %broadcast_in_dim3A_16 {strides = array<i32>} : memref<128x128xf32, #tpu.memory_space<vmem>>, vector<16xf32>,
      %swap3A_184 = arith.index_cast %add3A_160 : i32 to index
      %swap3A_185 = arith.constant 0 : index
      %swap3A_186 = tpu.vector_load %arg18[%swap3A_184, %swap3A_185] {strides = array<i32>} : memref<128x16xf32, #tpu.memory_space<vmem>>, vector<16xf32>,
      tpu.vector_store %arg18[%swap3A_184, %swap3A_185], %broadcast_in_dim3A_16 {strides = array<i32>} : memref<128x16xf32, #tpu.memory_space<vmem>>, vector<16xf32>,
    }
    %scan3A_20 = arith.constant 128 : i32
    %mul3A_21 = arith.constant 624 : i32
    %mul3A_22 = arith.muli %arg1, %mul3A_21 : i32
    %add3A_23 = arith.constant 0 : i32
    %add3A_24 = arith.addi %mul3A_22, %add3A_23 : i32
    "tpu.region"() ({
      %run_scoped3A_156 = tpu.sem_alloc : memref<!tpu.dma_semaphore, #tpu.memory_space<semaphore_mem>>
      %dma_start3A = arith.constant 0 : i32
      %dma_start3A_157 = arith.constant 0 : i32
      %dma_start3A_158 = tpu.memref_slice %arg17[%dma_start3A, %dma_start3A_157] : memref<128x128xf32, #tpu.memory_space<vmem>> -> memref<104x128xf32, #tpu.memory_space<vmem>>
      %dma_start3A_159 = arith.constant 0 : i32
      %dma_start3A_160 = tpu.memref_slice %arg20[%add3A_24, %dma_start3A_159] : memref<10000x128xf32, #tpu.memory_space<vmem_shared>> -> memref<104x128xf32, #tpu.memory_space<vmem_shared>>
      %dma_start3A_161 = arith.constant 0 : i32
      %dma_start3A_162 = tpu.memref_slice %arg20[%add3A_24, %dma_start3A_161] : memref<10000x128xf32, #tpu.memory_space<vmem_shared>> -> memref<104x128xf32, #tpu.memory_space<vmem_shared>>
      %dma_start3A_163 = arith.constant 0 : i32
      %dma_start3A_164 = arith.constant 0 : i32
      %dma_start3A_165 = tpu.memref_slice %arg17[%dma_start3A_163, %dma_start3A_164] : memref<128x128xf32, #tpu.memory_space<vmem>> -> memref<104x128xf32, #tpu.memory_space<vmem>>
      tpu.enqueue_dma source(%dma_start3A_165 : memref<104x128xf32, #tpu.memory_space<vmem>>) target(%dma_start3A_162 : memref<104x128xf32, #tpu.memory_space<vmem_shared>>) target_semaphore(%run_scoped3A_156 : memref<!tpu.dma_semaphore, #tpu.memory_space<semaphore_mem>>)
      %dma_wait3A = arith.constant 0 : i32
      %dma_wait3A_166 = arith.constant 0 : i32
      %dma_wait3A_167 = tpu.memref_slice %arg17[%dma_wait3A, %dma_wait3A_166] : memref<128x128xf32, #tpu.memory_space<vmem>> -> memref<104x128xf32, #tpu.memory_space<vmem>>
      %dma_wait3A_168 = arith.constant 0 : i32
      %dma_wait3A_169 = tpu.memref_slice %arg20[%add3A_24, %dma_wait3A_168] : memref<10000x128xf32, #tpu.memory_space<vmem_shared>> -> memref<104x128xf32, #tpu.memory_space<vmem_shared>>
      %dma_wait3A_170 = arith.constant 0 : i32
      %dma_wait3A_171 = tpu.memref_slice %arg20[%add3A_24, %dma_wait3A_170] : memref<10000x128xf32, #tpu.memory_space<vmem_shared>> -> memref<104x128xf32, #tpu.memory_space<vmem_shared>>
      %dma_wait3A_172 = arith.constant 0 : i32
      %dma_wait3A_173 = arith.constant 0 : i32
      %dma_wait3A_174 = tpu.memref_slice %arg17[%dma_wait3A_172, %dma_wait3A_173] : memref<128x128xf32, #tpu.memory_space<vmem>> -> memref<104x128xf32, #tpu.memory_space<vmem>>
      tpu.wait_dma2 semaphore(%run_scoped3A_156 : memref<!tpu.dma_semaphore, #tpu.memory_space<semaphore_mem>>) src(%dma_wait3A_174 : memref<104x128xf32, #tpu.memory_space<vmem>>) dst(%dma_wait3A_171 : memref<104x128xf32, #tpu.memory_space<vmem_shared>>)
      tpu.yield
    }) : () -> ()
    "tpu.region"() ({
      %run_scoped3A_156 = tpu.sem_alloc : memref<!tpu.dma_semaphore, #tpu.memory_space<semaphore_mem>>
      %dma_start3A = arith.constant 0 : i32
      %dma_start3A_157 = arith.constant 0 : i32
      %dma_start3A_158 = tpu.memref_slice %arg18[%dma_start3A, %dma_start3A_157] : memref<128x16xf32, #tpu.memory_space<vmem>> -> memref<104x16xf32, #tpu.memory_space<vmem>>
      %dma_start3A_159 = arith.constant 0 : i32
      %dma_start3A_160 = tpu.memref_slice %arg21[%add3A_24, %dma_start3A_159] : memref<10000x16xf32, #tpu.memory_space<vmem_shared>> -> memref<104x16xf32, #tpu.memory_space<vmem_shared>>
      %dma_start3A_161 = arith.constant 0 : i32
      %dma_start3A_162 = tpu.memref_slice %arg21[%add3A_24, %dma_start3A_161] : memref<10000x16xf32, #tpu.memory_space<vmem_shared>> -> memref<104x16xf32, #tpu.memory_space<vmem_shared>>
      %dma_start3A_163 = arith.constant 0 : i32
      %dma_start3A_164 = arith.constant 0 : i32
      %dma_start3A_165 = tpu.memref_slice %arg18[%dma_start3A_163, %dma_start3A_164] : memref<128x16xf32, #tpu.memory_space<vmem>> -> memref<104x16xf32, #tpu.memory_space<vmem>>
      tpu.enqueue_dma source(%dma_start3A_165 : memref<104x16xf32, #tpu.memory_space<vmem>>) target(%dma_start3A_162 : memref<104x16xf32, #tpu.memory_space<vmem_shared>>) target_semaphore(%run_scoped3A_156 : memref<!tpu.dma_semaphore, #tpu.memory_space<semaphore_mem>>)
      %dma_wait3A = arith.constant 0 : i32
      %dma_wait3A_166 = arith.constant 0 : i32
      %dma_wait3A_167 = tpu.memref_slice %arg18[%dma_wait3A, %dma_wait3A_166] : memref<128x16xf32, #tpu.memory_space<vmem>> -> memref<104x16xf32, #tpu.memory_space<vmem>>
      %dma_wait3A_168 = arith.constant 0 : i32
      %dma_wait3A_169 = tpu.memref_slice %arg21[%add3A_24, %dma_wait3A_168] : memref<10000x16xf32, #tpu.memory_space<vmem_shared>> -> memref<104x16xf32, #tpu.memory_space<vmem_shared>>
      %dma_wait3A_170 = arith.constant 0 : i32
      %dma_wait3A_171 = tpu.memref_slice %arg21[%add3A_24, %dma_wait3A_170] : memref<10000x16xf32, #tpu.memory_space<vmem_shared>> -> memref<104x16xf32, #tpu.memory_space<vmem_shared>>
      %dma_wait3A_172 = arith.constant 0 : i32
      %dma_wait3A_173 = arith.constant 0 : i32
      %dma_wait3A_174 = tpu.memref_slice %arg18[%dma_wait3A_172, %dma_wait3A_173] : memref<128x16xf32, #tpu.memory_space<vmem>> -> memref<104x16xf32, #tpu.memory_space<vmem>>
      tpu.wait_dma2 semaphore(%run_scoped3A_156 : memref<!tpu.dma_semaphore, #tpu.memory_space<semaphore_mem>>) src(%dma_wait3A_174 : memref<104x16xf32, #tpu.memory_space<vmem>>) dst(%dma_wait3A_171 : memref<104x16xf32, #tpu.memory_space<vmem_shared>>)
      tpu.yield
    }) : () -> ()
    %mul3A_25 = arith.constant 624 : i32
    %mul3A_26 = arith.muli %arg1, %mul3A_25 : i32
    %add3A_27 = arith.constant 104 : i32
    %add3A_28 = arith.addi %mul3A_26, %add3A_27 : i32
    "tpu.region"() ({
      %run_scoped3A_156 = tpu.sem_alloc : memref<!tpu.dma_semaphore, #tpu.memory_space<semaphore_mem>>
      %dma_start3A = arith.constant 0 : i32
      %dma_start3A_157 = arith.constant 0 : i32
      %dma_start3A_158 = tpu.memref_slice %arg17[%dma_start3A, %dma_start3A_157] : memref<128x128xf32, #tpu.memory_space<vmem>> -> memref<104x128xf32, #tpu.memory_space<vmem>>
      %dma_start3A_159 = arith.constant 0 : i32
      %dma_start3A_160 = tpu.memref_slice %arg20[%add3A_28, %dma_start3A_159] : memref<10000x128xf32, #tpu.memory_space<vmem_shared>> -> memref<104x128xf32, #tpu.memory_space<vmem_shared>>
      %dma_start3A_161 = arith.constant 0 : i32
      %dma_start3A_162 = tpu.memref_slice %arg20[%add3A_28, %dma_start3A_161] : memref<10000x128xf32, #tpu.memory_space<vmem_shared>> -> memref<104x128xf32, #tpu.memory_space<vmem_shared>>
      %dma_start3A_163 = arith.constant 0 : i32
      %dma_start3A_164 = arith.constant 0 : i32
      %dma_start3A_165 = tpu.memref_slice %arg17[%dma_start3A_163, %dma_start3A_164] : memref<128x128xf32, #tpu.memory_space<vmem>> -> memref<104x128xf32, #tpu.memory_space<vmem>>
      tpu.enqueue_dma source(%dma_start3A_165 : memref<104x128xf32, #tpu.memory_space<vmem>>) target(%dma_start3A_162 : memref<104x128xf32, #tpu.memory_space<vmem_shared>>) target_semaphore(%run_scoped3A_156 : memref<!tpu.dma_semaphore, #tpu.memory_space<semaphore_mem>>)
      %dma_wait3A = arith.constant 0 : i32
      %dma_wait3A_166 = arith.constant 0 : i32
      %dma_wait3A_167 = tpu.memref_slice %arg17[%dma_wait3A, %dma_wait3A_166] : memref<128x128xf32, #tpu.memory_space<vmem>> -> memref<104x128xf32, #tpu.memory_space<vmem>>
      %dma_wait3A_168 = arith.constant 0 : i32
      %dma_wait3A_169 = tpu.memref_slice %arg20[%add3A_28, %dma_wait3A_168] : memref<10000x128xf32, #tpu.memory_space<vmem_shared>> -> memref<104x128xf32, #tpu.memory_space<vmem_shared>>
      %dma_wait3A_170 = arith.constant 0 : i32
      %dma_wait3A_171 = tpu.memref_slice %arg20[%add3A_28, %dma_wait3A_170] : memref<10000x128xf32, #tpu.memory_space<vmem_shared>> -> memref<104x128xf32, #tpu.memory_space<vmem_shared>>
      %dma_wait3A_172 = arith.constant 0 : i32
      %dma_wait3A_173 = arith.constant 0 : i32
      %dma_wait3A_174 = tpu.memref_slice %arg17[%dma_wait3A_172, %dma_wait3A_173] : memref<128x128xf32, #tpu.memory_space<vmem>> -> memref<104x128xf32, #tpu.memory_space<vmem>>
      tpu.wait_dma2 semaphore(%run_scoped3A_156 : memref<!tpu.dma_semaphore, #tpu.memory_space<semaphore_mem>>) src(%dma_wait3A_174 : memref<104x128xf32, #tpu.memory_space<vmem>>) dst(%dma_wait3A_171 : memref<104x128xf32, #tpu.memory_space<vmem_shared>>)
      tpu.yield
    }) : () -> ()
    "tpu.region"() ({
      %run_scoped3A_156 = tpu.sem_alloc : memref<!tpu.dma_semaphore, #tpu.memory_space<semaphore_mem>>
      %dma_start3A = arith.constant 0 : i32
      %dma_start3A_157 = arith.constant 0 : i32
      %dma_start3A_158 = tpu.memref_slice %arg18[%dma_start3A, %dma_start3A_157] : memref<128x16xf32, #tpu.memory_space<vmem>> -> memref<104x16xf32, #tpu.memory_space<vmem>>
      %dma_start3A_159 = arith.constant 0 : i32
      %dma_start3A_160 = tpu.memref_slice %arg21[%add3A_28, %dma_start3A_159] : memref<10000x16xf32, #tpu.memory_space<vmem_shared>> -> memref<104x16xf32, #tpu.memory_space<vmem_shared>>
      %dma_start3A_161 = arith.constant 0 : i32
      %dma_start3A_162 = tpu.memref_slice %arg21[%add3A_28, %dma_start3A_161] : memref<10000x16xf32, #tpu.memory_space<vmem_shared>> -> memref<104x16xf32, #tpu.memory_space<vmem_shared>>
      %dma_start3A_163 = arith.constant 0 : i32
      %dma_start3A_164 = arith.constant 0 : i32
      %dma_start3A_165 = tpu.memref_slice %arg18[%dma_start3A_163, %dma_start3A_164] : memref<128x16xf32, #tpu.memory_space<vmem>> -> memref<104x16xf32, #tpu.memory_space<vmem>>
      tpu.enqueue_dma source(%dma_start3A_165 : memref<104x16xf32, #tpu.memory_space<vmem>>) target(%dma_start3A_162 : memref<104x16xf32, #tpu.memory_space<vmem_shared>>) target_semaphore(%run_scoped3A_156 : memref<!tpu.dma_semaphore, #tpu.memory_space<semaphore_mem>>)
      %dma_wait3A = arith.constant 0 : i32
      %dma_wait3A_166 = arith.constant 0 : i32
      %dma_wait3A_167 = tpu.memref_slice %arg18[%dma_wait3A, %dma_wait3A_166] : memref<128x16xf32, #tpu.memory_space<vmem>> -> memref<104x16xf32, #tpu.memory_space<vmem>>
      %dma_wait3A_168 = arith.constant 0 : i32
      %dma_wait3A_169 = tpu.memref_slice %arg21[%add3A_28, %dma_wait3A_168] : memref<10000x16xf32, #tpu.memory_space<vmem_shared>> -> memref<104x16xf32, #tpu.memory_space<vmem_shared>>
      %dma_wait3A_170 = arith.constant 0 : i32
      %dma_wait3A_171 = tpu.memref_slice %arg21[%add3A_28, %dma_wait3A_170] : memref<10000x16xf32, #tpu.memory_space<vmem_shared>> -> memref<104x16xf32, #tpu.memory_space<vmem_shared>>
      %dma_wait3A_172 = arith.constant 0 : i32
      %dma_wait3A_173 = arith.constant 0 : i32
      %dma_wait3A_174 = tpu.memref_slice %arg18[%dma_wait3A_172, %dma_wait3A_173] : memref<128x16xf32, #tpu.memory_space<vmem>> -> memref<104x16xf32, #tpu.memory_space<vmem>>
      tpu.wait_dma2 semaphore(%run_scoped3A_156 : memref<!tpu.dma_semaphore, #tpu.memory_space<semaphore_mem>>) src(%dma_wait3A_174 : memref<104x16xf32, #tpu.memory_space<vmem>>) dst(%dma_wait3A_171 : memref<104x16xf32, #tpu.memory_space<vmem_shared>>)
      tpu.yield
    }) : () -> ()
    %mul3A_29 = arith.constant 624 : i32
    %mul3A_30 = arith.muli %arg1, %mul3A_29 : i32
    %add3A_31 = arith.constant 208 : i32
    %add3A_32 = arith.addi %mul3A_30, %add3A_31 : i32
    "tpu.region"() ({
      %run_scoped3A_156 = tpu.sem_alloc : memref<!tpu.dma_semaphore, #tpu.memory_space<semaphore_mem>>
      %dma_start3A = arith.constant 0 : i32
      %dma_start3A_157 = arith.constant 0 : i32
      %dma_start3A_158 = tpu.memref_slice %arg17[%dma_start3A, %dma_start3A_157] : memref<128x128xf32, #tpu.memory_space<vmem>> -> memref<104x128xf32, #tpu.memory_space<vmem>>
      %dma_start3A_159 = arith.constant 0 : i32
      %dma_start3A_160 = tpu.memref_slice %arg20[%add3A_32, %dma_start3A_159] : memref<10000x128xf32, #tpu.memory_space<vmem_shared>> -> memref<104x128xf32, #tpu.memory_space<vmem_shared>>
      %dma_start3A_161 = arith.constant 0 : i32
      %dma_start3A_162 = tpu.memref_slice %arg20[%add3A_32, %dma_start3A_161] : memref<10000x128xf32, #tpu.memory_space<vmem_shared>> -> memref<104x128xf32, #tpu.memory_space<vmem_shared>>
      %dma_start3A_163 = arith.constant 0 : i32
      %dma_start3A_164 = arith.constant 0 : i32
      %dma_start3A_165 = tpu.memref_slice %arg17[%dma_start3A_163, %dma_start3A_164] : memref<128x128xf32, #tpu.memory_space<vmem>> -> memref<104x128xf32, #tpu.memory_space<vmem>>
      tpu.enqueue_dma source(%dma_start3A_165 : memref<104x128xf32, #tpu.memory_space<vmem>>) target(%dma_start3A_162 : memref<104x128xf32, #tpu.memory_space<vmem_shared>>) target_semaphore(%run_scoped3A_156 : memref<!tpu.dma_semaphore, #tpu.memory_space<semaphore_mem>>)
      %dma_wait3A = arith.constant 0 : i32
      %dma_wait3A_166 = arith.constant 0 : i32
      %dma_wait3A_167 = tpu.memref_slice %arg17[%dma_wait3A, %dma_wait3A_166] : memref<128x128xf32, #tpu.memory_space<vmem>> -> memref<104x128xf32, #tpu.memory_space<vmem>>
      %dma_wait3A_168 = arith.constant 0 : i32
      %dma_wait3A_169 = tpu.memref_slice %arg20[%add3A_32, %dma_wait3A_168] : memref<10000x128xf32, #tpu.memory_space<vmem_shared>> -> memref<104x128xf32, #tpu.memory_space<vmem_shared>>
      %dma_wait3A_170 = arith.constant 0 : i32
      %dma_wait3A_171 = tpu.memref_slice %arg20[%add3A_32, %dma_wait3A_170] : memref<10000x128xf32, #tpu.memory_space<vmem_shared>> -> memref<104x128xf32, #tpu.memory_space<vmem_shared>>
      %dma_wait3A_172 = arith.constant 0 : i32
      %dma_wait3A_173 = arith.constant 0 : i32
      %dma_wait3A_174 = tpu.memref_slice %arg17[%dma_wait3A_172, %dma_wait3A_173] : memref<128x128xf32, #tpu.memory_space<vmem>> -> memref<104x128xf32, #tpu.memory_space<vmem>>
      tpu.wait_dma2 semaphore(%run_scoped3A_156 : memref<!tpu.dma_semaphore, #tpu.memory_space<semaphore_mem>>) src(%dma_wait3A_174 : memref<104x128xf32, #tpu.memory_space<vmem>>) dst(%dma_wait3A_171 : memref<104x128xf32, #tpu.memory_space<vmem_shared>>)
      tpu.yield
    }) : () -> ()
    "tpu.region"() ({
      %run_scoped3A_156 = tpu.sem_alloc : memref<!tpu.dma_semaphore, #tpu.memory_space<semaphore_mem>>
      %dma_start3A = arith.constant 0 : i32
      %dma_start3A_157 = arith.constant 0 : i32
      %dma_start3A_158 = tpu.memref_slice %arg18[%dma_start3A, %dma_start3A_157] : memref<128x16xf32, #tpu.memory_space<vmem>> -> memref<104x16xf32, #tpu.memory_space<vmem>>
      %dma_start3A_159 = arith.constant 0 : i32
      %dma_start3A_160 = tpu.memref_slice %arg21[%add3A_32, %dma_start3A_159] : memref<10000x16xf32, #tpu.memory_space<vmem_shared>> -> memref<104x16xf32, #tpu.memory_space<vmem_shared>>
      %dma_start3A_161 = arith.constant 0 : i32
      %dma_start3A_162 = tpu.memref_slice %arg21[%add3A_32, %dma_start3A_161] : memref<10000x16xf32, #tpu.memory_space<vmem_shared>> -> memref<104x16xf32, #tpu.memory_space<vmem_shared>>
      %dma_start3A_163 = arith.constant 0 : i32
      %dma_start3A_164 = arith.constant 0 : i32
      %dma_start3A_165 = tpu.memref_slice %arg18[%dma_start3A_163, %dma_start3A_164] : memref<128x16xf32, #tpu.memory_space<vmem>> -> memref<104x16xf32, #tpu.memory_space<vmem>>
      tpu.enqueue_dma source(%dma_start3A_165 : memref<104x16xf32, #tpu.memory_space<vmem>>) target(%dma_start3A_162 : memref<104x16xf32, #tpu.memory_space<vmem_shared>>) target_semaphore(%run_scoped3A_156 : memref<!tpu.dma_semaphore, #tpu.memory_space<semaphore_mem>>)
      %dma_wait3A = arith.constant 0 : i32
      %dma_wait3A_166 = arith.constant 0 : i32
      %dma_wait3A_167 = tpu.memref_slice %arg18[%dma_wait3A, %dma_wait3A_166] : memref<128x16xf32, #tpu.memory_space<vmem>> -> memref<104x16xf32, #tpu.memory_space<vmem>>
      %dma_wait3A_168 = arith.constant 0 : i32
      %dma_wait3A_169 = tpu.memref_slice %arg21[%add3A_32, %dma_wait3A_168] : memref<10000x16xf32, #tpu.memory_space<vmem_shared>> -> memref<104x16xf32, #tpu.memory_space<vmem_shared>>
      %dma_wait3A_170 = arith.constant 0 : i32
      %dma_wait3A_171 = tpu.memref_slice %arg21[%add3A_32, %dma_wait3A_170] : memref<10000x16xf32, #tpu.memory_space<vmem_shared>> -> memref<104x16xf32, #tpu.memory_space<vmem_shared>>
      %dma_wait3A_172 = arith.constant 0 : i32
      %dma_wait3A_173 = arith.constant 0 : i32
      %dma_wait3A_174 = tpu.memref_slice %arg18[%dma_wait3A_172, %dma_wait3A_173] : memref<128x16xf32, #tpu.memory_space<vmem>> -> memref<104x16xf32, #tpu.memory_space<vmem>>
      tpu.wait_dma2 semaphore(%run_scoped3A_156 : memref<!tpu.dma_semaphore, #tpu.memory_space<semaphore_mem>>) src(%dma_wait3A_174 : memref<104x16xf32, #tpu.memory_space<vmem>>) dst(%dma_wait3A_171 : memref<104x16xf32, #tpu.memory_space<vmem_shared>>)
      tpu.yield
    }) : () -> ()
    %mul3A_33 = arith.constant 624 : i32
    %mul3A_34 = arith.muli %arg1, %mul3A_33 : i32
    %add3A_35 = arith.constant 312 : i32
    %add3A_36 = arith.addi %mul3A_34, %add3A_35 : i32
    "tpu.region"() ({
      %run_scoped3A_156 = tpu.sem_alloc : memref<!tpu.dma_semaphore, #tpu.memory_space<semaphore_mem>>
      %dma_start3A = arith.constant 0 : i32
      %dma_start3A_157 = arith.constant 0 : i32
      %dma_start3A_158 = tpu.memref_slice %arg17[%dma_start3A, %dma_start3A_157] : memref<128x128xf32, #tpu.memory_space<vmem>> -> memref<104x128xf32, #tpu.memory_space<vmem>>
      %dma_start3A_159 = arith.constant 0 : i32
      %dma_start3A_160 = tpu.memref_slice %arg20[%add3A_36, %dma_start3A_159] : memref<10000x128xf32, #tpu.memory_space<vmem_shared>> -> memref<104x128xf32, #tpu.memory_space<vmem_shared>>
      %dma_start3A_161 = arith.constant 0 : i32
      %dma_start3A_162 = tpu.memref_slice %arg20[%add3A_36, %dma_start3A_161] : memref<10000x128xf32, #tpu.memory_space<vmem_shared>> -> memref<104x128xf32, #tpu.memory_space<vmem_shared>>
      %dma_start3A_163 = arith.constant 0 : i32
      %dma_start3A_164 = arith.constant 0 : i32
      %dma_start3A_165 = tpu.memref_slice %arg17[%dma_start3A_163, %dma_start3A_164] : memref<128x128xf32, #tpu.memory_space<vmem>> -> memref<104x128xf32, #tpu.memory_space<vmem>>
      tpu.enqueue_dma source(%dma_start3A_165 : memref<104x128xf32, #tpu.memory_space<vmem>>) target(%dma_start3A_162 : memref<104x128xf32, #tpu.memory_space<vmem_shared>>) target_semaphore(%run_scoped3A_156 : memref<!tpu.dma_semaphore, #tpu.memory_space<semaphore_mem>>)
      %dma_wait3A = arith.constant 0 : i32
      %dma_wait3A_166 = arith.constant 0 : i32
      %dma_wait3A_167 = tpu.memref_slice %arg17[%dma_wait3A, %dma_wait3A_166] : memref<128x128xf32, #tpu.memory_space<vmem>> -> memref<104x128xf32, #tpu.memory_space<vmem>>
      %dma_wait3A_168 = arith.constant 0 : i32
      %dma_wait3A_169 = tpu.memref_slice %arg20[%add3A_36, %dma_wait3A_168] : memref<10000x128xf32, #tpu.memory_space<vmem_shared>> -> memref<104x128xf32, #tpu.memory_space<vmem_shared>>
      %dma_wait3A_170 = arith.constant 0 : i32
      %dma_wait3A_171 = tpu.memref_slice %arg20[%add3A_36, %dma_wait3A_170] : memref<10000x128xf32, #tpu.memory_space<vmem_shared>> -> memref<104x128xf32, #tpu.memory_space<vmem_shared>>
      %dma_wait3A_172 = arith.constant 0 : i32
      %dma_wait3A_173 = arith.constant 0 : i32
      %dma_wait3A_174 = tpu.memref_slice %arg17[%dma_wait3A_172, %dma_wait3A_173] : memref<128x128xf32, #tpu.memory_space<vmem>> -> memref<104x128xf32, #tpu.memory_space<vmem>>
      tpu.wait_dma2 semaphore(%run_scoped3A_156 : memref<!tpu.dma_semaphore, #tpu.memory_space<semaphore_mem>>) src(%dma_wait3A_174 : memref<104x128xf32, #tpu.memory_space<vmem>>) dst(%dma_wait3A_171 : memref<104x128xf32, #tpu.memory_space<vmem_shared>>)
      tpu.yield
    }) : () -> ()
    "tpu.region"() ({
      %run_scoped3A_156 = tpu.sem_alloc : memref<!tpu.dma_semaphore, #tpu.memory_space<semaphore_mem>>
      %dma_start3A = arith.constant 0 : i32
      %dma_start3A_157 = arith.constant 0 : i32
      %dma_start3A_158 = tpu.memref_slice %arg18[%dma_start3A, %dma_start3A_157] : memref<128x16xf32, #tpu.memory_space<vmem>> -> memref<104x16xf32, #tpu.memory_space<vmem>>
      %dma_start3A_159 = arith.constant 0 : i32
      %dma_start3A_160 = tpu.memref_slice %arg21[%add3A_36, %dma_start3A_159] : memref<10000x16xf32, #tpu.memory_space<vmem_shared>> -> memref<104x16xf32, #tpu.memory_space<vmem_shared>>
      %dma_start3A_161 = arith.constant 0 : i32
      %dma_start3A_162 = tpu.memref_slice %arg21[%add3A_36, %dma_start3A_161] : memref<10000x16xf32, #tpu.memory_space<vmem_shared>> -> memref<104x16xf32, #tpu.memory_space<vmem_shared>>
      %dma_start3A_163 = arith.constant 0 : i32
      %dma_start3A_164 = arith.constant 0 : i32
      %dma_start3A_165 = tpu.memref_slice %arg18[%dma_start3A_163, %dma_start3A_164] : memref<128x16xf32, #tpu.memory_space<vmem>> -> memref<104x16xf32, #tpu.memory_space<vmem>>
      tpu.enqueue_dma source(%dma_start3A_165 : memref<104x16xf32, #tpu.memory_space<vmem>>) target(%dma_start3A_162 : memref<104x16xf32, #tpu.memory_space<vmem_shared>>) target_semaphore(%run_scoped3A_156 : memref<!tpu.dma_semaphore, #tpu.memory_space<semaphore_mem>>)
      %dma_wait3A = arith.constant 0 : i32
      %dma_wait3A_166 = arith.constant 0 : i32
      %dma_wait3A_167 = tpu.memref_slice %arg18[%dma_wait3A, %dma_wait3A_166] : memref<128x16xf32, #tpu.memory_space<vmem>> -> memref<104x16xf32, #tpu.memory_space<vmem>>
      %dma_wait3A_168 = arith.constant 0 : i32
      %dma_wait3A_169 = tpu.memref_slice %arg21[%add3A_36, %dma_wait3A_168] : memref<10000x16xf32, #tpu.memory_space<vmem_shared>> -> memref<104x16xf32, #tpu.memory_space<vmem_shared>>
      %dma_wait3A_170 = arith.constant 0 : i32
      %dma_wait3A_171 = tpu.memref_slice %arg21[%add3A_36, %dma_wait3A_170] : memref<10000x16xf32, #tpu.memory_space<vmem_shared>> -> memref<104x16xf32, #tpu.memory_space<vmem_shared>>
      %dma_wait3A_172 = arith.constant 0 : i32
      %dma_wait3A_173 = arith.constant 0 : i32
      %dma_wait3A_174 = tpu.memref_slice %arg18[%dma_wait3A_172, %dma_wait3A_173] : memref<128x16xf32, #tpu.memory_space<vmem>> -> memref<104x16xf32, #tpu.memory_space<vmem>>
      tpu.wait_dma2 semaphore(%run_scoped3A_156 : memref<!tpu.dma_semaphore, #tpu.memory_space<semaphore_mem>>) src(%dma_wait3A_174 : memref<104x16xf32, #tpu.memory_space<vmem>>) dst(%dma_wait3A_171 : memref<104x16xf32, #tpu.memory_space<vmem_shared>>)
      tpu.yield
    }) : () -> ()
    %mul3A_37 = arith.constant 624 : i32
    %mul3A_38 = arith.muli %arg1, %mul3A_37 : i32
    %add3A_39 = arith.constant 416 : i32
    %add3A_40 = arith.addi %mul3A_38, %add3A_39 : i32
    "tpu.region"() ({
      %run_scoped3A_156 = tpu.sem_alloc : memref<!tpu.dma_semaphore, #tpu.memory_space<semaphore_mem>>
      %dma_start3A = arith.constant 0 : i32
      %dma_start3A_157 = arith.constant 0 : i32
      %dma_start3A_158 = tpu.memref_slice %arg17[%dma_start3A, %dma_start3A_157] : memref<128x128xf32, #tpu.memory_space<vmem>> -> memref<104x128xf32, #tpu.memory_space<vmem>>
      %dma_start3A_159 = arith.constant 0 : i32
      %dma_start3A_160 = tpu.memref_slice %arg20[%add3A_40, %dma_start3A_159] : memref<10000x128xf32, #tpu.memory_space<vmem_shared>> -> memref<104x128xf32, #tpu.memory_space<vmem_shared>>
      %dma_start3A_161 = arith.constant 0 : i32
      %dma_start3A_162 = tpu.memref_slice %arg20[%add3A_40, %dma_start3A_161] : memref<10000x128xf32, #tpu.memory_space<vmem_shared>> -> memref<104x128xf32, #tpu.memory_space<vmem_shared>>
      %dma_start3A_163 = arith.constant 0 : i32
      %dma_start3A_164 = arith.constant 0 : i32
      %dma_start3A_165 = tpu.memref_slice %arg17[%dma_start3A_163, %dma_start3A_164] : memref<128x128xf32, #tpu.memory_space<vmem>> -> memref<104x128xf32, #tpu.memory_space<vmem>>
      tpu.enqueue_dma source(%dma_start3A_165 : memref<104x128xf32, #tpu.memory_space<vmem>>) target(%dma_start3A_162 : memref<104x128xf32, #tpu.memory_space<vmem_shared>>) target_semaphore(%run_scoped3A_156 : memref<!tpu.dma_semaphore, #tpu.memory_space<semaphore_mem>>)
      %dma_wait3A = arith.constant 0 : i32
      %dma_wait3A_166 = arith.constant 0 : i32
      %dma_wait3A_167 = tpu.memref_slice %arg17[%dma_wait3A, %dma_wait3A_166] : memref<128x128xf32, #tpu.memory_space<vmem>> -> memref<104x128xf32, #tpu.memory_space<vmem>>
      %dma_wait3A_168 = arith.constant 0 : i32
      %dma_wait3A_169 = tpu.memref_slice %arg20[%add3A_40, %dma_wait3A_168] : memref<10000x128xf32, #tpu.memory_space<vmem_shared>> -> memref<104x128xf32, #tpu.memory_space<vmem_shared>>
      %dma_wait3A_170 = arith.constant 0 : i32
      %dma_wait3A_171 = tpu.memref_slice %arg20[%add3A_40, %dma_wait3A_170] : memref<10000x128xf32, #tpu.memory_space<vmem_shared>> -> memref<104x128xf32, #tpu.memory_space<vmem_shared>>
      %dma_wait3A_172 = arith.constant 0 : i32
      %dma_wait3A_173 = arith.constant 0 : i32
      %dma_wait3A_174 = tpu.memref_slice %arg17[%dma_wait3A_172, %dma_wait3A_173] : memref<128x128xf32, #tpu.memory_space<vmem>> -> memref<104x128xf32, #tpu.memory_space<vmem>>
      tpu.wait_dma2 semaphore(%run_scoped3A_156 : memref<!tpu.dma_semaphore, #tpu.memory_space<semaphore_mem>>) src(%dma_wait3A_174 : memref<104x128xf32, #tpu.memory_space<vmem>>) dst(%dma_wait3A_171 : memref<104x128xf32, #tpu.memory_space<vmem_shared>>)
      tpu.yield
    }) : () -> ()
    "tpu.region"() ({
      %run_scoped3A_156 = tpu.sem_alloc : memref<!tpu.dma_semaphore, #tpu.memory_space<semaphore_mem>>
      %dma_start3A = arith.constant 0 : i32
      %dma_start3A_157 = arith.constant 0 : i32
      %dma_start3A_158 = tpu.memref_slice %arg18[%dma_start3A, %dma_start3A_157] : memref<128x16xf32, #tpu.memory_space<vmem>> -> memref<104x16xf32, #tpu.memory_space<vmem>>
      %dma_start3A_159 = arith.constant 0 : i32
      %dma_start3A_160 = tpu.memref_slice %arg21[%add3A_40, %dma_start3A_159] : memref<10000x16xf32, #tpu.memory_space<vmem_shared>> -> memref<104x16xf32, #tpu.memory_space<vmem_shared>>
      %dma_start3A_161 = arith.constant 0 : i32
      %dma_start3A_162 = tpu.memref_slice %arg21[%add3A_40, %dma_start3A_161] : memref<10000x16xf32, #tpu.memory_space<vmem_shared>> -> memref<104x16xf32, #tpu.memory_space<vmem_shared>>
      %dma_start3A_163 = arith.constant 0 : i32
      %dma_start3A_164 = arith.constant 0 : i32
      %dma_start3A_165 = tpu.memref_slice %arg18[%dma_start3A_163, %dma_start3A_164] : memref<128x16xf32, #tpu.memory_space<vmem>> -> memref<104x16xf32, #tpu.memory_space<vmem>>
      tpu.enqueue_dma source(%dma_start3A_165 : memref<104x16xf32, #tpu.memory_space<vmem>>) target(%dma_start3A_162 : memref<104x16xf32, #tpu.memory_space<vmem_shared>>) target_semaphore(%run_scoped3A_156 : memref<!tpu.dma_semaphore, #tpu.memory_space<semaphore_mem>>)
      %dma_wait3A = arith.constant 0 : i32
      %dma_wait3A_166 = arith.constant 0 : i32
      %dma_wait3A_167 = tpu.memref_slice %arg18[%dma_wait3A, %dma_wait3A_166] : memref<128x16xf32, #tpu.memory_space<vmem>> -> memref<104x16xf32, #tpu.memory_space<vmem>>
      %dma_wait3A_168 = arith.constant 0 : i32
      %dma_wait3A_169 = tpu.memref_slice %arg21[%add3A_40, %dma_wait3A_168] : memref<10000x16xf32, #tpu.memory_space<vmem_shared>> -> memref<104x16xf32, #tpu.memory_space<vmem_shared>>
      %dma_wait3A_170 = arith.constant 0 : i32
      %dma_wait3A_171 = tpu.memref_slice %arg21[%add3A_40, %dma_wait3A_170] : memref<10000x16xf32, #tpu.memory_space<vmem_shared>> -> memref<104x16xf32, #tpu.memory_space<vmem_shared>>
      %dma_wait3A_172 = arith.constant 0 : i32
      %dma_wait3A_173 = arith.constant 0 : i32
      %dma_wait3A_174 = tpu.memref_slice %arg18[%dma_wait3A_172, %dma_wait3A_173] : memref<128x16xf32, #tpu.memory_space<vmem>> -> memref<104x16xf32, #tpu.memory_space<vmem>>
      tpu.wait_dma2 semaphore(%run_scoped3A_156 : memref<!tpu.dma_semaphore, #tpu.memory_space<semaphore_mem>>) src(%dma_wait3A_174 : memref<104x16xf32, #tpu.memory_space<vmem>>) dst(%dma_wait3A_171 : memref<104x16xf32, #tpu.memory_space<vmem_shared>>)
      tpu.yield
    }) : () -> ()
    %mul3A_41 = arith.constant 624 : i32
    %mul3A_42 = arith.muli %arg1, %mul3A_41 : i32
    %add3A_43 = arith.constant 520 : i32
    %add3A_44 = arith.addi %mul3A_42, %add3A_43 : i32
    "tpu.region"() ({
      %run_scoped3A_156 = tpu.sem_alloc : memref<!tpu.dma_semaphore, #tpu.memory_space<semaphore_mem>>
      %dma_start3A = arith.constant 0 : i32
      %dma_start3A_157 = arith.constant 0 : i32
      %dma_start3A_158 = tpu.memref_slice %arg17[%dma_start3A, %dma_start3A_157] : memref<128x128xf32, #tpu.memory_space<vmem>> -> memref<104x128xf32, #tpu.memory_space<vmem>>
      %dma_start3A_159 = arith.constant 0 : i32
      %dma_start3A_160 = tpu.memref_slice %arg20[%add3A_44, %dma_start3A_159] : memref<10000x128xf32, #tpu.memory_space<vmem_shared>> -> memref<104x128xf32, #tpu.memory_space<vmem_shared>>
      %dma_start3A_161 = arith.constant 0 : i32
      %dma_start3A_162 = tpu.memref_slice %arg20[%add3A_44, %dma_start3A_161] : memref<10000x128xf32, #tpu.memory_space<vmem_shared>> -> memref<104x128xf32, #tpu.memory_space<vmem_shared>>
      %dma_start3A_163 = arith.constant 0 : i32
      %dma_start3A_164 = arith.constant 0 : i32
      %dma_start3A_165 = tpu.memref_slice %arg17[%dma_start3A_163, %dma_start3A_164] : memref<128x128xf32, #tpu.memory_space<vmem>> -> memref<104x128xf32, #tpu.memory_space<vmem>>
      tpu.enqueue_dma source(%dma_start3A_165 : memref<104x128xf32, #tpu.memory_space<vmem>>) target(%dma_start3A_162 : memref<104x128xf32, #tpu.memory_space<vmem_shared>>) target_semaphore(%run_scoped3A_156 : memref<!tpu.dma_semaphore, #tpu.memory_space<semaphore_mem>>)
      %dma_wait3A = arith.constant 0 : i32
      %dma_wait3A_166 = arith.constant 0 : i32
      %dma_wait3A_167 = tpu.memref_slice %arg17[%dma_wait3A, %dma_wait3A_166] : memref<128x128xf32, #tpu.memory_space<vmem>> -> memref<104x128xf32, #tpu.memory_space<vmem>>
      %dma_wait3A_168 = arith.constant 0 : i32
      %dma_wait3A_169 = tpu.memref_slice %arg20[%add3A_44, %dma_wait3A_168] : memref<10000x128xf32, #tpu.memory_space<vmem_shared>> -> memref<104x128xf32, #tpu.memory_space<vmem_shared>>
      %dma_wait3A_170 = arith.constant 0 : i32
      %dma_wait3A_171 = tpu.memref_slice %arg20[%add3A_44, %dma_wait3A_170] : memref<10000x128xf32, #tpu.memory_space<vmem_shared>> -> memref<104x128xf32, #tpu.memory_space<vmem_shared>>
      %dma_wait3A_172 = arith.constant 0 : i32
      %dma_wait3A_173 = arith.constant 0 : i32
      %dma_wait3A_174 = tpu.memref_slice %arg17[%dma_wait3A_172, %dma_wait3A_173] : memref<128x128xf32, #tpu.memory_space<vmem>> -> memref<104x128xf32, #tpu.memory_space<vmem>>
      tpu.wait_dma2 semaphore(%run_scoped3A_156 : memref<!tpu.dma_semaphore, #tpu.memory_space<semaphore_mem>>) src(%dma_wait3A_174 : memref<104x128xf32, #tpu.memory_space<vmem>>) dst(%dma_wait3A_171 : memref<104x128xf32, #tpu.memory_space<vmem_shared>>)
      tpu.yield
    }) : () -> ()
    "tpu.region"() ({
      %run_scoped3A_156 = tpu.sem_alloc : memref<!tpu.dma_semaphore, #tpu.memory_space<semaphore_mem>>
      %dma_start3A = arith.constant 0 : i32
      %dma_start3A_157 = arith.constant 0 : i32
      %dma_start3A_158 = tpu.memref_slice %arg18[%dma_start3A, %dma_start3A_157] : memref<128x16xf32, #tpu.memory_space<vmem>> -> memref<104x16xf32, #tpu.memory_space<vmem>>
      %dma_start3A_159 = arith.constant 0 : i32
      %dma_start3A_160 = tpu.memref_slice %arg21[%add3A_44, %dma_start3A_159] : memref<10000x16xf32, #tpu.memory_space<vmem_shared>> -> memref<104x16xf32, #tpu.memory_space<vmem_shared>>
      %dma_start3A_161 = arith.constant 0 : i32
      %dma_start3A_162 = tpu.memref_slice %arg21[%add3A_44, %dma_start3A_161] : memref<10000x16xf32, #tpu.memory_space<vmem_shared>> -> memref<104x16xf32, #tpu.memory_space<vmem_shared>>
      %dma_start3A_163 = arith.constant 0 : i32
      %dma_start3A_164 = arith.constant 0 : i32
      %dma_start3A_165 = tpu.memref_slice %arg18[%dma_start3A_163, %dma_start3A_164] : memref<128x16xf32, #tpu.memory_space<vmem>> -> memref<104x16xf32, #tpu.memory_space<vmem>>
      tpu.enqueue_dma source(%dma_start3A_165 : memref<104x16xf32, #tpu.memory_space<vmem>>) target(%dma_start3A_162 : memref<104x16xf32, #tpu.memory_space<vmem_shared>>) target_semaphore(%run_scoped3A_156 : memref<!tpu.dma_semaphore, #tpu.memory_space<semaphore_mem>>)
      %dma_wait3A = arith.constant 0 : i32
      %dma_wait3A_166 = arith.constant 0 : i32
      %dma_wait3A_167 = tpu.memref_slice %arg18[%dma_wait3A, %dma_wait3A_166] : memref<128x16xf32, #tpu.memory_space<vmem>> -> memref<104x16xf32, #tpu.memory_space<vmem>>
      %dma_wait3A_168 = arith.constant 0 : i32
      %dma_wait3A_169 = tpu.memref_slice %arg21[%add3A_44, %dma_wait3A_168] : memref<10000x16xf32, #tpu.memory_space<vmem_shared>> -> memref<104x16xf32, #tpu.memory_space<vmem_shared>>
      %dma_wait3A_170 = arith.constant 0 : i32
      %dma_wait3A_171 = tpu.memref_slice %arg21[%add3A_44, %dma_wait3A_170] : memref<10000x16xf32, #tpu.memory_space<vmem_shared>> -> memref<104x16xf32, #tpu.memory_space<vmem_shared>>
      %dma_wait3A_172 = arith.constant 0 : i32
      %dma_wait3A_173 = arith.constant 0 : i32
      %dma_wait3A_174 = tpu.memref_slice %arg18[%dma_wait3A_172, %dma_wait3A_173] : memref<128x16xf32, #tpu.memory_space<vmem>> -> memref<104x16xf32, #tpu.memory_space<vmem>>
      tpu.wait_dma2 semaphore(%run_scoped3A_156 : memref<!tpu.dma_semaphore, #tpu.memory_space<semaphore_mem>>) src(%dma_wait3A_174 : memref<104x16xf32, #tpu.memory_space<vmem>>) dst(%dma_wait3A_171 : memref<104x16xf32, #tpu.memory_space<vmem_shared>>)
      tpu.yield
    }) : () -> ()
    %eq3A_45 = arith.constant 15 : i32
    %eq3A_46 = arith.cmpi eq, %arg1, %eq3A_45 : i32
    %convert_element_type3A = arith.extui %eq3A_46 : i1 to i32
    %cond3A = arith.constant 0 : i32
    %cond3A_47 = arith.cmpi ne, %convert_element_type3A, %cond3A : i32
    scf.if %cond3A_47 {
      "tpu.region"() ({
        %run_scoped3A_156 = tpu.sem_alloc : memref<!tpu.dma_semaphore, #tpu.memory_space<semaphore_mem>>
        %dma_start3A = arith.constant 0 : i32
        %dma_start3A_157 = arith.constant 0 : i32
        %dma_start3A_158 = tpu.memref_slice %arg17[%dma_start3A, %dma_start3A_157] : memref<128x128xf32, #tpu.memory_space<vmem>> -> memref<16x128xf32, #tpu.memory_space<vmem>>
        %dma_start3A_159 = arith.constant 9984 : i32
        %dma_start3A_160 = arith.constant 0 : i32
        %dma_start3A_161 = tpu.memref_slice %arg20[%dma_start3A_159, %dma_start3A_160] : memref<10000x128xf32, #tpu.memory_space<vmem_shared>> -> memref<16x128xf32, #tpu.memory_space<vmem_shared>>
        %dma_start3A_162 = arith.constant 9984 : i32
        %dma_start3A_163 = arith.constant 0 : i32
        %dma_start3A_164 = tpu.memref_slice %arg20[%dma_start3A_162, %dma_start3A_163] : memref<10000x128xf32, #tpu.memory_space<vmem_shared>> -> memref<16x128xf32, #tpu.memory_space<vmem_shared>>
        %dma_start3A_165 = arith.constant 0 : i32
        %dma_start3A_166 = arith.constant 0 : i32
        %dma_start3A_167 = tpu.memref_slice %arg17[%dma_start3A_165, %dma_start3A_166] : memref<128x128xf32, #tpu.memory_space<vmem>> -> memref<16x128xf32, #tpu.memory_space<vmem>>
        tpu.enqueue_dma source(%dma_start3A_167 : memref<16x128xf32, #tpu.memory_space<vmem>>) target(%dma_start3A_164 : memref<16x128xf32, #tpu.memory_space<vmem_shared>>) target_semaphore(%run_scoped3A_156 : memref<!tpu.dma_semaphore, #tpu.memory_space<semaphore_mem>>)
        %dma_wait3A = arith.constant 0 : i32
        %dma_wait3A_168 = arith.constant 0 : i32
        %dma_wait3A_169 = tpu.memref_slice %arg17[%dma_wait3A, %dma_wait3A_168] : memref<128x128xf32, #tpu.memory_space<vmem>> -> memref<16x128xf32, #tpu.memory_space<vmem>>
        %dma_wait3A_170 = arith.constant 9984 : i32
        %dma_wait3A_171 = arith.constant 0 : i32
        %dma_wait3A_172 = tpu.memref_slice %arg20[%dma_wait3A_170, %dma_wait3A_171] : memref<10000x128xf32, #tpu.memory_space<vmem_shared>> -> memref<16x128xf32, #tpu.memory_space<vmem_shared>>
        %dma_wait3A_173 = arith.constant 9984 : i32
        %dma_wait3A_174 = arith.constant 0 : i32
        %dma_wait3A_175 = tpu.memref_slice %arg20[%dma_wait3A_173, %dma_wait3A_174] : memref<10000x128xf32, #tpu.memory_space<vmem_shared>> -> memref<16x128xf32, #tpu.memory_space<vmem_shared>>
        %dma_wait3A_176 = arith.constant 0 : i32
        %dma_wait3A_177 = arith.constant 0 : i32
        %dma_wait3A_178 = tpu.memref_slice %arg17[%dma_wait3A_176, %dma_wait3A_177] : memref<128x128xf32, #tpu.memory_space<vmem>> -> memref<16x128xf32, #tpu.memory_space<vmem>>
        tpu.wait_dma2 semaphore(%run_scoped3A_156 : memref<!tpu.dma_semaphore, #tpu.memory_space<semaphore_mem>>) src(%dma_wait3A_178 : memref<16x128xf32, #tpu.memory_space<vmem>>) dst(%dma_wait3A_175 : memref<16x128xf32, #tpu.memory_space<vmem_shared>>)
        tpu.yield
      }) : () -> ()
      "tpu.region"() ({
        %run_scoped3A_156 = tpu.sem_alloc : memref<!tpu.dma_semaphore, #tpu.memory_space<semaphore_mem>>
        %dma_start3A = arith.constant 0 : i32
        %dma_start3A_157 = arith.constant 0 : i32
        %dma_start3A_158 = tpu.memref_slice %arg18[%dma_start3A, %dma_start3A_157] : memref<128x16xf32, #tpu.memory_space<vmem>> -> memref<16x16xf32, #tpu.memory_space<vmem>>
        %dma_start3A_159 = arith.constant 9984 : i32
        %dma_start3A_160 = arith.constant 0 : i32
        %dma_start3A_161 = tpu.memref_slice %arg21[%dma_start3A_159, %dma_start3A_160] : memref<10000x16xf32, #tpu.memory_space<vmem_shared>> -> memref<16x16xf32, #tpu.memory_space<vmem_shared>>
        %dma_start3A_162 = arith.constant 9984 : i32
        %dma_start3A_163 = arith.constant 0 : i32
        %dma_start3A_164 = tpu.memref_slice %arg21[%dma_start3A_162, %dma_start3A_163] : memref<10000x16xf32, #tpu.memory_space<vmem_shared>> -> memref<16x16xf32, #tpu.memory_space<vmem_shared>>
        %dma_start3A_165 = arith.constant 0 : i32
        %dma_start3A_166 = arith.constant 0 : i32
        %dma_start3A_167 = tpu.memref_slice %arg18[%dma_start3A_165, %dma_start3A_166] : memref<128x16xf32, #tpu.memory_space<vmem>> -> memref<16x16xf32, #tpu.memory_space<vmem>>
        tpu.enqueue_dma source(%dma_start3A_167 : memref<16x16xf32, #tpu.memory_space<vmem>>) target(%dma_start3A_164 : memref<16x16xf32, #tpu.memory_space<vmem_shared>>) target_semaphore(%run_scoped3A_156 : memref<!tpu.dma_semaphore, #tpu.memory_space<semaphore_mem>>)
        %dma_wait3A = arith.constant 0 : i32
        %dma_wait3A_168 = arith.constant 0 : i32
        %dma_wait3A_169 = tpu.memref_slice %arg18[%dma_wait3A, %dma_wait3A_168] : memref<128x16xf32, #tpu.memory_space<vmem>> -> memref<16x16xf32, #tpu.memory_space<vmem>>
        %dma_wait3A_170 = arith.constant 9984 : i32
        %dma_wait3A_171 = arith.constant 0 : i32
        %dma_wait3A_172 = tpu.memref_slice %arg21[%dma_wait3A_170, %dma_wait3A_171] : memref<10000x16xf32, #tpu.memory_space<vmem_shared>> -> memref<16x16xf32, #tpu.memory_space<vmem_shared>>
        %dma_wait3A_173 = arith.constant 9984 : i32
        %dma_wait3A_174 = arith.constant 0 : i32
        %dma_wait3A_175 = tpu.memref_slice %arg21[%dma_wait3A_173, %dma_wait3A_174] : memref<10000x16xf32, #tpu.memory_space<vmem_shared>> -> memref<16x16xf32, #tpu.memory_space<vmem_shared>>
        %dma_wait3A_176 = arith.constant 0 : i32
        %dma_wait3A_177 = arith.constant 0 : i32
        %dma_wait3A_178 = tpu.memref_slice %arg18[%dma_wait3A_176, %dma_wait3A_177] : memref<128x16xf32, #tpu.memory_space<vmem>> -> memref<16x16xf32, #tpu.memory_space<vmem>>
        tpu.wait_dma2 semaphore(%run_scoped3A_156 : memref<!tpu.dma_semaphore, #tpu.memory_space<semaphore_mem>>) src(%dma_wait3A_178 : memref<16x16xf32, #tpu.memory_space<vmem>>) dst(%dma_wait3A_175 : memref<16x16xf32, #tpu.memory_space<vmem_shared>>)
        tpu.yield
      }) : () -> ()
    } else {
    }
    %barrier3A = arith.constant 0 : index
    tpu.barrier barrier_id(%barrier3A)
    %run_scoped3A = arith.constant 0 : i32
    "tpu.region"() ({
      %run_scoped3A_156 = tpu.sem_alloc : memref<!tpu.dma_semaphore, #tpu.memory_space<semaphore_mem>>
      %dma_start3A = arith.constant 0 : i32
      %dma_start3A_157 = tpu.memref_slice %arg2[%run_scoped3A, %dma_start3A] : memref<4x10000xf32, #tpu.memory_space<hbm>> -> memref<1x10000xf32, #tpu.memory_space<hbm>>
      %dma_start3A_158 = tpu.memref_squeeze %dma_start3A_157 : memref<1x10000xf32, #tpu.memory_space<hbm>> -> memref<10000xf32, #tpu.memory_space<hbm>>
      %dma_start3A_159 = arith.constant 0 : i32
      %dma_start3A_160 = tpu.memref_slice %arg2[%run_scoped3A, %dma_start3A_159] : memref<4x10000xf32, #tpu.memory_space<hbm>> -> memref<1x10000xf32, #tpu.memory_space<hbm>>
      %dma_start3A_161 = tpu.memref_squeeze %dma_start3A_160 : memref<1x10000xf32, #tpu.memory_space<hbm>> -> memref<10000xf32, #tpu.memory_space<hbm>>
      tpu.enqueue_dma source(%dma_start3A_161 : memref<10000xf32, #tpu.memory_space<hbm>>) target(%arg13 : memref<10000xf32, #tpu.memory_space<vmem>>) target_semaphore(%run_scoped3A_156 : memref<!tpu.dma_semaphore, #tpu.memory_space<semaphore_mem>>)
      %dma_wait3A = arith.constant 0 : i32
      %dma_wait3A_162 = tpu.memref_slice %arg2[%run_scoped3A, %dma_wait3A] : memref<4x10000xf32, #tpu.memory_space<hbm>> -> memref<1x10000xf32, #tpu.memory_space<hbm>>
      %dma_wait3A_163 = tpu.memref_squeeze %dma_wait3A_162 : memref<1x10000xf32, #tpu.memory_space<hbm>> -> memref<10000xf32, #tpu.memory_space<hbm>>
      %dma_wait3A_164 = arith.constant 0 : i32
      %dma_wait3A_165 = tpu.memref_slice %arg2[%run_scoped3A, %dma_wait3A_164] : memref<4x10000xf32, #tpu.memory_space<hbm>> -> memref<1x10000xf32, #tpu.memory_space<hbm>>
      %dma_wait3A_166 = tpu.memref_squeeze %dma_wait3A_165 : memref<1x10000xf32, #tpu.memory_space<hbm>> -> memref<10000xf32, #tpu.memory_space<hbm>>
      tpu.wait_dma2 semaphore(%run_scoped3A_156 : memref<!tpu.dma_semaphore, #tpu.memory_space<semaphore_mem>>) src(%dma_wait3A_166 : memref<10000xf32, #tpu.memory_space<hbm>>) dst(%arg13 : memref<10000xf32, #tpu.memory_space<vmem>>)
      tpu.yield
    }) : () -> ()
    %run_scoped3A_48 = arith.constant 1 : i32
    "tpu.region"() ({
      %run_scoped3A_156 = tpu.sem_alloc : memref<!tpu.dma_semaphore, #tpu.memory_space<semaphore_mem>>
      %dma_start3A = arith.constant 0 : i32
      %dma_start3A_157 = tpu.memref_slice %arg2[%run_scoped3A_48, %dma_start3A] : memref<4x10000xf32, #tpu.memory_space<hbm>> -> memref<1x10000xf32, #tpu.memory_space<hbm>>
      %dma_start3A_158 = tpu.memref_squeeze %dma_start3A_157 : memref<1x10000xf32, #tpu.memory_space<hbm>> -> memref<10000xf32, #tpu.memory_space<hbm>>
      %dma_start3A_159 = arith.constant 0 : i32
      %dma_start3A_160 = tpu.memref_slice %arg2[%run_scoped3A_48, %dma_start3A_159] : memref<4x10000xf32, #tpu.memory_space<hbm>> -> memref<1x10000xf32, #tpu.memory_space<hbm>>
      %dma_start3A_161 = tpu.memref_squeeze %dma_start3A_160 : memref<1x10000xf32, #tpu.memory_space<hbm>> -> memref<10000xf32, #tpu.memory_space<hbm>>
      tpu.enqueue_dma source(%dma_start3A_161 : memref<10000xf32, #tpu.memory_space<hbm>>) target(%arg14 : memref<10000xf32, #tpu.memory_space<vmem>>) target_semaphore(%run_scoped3A_156 : memref<!tpu.dma_semaphore, #tpu.memory_space<semaphore_mem>>)
      %dma_wait3A = arith.constant 0 : i32
      %dma_wait3A_162 = tpu.memref_slice %arg2[%run_scoped3A_48, %dma_wait3A] : memref<4x10000xf32, #tpu.memory_space<hbm>> -> memref<1x10000xf32, #tpu.memory_space<hbm>>
      %dma_wait3A_163 = tpu.memref_squeeze %dma_wait3A_162 : memref<1x10000xf32, #tpu.memory_space<hbm>> -> memref<10000xf32, #tpu.memory_space<hbm>>
      %dma_wait3A_164 = arith.constant 0 : i32
      %dma_wait3A_165 = tpu.memref_slice %arg2[%run_scoped3A_48, %dma_wait3A_164] : memref<4x10000xf32, #tpu.memory_space<hbm>> -> memref<1x10000xf32, #tpu.memory_space<hbm>>
      %dma_wait3A_166 = tpu.memref_squeeze %dma_wait3A_165 : memref<1x10000xf32, #tpu.memory_space<hbm>> -> memref<10000xf32, #tpu.memory_space<hbm>>
      tpu.wait_dma2 semaphore(%run_scoped3A_156 : memref<!tpu.dma_semaphore, #tpu.memory_space<semaphore_mem>>) src(%dma_wait3A_166 : memref<10000xf32, #tpu.memory_space<hbm>>) dst(%arg14 : memref<10000xf32, #tpu.memory_space<vmem>>)
      tpu.yield
    }) : () -> ()
    %scan3A_49 = arith.constant 0 : i32
    %scan3A_50 = arith.constant 20 : i32
    %scan3A_51 = arith.addi %scan3A_49, %scan3A_50 : i32
    %scan3A_52 = arith.constant 1 : i32
    scf.for %scan3A_156 = %scan3A_49 to %scan3A_51 step %scan3A_52  : i32 {
      %mul3A_157 = arith.constant 1 : i32
      %mul3A_158 = arith.muli %scan3A_156, %mul3A_157 : i32
      %add3A_159 = arith.constant 0 : i32
      %add3A_160 = arith.addi %add3A_159, %mul3A_158 : i32
      %mul3A_161 = arith.constant 4 : i32
      %mul3A_162 = arith.muli %add3A_160, %mul3A_161 : i32
      %add3A_163 = arith.addi %add3A_8, %mul3A_162 : i32
      "tpu.region"() ({
        %run_scoped3A_185 = tpu.sem_alloc : memref<!tpu.dma_semaphore, #tpu.memory_space<semaphore_mem>>
        %dma_start3A = arith.constant 0 : i32
        %dma_start3A_186 = tpu.memref_slice %arg3[%add3A_163, %dma_start3A] : memref<2504x128xi32, #tpu.memory_space<hbm>> -> memref<4x128xi32, #tpu.memory_space<hbm>>
        %dma_start3A_187 = arith.constant 0 : i32
        %dma_start3A_188 = tpu.memref_slice %arg3[%add3A_163, %dma_start3A_187] : memref<2504x128xi32, #tpu.memory_space<hbm>> -> memref<4x128xi32, #tpu.memory_space<hbm>>
        tpu.enqueue_dma source(%dma_start3A_188 : memref<4x128xi32, #tpu.memory_space<hbm>>) target(%arg15 : memref<4x128xi32, #tpu.memory_space<vmem>>) target_semaphore(%run_scoped3A_185 : memref<!tpu.dma_semaphore, #tpu.memory_space<semaphore_mem>>)
        %dma_wait3A = arith.constant 0 : i32
        %dma_wait3A_189 = tpu.memref_slice %arg3[%add3A_163, %dma_wait3A] : memref<2504x128xi32, #tpu.memory_space<hbm>> -> memref<4x128xi32, #tpu.memory_space<hbm>>
        %dma_wait3A_190 = arith.constant 0 : i32
        %dma_wait3A_191 = tpu.memref_slice %arg3[%add3A_163, %dma_wait3A_190] : memref<2504x128xi32, #tpu.memory_space<hbm>> -> memref<4x128xi32, #tpu.memory_space<hbm>>
        tpu.wait_dma2 semaphore(%run_scoped3A_185 : memref<!tpu.dma_semaphore, #tpu.memory_space<semaphore_mem>>) src(%dma_wait3A_191 : memref<4x128xi32, #tpu.memory_space<hbm>>) dst(%arg15 : memref<4x128xi32, #tpu.memory_space<vmem>>)
        tpu.yield
      }) : () -> ()
      "tpu.region"() ({
        %run_scoped3A_185 = tpu.sem_alloc : memref<!tpu.dma_semaphore, #tpu.memory_space<semaphore_mem>>
        %dma_start3A = arith.constant 0 : i32
        %dma_start3A_186 = tpu.memref_slice %arg4[%add3A_163, %dma_start3A] : memref<2504x128xi32, #tpu.memory_space<hbm>> -> memref<4x128xi32, #tpu.memory_space<hbm>>
        %dma_start3A_187 = arith.constant 0 : i32
        %dma_start3A_188 = tpu.memref_slice %arg4[%add3A_163, %dma_start3A_187] : memref<2504x128xi32, #tpu.memory_space<hbm>> -> memref<4x128xi32, #tpu.memory_space<hbm>>
        tpu.enqueue_dma source(%dma_start3A_188 : memref<4x128xi32, #tpu.memory_space<hbm>>) target(%arg16 : memref<4x128xi32, #tpu.memory_space<vmem>>) target_semaphore(%run_scoped3A_185 : memref<!tpu.dma_semaphore, #tpu.memory_space<semaphore_mem>>)
        %dma_wait3A = arith.constant 0 : i32
        %dma_wait3A_189 = tpu.memref_slice %arg4[%add3A_163, %dma_wait3A] : memref<2504x128xi32, #tpu.memory_space<hbm>> -> memref<4x128xi32, #tpu.memory_space<hbm>>
        %dma_wait3A_190 = arith.constant 0 : i32
        %dma_wait3A_191 = tpu.memref_slice %arg4[%add3A_163, %dma_wait3A_190] : memref<2504x128xi32, #tpu.memory_space<hbm>> -> memref<4x128xi32, #tpu.memory_space<hbm>>
        tpu.wait_dma2 semaphore(%run_scoped3A_185 : memref<!tpu.dma_semaphore, #tpu.memory_space<semaphore_mem>>) src(%dma_wait3A_191 : memref<4x128xi32, #tpu.memory_space<hbm>>) dst(%arg16 : memref<4x128xi32, #tpu.memory_space<vmem>>)
        tpu.yield
      }) : () -> ()
      %mul3A_164 = arith.constant 4 : i32
      %mul3A_165 = arith.muli %add3A_160, %mul3A_164 : i32
      %sub3A = arith.subi %add3A_4, %mul3A_165 : i32
      %min3A_166 = arith.constant 4 : i32
      %min3A_167 = arith.minsi %sub3A, %min3A_166 : i32
      %sub3A_168 = arith.constant 0 : i32
      %sub3A_169 = arith.subi %min3A_167, %sub3A_168 : i32
      %sub3A_170 = arith.constant 1 : i32
      %sub3A_171 = arith.constant 1 : i32
      %sub3A_172 = arith.subi %sub3A_170, %sub3A_171 : i32
      %add3A_173 = arith.addi %sub3A_169, %sub3A_172 : i32
      %div3A = arith.constant 1 : i32
      %div3A_174 = arith.divsi %add3A_173, %div3A : i32
      %while3A = arith.constant 1 : i32
      %while3A_175 = arith.constant 0 : i32
      %while3A_176 = arith.constant 0 : i32
      %while3A_177 = arith.subi %div3A_174, %while3A_176 : i32
      %while3A_178 = arith.addi %while3A_176, %while3A_177 : i32
      %while3A_179 = arith.constant 1 : i32
      %while3A_180 = arith.divsi %while3A_177, %while3A_179 : i32
      %while3A_181 = arith.muli %while3A_180, %while3A_179 : i32
      %while3A_182 = arith.addi %while3A_176, %while3A_181 : i32
      %while3A_183 = arith.constant 1 : i32
      scf.for %while3A_185 = %while3A_176 to %while3A_182 step %while3A_183  : i32 {
        %mul3A_186 = arith.muli %while3A_185, %while3A : i32
        %add3A_187 = arith.addi %while3A_175, %mul3A_186 : i32
        %dma_start3A = arith.constant 0 : i32
        %dma_start3A_188 = tpu.memref_slice %arg15[%add3A_187, %dma_start3A] : memref<4x128xi32, #tpu.memory_space<vmem>> -> memref<1x128xi32, #tpu.memory_space<vmem>>
        %dma_start3A_189 = tpu.memref_squeeze %dma_start3A_188 : memref<1x128xi32, #tpu.memory_space<vmem>> -> memref<128xi32, #tpu.memory_space<vmem>>
        %dma_start3A_190 = arith.constant 0 : i32
        %dma_start3A_191 = arith.constant 0 : i32
        %dma_start3A_192 = tpu.memref_slice %arg7[%dma_start3A_190, %dma_start3A_191] : memref<10000x128xf32, #tpu.memory_space<hbm>> -> memref<10000x128xf32, #tpu.memory_space<hbm>>
        tpu.enqueue_indirect_dma source(%dma_start3A_192 : memref<10000x128xf32, #tpu.memory_space<hbm>>) target(%arg17 : memref<128x128xf32, #tpu.memory_space<vmem>>) offsets(%dma_start3A_189 : memref<128xi32, #tpu.memory_space<vmem>>) semaphore(%arg22 : memref<!tpu.dma_semaphore, #tpu.memory_space<semaphore_mem>>)
        %dma_wait3A = arith.constant 0 : i32
        %dma_wait3A_193 = tpu.memref_slice %arg15[%add3A_187, %dma_wait3A] : memref<4x128xi32, #tpu.memory_space<vmem>> -> memref<1x128xi32, #tpu.memory_space<vmem>>
        %dma_wait3A_194 = tpu.memref_squeeze %dma_wait3A_193 : memref<1x128xi32, #tpu.memory_space<vmem>> -> memref<128xi32, #tpu.memory_space<vmem>>
        %dma_wait3A_195 = arith.constant 0 : i32
        %dma_wait3A_196 = arith.constant 0 : i32
        %dma_wait3A_197 = tpu.memref_slice %arg7[%dma_wait3A_195, %dma_wait3A_196] : memref<10000x128xf32, #tpu.memory_space<hbm>> -> memref<10000x128xf32, #tpu.memory_space<hbm>>
        tpu.wait_indirect_dma semaphore(%arg22 : memref<!tpu.dma_semaphore, #tpu.memory_space<semaphore_mem>>) src(%dma_wait3A_197 : memref<10000x128xf32, #tpu.memory_space<hbm>>) dst(%arg17 : memref<128x128xf32, #tpu.memory_space<vmem>>)
        %get3A = arith.index_cast %add3A_187 : i32 to index
        %get3A_198 = arith.constant 0 : index
        %get3A_199 = tpu.vector_load %arg15[%get3A, %get3A_198] {strides = array<i32>} : memref<4x128xi32, #tpu.memory_space<vmem>>, vector<16xi32>,
        %get3A_200 = arith.index_cast %add3A_187 : i32 to index
        %get3A_201 = arith.constant 0 : index
        %get3A_202 = tpu.vector_load %arg16[%get3A_200, %get3A_201] {strides = array<i32>} : memref<4x128xi32, #tpu.memory_space<vmem>>, vector<16xi32>,
        %gather3A = tpu.vector_load_idx %arg13[%get3A_199] : memref<10000xf32, #tpu.memory_space<vmem>>[vector<16xi32>], vector<16xf32>,
        %gather3A_203 = tpu.vector_load_idx %arg14[%get3A_202] : memref<10000xf32, #tpu.memory_space<vmem>>[vector<16xi32>], vector<16xf32>,
        %add3A_204 = arith.addf %gather3A, %gather3A_203 : vector<16xf32>
        %ge3A = arith.constant 0.000000e+00 : f32
        %ge3A_205 = vector.broadcast %ge3A : f32 to vector<16xf32>
        %ge3A_206 = arith.cmpf oge, %add3A_204, %ge3A_205 : vector<16xf32>
        %mul3A_207 = arith.constant 0.00999999977 : f32
        %mul3A_208 = vector.broadcast %mul3A_207 : f32 to vector<16xf32>
        %mul3A_209 = arith.mulf %mul3A_208, %add3A_204 : vector<16xf32>
        %select_n3A_210 = arith.select %ge3A_206, %add3A_204, %mul3A_209 : vector<16xi1>, vector<16xf32>
        %exp3A = math.exp %select_n3A_210 : vector<16xf32>
        %swap3A = arith.constant 0 : index
        %swap3A_211 = tpu.vector_load %arg19[%swap3A] {strides = array<i32>} : memref<128xf32, #tpu.memory_space<vmem>>, vector<16xf32>,
        tpu.vector_store %arg19[%swap3A], %exp3A {strides = array<i32>} : memref<128xf32, #tpu.memory_space<vmem>>, vector<16xf32>,
        %get3A_212 = arith.index_cast %add3A_187 : i32 to index
        %get3A_213 = arith.constant 16 : index
        %get3A_214 = tpu.vector_load %arg15[%get3A_212, %get3A_213] {strides = array<i32>} : memref<4x128xi32, #tpu.memory_space<vmem>>, vector<16xi32>,
        %get3A_215 = arith.index_cast %add3A_187 : i32 to index
        %get3A_216 = arith.constant 16 : index
        %get3A_217 = tpu.vector_load %arg16[%get3A_215, %get3A_216] {strides = array<i32>} : memref<4x128xi32, #tpu.memory_space<vmem>>, vector<16xi32>,
        %gather3A_218 = tpu.vector_load_idx %arg13[%get3A_214] : memref<10000xf32, #tpu.memory_space<vmem>>[vector<16xi32>], vector<16xf32>,
        %gather3A_219 = tpu.vector_load_idx %arg14[%get3A_217] : memref<10000xf32, #tpu.memory_space<vmem>>[vector<16xi32>], vector<16xf32>,
        %add3A_220 = arith.addf %gather3A_218, %gather3A_219 : vector<16xf32>
        %ge3A_221 = arith.constant 0.000000e+00 : f32
        %ge3A_222 = vector.broadcast %ge3A_221 : f32 to vector<16xf32>
        %ge3A_223 = arith.cmpf oge, %add3A_220, %ge3A_222 : vector<16xf32>
        %mul3A_224 = arith.constant 0.00999999977 : f32
        %mul3A_225 = vector.broadcast %mul3A_224 : f32 to vector<16xf32>
        %mul3A_226 = arith.mulf %mul3A_225, %add3A_220 : vector<16xf32>
        %select_n3A_227 = arith.select %ge3A_223, %add3A_220, %mul3A_226 : vector<16xi1>, vector<16xf32>
        %exp3A_228 = math.exp %select_n3A_227 : vector<16xf32>
        %swap3A_229 = arith.constant 16 : index
        %swap3A_230 = tpu.vector_load %arg19[%swap3A_229] {strides = array<i32>} : memref<128xf32, #tpu.memory_space<vmem>>, vector<16xf32>,
        tpu.vector_store %arg19[%swap3A_229], %exp3A_228 {strides = array<i32>} : memref<128xf32, #tpu.memory_space<vmem>>, vector<16xf32>,
        %get3A_231 = arith.index_cast %add3A_187 : i32 to index
        %get3A_232 = arith.constant 32 : index
        %get3A_233 = tpu.vector_load %arg15[%get3A_231, %get3A_232] {strides = array<i32>} : memref<4x128xi32, #tpu.memory_space<vmem>>, vector<16xi32>,
        %get3A_234 = arith.index_cast %add3A_187 : i32 to index
        %get3A_235 = arith.constant 32 : index
        %get3A_236 = tpu.vector_load %arg16[%get3A_234, %get3A_235] {strides = array<i32>} : memref<4x128xi32, #tpu.memory_space<vmem>>, vector<16xi32>,
        %gather3A_237 = tpu.vector_load_idx %arg13[%get3A_233] : memref<10000xf32, #tpu.memory_space<vmem>>[vector<16xi32>], vector<16xf32>,
        %gather3A_238 = tpu.vector_load_idx %arg14[%get3A_236] : memref<10000xf32, #tpu.memory_space<vmem>>[vector<16xi32>], vector<16xf32>,
        %add3A_239 = arith.addf %gather3A_237, %gather3A_238 : vector<16xf32>
        %ge3A_240 = arith.constant 0.000000e+00 : f32
        %ge3A_241 = vector.broadcast %ge3A_240 : f32 to vector<16xf32>
        %ge3A_242 = arith.cmpf oge, %add3A_239, %ge3A_241 : vector<16xf32>
        %mul3A_243 = arith.constant 0.00999999977 : f32
        %mul3A_244 = vector.broadcast %mul3A_243 : f32 to vector<16xf32>
        %mul3A_245 = arith.mulf %mul3A_244, %add3A_239 : vector<16xf32>
        %select_n3A_246 = arith.select %ge3A_242, %add3A_239, %mul3A_245 : vector<16xi1>, vector<16xf32>
        %exp3A_247 = math.exp %select_n3A_246 : vector<16xf32>
        %swap3A_248 = arith.constant 32 : index
        %swap3A_249 = tpu.vector_load %arg19[%swap3A_248] {strides = array<i32>} : memref<128xf32, #tpu.memory_space<vmem>>, vector<16xf32>,
        tpu.vector_store %arg19[%swap3A_248], %exp3A_247 {strides = array<i32>} : memref<128xf32, #tpu.memory_space<vmem>>, vector<16xf32>,
        %get3A_250 = arith.index_cast %add3A_187 : i32 to index
        %get3A_251 = arith.constant 48 : index
        %get3A_252 = tpu.vector_load %arg15[%get3A_250, %get3A_251] {strides = array<i32>} : memref<4x128xi32, #tpu.memory_space<vmem>>, vector<16xi32>,
        %get3A_253 = arith.index_cast %add3A_187 : i32 to index
        %get3A_254 = arith.constant 48 : index
        %get3A_255 = tpu.vector_load %arg16[%get3A_253, %get3A_254] {strides = array<i32>} : memref<4x128xi32, #tpu.memory_space<vmem>>, vector<16xi32>,
        %gather3A_256 = tpu.vector_load_idx %arg13[%get3A_252] : memref<10000xf32, #tpu.memory_space<vmem>>[vector<16xi32>], vector<16xf32>,
        %gather3A_257 = tpu.vector_load_idx %arg14[%get3A_255] : memref<10000xf32, #tpu.memory_space<vmem>>[vector<16xi32>], vector<16xf32>,
        %add3A_258 = arith.addf %gather3A_256, %gather3A_257 : vector<16xf32>
        %ge3A_259 = arith.constant 0.000000e+00 : f32
        %ge3A_260 = vector.broadcast %ge3A_259 : f32 to vector<16xf32>
        %ge3A_261 = arith.cmpf oge, %add3A_258, %ge3A_260 : vector<16xf32>
        %mul3A_262 = arith.constant 0.00999999977 : f32
        %mul3A_263 = vector.broadcast %mul3A_262 : f32 to vector<16xf32>
        %mul3A_264 = arith.mulf %mul3A_263, %add3A_258 : vector<16xf32>
        %select_n3A_265 = arith.select %ge3A_261, %add3A_258, %mul3A_264 : vector<16xi1>, vector<16xf32>
        %exp3A_266 = math.exp %select_n3A_265 : vector<16xf32>
        %swap3A_267 = arith.constant 48 : index
        %swap3A_268 = tpu.vector_load %arg19[%swap3A_267] {strides = array<i32>} : memref<128xf32, #tpu.memory_space<vmem>>, vector<16xf32>,
        tpu.vector_store %arg19[%swap3A_267], %exp3A_266 {strides = array<i32>} : memref<128xf32, #tpu.memory_space<vmem>>, vector<16xf32>,
        %get3A_269 = arith.index_cast %add3A_187 : i32 to index
        %get3A_270 = arith.constant 64 : index
        %get3A_271 = tpu.vector_load %arg15[%get3A_269, %get3A_270] {strides = array<i32>} : memref<4x128xi32, #tpu.memory_space<vmem>>, vector<16xi32>,
        %get3A_272 = arith.index_cast %add3A_187 : i32 to index
        %get3A_273 = arith.constant 64 : index
        %get3A_274 = tpu.vector_load %arg16[%get3A_272, %get3A_273] {strides = array<i32>} : memref<4x128xi32, #tpu.memory_space<vmem>>, vector<16xi32>,
        %gather3A_275 = tpu.vector_load_idx %arg13[%get3A_271] : memref<10000xf32, #tpu.memory_space<vmem>>[vector<16xi32>], vector<16xf32>,
        %gather3A_276 = tpu.vector_load_idx %arg14[%get3A_274] : memref<10000xf32, #tpu.memory_space<vmem>>[vector<16xi32>], vector<16xf32>,
        %add3A_277 = arith.addf %gather3A_275, %gather3A_276 : vector<16xf32>
        %ge3A_278 = arith.constant 0.000000e+00 : f32
        %ge3A_279 = vector.broadcast %ge3A_278 : f32 to vector<16xf32>
        %ge3A_280 = arith.cmpf oge, %add3A_277, %ge3A_279 : vector<16xf32>
        %mul3A_281 = arith.constant 0.00999999977 : f32
        %mul3A_282 = vector.broadcast %mul3A_281 : f32 to vector<16xf32>
        %mul3A_283 = arith.mulf %mul3A_282, %add3A_277 : vector<16xf32>
        %select_n3A_284 = arith.select %ge3A_280, %add3A_277, %mul3A_283 : vector<16xi1>, vector<16xf32>
        %exp3A_285 = math.exp %select_n3A_284 : vector<16xf32>
        %swap3A_286 = arith.constant 64 : index
        %swap3A_287 = tpu.vector_load %arg19[%swap3A_286] {strides = array<i32>} : memref<128xf32, #tpu.memory_space<vmem>>, vector<16xf32>,
        tpu.vector_store %arg19[%swap3A_286], %exp3A_285 {strides = array<i32>} : memref<128xf32, #tpu.memory_space<vmem>>, vector<16xf32>,
        %get3A_288 = arith.index_cast %add3A_187 : i32 to index
        %get3A_289 = arith.constant 80 : index
        %get3A_290 = tpu.vector_load %arg15[%get3A_288, %get3A_289] {strides = array<i32>} : memref<4x128xi32, #tpu.memory_space<vmem>>, vector<16xi32>,
        %get3A_291 = arith.index_cast %add3A_187 : i32 to index
        %get3A_292 = arith.constant 80 : index
        %get3A_293 = tpu.vector_load %arg16[%get3A_291, %get3A_292] {strides = array<i32>} : memref<4x128xi32, #tpu.memory_space<vmem>>, vector<16xi32>,
        %gather3A_294 = tpu.vector_load_idx %arg13[%get3A_290] : memref<10000xf32, #tpu.memory_space<vmem>>[vector<16xi32>], vector<16xf32>,
        %gather3A_295 = tpu.vector_load_idx %arg14[%get3A_293] : memref<10000xf32, #tpu.memory_space<vmem>>[vector<16xi32>], vector<16xf32>,
        %add3A_296 = arith.addf %gather3A_294, %gather3A_295 : vector<16xf32>
        %ge3A_297 = arith.constant 0.000000e+00 : f32
        %ge3A_298 = vector.broadcast %ge3A_297 : f32 to vector<16xf32>
        %ge3A_299 = arith.cmpf oge, %add3A_296, %ge3A_298 : vector<16xf32>
        %mul3A_300 = arith.constant 0.00999999977 : f32
        %mul3A_301 = vector.broadcast %mul3A_300 : f32 to vector<16xf32>
        %mul3A_302 = arith.mulf %mul3A_301, %add3A_296 : vector<16xf32>
        %select_n3A_303 = arith.select %ge3A_299, %add3A_296, %mul3A_302 : vector<16xi1>, vector<16xf32>
        %exp3A_304 = math.exp %select_n3A_303 : vector<16xf32>
        %swap3A_305 = arith.constant 80 : index
        %swap3A_306 = tpu.vector_load %arg19[%swap3A_305] {strides = array<i32>} : memref<128xf32, #tpu.memory_space<vmem>>, vector<16xf32>,
        tpu.vector_store %arg19[%swap3A_305], %exp3A_304 {strides = array<i32>} : memref<128xf32, #tpu.memory_space<vmem>>, vector<16xf32>,
        %get3A_307 = arith.index_cast %add3A_187 : i32 to index
        %get3A_308 = arith.constant 96 : index
        %get3A_309 = tpu.vector_load %arg15[%get3A_307, %get3A_308] {strides = array<i32>} : memref<4x128xi32, #tpu.memory_space<vmem>>, vector<16xi32>,
        %get3A_310 = arith.index_cast %add3A_187 : i32 to index
        %get3A_311 = arith.constant 96 : index
        %get3A_312 = tpu.vector_load %arg16[%get3A_310, %get3A_311] {strides = array<i32>} : memref<4x128xi32, #tpu.memory_space<vmem>>, vector<16xi32>,
        %gather3A_313 = tpu.vector_load_idx %arg13[%get3A_309] : memref<10000xf32, #tpu.memory_space<vmem>>[vector<16xi32>], vector<16xf32>,
        %gather3A_314 = tpu.vector_load_idx %arg14[%get3A_312] : memref<10000xf32, #tpu.memory_space<vmem>>[vector<16xi32>], vector<16xf32>,
        %add3A_315 = arith.addf %gather3A_313, %gather3A_314 : vector<16xf32>
        %ge3A_316 = arith.constant 0.000000e+00 : f32
        %ge3A_317 = vector.broadcast %ge3A_316 : f32 to vector<16xf32>
        %ge3A_318 = arith.cmpf oge, %add3A_315, %ge3A_317 : vector<16xf32>
        %mul3A_319 = arith.constant 0.00999999977 : f32
        %mul3A_320 = vector.broadcast %mul3A_319 : f32 to vector<16xf32>
        %mul3A_321 = arith.mulf %mul3A_320, %add3A_315 : vector<16xf32>
        %select_n3A_322 = arith.select %ge3A_318, %add3A_315, %mul3A_321 : vector<16xi1>, vector<16xf32>
        %exp3A_323 = math.exp %select_n3A_322 : vector<16xf32>
        %swap3A_324 = arith.constant 96 : index
        %swap3A_325 = tpu.vector_load %arg19[%swap3A_324] {strides = array<i32>} : memref<128xf32, #tpu.memory_space<vmem>>, vector<16xf32>,
        tpu.vector_store %arg19[%swap3A_324], %exp3A_323 {strides = array<i32>} : memref<128xf32, #tpu.memory_space<vmem>>, vector<16xf32>,
        %get3A_326 = arith.index_cast %add3A_187 : i32 to index
        %get3A_327 = arith.constant 112 : index
        %get3A_328 = tpu.vector_load %arg15[%get3A_326, %get3A_327] {strides = array<i32>} : memref<4x128xi32, #tpu.memory_space<vmem>>, vector<16xi32>,
        %get3A_329 = arith.index_cast %add3A_187 : i32 to index
        %get3A_330 = arith.constant 112 : index
        %get3A_331 = tpu.vector_load %arg16[%get3A_329, %get3A_330] {strides = array<i32>} : memref<4x128xi32, #tpu.memory_space<vmem>>, vector<16xi32>,
        %gather3A_332 = tpu.vector_load_idx %arg13[%get3A_328] : memref<10000xf32, #tpu.memory_space<vmem>>[vector<16xi32>], vector<16xf32>,
        %gather3A_333 = tpu.vector_load_idx %arg14[%get3A_331] : memref<10000xf32, #tpu.memory_space<vmem>>[vector<16xi32>], vector<16xf32>,
        %add3A_334 = arith.addf %gather3A_332, %gather3A_333 : vector<16xf32>
        %ge3A_335 = arith.constant 0.000000e+00 : f32
        %ge3A_336 = vector.broadcast %ge3A_335 : f32 to vector<16xf32>
        %ge3A_337 = arith.cmpf oge, %add3A_334, %ge3A_336 : vector<16xf32>
        %mul3A_338 = arith.constant 0.00999999977 : f32
        %mul3A_339 = vector.broadcast %mul3A_338 : f32 to vector<16xf32>
        %mul3A_340 = arith.mulf %mul3A_339, %add3A_334 : vector<16xf32>
        %select_n3A_341 = arith.select %ge3A_337, %add3A_334, %mul3A_340 : vector<16xi1>, vector<16xf32>
        %exp3A_342 = math.exp %select_n3A_341 : vector<16xf32>
        %swap3A_343 = arith.constant 112 : index
        %swap3A_344 = tpu.vector_load %arg19[%swap3A_343] {strides = array<i32>} : memref<128xf32, #tpu.memory_space<vmem>>, vector<16xf32>,
        tpu.vector_store %arg19[%swap3A_343], %exp3A_342 {strides = array<i32>} : memref<128xf32, #tpu.memory_space<vmem>>, vector<16xf32>,
        %scan3A_345 = arith.constant 0 : i32
        %scan3A_346 = arith.constant 128 : i32
        %scan3A_347 = arith.addi %scan3A_345, %scan3A_346 : i32
        %scan3A_348 = arith.constant 1 : i32
        scf.for %scan3A_350 = %scan3A_345 to %scan3A_347 step %scan3A_348  : i32 {
          %mul3A_351 = arith.constant 1 : i32
          %mul3A_352 = arith.muli %scan3A_350, %mul3A_351 : i32
          %add3A_353 = arith.constant 0 : i32
          %add3A_354 = arith.addi %add3A_353, %mul3A_352 : i32
          %broadcast_in_dim3A_355 = vector.broadcast %add3A_354 : i32 to vector<16xi32>
          %gather3A_356 = tpu.vector_load_idx %arg19[%broadcast_in_dim3A_355] : memref<128xf32, #tpu.memory_space<vmem>>[vector<16xi32>], vector<16xf32>,
          %get3A_357 = arith.index_cast %add3A_354 : i32 to index
          %get3A_358 = arith.constant 0 : index
          %get3A_359 = tpu.vector_load %arg17[%get3A_357, %get3A_358] {strides = array<i32>} : memref<128x128xf32, #tpu.memory_space<vmem>>, vector<16xf32>,
          %mul3A_360 = arith.mulf %get3A_359, %gather3A_356 : vector<16xf32>
          %swap3A_361 = arith.index_cast %add3A_354 : i32 to index
          %swap3A_362 = arith.constant 0 : index
          %swap3A_363 = tpu.vector_load %arg17[%swap3A_361, %swap3A_362] {strides = array<i32>} : memref<128x128xf32, #tpu.memory_space<vmem>>, vector<16xf32>,
          tpu.vector_store %arg17[%swap3A_361, %swap3A_362], %mul3A_360 {strides = array<i32>} : memref<128x128xf32, #tpu.memory_space<vmem>>, vector<16xf32>,
          %get3A_364 = arith.index_cast %add3A_354 : i32 to index
          %get3A_365 = arith.constant 16 : index
          %get3A_366 = tpu.vector_load %arg17[%get3A_364, %get3A_365] {strides = array<i32>} : memref<128x128xf32, #tpu.memory_space<vmem>>, vector<16xf32>,
          %mul3A_367 = arith.mulf %get3A_366, %gather3A_356 : vector<16xf32>
          %swap3A_368 = arith.index_cast %add3A_354 : i32 to index
          %swap3A_369 = arith.constant 16 : index
          %swap3A_370 = tpu.vector_load %arg17[%swap3A_368, %swap3A_369] {strides = array<i32>} : memref<128x128xf32, #tpu.memory_space<vmem>>, vector<16xf32>,
          tpu.vector_store %arg17[%swap3A_368, %swap3A_369], %mul3A_367 {strides = array<i32>} : memref<128x128xf32, #tpu.memory_space<vmem>>, vector<16xf32>,
          %get3A_371 = arith.index_cast %add3A_354 : i32 to index
          %get3A_372 = arith.constant 32 : index
          %get3A_373 = tpu.vector_load %arg17[%get3A_371, %get3A_372] {strides = array<i32>} : memref<128x128xf32, #tpu.memory_space<vmem>>, vector<16xf32>,
          %mul3A_374 = arith.mulf %get3A_373, %gather3A_356 : vector<16xf32>
          %swap3A_375 = arith.index_cast %add3A_354 : i32 to index
          %swap3A_376 = arith.constant 32 : index
          %swap3A_377 = tpu.vector_load %arg17[%swap3A_375, %swap3A_376] {strides = array<i32>} : memref<128x128xf32, #tpu.memory_space<vmem>>, vector<16xf32>,
          tpu.vector_store %arg17[%swap3A_375, %swap3A_376], %mul3A_374 {strides = array<i32>} : memref<128x128xf32, #tpu.memory_space<vmem>>, vector<16xf32>,
          %get3A_378 = arith.index_cast %add3A_354 : i32 to index
          %get3A_379 = arith.constant 48 : index
          %get3A_380 = tpu.vector_load %arg17[%get3A_378, %get3A_379] {strides = array<i32>} : memref<128x128xf32, #tpu.memory_space<vmem>>, vector<16xf32>,
          %mul3A_381 = arith.mulf %get3A_380, %gather3A_356 : vector<16xf32>
          %swap3A_382 = arith.index_cast %add3A_354 : i32 to index
          %swap3A_383 = arith.constant 48 : index
          %swap3A_384 = tpu.vector_load %arg17[%swap3A_382, %swap3A_383] {strides = array<i32>} : memref<128x128xf32, #tpu.memory_space<vmem>>, vector<16xf32>,
          tpu.vector_store %arg17[%swap3A_382, %swap3A_383], %mul3A_381 {strides = array<i32>} : memref<128x128xf32, #tpu.memory_space<vmem>>, vector<16xf32>,
          %get3A_385 = arith.index_cast %add3A_354 : i32 to index
          %get3A_386 = arith.constant 64 : index
          %get3A_387 = tpu.vector_load %arg17[%get3A_385, %get3A_386] {strides = array<i32>} : memref<128x128xf32, #tpu.memory_space<vmem>>, vector<16xf32>,
          %mul3A_388 = arith.mulf %get3A_387, %gather3A_356 : vector<16xf32>
          %swap3A_389 = arith.index_cast %add3A_354 : i32 to index
          %swap3A_390 = arith.constant 64 : index
          %swap3A_391 = tpu.vector_load %arg17[%swap3A_389, %swap3A_390] {strides = array<i32>} : memref<128x128xf32, #tpu.memory_space<vmem>>, vector<16xf32>,
          tpu.vector_store %arg17[%swap3A_389, %swap3A_390], %mul3A_388 {strides = array<i32>} : memref<128x128xf32, #tpu.memory_space<vmem>>, vector<16xf32>,
          %get3A_392 = arith.index_cast %add3A_354 : i32 to index
          %get3A_393 = arith.constant 80 : index
          %get3A_394 = tpu.vector_load %arg17[%get3A_392, %get3A_393] {strides = array<i32>} : memref<128x128xf32, #tpu.memory_space<vmem>>, vector<16xf32>,
          %mul3A_395 = arith.mulf %get3A_394, %gather3A_356 : vector<16xf32>
          %swap3A_396 = arith.index_cast %add3A_354 : i32 to index
          %swap3A_397 = arith.constant 80 : index
          %swap3A_398 = tpu.vector_load %arg17[%swap3A_396, %swap3A_397] {strides = array<i32>} : memref<128x128xf32, #tpu.memory_space<vmem>>, vector<16xf32>,
          tpu.vector_store %arg17[%swap3A_396, %swap3A_397], %mul3A_395 {strides = array<i32>} : memref<128x128xf32, #tpu.memory_space<vmem>>, vector<16xf32>,
          %get3A_399 = arith.index_cast %add3A_354 : i32 to index
          %get3A_400 = arith.constant 96 : index
          %get3A_401 = tpu.vector_load %arg17[%get3A_399, %get3A_400] {strides = array<i32>} : memref<128x128xf32, #tpu.memory_space<vmem>>, vector<16xf32>,
          %mul3A_402 = arith.mulf %get3A_401, %gather3A_356 : vector<16xf32>
          %swap3A_403 = arith.index_cast %add3A_354 : i32 to index
          %swap3A_404 = arith.constant 96 : index
          %swap3A_405 = tpu.vector_load %arg17[%swap3A_403, %swap3A_404] {strides = array<i32>} : memref<128x128xf32, #tpu.memory_space<vmem>>, vector<16xf32>,
          tpu.vector_store %arg17[%swap3A_403, %swap3A_404], %mul3A_402 {strides = array<i32>} : memref<128x128xf32, #tpu.memory_space<vmem>>, vector<16xf32>,
          %get3A_406 = arith.index_cast %add3A_354 : i32 to index
          %get3A_407 = arith.constant 112 : index
          %get3A_408 = tpu.vector_load %arg17[%get3A_406, %get3A_407] {strides = array<i32>} : memref<128x128xf32, #tpu.memory_space<vmem>>, vector<16xf32>,
          %mul3A_409 = arith.mulf %get3A_408, %gather3A_356 : vector<16xf32>
          %swap3A_410 = arith.index_cast %add3A_354 : i32 to index
          %swap3A_411 = arith.constant 112 : index
          %swap3A_412 = tpu.vector_load %arg17[%swap3A_410, %swap3A_411] {strides = array<i32>} : memref<128x128xf32, #tpu.memory_space<vmem>>, vector<16xf32>,
          tpu.vector_store %arg17[%swap3A_410, %swap3A_411], %mul3A_409 {strides = array<i32>} : memref<128x128xf32, #tpu.memory_space<vmem>>, vector<16xf32>,
          %mul3A_413 = arith.mulf %gather3A_356, %select_n3A_14 : vector<16xf32>
          %swap3A_414 = arith.index_cast %add3A_354 : i32 to index
          %swap3A_415 = arith.constant 0 : index
          %swap3A_416 = tpu.vector_load %arg18[%swap3A_414, %swap3A_415] {strides = array<i32>} : memref<128x16xf32, #tpu.memory_space<vmem>>, vector<16xf32>,
          tpu.vector_store %arg18[%swap3A_414, %swap3A_415], %mul3A_413 {strides = array<i32>} : memref<128x16xf32, #tpu.memory_space<vmem>>, vector<16xf32>,
        }
        %scan3A_349 = arith.constant 128 : i32
        "tpu.region"() ({
          %run_scoped3A_350 = tpu.sem_alloc : memref<!tpu.dma_semaphore, #tpu.memory_space<semaphore_mem>>
          %dma_start3A_351 = arith.constant 0 : i32
          %dma_start3A_352 = tpu.memref_slice %arg16[%add3A_187, %dma_start3A_351] : memref<4x128xi32, #tpu.memory_space<vmem>> -> memref<1x128xi32, #tpu.memory_space<vmem>>
          %dma_start3A_353 = tpu.memref_squeeze %dma_start3A_352 : memref<1x128xi32, #tpu.memory_space<vmem>> -> memref<128xi32, #tpu.memory_space<vmem>>
          %dma_start3A_354 = arith.constant 0 : i32
          %dma_start3A_355 = arith.constant 0 : i32
          %dma_start3A_356 = tpu.memref_slice %arg20[%dma_start3A_354, %dma_start3A_355] : memref<10000x128xf32, #tpu.memory_space<vmem_shared>> -> memref<10000x128xf32, #tpu.memory_space<vmem_shared>>
          tpu.enqueue_indirect_dma source(%arg17 : memref<128x128xf32, #tpu.memory_space<vmem>>) target(%dma_start3A_356 : memref<10000x128xf32, #tpu.memory_space<vmem_shared>>) offsets(%dma_start3A_353 : memref<128xi32, #tpu.memory_space<vmem>>) semaphore(%run_scoped3A_350 : memref<!tpu.dma_semaphore, #tpu.memory_space<semaphore_mem>>) {add = true}
          %dma_wait3A_357 = arith.constant 0 : i32
          %dma_wait3A_358 = tpu.memref_slice %arg16[%add3A_187, %dma_wait3A_357] : memref<4x128xi32, #tpu.memory_space<vmem>> -> memref<1x128xi32, #tpu.memory_space<vmem>>
          %dma_wait3A_359 = tpu.memref_squeeze %dma_wait3A_358 : memref<1x128xi32, #tpu.memory_space<vmem>> -> memref<128xi32, #tpu.memory_space<vmem>>
          %dma_wait3A_360 = arith.constant 0 : i32
          %dma_wait3A_361 = arith.constant 0 : i32
          %dma_wait3A_362 = tpu.memref_slice %arg20[%dma_wait3A_360, %dma_wait3A_361] : memref<10000x128xf32, #tpu.memory_space<vmem_shared>> -> memref<10000x128xf32, #tpu.memory_space<vmem_shared>>
          tpu.wait_indirect_dma semaphore(%run_scoped3A_350 : memref<!tpu.dma_semaphore, #tpu.memory_space<semaphore_mem>>) src(%arg17 : memref<128x128xf32, #tpu.memory_space<vmem>>) dst(%dma_wait3A_362 : memref<10000x128xf32, #tpu.memory_space<vmem_shared>>)
          tpu.yield
        }) : () -> ()
        "tpu.region"() ({
          %run_scoped3A_350 = tpu.sem_alloc : memref<!tpu.dma_semaphore, #tpu.memory_space<semaphore_mem>>
          %dma_start3A_351 = arith.constant 0 : i32
          %dma_start3A_352 = tpu.memref_slice %arg16[%add3A_187, %dma_start3A_351] : memref<4x128xi32, #tpu.memory_space<vmem>> -> memref<1x128xi32, #tpu.memory_space<vmem>>
          %dma_start3A_353 = tpu.memref_squeeze %dma_start3A_352 : memref<1x128xi32, #tpu.memory_space<vmem>> -> memref<128xi32, #tpu.memory_space<vmem>>
          %dma_start3A_354 = arith.constant 0 : i32
          %dma_start3A_355 = arith.constant 0 : i32
          %dma_start3A_356 = tpu.memref_slice %arg21[%dma_start3A_354, %dma_start3A_355] : memref<10000x16xf32, #tpu.memory_space<vmem_shared>> -> memref<10000x16xf32, #tpu.memory_space<vmem_shared>>
          tpu.enqueue_indirect_dma source(%arg18 : memref<128x16xf32, #tpu.memory_space<vmem>>) target(%dma_start3A_356 : memref<10000x16xf32, #tpu.memory_space<vmem_shared>>) offsets(%dma_start3A_353 : memref<128xi32, #tpu.memory_space<vmem>>) semaphore(%run_scoped3A_350 : memref<!tpu.dma_semaphore, #tpu.memory_space<semaphore_mem>>) {add = true}
          %dma_wait3A_357 = arith.constant 0 : i32
          %dma_wait3A_358 = tpu.memref_slice %arg16[%add3A_187, %dma_wait3A_357] : memref<4x128xi32, #tpu.memory_space<vmem>> -> memref<1x128xi32, #tpu.memory_space<vmem>>
          %dma_wait3A_359 = tpu.memref_squeeze %dma_wait3A_358 : memref<1x128xi32, #tpu.memory_space<vmem>> -> memref<128xi32, #tpu.memory_space<vmem>>
          %dma_wait3A_360 = arith.constant 0 : i32
          %dma_wait3A_361 = arith.constant 0 : i32
          %dma_wait3A_362 = tpu.memref_slice %arg21[%dma_wait3A_360, %dma_wait3A_361] : memref<10000x16xf32, #tpu.memory_space<vmem_shared>> -> memref<10000x16xf32, #tpu.memory_space<vmem_shared>>
          tpu.wait_indirect_dma semaphore(%run_scoped3A_350 : memref<!tpu.dma_semaphore, #tpu.memory_space<semaphore_mem>>) src(%arg18 : memref<128x16xf32, #tpu.memory_space<vmem>>) dst(%dma_wait3A_362 : memref<10000x16xf32, #tpu.memory_space<vmem_shared>>)
          tpu.yield
        }) : () -> ()
      }
      %while3A_184 = arith.constant 1 : i32
      scf.for %while3A_185 = %while3A_182 to %while3A_178 step %while3A_184  : i32 {
        %mul3A_186 = arith.muli %while3A_185, %while3A : i32
        %add3A_187 = arith.addi %while3A_175, %mul3A_186 : i32
        %dma_start3A = arith.constant 0 : i32
        %dma_start3A_188 = tpu.memref_slice %arg15[%add3A_187, %dma_start3A] : memref<4x128xi32, #tpu.memory_space<vmem>> -> memref<1x128xi32, #tpu.memory_space<vmem>>
        %dma_start3A_189 = tpu.memref_squeeze %dma_start3A_188 : memref<1x128xi32, #tpu.memory_space<vmem>> -> memref<128xi32, #tpu.memory_space<vmem>>
        %dma_start3A_190 = arith.constant 0 : i32
        %dma_start3A_191 = arith.constant 0 : i32
        %dma_start3A_192 = tpu.memref_slice %arg7[%dma_start3A_190, %dma_start3A_191] : memref<10000x128xf32, #tpu.memory_space<hbm>> -> memref<10000x128xf32, #tpu.memory_space<hbm>>
        tpu.enqueue_indirect_dma source(%dma_start3A_192 : memref<10000x128xf32, #tpu.memory_space<hbm>>) target(%arg17 : memref<128x128xf32, #tpu.memory_space<vmem>>) offsets(%dma_start3A_189 : memref<128xi32, #tpu.memory_space<vmem>>) semaphore(%arg22 : memref<!tpu.dma_semaphore, #tpu.memory_space<semaphore_mem>>)
        %dma_wait3A = arith.constant 0 : i32
        %dma_wait3A_193 = tpu.memref_slice %arg15[%add3A_187, %dma_wait3A] : memref<4x128xi32, #tpu.memory_space<vmem>> -> memref<1x128xi32, #tpu.memory_space<vmem>>
        %dma_wait3A_194 = tpu.memref_squeeze %dma_wait3A_193 : memref<1x128xi32, #tpu.memory_space<vmem>> -> memref<128xi32, #tpu.memory_space<vmem>>
        %dma_wait3A_195 = arith.constant 0 : i32
        %dma_wait3A_196 = arith.constant 0 : i32
        %dma_wait3A_197 = tpu.memref_slice %arg7[%dma_wait3A_195, %dma_wait3A_196] : memref<10000x128xf32, #tpu.memory_space<hbm>> -> memref<10000x128xf32, #tpu.memory_space<hbm>>
        tpu.wait_indirect_dma semaphore(%arg22 : memref<!tpu.dma_semaphore, #tpu.memory_space<semaphore_mem>>) src(%dma_wait3A_197 : memref<10000x128xf32, #tpu.memory_space<hbm>>) dst(%arg17 : memref<128x128xf32, #tpu.memory_space<vmem>>)
        %get3A = arith.index_cast %add3A_187 : i32 to index
        %get3A_198 = arith.constant 0 : index
        %get3A_199 = tpu.vector_load %arg15[%get3A, %get3A_198] {strides = array<i32>} : memref<4x128xi32, #tpu.memory_space<vmem>>, vector<16xi32>,
        %get3A_200 = arith.index_cast %add3A_187 : i32 to index
        %get3A_201 = arith.constant 0 : index
        %get3A_202 = tpu.vector_load %arg16[%get3A_200, %get3A_201] {strides = array<i32>} : memref<4x128xi32, #tpu.memory_space<vmem>>, vector<16xi32>,
        %gather3A = tpu.vector_load_idx %arg13[%get3A_199] : memref<10000xf32, #tpu.memory_space<vmem>>[vector<16xi32>], vector<16xf32>,
        %gather3A_203 = tpu.vector_load_idx %arg14[%get3A_202] : memref<10000xf32, #tpu.memory_space<vmem>>[vector<16xi32>], vector<16xf32>,
        %add3A_204 = arith.addf %gather3A, %gather3A_203 : vector<16xf32>
        %ge3A = arith.constant 0.000000e+00 : f32
        %ge3A_205 = vector.broadcast %ge3A : f32 to vector<16xf32>
        %ge3A_206 = arith.cmpf oge, %add3A_204, %ge3A_205 : vector<16xf32>
        %mul3A_207 = arith.constant 0.00999999977 : f32
        %mul3A_208 = vector.broadcast %mul3A_207 : f32 to vector<16xf32>
        %mul3A_209 = arith.mulf %mul3A_208, %add3A_204 : vector<16xf32>
        %select_n3A_210 = arith.select %ge3A_206, %add3A_204, %mul3A_209 : vector<16xi1>, vector<16xf32>
        %exp3A = math.exp %select_n3A_210 : vector<16xf32>
        %swap3A = arith.constant 0 : index
        %swap3A_211 = tpu.vector_load %arg19[%swap3A] {strides = array<i32>} : memref<128xf32, #tpu.memory_space<vmem>>, vector<16xf32>,
        tpu.vector_store %arg19[%swap3A], %exp3A {strides = array<i32>} : memref<128xf32, #tpu.memory_space<vmem>>, vector<16xf32>,
        %get3A_212 = arith.index_cast %add3A_187 : i32 to index
        %get3A_213 = arith.constant 16 : index
        %get3A_214 = tpu.vector_load %arg15[%get3A_212, %get3A_213] {strides = array<i32>} : memref<4x128xi32, #tpu.memory_space<vmem>>, vector<16xi32>,
        %get3A_215 = arith.index_cast %add3A_187 : i32 to index
        %get3A_216 = arith.constant 16 : index
        %get3A_217 = tpu.vector_load %arg16[%get3A_215, %get3A_216] {strides = array<i32>} : memref<4x128xi32, #tpu.memory_space<vmem>>, vector<16xi32>,
        %gather3A_218 = tpu.vector_load_idx %arg13[%get3A_214] : memref<10000xf32, #tpu.memory_space<vmem>>[vector<16xi32>], vector<16xf32>,
        %gather3A_219 = tpu.vector_load_idx %arg14[%get3A_217] : memref<10000xf32, #tpu.memory_space<vmem>>[vector<16xi32>], vector<16xf32>,
        %add3A_220 = arith.addf %gather3A_218, %gather3A_219 : vector<16xf32>
        %ge3A_221 = arith.constant 0.000000e+00 : f32
        %ge3A_222 = vector.broadcast %ge3A_221 : f32 to vector<16xf32>
        %ge3A_223 = arith.cmpf oge, %add3A_220, %ge3A_222 : vector<16xf32>
        %mul3A_224 = arith.constant 0.00999999977 : f32
        %mul3A_225 = vector.broadcast %mul3A_224 : f32 to vector<16xf32>
        %mul3A_226 = arith.mulf %mul3A_225, %add3A_220 : vector<16xf32>
        %select_n3A_227 = arith.select %ge3A_223, %add3A_220, %mul3A_226 : vector<16xi1>, vector<16xf32>
        %exp3A_228 = math.exp %select_n3A_227 : vector<16xf32>
        %swap3A_229 = arith.constant 16 : index
        %swap3A_230 = tpu.vector_load %arg19[%swap3A_229] {strides = array<i32>} : memref<128xf32, #tpu.memory_space<vmem>>, vector<16xf32>,
        tpu.vector_store %arg19[%swap3A_229], %exp3A_228 {strides = array<i32>} : memref<128xf32, #tpu.memory_space<vmem>>, vector<16xf32>,
        %get3A_231 = arith.index_cast %add3A_187 : i32 to index
        %get3A_232 = arith.constant 32 : index
        %get3A_233 = tpu.vector_load %arg15[%get3A_231, %get3A_232] {strides = array<i32>} : memref<4x128xi32, #tpu.memory_space<vmem>>, vector<16xi32>,
        %get3A_234 = arith.index_cast %add3A_187 : i32 to index
        %get3A_235 = arith.constant 32 : index
        %get3A_236 = tpu.vector_load %arg16[%get3A_234, %get3A_235] {strides = array<i32>} : memref<4x128xi32, #tpu.memory_space<vmem>>, vector<16xi32>,
        %gather3A_237 = tpu.vector_load_idx %arg13[%get3A_233] : memref<10000xf32, #tpu.memory_space<vmem>>[vector<16xi32>], vector<16xf32>,
        %gather3A_238 = tpu.vector_load_idx %arg14[%get3A_236] : memref<10000xf32, #tpu.memory_space<vmem>>[vector<16xi32>], vector<16xf32>,
        %add3A_239 = arith.addf %gather3A_237, %gather3A_238 : vector<16xf32>
        %ge3A_240 = arith.constant 0.000000e+00 : f32
        %ge3A_241 = vector.broadcast %ge3A_240 : f32 to vector<16xf32>
        %ge3A_242 = arith.cmpf oge, %add3A_239, %ge3A_241 : vector<16xf32>
        %mul3A_243 = arith.constant 0.00999999977 : f32
        %mul3A_244 = vector.broadcast %mul3A_243 : f32 to vector<16xf32>
        %mul3A_245 = arith.mulf %mul3A_244, %add3A_239 : vector<16xf32>
        %select_n3A_246 = arith.select %ge3A_242, %add3A_239, %mul3A_245 : vector<16xi1>, vector<16xf32>
        %exp3A_247 = math.exp %select_n3A_246 : vector<16xf32>
        %swap3A_248 = arith.constant 32 : index
        %swap3A_249 = tpu.vector_load %arg19[%swap3A_248] {strides = array<i32>} : memref<128xf32, #tpu.memory_space<vmem>>, vector<16xf32>,
        tpu.vector_store %arg19[%swap3A_248], %exp3A_247 {strides = array<i32>} : memref<128xf32, #tpu.memory_space<vmem>>, vector<16xf32>,
        %get3A_250 = arith.index_cast %add3A_187 : i32 to index
        %get3A_251 = arith.constant 48 : index
        %get3A_252 = tpu.vector_load %arg15[%get3A_250, %get3A_251] {strides = array<i32>} : memref<4x128xi32, #tpu.memory_space<vmem>>, vector<16xi32>,
        %get3A_253 = arith.index_cast %add3A_187 : i32 to index
        %get3A_254 = arith.constant 48 : index
        %get3A_255 = tpu.vector_load %arg16[%get3A_253, %get3A_254] {strides = array<i32>} : memref<4x128xi32, #tpu.memory_space<vmem>>, vector<16xi32>,
        %gather3A_256 = tpu.vector_load_idx %arg13[%get3A_252] : memref<10000xf32, #tpu.memory_space<vmem>>[vector<16xi32>], vector<16xf32>,
        %gather3A_257 = tpu.vector_load_idx %arg14[%get3A_255] : memref<10000xf32, #tpu.memory_space<vmem>>[vector<16xi32>], vector<16xf32>,
        %add3A_258 = arith.addf %gather3A_256, %gather3A_257 : vector<16xf32>
        %ge3A_259 = arith.constant 0.000000e+00 : f32
        %ge3A_260 = vector.broadcast %ge3A_259 : f32 to vector<16xf32>
        %ge3A_261 = arith.cmpf oge, %add3A_258, %ge3A_260 : vector<16xf32>
        %mul3A_262 = arith.constant 0.00999999977 : f32
        %mul3A_263 = vector.broadcast %mul3A_262 : f32 to vector<16xf32>
        %mul3A_264 = arith.mulf %mul3A_263, %add3A_258 : vector<16xf32>
        %select_n3A_265 = arith.select %ge3A_261, %add3A_258, %mul3A_264 : vector<16xi1>, vector<16xf32>
        %exp3A_266 = math.exp %select_n3A_265 : vector<16xf32>
        %swap3A_267 = arith.constant 48 : index
        %swap3A_268 = tpu.vector_load %arg19[%swap3A_267] {strides = array<i32>} : memref<128xf32, #tpu.memory_space<vmem>>, vector<16xf32>,
        tpu.vector_store %arg19[%swap3A_267], %exp3A_266 {strides = array<i32>} : memref<128xf32, #tpu.memory_space<vmem>>, vector<16xf32>,
        %get3A_269 = arith.index_cast %add3A_187 : i32 to index
        %get3A_270 = arith.constant 64 : index
        %get3A_271 = tpu.vector_load %arg15[%get3A_269, %get3A_270] {strides = array<i32>} : memref<4x128xi32, #tpu.memory_space<vmem>>, vector<16xi32>,
        %get3A_272 = arith.index_cast %add3A_187 : i32 to index
        %get3A_273 = arith.constant 64 : index
        %get3A_274 = tpu.vector_load %arg16[%get3A_272, %get3A_273] {strides = array<i32>} : memref<4x128xi32, #tpu.memory_space<vmem>>, vector<16xi32>,
        %gather3A_275 = tpu.vector_load_idx %arg13[%get3A_271] : memref<10000xf32, #tpu.memory_space<vmem>>[vector<16xi32>], vector<16xf32>,
        %gather3A_276 = tpu.vector_load_idx %arg14[%get3A_274] : memref<10000xf32, #tpu.memory_space<vmem>>[vector<16xi32>], vector<16xf32>,
        %add3A_277 = arith.addf %gather3A_275, %gather3A_276 : vector<16xf32>
        %ge3A_278 = arith.constant 0.000000e+00 : f32
        %ge3A_279 = vector.broadcast %ge3A_278 : f32 to vector<16xf32>
        %ge3A_280 = arith.cmpf oge, %add3A_277, %ge3A_279 : vector<16xf32>
        %mul3A_281 = arith.constant 0.00999999977 : f32
        %mul3A_282 = vector.broadcast %mul3A_281 : f32 to vector<16xf32>
        %mul3A_283 = arith.mulf %mul3A_282, %add3A_277 : vector<16xf32>
        %select_n3A_284 = arith.select %ge3A_280, %add3A_277, %mul3A_283 : vector<16xi1>, vector<16xf32>
        %exp3A_285 = math.exp %select_n3A_284 : vector<16xf32>
        %swap3A_286 = arith.constant 64 : index
        %swap3A_287 = tpu.vector_load %arg19[%swap3A_286] {strides = array<i32>} : memref<128xf32, #tpu.memory_space<vmem>>, vector<16xf32>,
        tpu.vector_store %arg19[%swap3A_286], %exp3A_285 {strides = array<i32>} : memref<128xf32, #tpu.memory_space<vmem>>, vector<16xf32>,
        %get3A_288 = arith.index_cast %add3A_187 : i32 to index
        %get3A_289 = arith.constant 80 : index
        %get3A_290 = tpu.vector_load %arg15[%get3A_288, %get3A_289] {strides = array<i32>} : memref<4x128xi32, #tpu.memory_space<vmem>>, vector<16xi32>,
        %get3A_291 = arith.index_cast %add3A_187 : i32 to index
        %get3A_292 = arith.constant 80 : index
        %get3A_293 = tpu.vector_load %arg16[%get3A_291, %get3A_292] {strides = array<i32>} : memref<4x128xi32, #tpu.memory_space<vmem>>, vector<16xi32>,
        %gather3A_294 = tpu.vector_load_idx %arg13[%get3A_290] : memref<10000xf32, #tpu.memory_space<vmem>>[vector<16xi32>], vector<16xf32>,
        %gather3A_295 = tpu.vector_load_idx %arg14[%get3A_293] : memref<10000xf32, #tpu.memory_space<vmem>>[vector<16xi32>], vector<16xf32>,
        %add3A_296 = arith.addf %gather3A_294, %gather3A_295 : vector<16xf32>
        %ge3A_297 = arith.constant 0.000000e+00 : f32
        %ge3A_298 = vector.broadcast %ge3A_297 : f32 to vector<16xf32>
        %ge3A_299 = arith.cmpf oge, %add3A_296, %ge3A_298 : vector<16xf32>
        %mul3A_300 = arith.constant 0.00999999977 : f32
        %mul3A_301 = vector.broadcast %mul3A_300 : f32 to vector<16xf32>
        %mul3A_302 = arith.mulf %mul3A_301, %add3A_296 : vector<16xf32>
        %select_n3A_303 = arith.select %ge3A_299, %add3A_296, %mul3A_302 : vector<16xi1>, vector<16xf32>
        %exp3A_304 = math.exp %select_n3A_303 : vector<16xf32>
        %swap3A_305 = arith.constant 80 : index
        %swap3A_306 = tpu.vector_load %arg19[%swap3A_305] {strides = array<i32>} : memref<128xf32, #tpu.memory_space<vmem>>, vector<16xf32>,
        tpu.vector_store %arg19[%swap3A_305], %exp3A_304 {strides = array<i32>} : memref<128xf32, #tpu.memory_space<vmem>>, vector<16xf32>,
        %get3A_307 = arith.index_cast %add3A_187 : i32 to index
        %get3A_308 = arith.constant 96 : index
        %get3A_309 = tpu.vector_load %arg15[%get3A_307, %get3A_308] {strides = array<i32>} : memref<4x128xi32, #tpu.memory_space<vmem>>, vector<16xi32>,
        %get3A_310 = arith.index_cast %add3A_187 : i32 to index
        %get3A_311 = arith.constant 96 : index
        %get3A_312 = tpu.vector_load %arg16[%get3A_310, %get3A_311] {strides = array<i32>} : memref<4x128xi32, #tpu.memory_space<vmem>>, vector<16xi32>,
        %gather3A_313 = tpu.vector_load_idx %arg13[%get3A_309] : memref<10000xf32, #tpu.memory_space<vmem>>[vector<16xi32>], vector<16xf32>,
        %gather3A_314 = tpu.vector_load_idx %arg14[%get3A_312] : memref<10000xf32, #tpu.memory_space<vmem>>[vector<16xi32>], vector<16xf32>,
        %add3A_315 = arith.addf %gather3A_313, %gather3A_314 : vector<16xf32>
        %ge3A_316 = arith.constant 0.000000e+00 : f32
        %ge3A_317 = vector.broadcast %ge3A_316 : f32 to vector<16xf32>
        %ge3A_318 = arith.cmpf oge, %add3A_315, %ge3A_317 : vector<16xf32>
        %mul3A_319 = arith.constant 0.00999999977 : f32
        %mul3A_320 = vector.broadcast %mul3A_319 : f32 to vector<16xf32>
        %mul3A_321 = arith.mulf %mul3A_320, %add3A_315 : vector<16xf32>
        %select_n3A_322 = arith.select %ge3A_318, %add3A_315, %mul3A_321 : vector<16xi1>, vector<16xf32>
        %exp3A_323 = math.exp %select_n3A_322 : vector<16xf32>
        %swap3A_324 = arith.constant 96 : index
        %swap3A_325 = tpu.vector_load %arg19[%swap3A_324] {strides = array<i32>} : memref<128xf32, #tpu.memory_space<vmem>>, vector<16xf32>,
        tpu.vector_store %arg19[%swap3A_324], %exp3A_323 {strides = array<i32>} : memref<128xf32, #tpu.memory_space<vmem>>, vector<16xf32>,
        %get3A_326 = arith.index_cast %add3A_187 : i32 to index
        %get3A_327 = arith.constant 112 : index
        %get3A_328 = tpu.vector_load %arg15[%get3A_326, %get3A_327] {strides = array<i32>} : memref<4x128xi32, #tpu.memory_space<vmem>>, vector<16xi32>,
        %get3A_329 = arith.index_cast %add3A_187 : i32 to index
        %get3A_330 = arith.constant 112 : index
        %get3A_331 = tpu.vector_load %arg16[%get3A_329, %get3A_330] {strides = array<i32>} : memref<4x128xi32, #tpu.memory_space<vmem>>, vector<16xi32>,
        %gather3A_332 = tpu.vector_load_idx %arg13[%get3A_328] : memref<10000xf32, #tpu.memory_space<vmem>>[vector<16xi32>], vector<16xf32>,
        %gather3A_333 = tpu.vector_load_idx %arg14[%get3A_331] : memref<10000xf32, #tpu.memory_space<vmem>>[vector<16xi32>], vector<16xf32>,
        %add3A_334 = arith.addf %gather3A_332, %gather3A_333 : vector<16xf32>
        %ge3A_335 = arith.constant 0.000000e+00 : f32
        %ge3A_336 = vector.broadcast %ge3A_335 : f32 to vector<16xf32>
        %ge3A_337 = arith.cmpf oge, %add3A_334, %ge3A_336 : vector<16xf32>
        %mul3A_338 = arith.constant 0.00999999977 : f32
        %mul3A_339 = vector.broadcast %mul3A_338 : f32 to vector<16xf32>
        %mul3A_340 = arith.mulf %mul3A_339, %add3A_334 : vector<16xf32>
        %select_n3A_341 = arith.select %ge3A_337, %add3A_334, %mul3A_340 : vector<16xi1>, vector<16xf32>
        %exp3A_342 = math.exp %select_n3A_341 : vector<16xf32>
        %swap3A_343 = arith.constant 112 : index
        %swap3A_344 = tpu.vector_load %arg19[%swap3A_343] {strides = array<i32>} : memref<128xf32, #tpu.memory_space<vmem>>, vector<16xf32>,
        tpu.vector_store %arg19[%swap3A_343], %exp3A_342 {strides = array<i32>} : memref<128xf32, #tpu.memory_space<vmem>>, vector<16xf32>,
        %scan3A_345 = arith.constant 0 : i32
        %scan3A_346 = arith.constant 128 : i32
        %scan3A_347 = arith.addi %scan3A_345, %scan3A_346 : i32
        %scan3A_348 = arith.constant 1 : i32
        scf.for %scan3A_350 = %scan3A_345 to %scan3A_347 step %scan3A_348  : i32 {
          %mul3A_351 = arith.constant 1 : i32
          %mul3A_352 = arith.muli %scan3A_350, %mul3A_351 : i32
          %add3A_353 = arith.constant 0 : i32
          %add3A_354 = arith.addi %add3A_353, %mul3A_352 : i32
          %broadcast_in_dim3A_355 = vector.broadcast %add3A_354 : i32 to vector<16xi32>
          %gather3A_356 = tpu.vector_load_idx %arg19[%broadcast_in_dim3A_355] : memref<128xf32, #tpu.memory_space<vmem>>[vector<16xi32>], vector<16xf32>,
          %get3A_357 = arith.index_cast %add3A_354 : i32 to index
          %get3A_358 = arith.constant 0 : index
          %get3A_359 = tpu.vector_load %arg17[%get3A_357, %get3A_358] {strides = array<i32>} : memref<128x128xf32, #tpu.memory_space<vmem>>, vector<16xf32>,
          %mul3A_360 = arith.mulf %get3A_359, %gather3A_356 : vector<16xf32>
          %swap3A_361 = arith.index_cast %add3A_354 : i32 to index
          %swap3A_362 = arith.constant 0 : index
          %swap3A_363 = tpu.vector_load %arg17[%swap3A_361, %swap3A_362] {strides = array<i32>} : memref<128x128xf32, #tpu.memory_space<vmem>>, vector<16xf32>,
          tpu.vector_store %arg17[%swap3A_361, %swap3A_362], %mul3A_360 {strides = array<i32>} : memref<128x128xf32, #tpu.memory_space<vmem>>, vector<16xf32>,
          %get3A_364 = arith.index_cast %add3A_354 : i32 to index
          %get3A_365 = arith.constant 16 : index
          %get3A_366 = tpu.vector_load %arg17[%get3A_364, %get3A_365] {strides = array<i32>} : memref<128x128xf32, #tpu.memory_space<vmem>>, vector<16xf32>,
          %mul3A_367 = arith.mulf %get3A_366, %gather3A_356 : vector<16xf32>
          %swap3A_368 = arith.index_cast %add3A_354 : i32 to index
          %swap3A_369 = arith.constant 16 : index
          %swap3A_370 = tpu.vector_load %arg17[%swap3A_368, %swap3A_369] {strides = array<i32>} : memref<128x128xf32, #tpu.memory_space<vmem>>, vector<16xf32>,
          tpu.vector_store %arg17[%swap3A_368, %swap3A_369], %mul3A_367 {strides = array<i32>} : memref<128x128xf32, #tpu.memory_space<vmem>>, vector<16xf32>,
          %get3A_371 = arith.index_cast %add3A_354 : i32 to index
          %get3A_372 = arith.constant 32 : index
          %get3A_373 = tpu.vector_load %arg17[%get3A_371, %get3A_372] {strides = array<i32>} : memref<128x128xf32, #tpu.memory_space<vmem>>, vector<16xf32>,
          %mul3A_374 = arith.mulf %get3A_373, %gather3A_356 : vector<16xf32>
          %swap3A_375 = arith.index_cast %add3A_354 : i32 to index
          %swap3A_376 = arith.constant 32 : index
          %swap3A_377 = tpu.vector_load %arg17[%swap3A_375, %swap3A_376] {strides = array<i32>} : memref<128x128xf32, #tpu.memory_space<vmem>>, vector<16xf32>,
          tpu.vector_store %arg17[%swap3A_375, %swap3A_376], %mul3A_374 {strides = array<i32>} : memref<128x128xf32, #tpu.memory_space<vmem>>, vector<16xf32>,
          %get3A_378 = arith.index_cast %add3A_354 : i32 to index
          %get3A_379 = arith.constant 48 : index
          %get3A_380 = tpu.vector_load %arg17[%get3A_378, %get3A_379] {strides = array<i32>} : memref<128x128xf32, #tpu.memory_space<vmem>>, vector<16xf32>,
          %mul3A_381 = arith.mulf %get3A_380, %gather3A_356 : vector<16xf32>
          %swap3A_382 = arith.index_cast %add3A_354 : i32 to index
          %swap3A_383 = arith.constant 48 : index
          %swap3A_384 = tpu.vector_load %arg17[%swap3A_382, %swap3A_383] {strides = array<i32>} : memref<128x128xf32, #tpu.memory_space<vmem>>, vector<16xf32>,
          tpu.vector_store %arg17[%swap3A_382, %swap3A_383], %mul3A_381 {strides = array<i32>} : memref<128x128xf32, #tpu.memory_space<vmem>>, vector<16xf32>,
          %get3A_385 = arith.index_cast %add3A_354 : i32 to index
          %get3A_386 = arith.constant 64 : index
          %get3A_387 = tpu.vector_load %arg17[%get3A_385, %get3A_386] {strides = array<i32>} : memref<128x128xf32, #tpu.memory_space<vmem>>, vector<16xf32>,
          %mul3A_388 = arith.mulf %get3A_387, %gather3A_356 : vector<16xf32>
          %swap3A_389 = arith.index_cast %add3A_354 : i32 to index
          %swap3A_390 = arith.constant 64 : index
          %swap3A_391 = tpu.vector_load %arg17[%swap3A_389, %swap3A_390] {strides = array<i32>} : memref<128x128xf32, #tpu.memory_space<vmem>>, vector<16xf32>,
          tpu.vector_store %arg17[%swap3A_389, %swap3A_390], %mul3A_388 {strides = array<i32>} : memref<128x128xf32, #tpu.memory_space<vmem>>, vector<16xf32>,
          %get3A_392 = arith.index_cast %add3A_354 : i32 to index
          %get3A_393 = arith.constant 80 : index
          %get3A_394 = tpu.vector_load %arg17[%get3A_392, %get3A_393] {strides = array<i32>} : memref<128x128xf32, #tpu.memory_space<vmem>>, vector<16xf32>,
          %mul3A_395 = arith.mulf %get3A_394, %gather3A_356 : vector<16xf32>
          %swap3A_396 = arith.index_cast %add3A_354 : i32 to index
          %swap3A_397 = arith.constant 80 : index
          %swap3A_398 = tpu.vector_load %arg17[%swap3A_396, %swap3A_397] {strides = array<i32>} : memref<128x128xf32, #tpu.memory_space<vmem>>, vector<16xf32>,
          tpu.vector_store %arg17[%swap3A_396, %swap3A_397], %mul3A_395 {strides = array<i32>} : memref<128x128xf32, #tpu.memory_space<vmem>>, vector<16xf32>,
          %get3A_399 = arith.index_cast %add3A_354 : i32 to index
          %get3A_400 = arith.constant 96 : index
          %get3A_401 = tpu.vector_load %arg17[%get3A_399, %get3A_400] {strides = array<i32>} : memref<128x128xf32, #tpu.memory_space<vmem>>, vector<16xf32>,
          %mul3A_402 = arith.mulf %get3A_401, %gather3A_356 : vector<16xf32>
          %swap3A_403 = arith.index_cast %add3A_354 : i32 to index
          %swap3A_404 = arith.constant 96 : index
          %swap3A_405 = tpu.vector_load %arg17[%swap3A_403, %swap3A_404] {strides = array<i32>} : memref<128x128xf32, #tpu.memory_space<vmem>>, vector<16xf32>,
          tpu.vector_store %arg17[%swap3A_403, %swap3A_404], %mul3A_402 {strides = array<i32>} : memref<128x128xf32, #tpu.memory_space<vmem>>, vector<16xf32>,
          %get3A_406 = arith.index_cast %add3A_354 : i32 to index
          %get3A_407 = arith.constant 112 : index
          %get3A_408 = tpu.vector_load %arg17[%get3A_406, %get3A_407] {strides = array<i32>} : memref<128x128xf32, #tpu.memory_space<vmem>>, vector<16xf32>,
          %mul3A_409 = arith.mulf %get3A_408, %gather3A_356 : vector<16xf32>
          %swap3A_410 = arith.index_cast %add3A_354 : i32 to index
          %swap3A_411 = arith.constant 112 : index
          %swap3A_412 = tpu.vector_load %arg17[%swap3A_410, %swap3A_411] {strides = array<i32>} : memref<128x128xf32, #tpu.memory_space<vmem>>, vector<16xf32>,
          tpu.vector_store %arg17[%swap3A_410, %swap3A_411], %mul3A_409 {strides = array<i32>} : memref<128x128xf32, #tpu.memory_space<vmem>>, vector<16xf32>,
          %mul3A_413 = arith.mulf %gather3A_356, %select_n3A_14 : vector<16xf32>
          %swap3A_414 = arith.index_cast %add3A_354 : i32 to index
          %swap3A_415 = arith.constant 0 : index
          %swap3A_416 = tpu.vector_load %arg18[%swap3A_414, %swap3A_415] {strides = array<i32>} : memref<128x16xf32, #tpu.memory_space<vmem>>, vector<16xf32>,
          tpu.vector_store %arg18[%swap3A_414, %swap3A_415], %mul3A_413 {strides = array<i32>} : memref<128x16xf32, #tpu.memory_space<vmem>>, vector<16xf32>,
        }
        %scan3A_349 = arith.constant 128 : i32
        "tpu.region"() ({
          %run_scoped3A_350 = tpu.sem_alloc : memref<!tpu.dma_semaphore, #tpu.memory_space<semaphore_mem>>
          %dma_start3A_351 = arith.constant 0 : i32
          %dma_start3A_352 = tpu.memref_slice %arg16[%add3A_187, %dma_start3A_351] : memref<4x128xi32, #tpu.memory_space<vmem>> -> memref<1x128xi32, #tpu.memory_space<vmem>>
          %dma_start3A_353 = tpu.memref_squeeze %dma_start3A_352 : memref<1x128xi32, #tpu.memory_space<vmem>> -> memref<128xi32, #tpu.memory_space<vmem>>
          %dma_start3A_354 = arith.constant 0 : i32
          %dma_start3A_355 = arith.constant 0 : i32
          %dma_start3A_356 = tpu.memref_slice %arg20[%dma_start3A_354, %dma_start3A_355] : memref<10000x128xf32, #tpu.memory_space<vmem_shared>> -> memref<10000x128xf32, #tpu.memory_space<vmem_shared>>
          tpu.enqueue_indirect_dma source(%arg17 : memref<128x128xf32, #tpu.memory_space<vmem>>) target(%dma_start3A_356 : memref<10000x128xf32, #tpu.memory_space<vmem_shared>>) offsets(%dma_start3A_353 : memref<128xi32, #tpu.memory_space<vmem>>) semaphore(%run_scoped3A_350 : memref<!tpu.dma_semaphore, #tpu.memory_space<semaphore_mem>>) {add = true}
          %dma_wait3A_357 = arith.constant 0 : i32
          %dma_wait3A_358 = tpu.memref_slice %arg16[%add3A_187, %dma_wait3A_357] : memref<4x128xi32, #tpu.memory_space<vmem>> -> memref<1x128xi32, #tpu.memory_space<vmem>>
          %dma_wait3A_359 = tpu.memref_squeeze %dma_wait3A_358 : memref<1x128xi32, #tpu.memory_space<vmem>> -> memref<128xi32, #tpu.memory_space<vmem>>
          %dma_wait3A_360 = arith.constant 0 : i32
          %dma_wait3A_361 = arith.constant 0 : i32
          %dma_wait3A_362 = tpu.memref_slice %arg20[%dma_wait3A_360, %dma_wait3A_361] : memref<10000x128xf32, #tpu.memory_space<vmem_shared>> -> memref<10000x128xf32, #tpu.memory_space<vmem_shared>>
          tpu.wait_indirect_dma semaphore(%run_scoped3A_350 : memref<!tpu.dma_semaphore, #tpu.memory_space<semaphore_mem>>) src(%arg17 : memref<128x128xf32, #tpu.memory_space<vmem>>) dst(%dma_wait3A_362 : memref<10000x128xf32, #tpu.memory_space<vmem_shared>>)
          tpu.yield
        }) : () -> ()
        "tpu.region"() ({
          %run_scoped3A_350 = tpu.sem_alloc : memref<!tpu.dma_semaphore, #tpu.memory_space<semaphore_mem>>
          %dma_start3A_351 = arith.constant 0 : i32
          %dma_start3A_352 = tpu.memref_slice %arg16[%add3A_187, %dma_start3A_351] : memref<4x128xi32, #tpu.memory_space<vmem>> -> memref<1x128xi32, #tpu.memory_space<vmem>>
          %dma_start3A_353 = tpu.memref_squeeze %dma_start3A_352 : memref<1x128xi32, #tpu.memory_space<vmem>> -> memref<128xi32, #tpu.memory_space<vmem>>
          %dma_start3A_354 = arith.constant 0 : i32
          %dma_start3A_355 = arith.constant 0 : i32
          %dma_start3A_356 = tpu.memref_slice %arg21[%dma_start3A_354, %dma_start3A_355] : memref<10000x16xf32, #tpu.memory_space<vmem_shared>> -> memref<10000x16xf32, #tpu.memory_space<vmem_shared>>
          tpu.enqueue_indirect_dma source(%arg18 : memref<128x16xf32, #tpu.memory_space<vmem>>) target(%dma_start3A_356 : memref<10000x16xf32, #tpu.memory_space<vmem_shared>>) offsets(%dma_start3A_353 : memref<128xi32, #tpu.memory_space<vmem>>) semaphore(%run_scoped3A_350 : memref<!tpu.dma_semaphore, #tpu.memory_space<semaphore_mem>>) {add = true}
          %dma_wait3A_357 = arith.constant 0 : i32
          %dma_wait3A_358 = tpu.memref_slice %arg16[%add3A_187, %dma_wait3A_357] : memref<4x128xi32, #tpu.memory_space<vmem>> -> memref<1x128xi32, #tpu.memory_space<vmem>>
          %dma_wait3A_359 = tpu.memref_squeeze %dma_wait3A_358 : memref<1x128xi32, #tpu.memory_space<vmem>> -> memref<128xi32, #tpu.memory_space<vmem>>
          %dma_wait3A_360 = arith.constant 0 : i32
          %dma_wait3A_361 = arith.constant 0 : i32
          %dma_wait3A_362 = tpu.memref_slice %arg21[%dma_wait3A_360, %dma_wait3A_361] : memref<10000x16xf32, #tpu.memory_space<vmem_shared>> -> memref<10000x16xf32, #tpu.memory_space<vmem_shared>>
          tpu.wait_indirect_dma semaphore(%run_scoped3A_350 : memref<!tpu.dma_semaphore, #tpu.memory_space<semaphore_mem>>) src(%arg18 : memref<128x16xf32, #tpu.memory_space<vmem>>) dst(%dma_wait3A_362 : memref<10000x16xf32, #tpu.memory_space<vmem_shared>>)
          tpu.yield
        }) : () -> ()
      }
    }
    %scan3A_53 = arith.constant 20 : i32
    %barrier3A_54 = arith.constant 0 : index
    tpu.barrier barrier_id(%barrier3A_54)
    %mul3A_55 = arith.constant 624 : i32
    %mul3A_56 = arith.muli %arg1, %mul3A_55 : i32
    %add3A_57 = arith.constant 0 : i32
    %add3A_58 = arith.addi %mul3A_56, %add3A_57 : i32
    "tpu.region"() ({
      %run_scoped3A_156 = tpu.sem_alloc : memref<!tpu.dma_semaphore, #tpu.memory_space<semaphore_mem>>
      %dma_start3A = arith.constant 0 : i32
      %dma_start3A_157 = arith.constant 0 : i32
      %dma_start3A_158 = tpu.memref_slice %arg9[%arg0, %dma_start3A, %dma_start3A_157] : memref<2x10000x128xf32, #tpu.memory_space<hbm>> -> memref<1x10000x128xf32, #tpu.memory_space<hbm>>
      %dma_start3A_159 = tpu.memref_squeeze %dma_start3A_158 : memref<1x10000x128xf32, #tpu.memory_space<hbm>> -> memref<10000x128xf32, #tpu.memory_space<hbm>>
      %dma_start3A_160 = arith.constant 0 : i32
      %dma_start3A_161 = tpu.memref_slice %dma_start3A_159[%add3A_58, %dma_start3A_160] : memref<10000x128xf32, #tpu.memory_space<hbm>> -> memref<104x128xf32, #tpu.memory_space<hbm>>
      %dma_start3A_162 = arith.constant 0 : i32
      %dma_start3A_163 = tpu.memref_slice %arg20[%add3A_58, %dma_start3A_162] : memref<10000x128xf32, #tpu.memory_space<vmem_shared>> -> memref<104x128xf32, #tpu.memory_space<vmem_shared>>
      tpu.enqueue_dma source(%dma_start3A_163 : memref<104x128xf32, #tpu.memory_space<vmem_shared>>) target(%dma_start3A_161 : memref<104x128xf32, #tpu.memory_space<hbm>>) target_semaphore(%run_scoped3A_156 : memref<!tpu.dma_semaphore, #tpu.memory_space<semaphore_mem>>)
      %dma_wait3A = arith.constant 0 : i32
      %dma_wait3A_164 = arith.constant 0 : i32
      %dma_wait3A_165 = tpu.memref_slice %arg9[%arg0, %dma_wait3A, %dma_wait3A_164] : memref<2x10000x128xf32, #tpu.memory_space<hbm>> -> memref<1x10000x128xf32, #tpu.memory_space<hbm>>
      %dma_wait3A_166 = tpu.memref_squeeze %dma_wait3A_165 : memref<1x10000x128xf32, #tpu.memory_space<hbm>> -> memref<10000x128xf32, #tpu.memory_space<hbm>>
      %dma_wait3A_167 = arith.constant 0 : i32
      %dma_wait3A_168 = tpu.memref_slice %dma_wait3A_166[%add3A_58, %dma_wait3A_167] : memref<10000x128xf32, #tpu.memory_space<hbm>> -> memref<104x128xf32, #tpu.memory_space<hbm>>
      %dma_wait3A_169 = arith.constant 0 : i32
      %dma_wait3A_170 = tpu.memref_slice %arg20[%add3A_58, %dma_wait3A_169] : memref<10000x128xf32, #tpu.memory_space<vmem_shared>> -> memref<104x128xf32, #tpu.memory_space<vmem_shared>>
      tpu.wait_dma2 semaphore(%run_scoped3A_156 : memref<!tpu.dma_semaphore, #tpu.memory_space<semaphore_mem>>) src(%dma_wait3A_170 : memref<104x128xf32, #tpu.memory_space<vmem_shared>>) dst(%dma_wait3A_168 : memref<104x128xf32, #tpu.memory_space<hbm>>)
      tpu.yield
    }) : () -> ()
    "tpu.region"() ({
      %run_scoped3A_156 = tpu.sem_alloc : memref<!tpu.dma_semaphore, #tpu.memory_space<semaphore_mem>>
      %dma_start3A = arith.constant 0 : i32
      %dma_start3A_157 = arith.constant 0 : i32
      %dma_start3A_158 = tpu.memref_slice %arg10[%arg0, %dma_start3A, %dma_start3A_157] : memref<2x10000x16xf32, #tpu.memory_space<hbm>> -> memref<1x10000x16xf32, #tpu.memory_space<hbm>>
      %dma_start3A_159 = tpu.memref_squeeze %dma_start3A_158 : memref<1x10000x16xf32, #tpu.memory_space<hbm>> -> memref<10000x16xf32, #tpu.memory_space<hbm>>
      %dma_start3A_160 = arith.constant 0 : i32
      %dma_start3A_161 = tpu.memref_slice %dma_start3A_159[%add3A_58, %dma_start3A_160] : memref<10000x16xf32, #tpu.memory_space<hbm>> -> memref<104x16xf32, #tpu.memory_space<hbm>>
      %dma_start3A_162 = arith.constant 0 : i32
      %dma_start3A_163 = tpu.memref_slice %arg21[%add3A_58, %dma_start3A_162] : memref<10000x16xf32, #tpu.memory_space<vmem_shared>> -> memref<104x16xf32, #tpu.memory_space<vmem_shared>>
      tpu.enqueue_dma source(%dma_start3A_163 : memref<104x16xf32, #tpu.memory_space<vmem_shared>>) target(%dma_start3A_161 : memref<104x16xf32, #tpu.memory_space<hbm>>) target_semaphore(%run_scoped3A_156 : memref<!tpu.dma_semaphore, #tpu.memory_space<semaphore_mem>>)
      %dma_wait3A = arith.constant 0 : i32
      %dma_wait3A_164 = arith.constant 0 : i32
      %dma_wait3A_165 = tpu.memref_slice %arg10[%arg0, %dma_wait3A, %dma_wait3A_164] : memref<2x10000x16xf32, #tpu.memory_space<hbm>> -> memref<1x10000x16xf32, #tpu.memory_space<hbm>>
      %dma_wait3A_166 = tpu.memref_squeeze %dma_wait3A_165 : memref<1x10000x16xf32, #tpu.memory_space<hbm>> -> memref<10000x16xf32, #tpu.memory_space<hbm>>
      %dma_wait3A_167 = arith.constant 0 : i32
      %dma_wait3A_168 = tpu.memref_slice %dma_wait3A_166[%add3A_58, %dma_wait3A_167] : memref<10000x16xf32, #tpu.memory_space<hbm>> -> memref<104x16xf32, #tpu.memory_space<hbm>>
      %dma_wait3A_169 = arith.constant 0 : i32
      %dma_wait3A_170 = tpu.memref_slice %arg21[%add3A_58, %dma_wait3A_169] : memref<10000x16xf32, #tpu.memory_space<vmem_shared>> -> memref<104x16xf32, #tpu.memory_space<vmem_shared>>
      tpu.wait_dma2 semaphore(%run_scoped3A_156 : memref<!tpu.dma_semaphore, #tpu.memory_space<semaphore_mem>>) src(%dma_wait3A_170 : memref<104x16xf32, #tpu.memory_space<vmem_shared>>) dst(%dma_wait3A_168 : memref<104x16xf32, #tpu.memory_space<hbm>>)
      tpu.yield
    }) : () -> ()
    %mul3A_59 = arith.constant 624 : i32
    %mul3A_60 = arith.muli %arg1, %mul3A_59 : i32
    %add3A_61 = arith.constant 104 : i32
    %add3A_62 = arith.addi %mul3A_60, %add3A_61 : i32
    "tpu.region"() ({
      %run_scoped3A_156 = tpu.sem_alloc : memref<!tpu.dma_semaphore, #tpu.memory_space<semaphore_mem>>
      %dma_start3A = arith.constant 0 : i32
      %dma_start3A_157 = arith.constant 0 : i32
      %dma_start3A_158 = tpu.memref_slice %arg9[%arg0, %dma_start3A, %dma_start3A_157] : memref<2x10000x128xf32, #tpu.memory_space<hbm>> -> memref<1x10000x128xf32, #tpu.memory_space<hbm>>
      %dma_start3A_159 = tpu.memref_squeeze %dma_start3A_158 : memref<1x10000x128xf32, #tpu.memory_space<hbm>> -> memref<10000x128xf32, #tpu.memory_space<hbm>>
      %dma_start3A_160 = arith.constant 0 : i32
      %dma_start3A_161 = tpu.memref_slice %dma_start3A_159[%add3A_62, %dma_start3A_160] : memref<10000x128xf32, #tpu.memory_space<hbm>> -> memref<104x128xf32, #tpu.memory_space<hbm>>
      %dma_start3A_162 = arith.constant 0 : i32
      %dma_start3A_163 = tpu.memref_slice %arg20[%add3A_62, %dma_start3A_162] : memref<10000x128xf32, #tpu.memory_space<vmem_shared>> -> memref<104x128xf32, #tpu.memory_space<vmem_shared>>
      tpu.enqueue_dma source(%dma_start3A_163 : memref<104x128xf32, #tpu.memory_space<vmem_shared>>) target(%dma_start3A_161 : memref<104x128xf32, #tpu.memory_space<hbm>>) target_semaphore(%run_scoped3A_156 : memref<!tpu.dma_semaphore, #tpu.memory_space<semaphore_mem>>)
      %dma_wait3A = arith.constant 0 : i32
      %dma_wait3A_164 = arith.constant 0 : i32
      %dma_wait3A_165 = tpu.memref_slice %arg9[%arg0, %dma_wait3A, %dma_wait3A_164] : memref<2x10000x128xf32, #tpu.memory_space<hbm>> -> memref<1x10000x128xf32, #tpu.memory_space<hbm>>
      %dma_wait3A_166 = tpu.memref_squeeze %dma_wait3A_165 : memref<1x10000x128xf32, #tpu.memory_space<hbm>> -> memref<10000x128xf32, #tpu.memory_space<hbm>>
      %dma_wait3A_167 = arith.constant 0 : i32
      %dma_wait3A_168 = tpu.memref_slice %dma_wait3A_166[%add3A_62, %dma_wait3A_167] : memref<10000x128xf32, #tpu.memory_space<hbm>> -> memref<104x128xf32, #tpu.memory_space<hbm>>
      %dma_wait3A_169 = arith.constant 0 : i32
      %dma_wait3A_170 = tpu.memref_slice %arg20[%add3A_62, %dma_wait3A_169] : memref<10000x128xf32, #tpu.memory_space<vmem_shared>> -> memref<104x128xf32, #tpu.memory_space<vmem_shared>>
      tpu.wait_dma2 semaphore(%run_scoped3A_156 : memref<!tpu.dma_semaphore, #tpu.memory_space<semaphore_mem>>) src(%dma_wait3A_170 : memref<104x128xf32, #tpu.memory_space<vmem_shared>>) dst(%dma_wait3A_168 : memref<104x128xf32, #tpu.memory_space<hbm>>)
      tpu.yield
    }) : () -> ()
    "tpu.region"() ({
      %run_scoped3A_156 = tpu.sem_alloc : memref<!tpu.dma_semaphore, #tpu.memory_space<semaphore_mem>>
      %dma_start3A = arith.constant 0 : i32
      %dma_start3A_157 = arith.constant 0 : i32
      %dma_start3A_158 = tpu.memref_slice %arg10[%arg0, %dma_start3A, %dma_start3A_157] : memref<2x10000x16xf32, #tpu.memory_space<hbm>> -> memref<1x10000x16xf32, #tpu.memory_space<hbm>>
      %dma_start3A_159 = tpu.memref_squeeze %dma_start3A_158 : memref<1x10000x16xf32, #tpu.memory_space<hbm>> -> memref<10000x16xf32, #tpu.memory_space<hbm>>
      %dma_start3A_160 = arith.constant 0 : i32
      %dma_start3A_161 = tpu.memref_slice %dma_start3A_159[%add3A_62, %dma_start3A_160] : memref<10000x16xf32, #tpu.memory_space<hbm>> -> memref<104x16xf32, #tpu.memory_space<hbm>>
      %dma_start3A_162 = arith.constant 0 : i32
      %dma_start3A_163 = tpu.memref_slice %arg21[%add3A_62, %dma_start3A_162] : memref<10000x16xf32, #tpu.memory_space<vmem_shared>> -> memref<104x16xf32, #tpu.memory_space<vmem_shared>>
      tpu.enqueue_dma source(%dma_start3A_163 : memref<104x16xf32, #tpu.memory_space<vmem_shared>>) target(%dma_start3A_161 : memref<104x16xf32, #tpu.memory_space<hbm>>) target_semaphore(%run_scoped3A_156 : memref<!tpu.dma_semaphore, #tpu.memory_space<semaphore_mem>>)
      %dma_wait3A = arith.constant 0 : i32
      %dma_wait3A_164 = arith.constant 0 : i32
      %dma_wait3A_165 = tpu.memref_slice %arg10[%arg0, %dma_wait3A, %dma_wait3A_164] : memref<2x10000x16xf32, #tpu.memory_space<hbm>> -> memref<1x10000x16xf32, #tpu.memory_space<hbm>>
      %dma_wait3A_166 = tpu.memref_squeeze %dma_wait3A_165 : memref<1x10000x16xf32, #tpu.memory_space<hbm>> -> memref<10000x16xf32, #tpu.memory_space<hbm>>
      %dma_wait3A_167 = arith.constant 0 : i32
      %dma_wait3A_168 = tpu.memref_slice %dma_wait3A_166[%add3A_62, %dma_wait3A_167] : memref<10000x16xf32, #tpu.memory_space<hbm>> -> memref<104x16xf32, #tpu.memory_space<hbm>>
      %dma_wait3A_169 = arith.constant 0 : i32
      %dma_wait3A_170 = tpu.memref_slice %arg21[%add3A_62, %dma_wait3A_169] : memref<10000x16xf32, #tpu.memory_space<vmem_shared>> -> memref<104x16xf32, #tpu.memory_space<vmem_shared>>
      tpu.wait_dma2 semaphore(%run_scoped3A_156 : memref<!tpu.dma_semaphore, #tpu.memory_space<semaphore_mem>>) src(%dma_wait3A_170 : memref<104x16xf32, #tpu.memory_space<vmem_shared>>) dst(%dma_wait3A_168 : memref<104x16xf32, #tpu.memory_space<hbm>>)
      tpu.yield
    }) : () -> ()
    %mul3A_63 = arith.constant 624 : i32
    %mul3A_64 = arith.muli %arg1, %mul3A_63 : i32
    %add3A_65 = arith.constant 208 : i32
    %add3A_66 = arith.addi %mul3A_64, %add3A_65 : i32
    "tpu.region"() ({
      %run_scoped3A_156 = tpu.sem_alloc : memref<!tpu.dma_semaphore, #tpu.memory_space<semaphore_mem>>
      %dma_start3A = arith.constant 0 : i32
      %dma_start3A_157 = arith.constant 0 : i32
      %dma_start3A_158 = tpu.memref_slice %arg9[%arg0, %dma_start3A, %dma_start3A_157] : memref<2x10000x128xf32, #tpu.memory_space<hbm>> -> memref<1x10000x128xf32, #tpu.memory_space<hbm>>
      %dma_start3A_159 = tpu.memref_squeeze %dma_start3A_158 : memref<1x10000x128xf32, #tpu.memory_space<hbm>> -> memref<10000x128xf32, #tpu.memory_space<hbm>>
      %dma_start3A_160 = arith.constant 0 : i32
      %dma_start3A_161 = tpu.memref_slice %dma_start3A_159[%add3A_66, %dma_start3A_160] : memref<10000x128xf32, #tpu.memory_space<hbm>> -> memref<104x128xf32, #tpu.memory_space<hbm>>
      %dma_start3A_162 = arith.constant 0 : i32
      %dma_start3A_163 = tpu.memref_slice %arg20[%add3A_66, %dma_start3A_162] : memref<10000x128xf32, #tpu.memory_space<vmem_shared>> -> memref<104x128xf32, #tpu.memory_space<vmem_shared>>
      tpu.enqueue_dma source(%dma_start3A_163 : memref<104x128xf32, #tpu.memory_space<vmem_shared>>) target(%dma_start3A_161 : memref<104x128xf32, #tpu.memory_space<hbm>>) target_semaphore(%run_scoped3A_156 : memref<!tpu.dma_semaphore, #tpu.memory_space<semaphore_mem>>)
      %dma_wait3A = arith.constant 0 : i32
      %dma_wait3A_164 = arith.constant 0 : i32
      %dma_wait3A_165 = tpu.memref_slice %arg9[%arg0, %dma_wait3A, %dma_wait3A_164] : memref<2x10000x128xf32, #tpu.memory_space<hbm>> -> memref<1x10000x128xf32, #tpu.memory_space<hbm>>
      %dma_wait3A_166 = tpu.memref_squeeze %dma_wait3A_165 : memref<1x10000x128xf32, #tpu.memory_space<hbm>> -> memref<10000x128xf32, #tpu.memory_space<hbm>>
      %dma_wait3A_167 = arith.constant 0 : i32
      %dma_wait3A_168 = tpu.memref_slice %dma_wait3A_166[%add3A_66, %dma_wait3A_167] : memref<10000x128xf32, #tpu.memory_space<hbm>> -> memref<104x128xf32, #tpu.memory_space<hbm>>
      %dma_wait3A_169 = arith.constant 0 : i32
      %dma_wait3A_170 = tpu.memref_slice %arg20[%add3A_66, %dma_wait3A_169] : memref<10000x128xf32, #tpu.memory_space<vmem_shared>> -> memref<104x128xf32, #tpu.memory_space<vmem_shared>>
      tpu.wait_dma2 semaphore(%run_scoped3A_156 : memref<!tpu.dma_semaphore, #tpu.memory_space<semaphore_mem>>) src(%dma_wait3A_170 : memref<104x128xf32, #tpu.memory_space<vmem_shared>>) dst(%dma_wait3A_168 : memref<104x128xf32, #tpu.memory_space<hbm>>)
      tpu.yield
    }) : () -> ()
    "tpu.region"() ({
      %run_scoped3A_156 = tpu.sem_alloc : memref<!tpu.dma_semaphore, #tpu.memory_space<semaphore_mem>>
      %dma_start3A = arith.constant 0 : i32
      %dma_start3A_157 = arith.constant 0 : i32
      %dma_start3A_158 = tpu.memref_slice %arg10[%arg0, %dma_start3A, %dma_start3A_157] : memref<2x10000x16xf32, #tpu.memory_space<hbm>> -> memref<1x10000x16xf32, #tpu.memory_space<hbm>>
      %dma_start3A_159 = tpu.memref_squeeze %dma_start3A_158 : memref<1x10000x16xf32, #tpu.memory_space<hbm>> -> memref<10000x16xf32, #tpu.memory_space<hbm>>
      %dma_start3A_160 = arith.constant 0 : i32
      %dma_start3A_161 = tpu.memref_slice %dma_start3A_159[%add3A_66, %dma_start3A_160] : memref<10000x16xf32, #tpu.memory_space<hbm>> -> memref<104x16xf32, #tpu.memory_space<hbm>>
      %dma_start3A_162 = arith.constant 0 : i32
      %dma_start3A_163 = tpu.memref_slice %arg21[%add3A_66, %dma_start3A_162] : memref<10000x16xf32, #tpu.memory_space<vmem_shared>> -> memref<104x16xf32, #tpu.memory_space<vmem_shared>>
      tpu.enqueue_dma source(%dma_start3A_163 : memref<104x16xf32, #tpu.memory_space<vmem_shared>>) target(%dma_start3A_161 : memref<104x16xf32, #tpu.memory_space<hbm>>) target_semaphore(%run_scoped3A_156 : memref<!tpu.dma_semaphore, #tpu.memory_space<semaphore_mem>>)
      %dma_wait3A = arith.constant 0 : i32
      %dma_wait3A_164 = arith.constant 0 : i32
      %dma_wait3A_165 = tpu.memref_slice %arg10[%arg0, %dma_wait3A, %dma_wait3A_164] : memref<2x10000x16xf32, #tpu.memory_space<hbm>> -> memref<1x10000x16xf32, #tpu.memory_space<hbm>>
      %dma_wait3A_166 = tpu.memref_squeeze %dma_wait3A_165 : memref<1x10000x16xf32, #tpu.memory_space<hbm>> -> memref<10000x16xf32, #tpu.memory_space<hbm>>
      %dma_wait3A_167 = arith.constant 0 : i32
      %dma_wait3A_168 = tpu.memref_slice %dma_wait3A_166[%add3A_66, %dma_wait3A_167] : memref<10000x16xf32, #tpu.memory_space<hbm>> -> memref<104x16xf32, #tpu.memory_space<hbm>>
      %dma_wait3A_169 = arith.constant 0 : i32
      %dma_wait3A_170 = tpu.memref_slice %arg21[%add3A_66, %dma_wait3A_169] : memref<10000x16xf32, #tpu.memory_space<vmem_shared>> -> memref<104x16xf32, #tpu.memory_space<vmem_shared>>
      tpu.wait_dma2 semaphore(%run_scoped3A_156 : memref<!tpu.dma_semaphore, #tpu.memory_space<semaphore_mem>>) src(%dma_wait3A_170 : memref<104x16xf32, #tpu.memory_space<vmem_shared>>) dst(%dma_wait3A_168 : memref<104x16xf32, #tpu.memory_space<hbm>>)
      tpu.yield
    }) : () -> ()
    %mul3A_67 = arith.constant 624 : i32
    %mul3A_68 = arith.muli %arg1, %mul3A_67 : i32
    %add3A_69 = arith.constant 312 : i32
    %add3A_70 = arith.addi %mul3A_68, %add3A_69 : i32
    "tpu.region"() ({
      %run_scoped3A_156 = tpu.sem_alloc : memref<!tpu.dma_semaphore, #tpu.memory_space<semaphore_mem>>
      %dma_start3A = arith.constant 0 : i32
      %dma_start3A_157 = arith.constant 0 : i32
      %dma_start3A_158 = tpu.memref_slice %arg9[%arg0, %dma_start3A, %dma_start3A_157] : memref<2x10000x128xf32, #tpu.memory_space<hbm>> -> memref<1x10000x128xf32, #tpu.memory_space<hbm>>
      %dma_start3A_159 = tpu.memref_squeeze %dma_start3A_158 : memref<1x10000x128xf32, #tpu.memory_space<hbm>> -> memref<10000x128xf32, #tpu.memory_space<hbm>>
      %dma_start3A_160 = arith.constant 0 : i32
      %dma_start3A_161 = tpu.memref_slice %dma_start3A_159[%add3A_70, %dma_start3A_160] : memref<10000x128xf32, #tpu.memory_space<hbm>> -> memref<104x128xf32, #tpu.memory_space<hbm>>
      %dma_start3A_162 = arith.constant 0 : i32
      %dma_start3A_163 = tpu.memref_slice %arg20[%add3A_70, %dma_start3A_162] : memref<10000x128xf32, #tpu.memory_space<vmem_shared>> -> memref<104x128xf32, #tpu.memory_space<vmem_shared>>
      tpu.enqueue_dma source(%dma_start3A_163 : memref<104x128xf32, #tpu.memory_space<vmem_shared>>) target(%dma_start3A_161 : memref<104x128xf32, #tpu.memory_space<hbm>>) target_semaphore(%run_scoped3A_156 : memref<!tpu.dma_semaphore, #tpu.memory_space<semaphore_mem>>)
      %dma_wait3A = arith.constant 0 : i32
      %dma_wait3A_164 = arith.constant 0 : i32
      %dma_wait3A_165 = tpu.memref_slice %arg9[%arg0, %dma_wait3A, %dma_wait3A_164] : memref<2x10000x128xf32, #tpu.memory_space<hbm>> -> memref<1x10000x128xf32, #tpu.memory_space<hbm>>
      %dma_wait3A_166 = tpu.memref_squeeze %dma_wait3A_165 : memref<1x10000x128xf32, #tpu.memory_space<hbm>> -> memref<10000x128xf32, #tpu.memory_space<hbm>>
      %dma_wait3A_167 = arith.constant 0 : i32
      %dma_wait3A_168 = tpu.memref_slice %dma_wait3A_166[%add3A_70, %dma_wait3A_167] : memref<10000x128xf32, #tpu.memory_space<hbm>> -> memref<104x128xf32, #tpu.memory_space<hbm>>
      %dma_wait3A_169 = arith.constant 0 : i32
      %dma_wait3A_170 = tpu.memref_slice %arg20[%add3A_70, %dma_wait3A_169] : memref<10000x128xf32, #tpu.memory_space<vmem_shared>> -> memref<104x128xf32, #tpu.memory_space<vmem_shared>>
      tpu.wait_dma2 semaphore(%run_scoped3A_156 : memref<!tpu.dma_semaphore, #tpu.memory_space<semaphore_mem>>) src(%dma_wait3A_170 : memref<104x128xf32, #tpu.memory_space<vmem_shared>>) dst(%dma_wait3A_168 : memref<104x128xf32, #tpu.memory_space<hbm>>)
      tpu.yield
    }) : () -> ()
    "tpu.region"() ({
      %run_scoped3A_156 = tpu.sem_alloc : memref<!tpu.dma_semaphore, #tpu.memory_space<semaphore_mem>>
      %dma_start3A = arith.constant 0 : i32
      %dma_start3A_157 = arith.constant 0 : i32
      %dma_start3A_158 = tpu.memref_slice %arg10[%arg0, %dma_start3A, %dma_start3A_157] : memref<2x10000x16xf32, #tpu.memory_space<hbm>> -> memref<1x10000x16xf32, #tpu.memory_space<hbm>>
      %dma_start3A_159 = tpu.memref_squeeze %dma_start3A_158 : memref<1x10000x16xf32, #tpu.memory_space<hbm>> -> memref<10000x16xf32, #tpu.memory_space<hbm>>
      %dma_start3A_160 = arith.constant 0 : i32
      %dma_start3A_161 = tpu.memref_slice %dma_start3A_159[%add3A_70, %dma_start3A_160] : memref<10000x16xf32, #tpu.memory_space<hbm>> -> memref<104x16xf32, #tpu.memory_space<hbm>>
      %dma_start3A_162 = arith.constant 0 : i32
      %dma_start3A_163 = tpu.memref_slice %arg21[%add3A_70, %dma_start3A_162] : memref<10000x16xf32, #tpu.memory_space<vmem_shared>> -> memref<104x16xf32, #tpu.memory_space<vmem_shared>>
      tpu.enqueue_dma source(%dma_start3A_163 : memref<104x16xf32, #tpu.memory_space<vmem_shared>>) target(%dma_start3A_161 : memref<104x16xf32, #tpu.memory_space<hbm>>) target_semaphore(%run_scoped3A_156 : memref<!tpu.dma_semaphore, #tpu.memory_space<semaphore_mem>>)
      %dma_wait3A = arith.constant 0 : i32
      %dma_wait3A_164 = arith.constant 0 : i32
      %dma_wait3A_165 = tpu.memref_slice %arg10[%arg0, %dma_wait3A, %dma_wait3A_164] : memref<2x10000x16xf32, #tpu.memory_space<hbm>> -> memref<1x10000x16xf32, #tpu.memory_space<hbm>>
      %dma_wait3A_166 = tpu.memref_squeeze %dma_wait3A_165 : memref<1x10000x16xf32, #tpu.memory_space<hbm>> -> memref<10000x16xf32, #tpu.memory_space<hbm>>
      %dma_wait3A_167 = arith.constant 0 : i32
      %dma_wait3A_168 = tpu.memref_slice %dma_wait3A_166[%add3A_70, %dma_wait3A_167] : memref<10000x16xf32, #tpu.memory_space<hbm>> -> memref<104x16xf32, #tpu.memory_space<hbm>>
      %dma_wait3A_169 = arith.constant 0 : i32
      %dma_wait3A_170 = tpu.memref_slice %arg21[%add3A_70, %dma_wait3A_169] : memref<10000x16xf32, #tpu.memory_space<vmem_shared>> -> memref<104x16xf32, #tpu.memory_space<vmem_shared>>
      tpu.wait_dma2 semaphore(%run_scoped3A_156 : memref<!tpu.dma_semaphore, #tpu.memory_space<semaphore_mem>>) src(%dma_wait3A_170 : memref<104x16xf32, #tpu.memory_space<vmem_shared>>) dst(%dma_wait3A_168 : memref<104x16xf32, #tpu.memory_space<hbm>>)
      tpu.yield
    }) : () -> ()
    %mul3A_71 = arith.constant 624 : i32
    %mul3A_72 = arith.muli %arg1, %mul3A_71 : i32
    %add3A_73 = arith.constant 416 : i32
    %add3A_74 = arith.addi %mul3A_72, %add3A_73 : i32
    "tpu.region"() ({
      %run_scoped3A_156 = tpu.sem_alloc : memref<!tpu.dma_semaphore, #tpu.memory_space<semaphore_mem>>
      %dma_start3A = arith.constant 0 : i32
      %dma_start3A_157 = arith.constant 0 : i32
      %dma_start3A_158 = tpu.memref_slice %arg9[%arg0, %dma_start3A, %dma_start3A_157] : memref<2x10000x128xf32, #tpu.memory_space<hbm>> -> memref<1x10000x128xf32, #tpu.memory_space<hbm>>
      %dma_start3A_159 = tpu.memref_squeeze %dma_start3A_158 : memref<1x10000x128xf32, #tpu.memory_space<hbm>> -> memref<10000x128xf32, #tpu.memory_space<hbm>>
      %dma_start3A_160 = arith.constant 0 : i32
      %dma_start3A_161 = tpu.memref_slice %dma_start3A_159[%add3A_74, %dma_start3A_160] : memref<10000x128xf32, #tpu.memory_space<hbm>> -> memref<104x128xf32, #tpu.memory_space<hbm>>
      %dma_start3A_162 = arith.constant 0 : i32
      %dma_start3A_163 = tpu.memref_slice %arg20[%add3A_74, %dma_start3A_162] : memref<10000x128xf32, #tpu.memory_space<vmem_shared>> -> memref<104x128xf32, #tpu.memory_space<vmem_shared>>
      tpu.enqueue_dma source(%dma_start3A_163 : memref<104x128xf32, #tpu.memory_space<vmem_shared>>) target(%dma_start3A_161 : memref<104x128xf32, #tpu.memory_space<hbm>>) target_semaphore(%run_scoped3A_156 : memref<!tpu.dma_semaphore, #tpu.memory_space<semaphore_mem>>)
      %dma_wait3A = arith.constant 0 : i32
      %dma_wait3A_164 = arith.constant 0 : i32
      %dma_wait3A_165 = tpu.memref_slice %arg9[%arg0, %dma_wait3A, %dma_wait3A_164] : memref<2x10000x128xf32, #tpu.memory_space<hbm>> -> memref<1x10000x128xf32, #tpu.memory_space<hbm>>
      %dma_wait3A_166 = tpu.memref_squeeze %dma_wait3A_165 : memref<1x10000x128xf32, #tpu.memory_space<hbm>> -> memref<10000x128xf32, #tpu.memory_space<hbm>>
      %dma_wait3A_167 = arith.constant 0 : i32
      %dma_wait3A_168 = tpu.memref_slice %dma_wait3A_166[%add3A_74, %dma_wait3A_167] : memref<10000x128xf32, #tpu.memory_space<hbm>> -> memref<104x128xf32, #tpu.memory_space<hbm>>
      %dma_wait3A_169 = arith.constant 0 : i32
      %dma_wait3A_170 = tpu.memref_slice %arg20[%add3A_74, %dma_wait3A_169] : memref<10000x128xf32, #tpu.memory_space<vmem_shared>> -> memref<104x128xf32, #tpu.memory_space<vmem_shared>>
      tpu.wait_dma2 semaphore(%run_scoped3A_156 : memref<!tpu.dma_semaphore, #tpu.memory_space<semaphore_mem>>) src(%dma_wait3A_170 : memref<104x128xf32, #tpu.memory_space<vmem_shared>>) dst(%dma_wait3A_168 : memref<104x128xf32, #tpu.memory_space<hbm>>)
      tpu.yield
    }) : () -> ()
    "tpu.region"() ({
      %run_scoped3A_156 = tpu.sem_alloc : memref<!tpu.dma_semaphore, #tpu.memory_space<semaphore_mem>>
      %dma_start3A = arith.constant 0 : i32
      %dma_start3A_157 = arith.constant 0 : i32
      %dma_start3A_158 = tpu.memref_slice %arg10[%arg0, %dma_start3A, %dma_start3A_157] : memref<2x10000x16xf32, #tpu.memory_space<hbm>> -> memref<1x10000x16xf32, #tpu.memory_space<hbm>>
      %dma_start3A_159 = tpu.memref_squeeze %dma_start3A_158 : memref<1x10000x16xf32, #tpu.memory_space<hbm>> -> memref<10000x16xf32, #tpu.memory_space<hbm>>
      %dma_start3A_160 = arith.constant 0 : i32
      %dma_start3A_161 = tpu.memref_slice %dma_start3A_159[%add3A_74, %dma_start3A_160] : memref<10000x16xf32, #tpu.memory_space<hbm>> -> memref<104x16xf32, #tpu.memory_space<hbm>>
      %dma_start3A_162 = arith.constant 0 : i32
      %dma_start3A_163 = tpu.memref_slice %arg21[%add3A_74, %dma_start3A_162] : memref<10000x16xf32, #tpu.memory_space<vmem_shared>> -> memref<104x16xf32, #tpu.memory_space<vmem_shared>>
      tpu.enqueue_dma source(%dma_start3A_163 : memref<104x16xf32, #tpu.memory_space<vmem_shared>>) target(%dma_start3A_161 : memref<104x16xf32, #tpu.memory_space<hbm>>) target_semaphore(%run_scoped3A_156 : memref<!tpu.dma_semaphore, #tpu.memory_space<semaphore_mem>>)
      %dma_wait3A = arith.constant 0 : i32
      %dma_wait3A_164 = arith.constant 0 : i32
      %dma_wait3A_165 = tpu.memref_slice %arg10[%arg0, %dma_wait3A, %dma_wait3A_164] : memref<2x10000x16xf32, #tpu.memory_space<hbm>> -> memref<1x10000x16xf32, #tpu.memory_space<hbm>>
      %dma_wait3A_166 = tpu.memref_squeeze %dma_wait3A_165 : memref<1x10000x16xf32, #tpu.memory_space<hbm>> -> memref<10000x16xf32, #tpu.memory_space<hbm>>
      %dma_wait3A_167 = arith.constant 0 : i32
      %dma_wait3A_168 = tpu.memref_slice %dma_wait3A_166[%add3A_74, %dma_wait3A_167] : memref<10000x16xf32, #tpu.memory_space<hbm>> -> memref<104x16xf32, #tpu.memory_space<hbm>>
      %dma_wait3A_169 = arith.constant 0 : i32
      %dma_wait3A_170 = tpu.memref_slice %arg21[%add3A_74, %dma_wait3A_169] : memref<10000x16xf32, #tpu.memory_space<vmem_shared>> -> memref<104x16xf32, #tpu.memory_space<vmem_shared>>
      tpu.wait_dma2 semaphore(%run_scoped3A_156 : memref<!tpu.dma_semaphore, #tpu.memory_space<semaphore_mem>>) src(%dma_wait3A_170 : memref<104x16xf32, #tpu.memory_space<vmem_shared>>) dst(%dma_wait3A_168 : memref<104x16xf32, #tpu.memory_space<hbm>>)
      tpu.yield
    }) : () -> ()
    %mul3A_75 = arith.constant 624 : i32
    %mul3A_76 = arith.muli %arg1, %mul3A_75 : i32
    %add3A_77 = arith.constant 520 : i32
    %add3A_78 = arith.addi %mul3A_76, %add3A_77 : i32
    "tpu.region"() ({
      %run_scoped3A_156 = tpu.sem_alloc : memref<!tpu.dma_semaphore, #tpu.memory_space<semaphore_mem>>
      %dma_start3A = arith.constant 0 : i32
      %dma_start3A_157 = arith.constant 0 : i32
      %dma_start3A_158 = tpu.memref_slice %arg9[%arg0, %dma_start3A, %dma_start3A_157] : memref<2x10000x128xf32, #tpu.memory_space<hbm>> -> memref<1x10000x128xf32, #tpu.memory_space<hbm>>
      %dma_start3A_159 = tpu.memref_squeeze %dma_start3A_158 : memref<1x10000x128xf32, #tpu.memory_space<hbm>> -> memref<10000x128xf32, #tpu.memory_space<hbm>>
      %dma_start3A_160 = arith.constant 0 : i32
      %dma_start3A_161 = tpu.memref_slice %dma_start3A_159[%add3A_78, %dma_start3A_160] : memref<10000x128xf32, #tpu.memory_space<hbm>> -> memref<104x128xf32, #tpu.memory_space<hbm>>
      %dma_start3A_162 = arith.constant 0 : i32
      %dma_start3A_163 = tpu.memref_slice %arg20[%add3A_78, %dma_start3A_162] : memref<10000x128xf32, #tpu.memory_space<vmem_shared>> -> memref<104x128xf32, #tpu.memory_space<vmem_shared>>
      tpu.enqueue_dma source(%dma_start3A_163 : memref<104x128xf32, #tpu.memory_space<vmem_shared>>) target(%dma_start3A_161 : memref<104x128xf32, #tpu.memory_space<hbm>>) target_semaphore(%run_scoped3A_156 : memref<!tpu.dma_semaphore, #tpu.memory_space<semaphore_mem>>)
      %dma_wait3A = arith.constant 0 : i32
      %dma_wait3A_164 = arith.constant 0 : i32
      %dma_wait3A_165 = tpu.memref_slice %arg9[%arg0, %dma_wait3A, %dma_wait3A_164] : memref<2x10000x128xf32, #tpu.memory_space<hbm>> -> memref<1x10000x128xf32, #tpu.memory_space<hbm>>
      %dma_wait3A_166 = tpu.memref_squeeze %dma_wait3A_165 : memref<1x10000x128xf32, #tpu.memory_space<hbm>> -> memref<10000x128xf32, #tpu.memory_space<hbm>>
      %dma_wait3A_167 = arith.constant 0 : i32
      %dma_wait3A_168 = tpu.memref_slice %dma_wait3A_166[%add3A_78, %dma_wait3A_167] : memref<10000x128xf32, #tpu.memory_space<hbm>> -> memref<104x128xf32, #tpu.memory_space<hbm>>
      %dma_wait3A_169 = arith.constant 0 : i32
      %dma_wait3A_170 = tpu.memref_slice %arg20[%add3A_78, %dma_wait3A_169] : memref<10000x128xf32, #tpu.memory_space<vmem_shared>> -> memref<104x128xf32, #tpu.memory_space<vmem_shared>>
      tpu.wait_dma2 semaphore(%run_scoped3A_156 : memref<!tpu.dma_semaphore, #tpu.memory_space<semaphore_mem>>) src(%dma_wait3A_170 : memref<104x128xf32, #tpu.memory_space<vmem_shared>>) dst(%dma_wait3A_168 : memref<104x128xf32, #tpu.memory_space<hbm>>)
      tpu.yield
    }) : () -> ()
    "tpu.region"() ({
      %run_scoped3A_156 = tpu.sem_alloc : memref<!tpu.dma_semaphore, #tpu.memory_space<semaphore_mem>>
      %dma_start3A = arith.constant 0 : i32
      %dma_start3A_157 = arith.constant 0 : i32
      %dma_start3A_158 = tpu.memref_slice %arg10[%arg0, %dma_start3A, %dma_start3A_157] : memref<2x10000x16xf32, #tpu.memory_space<hbm>> -> memref<1x10000x16xf32, #tpu.memory_space<hbm>>
      %dma_start3A_159 = tpu.memref_squeeze %dma_start3A_158 : memref<1x10000x16xf32, #tpu.memory_space<hbm>> -> memref<10000x16xf32, #tpu.memory_space<hbm>>
      %dma_start3A_160 = arith.constant 0 : i32
      %dma_start3A_161 = tpu.memref_slice %dma_start3A_159[%add3A_78, %dma_start3A_160] : memref<10000x16xf32, #tpu.memory_space<hbm>> -> memref<104x16xf32, #tpu.memory_space<hbm>>
      %dma_start3A_162 = arith.constant 0 : i32
      %dma_start3A_163 = tpu.memref_slice %arg21[%add3A_78, %dma_start3A_162] : memref<10000x16xf32, #tpu.memory_space<vmem_shared>> -> memref<104x16xf32, #tpu.memory_space<vmem_shared>>
      tpu.enqueue_dma source(%dma_start3A_163 : memref<104x16xf32, #tpu.memory_space<vmem_shared>>) target(%dma_start3A_161 : memref<104x16xf32, #tpu.memory_space<hbm>>) target_semaphore(%run_scoped3A_156 : memref<!tpu.dma_semaphore, #tpu.memory_space<semaphore_mem>>)
      %dma_wait3A = arith.constant 0 : i32
      %dma_wait3A_164 = arith.constant 0 : i32
      %dma_wait3A_165 = tpu.memref_slice %arg10[%arg0, %dma_wait3A, %dma_wait3A_164] : memref<2x10000x16xf32, #tpu.memory_space<hbm>> -> memref<1x10000x16xf32, #tpu.memory_space<hbm>>
      %dma_wait3A_166 = tpu.memref_squeeze %dma_wait3A_165 : memref<1x10000x16xf32, #tpu.memory_space<hbm>> -> memref<10000x16xf32, #tpu.memory_space<hbm>>
      %dma_wait3A_167 = arith.constant 0 : i32
      %dma_wait3A_168 = tpu.memref_slice %dma_wait3A_166[%add3A_78, %dma_wait3A_167] : memref<10000x16xf32, #tpu.memory_space<hbm>> -> memref<104x16xf32, #tpu.memory_space<hbm>>
      %dma_wait3A_169 = arith.constant 0 : i32
      %dma_wait3A_170 = tpu.memref_slice %arg21[%add3A_78, %dma_wait3A_169] : memref<10000x16xf32, #tpu.memory_space<vmem_shared>> -> memref<104x16xf32, #tpu.memory_space<vmem_shared>>
      tpu.wait_dma2 semaphore(%run_scoped3A_156 : memref<!tpu.dma_semaphore, #tpu.memory_space<semaphore_mem>>) src(%dma_wait3A_170 : memref<104x16xf32, #tpu.memory_space<vmem_shared>>) dst(%dma_wait3A_168 : memref<104x16xf32, #tpu.memory_space<hbm>>)
      tpu.yield
    }) : () -> ()
    %eq3A_79 = arith.constant 15 : i32
    %eq3A_80 = arith.cmpi eq, %arg1, %eq3A_79 : i32
    %convert_element_type3A_81 = arith.extui %eq3A_80 : i1 to i32
    %cond3A_82 = arith.constant 0 : i32
    %cond3A_83 = arith.cmpi ne, %convert_element_type3A_81, %cond3A_82 : i32
    scf.if %cond3A_83 {
      "tpu.region"() ({
        %run_scoped3A_156 = tpu.sem_alloc : memref<!tpu.dma_semaphore, #tpu.memory_space<semaphore_mem>>
        %dma_start3A = arith.constant 0 : i32
        %dma_start3A_157 = arith.constant 0 : i32
        %dma_start3A_158 = tpu.memref_slice %arg9[%arg0, %dma_start3A, %dma_start3A_157] : memref<2x10000x128xf32, #tpu.memory_space<hbm>> -> memref<1x10000x128xf32, #tpu.memory_space<hbm>>
        %dma_start3A_159 = tpu.memref_squeeze %dma_start3A_158 : memref<1x10000x128xf32, #tpu.memory_space<hbm>> -> memref<10000x128xf32, #tpu.memory_space<hbm>>
        %dma_start3A_160 = arith.constant 9984 : i32
        %dma_start3A_161 = arith.constant 0 : i32
        %dma_start3A_162 = tpu.memref_slice %dma_start3A_159[%dma_start3A_160, %dma_start3A_161] : memref<10000x128xf32, #tpu.memory_space<hbm>> -> memref<16x128xf32, #tpu.memory_space<hbm>>
        %dma_start3A_163 = arith.constant 9984 : i32
        %dma_start3A_164 = arith.constant 0 : i32
        %dma_start3A_165 = tpu.memref_slice %arg20[%dma_start3A_163, %dma_start3A_164] : memref<10000x128xf32, #tpu.memory_space<vmem_shared>> -> memref<16x128xf32, #tpu.memory_space<vmem_shared>>
        tpu.enqueue_dma source(%dma_start3A_165 : memref<16x128xf32, #tpu.memory_space<vmem_shared>>) target(%dma_start3A_162 : memref<16x128xf32, #tpu.memory_space<hbm>>) target_semaphore(%run_scoped3A_156 : memref<!tpu.dma_semaphore, #tpu.memory_space<semaphore_mem>>)
        %dma_wait3A = arith.constant 0 : i32
        %dma_wait3A_166 = arith.constant 0 : i32
        %dma_wait3A_167 = tpu.memref_slice %arg9[%arg0, %dma_wait3A, %dma_wait3A_166] : memref<2x10000x128xf32, #tpu.memory_space<hbm>> -> memref<1x10000x128xf32, #tpu.memory_space<hbm>>
        %dma_wait3A_168 = tpu.memref_squeeze %dma_wait3A_167 : memref<1x10000x128xf32, #tpu.memory_space<hbm>> -> memref<10000x128xf32, #tpu.memory_space<hbm>>
        %dma_wait3A_169 = arith.constant 9984 : i32
        %dma_wait3A_170 = arith.constant 0 : i32
        %dma_wait3A_171 = tpu.memref_slice %dma_wait3A_168[%dma_wait3A_169, %dma_wait3A_170] : memref<10000x128xf32, #tpu.memory_space<hbm>> -> memref<16x128xf32, #tpu.memory_space<hbm>>
        %dma_wait3A_172 = arith.constant 9984 : i32
        %dma_wait3A_173 = arith.constant 0 : i32
        %dma_wait3A_174 = tpu.memref_slice %arg20[%dma_wait3A_172, %dma_wait3A_173] : memref<10000x128xf32, #tpu.memory_space<vmem_shared>> -> memref<16x128xf32, #tpu.memory_space<vmem_shared>>
        tpu.wait_dma2 semaphore(%run_scoped3A_156 : memref<!tpu.dma_semaphore, #tpu.memory_space<semaphore_mem>>) src(%dma_wait3A_174 : memref<16x128xf32, #tpu.memory_space<vmem_shared>>) dst(%dma_wait3A_171 : memref<16x128xf32, #tpu.memory_space<hbm>>)
        tpu.yield
      }) : () -> ()
      "tpu.region"() ({
        %run_scoped3A_156 = tpu.sem_alloc : memref<!tpu.dma_semaphore, #tpu.memory_space<semaphore_mem>>
        %dma_start3A = arith.constant 0 : i32
        %dma_start3A_157 = arith.constant 0 : i32
        %dma_start3A_158 = tpu.memref_slice %arg10[%arg0, %dma_start3A, %dma_start3A_157] : memref<2x10000x16xf32, #tpu.memory_space<hbm>> -> memref<1x10000x16xf32, #tpu.memory_space<hbm>>
        %dma_start3A_159 = tpu.memref_squeeze %dma_start3A_158 : memref<1x10000x16xf32, #tpu.memory_space<hbm>> -> memref<10000x16xf32, #tpu.memory_space<hbm>>
        %dma_start3A_160 = arith.constant 9984 : i32
        %dma_start3A_161 = arith.constant 0 : i32
        %dma_start3A_162 = tpu.memref_slice %dma_start3A_159[%dma_start3A_160, %dma_start3A_161] : memref<10000x16xf32, #tpu.memory_space<hbm>> -> memref<16x16xf32, #tpu.memory_space<hbm>>
        %dma_start3A_163 = arith.constant 9984 : i32
        %dma_start3A_164 = arith.constant 0 : i32
        %dma_start3A_165 = tpu.memref_slice %arg21[%dma_start3A_163, %dma_start3A_164] : memref<10000x16xf32, #tpu.memory_space<vmem_shared>> -> memref<16x16xf32, #tpu.memory_space<vmem_shared>>
        tpu.enqueue_dma source(%dma_start3A_165 : memref<16x16xf32, #tpu.memory_space<vmem_shared>>) target(%dma_start3A_162 : memref<16x16xf32, #tpu.memory_space<hbm>>) target_semaphore(%run_scoped3A_156 : memref<!tpu.dma_semaphore, #tpu.memory_space<semaphore_mem>>)
        %dma_wait3A = arith.constant 0 : i32
        %dma_wait3A_166 = arith.constant 0 : i32
        %dma_wait3A_167 = tpu.memref_slice %arg10[%arg0, %dma_wait3A, %dma_wait3A_166] : memref<2x10000x16xf32, #tpu.memory_space<hbm>> -> memref<1x10000x16xf32, #tpu.memory_space<hbm>>
        %dma_wait3A_168 = tpu.memref_squeeze %dma_wait3A_167 : memref<1x10000x16xf32, #tpu.memory_space<hbm>> -> memref<10000x16xf32, #tpu.memory_space<hbm>>
        %dma_wait3A_169 = arith.constant 9984 : i32
        %dma_wait3A_170 = arith.constant 0 : i32
        %dma_wait3A_171 = tpu.memref_slice %dma_wait3A_168[%dma_wait3A_169, %dma_wait3A_170] : memref<10000x16xf32, #tpu.memory_space<hbm>> -> memref<16x16xf32, #tpu.memory_space<hbm>>
        %dma_wait3A_172 = arith.constant 9984 : i32
        %dma_wait3A_173 = arith.constant 0 : i32
        %dma_wait3A_174 = tpu.memref_slice %arg21[%dma_wait3A_172, %dma_wait3A_173] : memref<10000x16xf32, #tpu.memory_space<vmem_shared>> -> memref<16x16xf32, #tpu.memory_space<vmem_shared>>
        tpu.wait_dma2 semaphore(%run_scoped3A_156 : memref<!tpu.dma_semaphore, #tpu.memory_space<semaphore_mem>>) src(%dma_wait3A_174 : memref<16x16xf32, #tpu.memory_space<vmem_shared>>) dst(%dma_wait3A_171 : memref<16x16xf32, #tpu.memory_space<hbm>>)
        tpu.yield
      }) : () -> ()
    } else {
    }
    %scan3A_84 = arith.constant 0 : i32
    %scan3A_85 = arith.constant 128 : i32
    %scan3A_86 = arith.addi %scan3A_84, %scan3A_85 : i32
    %scan3A_87 = arith.constant 1 : i32
    scf.for %scan3A_156 = %scan3A_84 to %scan3A_86 step %scan3A_87  : i32 {
      %mul3A_157 = arith.constant 1 : i32
      %mul3A_158 = arith.muli %scan3A_156, %mul3A_157 : i32
      %add3A_159 = arith.constant 0 : i32
      %add3A_160 = arith.addi %add3A_159, %mul3A_158 : i32
      %swap3A = arith.index_cast %add3A_160 : i32 to index
      %swap3A_161 = arith.constant 0 : index
      %swap3A_162 = tpu.vector_load %arg17[%swap3A, %swap3A_161] {strides = array<i32>} : memref<128x128xf32, #tpu.memory_space<vmem>>, vector<16xf32>,
      tpu.vector_store %arg17[%swap3A, %swap3A_161], %broadcast_in_dim3A_16 {strides = array<i32>} : memref<128x128xf32, #tpu.memory_space<vmem>>, vector<16xf32>,
      %swap3A_163 = arith.index_cast %add3A_160 : i32 to index
      %swap3A_164 = arith.constant 16 : index
      %swap3A_165 = tpu.vector_load %arg17[%swap3A_163, %swap3A_164] {strides = array<i32>} : memref<128x128xf32, #tpu.memory_space<vmem>>, vector<16xf32>,
      tpu.vector_store %arg17[%swap3A_163, %swap3A_164], %broadcast_in_dim3A_16 {strides = array<i32>} : memref<128x128xf32, #tpu.memory_space<vmem>>, vector<16xf32>,
      %swap3A_166 = arith.index_cast %add3A_160 : i32 to index
      %swap3A_167 = arith.constant 32 : index
      %swap3A_168 = tpu.vector_load %arg17[%swap3A_166, %swap3A_167] {strides = array<i32>} : memref<128x128xf32, #tpu.memory_space<vmem>>, vector<16xf32>,
      tpu.vector_store %arg17[%swap3A_166, %swap3A_167], %broadcast_in_dim3A_16 {strides = array<i32>} : memref<128x128xf32, #tpu.memory_space<vmem>>, vector<16xf32>,
      %swap3A_169 = arith.index_cast %add3A_160 : i32 to index
      %swap3A_170 = arith.constant 48 : index
      %swap3A_171 = tpu.vector_load %arg17[%swap3A_169, %swap3A_170] {strides = array<i32>} : memref<128x128xf32, #tpu.memory_space<vmem>>, vector<16xf32>,
      tpu.vector_store %arg17[%swap3A_169, %swap3A_170], %broadcast_in_dim3A_16 {strides = array<i32>} : memref<128x128xf32, #tpu.memory_space<vmem>>, vector<16xf32>,
      %swap3A_172 = arith.index_cast %add3A_160 : i32 to index
      %swap3A_173 = arith.constant 64 : index
      %swap3A_174 = tpu.vector_load %arg17[%swap3A_172, %swap3A_173] {strides = array<i32>} : memref<128x128xf32, #tpu.memory_space<vmem>>, vector<16xf32>,
      tpu.vector_store %arg17[%swap3A_172, %swap3A_173], %broadcast_in_dim3A_16 {strides = array<i32>} : memref<128x128xf32, #tpu.memory_space<vmem>>, vector<16xf32>,
      %swap3A_175 = arith.index_cast %add3A_160 : i32 to index
      %swap3A_176 = arith.constant 80 : index
      %swap3A_177 = tpu.vector_load %arg17[%swap3A_175, %swap3A_176] {strides = array<i32>} : memref<128x128xf32, #tpu.memory_space<vmem>>, vector<16xf32>,
      tpu.vector_store %arg17[%swap3A_175, %swap3A_176], %broadcast_in_dim3A_16 {strides = array<i32>} : memref<128x128xf32, #tpu.memory_space<vmem>>, vector<16xf32>,
      %swap3A_178 = arith.index_cast %add3A_160 : i32 to index
      %swap3A_179 = arith.constant 96 : index
      %swap3A_180 = tpu.vector_load %arg17[%swap3A_178, %swap3A_179] {strides = array<i32>} : memref<128x128xf32, #tpu.memory_space<vmem>>, vector<16xf32>,
      tpu.vector_store %arg17[%swap3A_178, %swap3A_179], %broadcast_in_dim3A_16 {strides = array<i32>} : memref<128x128xf32, #tpu.memory_space<vmem>>, vector<16xf32>,
      %swap3A_181 = arith.index_cast %add3A_160 : i32 to index
      %swap3A_182 = arith.constant 112 : index
      %swap3A_183 = tpu.vector_load %arg17[%swap3A_181, %swap3A_182] {strides = array<i32>} : memref<128x128xf32, #tpu.memory_space<vmem>>, vector<16xf32>,
      tpu.vector_store %arg17[%swap3A_181, %swap3A_182], %broadcast_in_dim3A_16 {strides = array<i32>} : memref<128x128xf32, #tpu.memory_space<vmem>>, vector<16xf32>,
      %swap3A_184 = arith.index_cast %add3A_160 : i32 to index
      %swap3A_185 = arith.constant 0 : index
      %swap3A_186 = tpu.vector_load %arg18[%swap3A_184, %swap3A_185] {strides = array<i32>} : memref<128x16xf32, #tpu.memory_space<vmem>>, vector<16xf32>,
      tpu.vector_store %arg18[%swap3A_184, %swap3A_185], %broadcast_in_dim3A_16 {strides = array<i32>} : memref<128x16xf32, #tpu.memory_space<vmem>>, vector<16xf32>,
    }
    %scan3A_88 = arith.constant 128 : i32
    %mul3A_89 = arith.constant 624 : i32
    %mul3A_90 = arith.muli %arg1, %mul3A_89 : i32
    %add3A_91 = arith.constant 0 : i32
    %add3A_92 = arith.addi %mul3A_90, %add3A_91 : i32
    "tpu.region"() ({
      %run_scoped3A_156 = tpu.sem_alloc : memref<!tpu.dma_semaphore, #tpu.memory_space<semaphore_mem>>
      %dma_start3A = arith.constant 0 : i32
      %dma_start3A_157 = arith.constant 0 : i32
      %dma_start3A_158 = tpu.memref_slice %arg17[%dma_start3A, %dma_start3A_157] : memref<128x128xf32, #tpu.memory_space<vmem>> -> memref<104x128xf32, #tpu.memory_space<vmem>>
      %dma_start3A_159 = arith.constant 0 : i32
      %dma_start3A_160 = tpu.memref_slice %arg20[%add3A_92, %dma_start3A_159] : memref<10000x128xf32, #tpu.memory_space<vmem_shared>> -> memref<104x128xf32, #tpu.memory_space<vmem_shared>>
      %dma_start3A_161 = arith.constant 0 : i32
      %dma_start3A_162 = tpu.memref_slice %arg20[%add3A_92, %dma_start3A_161] : memref<10000x128xf32, #tpu.memory_space<vmem_shared>> -> memref<104x128xf32, #tpu.memory_space<vmem_shared>>
      %dma_start3A_163 = arith.constant 0 : i32
      %dma_start3A_164 = arith.constant 0 : i32
      %dma_start3A_165 = tpu.memref_slice %arg17[%dma_start3A_163, %dma_start3A_164] : memref<128x128xf32, #tpu.memory_space<vmem>> -> memref<104x128xf32, #tpu.memory_space<vmem>>
      tpu.enqueue_dma source(%dma_start3A_165 : memref<104x128xf32, #tpu.memory_space<vmem>>) target(%dma_start3A_162 : memref<104x128xf32, #tpu.memory_space<vmem_shared>>) target_semaphore(%run_scoped3A_156 : memref<!tpu.dma_semaphore, #tpu.memory_space<semaphore_mem>>)
      %dma_wait3A = arith.constant 0 : i32
      %dma_wait3A_166 = arith.constant 0 : i32
      %dma_wait3A_167 = tpu.memref_slice %arg17[%dma_wait3A, %dma_wait3A_166] : memref<128x128xf32, #tpu.memory_space<vmem>> -> memref<104x128xf32, #tpu.memory_space<vmem>>
      %dma_wait3A_168 = arith.constant 0 : i32
      %dma_wait3A_169 = tpu.memref_slice %arg20[%add3A_92, %dma_wait3A_168] : memref<10000x128xf32, #tpu.memory_space<vmem_shared>> -> memref<104x128xf32, #tpu.memory_space<vmem_shared>>
      %dma_wait3A_170 = arith.constant 0 : i32
      %dma_wait3A_171 = tpu.memref_slice %arg20[%add3A_92, %dma_wait3A_170] : memref<10000x128xf32, #tpu.memory_space<vmem_shared>> -> memref<104x128xf32, #tpu.memory_space<vmem_shared>>
      %dma_wait3A_172 = arith.constant 0 : i32
      %dma_wait3A_173 = arith.constant 0 : i32
      %dma_wait3A_174 = tpu.memref_slice %arg17[%dma_wait3A_172, %dma_wait3A_173] : memref<128x128xf32, #tpu.memory_space<vmem>> -> memref<104x128xf32, #tpu.memory_space<vmem>>
      tpu.wait_dma2 semaphore(%run_scoped3A_156 : memref<!tpu.dma_semaphore, #tpu.memory_space<semaphore_mem>>) src(%dma_wait3A_174 : memref<104x128xf32, #tpu.memory_space<vmem>>) dst(%dma_wait3A_171 : memref<104x128xf32, #tpu.memory_space<vmem_shared>>)
      tpu.yield
    }) : () -> ()
    "tpu.region"() ({
      %run_scoped3A_156 = tpu.sem_alloc : memref<!tpu.dma_semaphore, #tpu.memory_space<semaphore_mem>>
      %dma_start3A = arith.constant 0 : i32
      %dma_start3A_157 = arith.constant 0 : i32
      %dma_start3A_158 = tpu.memref_slice %arg18[%dma_start3A, %dma_start3A_157] : memref<128x16xf32, #tpu.memory_space<vmem>> -> memref<104x16xf32, #tpu.memory_space<vmem>>
      %dma_start3A_159 = arith.constant 0 : i32
      %dma_start3A_160 = tpu.memref_slice %arg21[%add3A_92, %dma_start3A_159] : memref<10000x16xf32, #tpu.memory_space<vmem_shared>> -> memref<104x16xf32, #tpu.memory_space<vmem_shared>>
      %dma_start3A_161 = arith.constant 0 : i32
      %dma_start3A_162 = tpu.memref_slice %arg21[%add3A_92, %dma_start3A_161] : memref<10000x16xf32, #tpu.memory_space<vmem_shared>> -> memref<104x16xf32, #tpu.memory_space<vmem_shared>>
      %dma_start3A_163 = arith.constant 0 : i32
      %dma_start3A_164 = arith.constant 0 : i32
      %dma_start3A_165 = tpu.memref_slice %arg18[%dma_start3A_163, %dma_start3A_164] : memref<128x16xf32, #tpu.memory_space<vmem>> -> memref<104x16xf32, #tpu.memory_space<vmem>>
      tpu.enqueue_dma source(%dma_start3A_165 : memref<104x16xf32, #tpu.memory_space<vmem>>) target(%dma_start3A_162 : memref<104x16xf32, #tpu.memory_space<vmem_shared>>) target_semaphore(%run_scoped3A_156 : memref<!tpu.dma_semaphore, #tpu.memory_space<semaphore_mem>>)
      %dma_wait3A = arith.constant 0 : i32
      %dma_wait3A_166 = arith.constant 0 : i32
      %dma_wait3A_167 = tpu.memref_slice %arg18[%dma_wait3A, %dma_wait3A_166] : memref<128x16xf32, #tpu.memory_space<vmem>> -> memref<104x16xf32, #tpu.memory_space<vmem>>
      %dma_wait3A_168 = arith.constant 0 : i32
      %dma_wait3A_169 = tpu.memref_slice %arg21[%add3A_92, %dma_wait3A_168] : memref<10000x16xf32, #tpu.memory_space<vmem_shared>> -> memref<104x16xf32, #tpu.memory_space<vmem_shared>>
      %dma_wait3A_170 = arith.constant 0 : i32
      %dma_wait3A_171 = tpu.memref_slice %arg21[%add3A_92, %dma_wait3A_170] : memref<10000x16xf32, #tpu.memory_space<vmem_shared>> -> memref<104x16xf32, #tpu.memory_space<vmem_shared>>
      %dma_wait3A_172 = arith.constant 0 : i32
      %dma_wait3A_173 = arith.constant 0 : i32
      %dma_wait3A_174 = tpu.memref_slice %arg18[%dma_wait3A_172, %dma_wait3A_173] : memref<128x16xf32, #tpu.memory_space<vmem>> -> memref<104x16xf32, #tpu.memory_space<vmem>>
      tpu.wait_dma2 semaphore(%run_scoped3A_156 : memref<!tpu.dma_semaphore, #tpu.memory_space<semaphore_mem>>) src(%dma_wait3A_174 : memref<104x16xf32, #tpu.memory_space<vmem>>) dst(%dma_wait3A_171 : memref<104x16xf32, #tpu.memory_space<vmem_shared>>)
      tpu.yield
    }) : () -> ()
    %mul3A_93 = arith.constant 624 : i32
    %mul3A_94 = arith.muli %arg1, %mul3A_93 : i32
    %add3A_95 = arith.constant 104 : i32
    %add3A_96 = arith.addi %mul3A_94, %add3A_95 : i32
    "tpu.region"() ({
      %run_scoped3A_156 = tpu.sem_alloc : memref<!tpu.dma_semaphore, #tpu.memory_space<semaphore_mem>>
      %dma_start3A = arith.constant 0 : i32
      %dma_start3A_157 = arith.constant 0 : i32
      %dma_start3A_158 = tpu.memref_slice %arg17[%dma_start3A, %dma_start3A_157] : memref<128x128xf32, #tpu.memory_space<vmem>> -> memref<104x128xf32, #tpu.memory_space<vmem>>
      %dma_start3A_159 = arith.constant 0 : i32
      %dma_start3A_160 = tpu.memref_slice %arg20[%add3A_96, %dma_start3A_159] : memref<10000x128xf32, #tpu.memory_space<vmem_shared>> -> memref<104x128xf32, #tpu.memory_space<vmem_shared>>
      %dma_start3A_161 = arith.constant 0 : i32
      %dma_start3A_162 = tpu.memref_slice %arg20[%add3A_96, %dma_start3A_161] : memref<10000x128xf32, #tpu.memory_space<vmem_shared>> -> memref<104x128xf32, #tpu.memory_space<vmem_shared>>
      %dma_start3A_163 = arith.constant 0 : i32
      %dma_start3A_164 = arith.constant 0 : i32
      %dma_start3A_165 = tpu.memref_slice %arg17[%dma_start3A_163, %dma_start3A_164] : memref<128x128xf32, #tpu.memory_space<vmem>> -> memref<104x128xf32, #tpu.memory_space<vmem>>
      tpu.enqueue_dma source(%dma_start3A_165 : memref<104x128xf32, #tpu.memory_space<vmem>>) target(%dma_start3A_162 : memref<104x128xf32, #tpu.memory_space<vmem_shared>>) target_semaphore(%run_scoped3A_156 : memref<!tpu.dma_semaphore, #tpu.memory_space<semaphore_mem>>)
      %dma_wait3A = arith.constant 0 : i32
      %dma_wait3A_166 = arith.constant 0 : i32
      %dma_wait3A_167 = tpu.memref_slice %arg17[%dma_wait3A, %dma_wait3A_166] : memref<128x128xf32, #tpu.memory_space<vmem>> -> memref<104x128xf32, #tpu.memory_space<vmem>>
      %dma_wait3A_168 = arith.constant 0 : i32
      %dma_wait3A_169 = tpu.memref_slice %arg20[%add3A_96, %dma_wait3A_168] : memref<10000x128xf32, #tpu.memory_space<vmem_shared>> -> memref<104x128xf32, #tpu.memory_space<vmem_shared>>
      %dma_wait3A_170 = arith.constant 0 : i32
      %dma_wait3A_171 = tpu.memref_slice %arg20[%add3A_96, %dma_wait3A_170] : memref<10000x128xf32, #tpu.memory_space<vmem_shared>> -> memref<104x128xf32, #tpu.memory_space<vmem_shared>>
      %dma_wait3A_172 = arith.constant 0 : i32
      %dma_wait3A_173 = arith.constant 0 : i32
      %dma_wait3A_174 = tpu.memref_slice %arg17[%dma_wait3A_172, %dma_wait3A_173] : memref<128x128xf32, #tpu.memory_space<vmem>> -> memref<104x128xf32, #tpu.memory_space<vmem>>
      tpu.wait_dma2 semaphore(%run_scoped3A_156 : memref<!tpu.dma_semaphore, #tpu.memory_space<semaphore_mem>>) src(%dma_wait3A_174 : memref<104x128xf32, #tpu.memory_space<vmem>>) dst(%dma_wait3A_171 : memref<104x128xf32, #tpu.memory_space<vmem_shared>>)
      tpu.yield
    }) : () -> ()
    "tpu.region"() ({
      %run_scoped3A_156 = tpu.sem_alloc : memref<!tpu.dma_semaphore, #tpu.memory_space<semaphore_mem>>
      %dma_start3A = arith.constant 0 : i32
      %dma_start3A_157 = arith.constant 0 : i32
      %dma_start3A_158 = tpu.memref_slice %arg18[%dma_start3A, %dma_start3A_157] : memref<128x16xf32, #tpu.memory_space<vmem>> -> memref<104x16xf32, #tpu.memory_space<vmem>>
      %dma_start3A_159 = arith.constant 0 : i32
      %dma_start3A_160 = tpu.memref_slice %arg21[%add3A_96, %dma_start3A_159] : memref<10000x16xf32, #tpu.memory_space<vmem_shared>> -> memref<104x16xf32, #tpu.memory_space<vmem_shared>>
      %dma_start3A_161 = arith.constant 0 : i32
      %dma_start3A_162 = tpu.memref_slice %arg21[%add3A_96, %dma_start3A_161] : memref<10000x16xf32, #tpu.memory_space<vmem_shared>> -> memref<104x16xf32, #tpu.memory_space<vmem_shared>>
      %dma_start3A_163 = arith.constant 0 : i32
      %dma_start3A_164 = arith.constant 0 : i32
      %dma_start3A_165 = tpu.memref_slice %arg18[%dma_start3A_163, %dma_start3A_164] : memref<128x16xf32, #tpu.memory_space<vmem>> -> memref<104x16xf32, #tpu.memory_space<vmem>>
      tpu.enqueue_dma source(%dma_start3A_165 : memref<104x16xf32, #tpu.memory_space<vmem>>) target(%dma_start3A_162 : memref<104x16xf32, #tpu.memory_space<vmem_shared>>) target_semaphore(%run_scoped3A_156 : memref<!tpu.dma_semaphore, #tpu.memory_space<semaphore_mem>>)
      %dma_wait3A = arith.constant 0 : i32
      %dma_wait3A_166 = arith.constant 0 : i32
      %dma_wait3A_167 = tpu.memref_slice %arg18[%dma_wait3A, %dma_wait3A_166] : memref<128x16xf32, #tpu.memory_space<vmem>> -> memref<104x16xf32, #tpu.memory_space<vmem>>
      %dma_wait3A_168 = arith.constant 0 : i32
      %dma_wait3A_169 = tpu.memref_slice %arg21[%add3A_96, %dma_wait3A_168] : memref<10000x16xf32, #tpu.memory_space<vmem_shared>> -> memref<104x16xf32, #tpu.memory_space<vmem_shared>>
      %dma_wait3A_170 = arith.constant 0 : i32
      %dma_wait3A_171 = tpu.memref_slice %arg21[%add3A_96, %dma_wait3A_170] : memref<10000x16xf32, #tpu.memory_space<vmem_shared>> -> memref<104x16xf32, #tpu.memory_space<vmem_shared>>
      %dma_wait3A_172 = arith.constant 0 : i32
      %dma_wait3A_173 = arith.constant 0 : i32
      %dma_wait3A_174 = tpu.memref_slice %arg18[%dma_wait3A_172, %dma_wait3A_173] : memref<128x16xf32, #tpu.memory_space<vmem>> -> memref<104x16xf32, #tpu.memory_space<vmem>>
      tpu.wait_dma2 semaphore(%run_scoped3A_156 : memref<!tpu.dma_semaphore, #tpu.memory_space<semaphore_mem>>) src(%dma_wait3A_174 : memref<104x16xf32, #tpu.memory_space<vmem>>) dst(%dma_wait3A_171 : memref<104x16xf32, #tpu.memory_space<vmem_shared>>)
      tpu.yield
    }) : () -> ()
    %mul3A_97 = arith.constant 624 : i32
    %mul3A_98 = arith.muli %arg1, %mul3A_97 : i32
    %add3A_99 = arith.constant 208 : i32
    %add3A_100 = arith.addi %mul3A_98, %add3A_99 : i32
    "tpu.region"() ({
      %run_scoped3A_156 = tpu.sem_alloc : memref<!tpu.dma_semaphore, #tpu.memory_space<semaphore_mem>>
      %dma_start3A = arith.constant 0 : i32
      %dma_start3A_157 = arith.constant 0 : i32
      %dma_start3A_158 = tpu.memref_slice %arg17[%dma_start3A, %dma_start3A_157] : memref<128x128xf32, #tpu.memory_space<vmem>> -> memref<104x128xf32, #tpu.memory_space<vmem>>
      %dma_start3A_159 = arith.constant 0 : i32
      %dma_start3A_160 = tpu.memref_slice %arg20[%add3A_100, %dma_start3A_159] : memref<10000x128xf32, #tpu.memory_space<vmem_shared>> -> memref<104x128xf32, #tpu.memory_space<vmem_shared>>
      %dma_start3A_161 = arith.constant 0 : i32
      %dma_start3A_162 = tpu.memref_slice %arg20[%add3A_100, %dma_start3A_161] : memref<10000x128xf32, #tpu.memory_space<vmem_shared>> -> memref<104x128xf32, #tpu.memory_space<vmem_shared>>
      %dma_start3A_163 = arith.constant 0 : i32
      %dma_start3A_164 = arith.constant 0 : i32
      %dma_start3A_165 = tpu.memref_slice %arg17[%dma_start3A_163, %dma_start3A_164] : memref<128x128xf32, #tpu.memory_space<vmem>> -> memref<104x128xf32, #tpu.memory_space<vmem>>
      tpu.enqueue_dma source(%dma_start3A_165 : memref<104x128xf32, #tpu.memory_space<vmem>>) target(%dma_start3A_162 : memref<104x128xf32, #tpu.memory_space<vmem_shared>>) target_semaphore(%run_scoped3A_156 : memref<!tpu.dma_semaphore, #tpu.memory_space<semaphore_mem>>)
      %dma_wait3A = arith.constant 0 : i32
      %dma_wait3A_166 = arith.constant 0 : i32
      %dma_wait3A_167 = tpu.memref_slice %arg17[%dma_wait3A, %dma_wait3A_166] : memref<128x128xf32, #tpu.memory_space<vmem>> -> memref<104x128xf32, #tpu.memory_space<vmem>>
      %dma_wait3A_168 = arith.constant 0 : i32
      %dma_wait3A_169 = tpu.memref_slice %arg20[%add3A_100, %dma_wait3A_168] : memref<10000x128xf32, #tpu.memory_space<vmem_shared>> -> memref<104x128xf32, #tpu.memory_space<vmem_shared>>
      %dma_wait3A_170 = arith.constant 0 : i32
      %dma_wait3A_171 = tpu.memref_slice %arg20[%add3A_100, %dma_wait3A_170] : memref<10000x128xf32, #tpu.memory_space<vmem_shared>> -> memref<104x128xf32, #tpu.memory_space<vmem_shared>>
      %dma_wait3A_172 = arith.constant 0 : i32
      %dma_wait3A_173 = arith.constant 0 : i32
      %dma_wait3A_174 = tpu.memref_slice %arg17[%dma_wait3A_172, %dma_wait3A_173] : memref<128x128xf32, #tpu.memory_space<vmem>> -> memref<104x128xf32, #tpu.memory_space<vmem>>
      tpu.wait_dma2 semaphore(%run_scoped3A_156 : memref<!tpu.dma_semaphore, #tpu.memory_space<semaphore_mem>>) src(%dma_wait3A_174 : memref<104x128xf32, #tpu.memory_space<vmem>>) dst(%dma_wait3A_171 : memref<104x128xf32, #tpu.memory_space<vmem_shared>>)
      tpu.yield
    }) : () -> ()
    "tpu.region"() ({
      %run_scoped3A_156 = tpu.sem_alloc : memref<!tpu.dma_semaphore, #tpu.memory_space<semaphore_mem>>
      %dma_start3A = arith.constant 0 : i32
      %dma_start3A_157 = arith.constant 0 : i32
      %dma_start3A_158 = tpu.memref_slice %arg18[%dma_start3A, %dma_start3A_157] : memref<128x16xf32, #tpu.memory_space<vmem>> -> memref<104x16xf32, #tpu.memory_space<vmem>>
      %dma_start3A_159 = arith.constant 0 : i32
      %dma_start3A_160 = tpu.memref_slice %arg21[%add3A_100, %dma_start3A_159] : memref<10000x16xf32, #tpu.memory_space<vmem_shared>> -> memref<104x16xf32, #tpu.memory_space<vmem_shared>>
      %dma_start3A_161 = arith.constant 0 : i32
      %dma_start3A_162 = tpu.memref_slice %arg21[%add3A_100, %dma_start3A_161] : memref<10000x16xf32, #tpu.memory_space<vmem_shared>> -> memref<104x16xf32, #tpu.memory_space<vmem_shared>>
      %dma_start3A_163 = arith.constant 0 : i32
      %dma_start3A_164 = arith.constant 0 : i32
      %dma_start3A_165 = tpu.memref_slice %arg18[%dma_start3A_163, %dma_start3A_164] : memref<128x16xf32, #tpu.memory_space<vmem>> -> memref<104x16xf32, #tpu.memory_space<vmem>>
      tpu.enqueue_dma source(%dma_start3A_165 : memref<104x16xf32, #tpu.memory_space<vmem>>) target(%dma_start3A_162 : memref<104x16xf32, #tpu.memory_space<vmem_shared>>) target_semaphore(%run_scoped3A_156 : memref<!tpu.dma_semaphore, #tpu.memory_space<semaphore_mem>>)
      %dma_wait3A = arith.constant 0 : i32
      %dma_wait3A_166 = arith.constant 0 : i32
      %dma_wait3A_167 = tpu.memref_slice %arg18[%dma_wait3A, %dma_wait3A_166] : memref<128x16xf32, #tpu.memory_space<vmem>> -> memref<104x16xf32, #tpu.memory_space<vmem>>
      %dma_wait3A_168 = arith.constant 0 : i32
      %dma_wait3A_169 = tpu.memref_slice %arg21[%add3A_100, %dma_wait3A_168] : memref<10000x16xf32, #tpu.memory_space<vmem_shared>> -> memref<104x16xf32, #tpu.memory_space<vmem_shared>>
      %dma_wait3A_170 = arith.constant 0 : i32
      %dma_wait3A_171 = tpu.memref_slice %arg21[%add3A_100, %dma_wait3A_170] : memref<10000x16xf32, #tpu.memory_space<vmem_shared>> -> memref<104x16xf32, #tpu.memory_space<vmem_shared>>
      %dma_wait3A_172 = arith.constant 0 : i32
      %dma_wait3A_173 = arith.constant 0 : i32
      %dma_wait3A_174 = tpu.memref_slice %arg18[%dma_wait3A_172, %dma_wait3A_173] : memref<128x16xf32, #tpu.memory_space<vmem>> -> memref<104x16xf32, #tpu.memory_space<vmem>>
      tpu.wait_dma2 semaphore(%run_scoped3A_156 : memref<!tpu.dma_semaphore, #tpu.memory_space<semaphore_mem>>) src(%dma_wait3A_174 : memref<104x16xf32, #tpu.memory_space<vmem>>) dst(%dma_wait3A_171 : memref<104x16xf32, #tpu.memory_space<vmem_shared>>)
      tpu.yield
    }) : () -> ()
    %mul3A_101 = arith.constant 624 : i32
    %mul3A_102 = arith.muli %arg1, %mul3A_101 : i32
    %add3A_103 = arith.constant 312 : i32
    %add3A_104 = arith.addi %mul3A_102, %add3A_103 : i32
    "tpu.region"() ({
      %run_scoped3A_156 = tpu.sem_alloc : memref<!tpu.dma_semaphore, #tpu.memory_space<semaphore_mem>>
      %dma_start3A = arith.constant 0 : i32
      %dma_start3A_157 = arith.constant 0 : i32
      %dma_start3A_158 = tpu.memref_slice %arg17[%dma_start3A, %dma_start3A_157] : memref<128x128xf32, #tpu.memory_space<vmem>> -> memref<104x128xf32, #tpu.memory_space<vmem>>
      %dma_start3A_159 = arith.constant 0 : i32
      %dma_start3A_160 = tpu.memref_slice %arg20[%add3A_104, %dma_start3A_159] : memref<10000x128xf32, #tpu.memory_space<vmem_shared>> -> memref<104x128xf32, #tpu.memory_space<vmem_shared>>
      %dma_start3A_161 = arith.constant 0 : i32
      %dma_start3A_162 = tpu.memref_slice %arg20[%add3A_104, %dma_start3A_161] : memref<10000x128xf32, #tpu.memory_space<vmem_shared>> -> memref<104x128xf32, #tpu.memory_space<vmem_shared>>
      %dma_start3A_163 = arith.constant 0 : i32
      %dma_start3A_164 = arith.constant 0 : i32
      %dma_start3A_165 = tpu.memref_slice %arg17[%dma_start3A_163, %dma_start3A_164] : memref<128x128xf32, #tpu.memory_space<vmem>> -> memref<104x128xf32, #tpu.memory_space<vmem>>
      tpu.enqueue_dma source(%dma_start3A_165 : memref<104x128xf32, #tpu.memory_space<vmem>>) target(%dma_start3A_162 : memref<104x128xf32, #tpu.memory_space<vmem_shared>>) target_semaphore(%run_scoped3A_156 : memref<!tpu.dma_semaphore, #tpu.memory_space<semaphore_mem>>)
      %dma_wait3A = arith.constant 0 : i32
      %dma_wait3A_166 = arith.constant 0 : i32
      %dma_wait3A_167 = tpu.memref_slice %arg17[%dma_wait3A, %dma_wait3A_166] : memref<128x128xf32, #tpu.memory_space<vmem>> -> memref<104x128xf32, #tpu.memory_space<vmem>>
      %dma_wait3A_168 = arith.constant 0 : i32
      %dma_wait3A_169 = tpu.memref_slice %arg20[%add3A_104, %dma_wait3A_168] : memref<10000x128xf32, #tpu.memory_space<vmem_shared>> -> memref<104x128xf32, #tpu.memory_space<vmem_shared>>
      %dma_wait3A_170 = arith.constant 0 : i32
      %dma_wait3A_171 = tpu.memref_slice %arg20[%add3A_104, %dma_wait3A_170] : memref<10000x128xf32, #tpu.memory_space<vmem_shared>> -> memref<104x128xf32, #tpu.memory_space<vmem_shared>>
      %dma_wait3A_172 = arith.constant 0 : i32
      %dma_wait3A_173 = arith.constant 0 : i32
      %dma_wait3A_174 = tpu.memref_slice %arg17[%dma_wait3A_172, %dma_wait3A_173] : memref<128x128xf32, #tpu.memory_space<vmem>> -> memref<104x128xf32, #tpu.memory_space<vmem>>
      tpu.wait_dma2 semaphore(%run_scoped3A_156 : memref<!tpu.dma_semaphore, #tpu.memory_space<semaphore_mem>>) src(%dma_wait3A_174 : memref<104x128xf32, #tpu.memory_space<vmem>>) dst(%dma_wait3A_171 : memref<104x128xf32, #tpu.memory_space<vmem_shared>>)
      tpu.yield
    }) : () -> ()
    "tpu.region"() ({
      %run_scoped3A_156 = tpu.sem_alloc : memref<!tpu.dma_semaphore, #tpu.memory_space<semaphore_mem>>
      %dma_start3A = arith.constant 0 : i32
      %dma_start3A_157 = arith.constant 0 : i32
      %dma_start3A_158 = tpu.memref_slice %arg18[%dma_start3A, %dma_start3A_157] : memref<128x16xf32, #tpu.memory_space<vmem>> -> memref<104x16xf32, #tpu.memory_space<vmem>>
      %dma_start3A_159 = arith.constant 0 : i32
      %dma_start3A_160 = tpu.memref_slice %arg21[%add3A_104, %dma_start3A_159] : memref<10000x16xf32, #tpu.memory_space<vmem_shared>> -> memref<104x16xf32, #tpu.memory_space<vmem_shared>>
      %dma_start3A_161 = arith.constant 0 : i32
      %dma_start3A_162 = tpu.memref_slice %arg21[%add3A_104, %dma_start3A_161] : memref<10000x16xf32, #tpu.memory_space<vmem_shared>> -> memref<104x16xf32, #tpu.memory_space<vmem_shared>>
      %dma_start3A_163 = arith.constant 0 : i32
      %dma_start3A_164 = arith.constant 0 : i32
      %dma_start3A_165 = tpu.memref_slice %arg18[%dma_start3A_163, %dma_start3A_164] : memref<128x16xf32, #tpu.memory_space<vmem>> -> memref<104x16xf32, #tpu.memory_space<vmem>>
      tpu.enqueue_dma source(%dma_start3A_165 : memref<104x16xf32, #tpu.memory_space<vmem>>) target(%dma_start3A_162 : memref<104x16xf32, #tpu.memory_space<vmem_shared>>) target_semaphore(%run_scoped3A_156 : memref<!tpu.dma_semaphore, #tpu.memory_space<semaphore_mem>>)
      %dma_wait3A = arith.constant 0 : i32
      %dma_wait3A_166 = arith.constant 0 : i32
      %dma_wait3A_167 = tpu.memref_slice %arg18[%dma_wait3A, %dma_wait3A_166] : memref<128x16xf32, #tpu.memory_space<vmem>> -> memref<104x16xf32, #tpu.memory_space<vmem>>
      %dma_wait3A_168 = arith.constant 0 : i32
      %dma_wait3A_169 = tpu.memref_slice %arg21[%add3A_104, %dma_wait3A_168] : memref<10000x16xf32, #tpu.memory_space<vmem_shared>> -> memref<104x16xf32, #tpu.memory_space<vmem_shared>>
      %dma_wait3A_170 = arith.constant 0 : i32
      %dma_wait3A_171 = tpu.memref_slice %arg21[%add3A_104, %dma_wait3A_170] : memref<10000x16xf32, #tpu.memory_space<vmem_shared>> -> memref<104x16xf32, #tpu.memory_space<vmem_shared>>
      %dma_wait3A_172 = arith.constant 0 : i32
      %dma_wait3A_173 = arith.constant 0 : i32
      %dma_wait3A_174 = tpu.memref_slice %arg18[%dma_wait3A_172, %dma_wait3A_173] : memref<128x16xf32, #tpu.memory_space<vmem>> -> memref<104x16xf32, #tpu.memory_space<vmem>>
      tpu.wait_dma2 semaphore(%run_scoped3A_156 : memref<!tpu.dma_semaphore, #tpu.memory_space<semaphore_mem>>) src(%dma_wait3A_174 : memref<104x16xf32, #tpu.memory_space<vmem>>) dst(%dma_wait3A_171 : memref<104x16xf32, #tpu.memory_space<vmem_shared>>)
      tpu.yield
    }) : () -> ()
    %mul3A_105 = arith.constant 624 : i32
    %mul3A_106 = arith.muli %arg1, %mul3A_105 : i32
    %add3A_107 = arith.constant 416 : i32
    %add3A_108 = arith.addi %mul3A_106, %add3A_107 : i32
    "tpu.region"() ({
      %run_scoped3A_156 = tpu.sem_alloc : memref<!tpu.dma_semaphore, #tpu.memory_space<semaphore_mem>>
      %dma_start3A = arith.constant 0 : i32
      %dma_start3A_157 = arith.constant 0 : i32
      %dma_start3A_158 = tpu.memref_slice %arg17[%dma_start3A, %dma_start3A_157] : memref<128x128xf32, #tpu.memory_space<vmem>> -> memref<104x128xf32, #tpu.memory_space<vmem>>
      %dma_start3A_159 = arith.constant 0 : i32
      %dma_start3A_160 = tpu.memref_slice %arg20[%add3A_108, %dma_start3A_159] : memref<10000x128xf32, #tpu.memory_space<vmem_shared>> -> memref<104x128xf32, #tpu.memory_space<vmem_shared>>
      %dma_start3A_161 = arith.constant 0 : i32
      %dma_start3A_162 = tpu.memref_slice %arg20[%add3A_108, %dma_start3A_161] : memref<10000x128xf32, #tpu.memory_space<vmem_shared>> -> memref<104x128xf32, #tpu.memory_space<vmem_shared>>
      %dma_start3A_163 = arith.constant 0 : i32
      %dma_start3A_164 = arith.constant 0 : i32
      %dma_start3A_165 = tpu.memref_slice %arg17[%dma_start3A_163, %dma_start3A_164] : memref<128x128xf32, #tpu.memory_space<vmem>> -> memref<104x128xf32, #tpu.memory_space<vmem>>
      tpu.enqueue_dma source(%dma_start3A_165 : memref<104x128xf32, #tpu.memory_space<vmem>>) target(%dma_start3A_162 : memref<104x128xf32, #tpu.memory_space<vmem_shared>>) target_semaphore(%run_scoped3A_156 : memref<!tpu.dma_semaphore, #tpu.memory_space<semaphore_mem>>)
      %dma_wait3A = arith.constant 0 : i32
      %dma_wait3A_166 = arith.constant 0 : i32
      %dma_wait3A_167 = tpu.memref_slice %arg17[%dma_wait3A, %dma_wait3A_166] : memref<128x128xf32, #tpu.memory_space<vmem>> -> memref<104x128xf32, #tpu.memory_space<vmem>>
      %dma_wait3A_168 = arith.constant 0 : i32
      %dma_wait3A_169 = tpu.memref_slice %arg20[%add3A_108, %dma_wait3A_168] : memref<10000x128xf32, #tpu.memory_space<vmem_shared>> -> memref<104x128xf32, #tpu.memory_space<vmem_shared>>
      %dma_wait3A_170 = arith.constant 0 : i32
      %dma_wait3A_171 = tpu.memref_slice %arg20[%add3A_108, %dma_wait3A_170] : memref<10000x128xf32, #tpu.memory_space<vmem_shared>> -> memref<104x128xf32, #tpu.memory_space<vmem_shared>>
      %dma_wait3A_172 = arith.constant 0 : i32
      %dma_wait3A_173 = arith.constant 0 : i32
      %dma_wait3A_174 = tpu.memref_slice %arg17[%dma_wait3A_172, %dma_wait3A_173] : memref<128x128xf32, #tpu.memory_space<vmem>> -> memref<104x128xf32, #tpu.memory_space<vmem>>
      tpu.wait_dma2 semaphore(%run_scoped3A_156 : memref<!tpu.dma_semaphore, #tpu.memory_space<semaphore_mem>>) src(%dma_wait3A_174 : memref<104x128xf32, #tpu.memory_space<vmem>>) dst(%dma_wait3A_171 : memref<104x128xf32, #tpu.memory_space<vmem_shared>>)
      tpu.yield
    }) : () -> ()
    "tpu.region"() ({
      %run_scoped3A_156 = tpu.sem_alloc : memref<!tpu.dma_semaphore, #tpu.memory_space<semaphore_mem>>
      %dma_start3A = arith.constant 0 : i32
      %dma_start3A_157 = arith.constant 0 : i32
      %dma_start3A_158 = tpu.memref_slice %arg18[%dma_start3A, %dma_start3A_157] : memref<128x16xf32, #tpu.memory_space<vmem>> -> memref<104x16xf32, #tpu.memory_space<vmem>>
      %dma_start3A_159 = arith.constant 0 : i32
      %dma_start3A_160 = tpu.memref_slice %arg21[%add3A_108, %dma_start3A_159] : memref<10000x16xf32, #tpu.memory_space<vmem_shared>> -> memref<104x16xf32, #tpu.memory_space<vmem_shared>>
      %dma_start3A_161 = arith.constant 0 : i32
      %dma_start3A_162 = tpu.memref_slice %arg21[%add3A_108, %dma_start3A_161] : memref<10000x16xf32, #tpu.memory_space<vmem_shared>> -> memref<104x16xf32, #tpu.memory_space<vmem_shared>>
      %dma_start3A_163 = arith.constant 0 : i32
      %dma_start3A_164 = arith.constant 0 : i32
      %dma_start3A_165 = tpu.memref_slice %arg18[%dma_start3A_163, %dma_start3A_164] : memref<128x16xf32, #tpu.memory_space<vmem>> -> memref<104x16xf32, #tpu.memory_space<vmem>>
      tpu.enqueue_dma source(%dma_start3A_165 : memref<104x16xf32, #tpu.memory_space<vmem>>) target(%dma_start3A_162 : memref<104x16xf32, #tpu.memory_space<vmem_shared>>) target_semaphore(%run_scoped3A_156 : memref<!tpu.dma_semaphore, #tpu.memory_space<semaphore_mem>>)
      %dma_wait3A = arith.constant 0 : i32
      %dma_wait3A_166 = arith.constant 0 : i32
      %dma_wait3A_167 = tpu.memref_slice %arg18[%dma_wait3A, %dma_wait3A_166] : memref<128x16xf32, #tpu.memory_space<vmem>> -> memref<104x16xf32, #tpu.memory_space<vmem>>
      %dma_wait3A_168 = arith.constant 0 : i32
      %dma_wait3A_169 = tpu.memref_slice %arg21[%add3A_108, %dma_wait3A_168] : memref<10000x16xf32, #tpu.memory_space<vmem_shared>> -> memref<104x16xf32, #tpu.memory_space<vmem_shared>>
      %dma_wait3A_170 = arith.constant 0 : i32
      %dma_wait3A_171 = tpu.memref_slice %arg21[%add3A_108, %dma_wait3A_170] : memref<10000x16xf32, #tpu.memory_space<vmem_shared>> -> memref<104x16xf32, #tpu.memory_space<vmem_shared>>
      %dma_wait3A_172 = arith.constant 0 : i32
      %dma_wait3A_173 = arith.constant 0 : i32
      %dma_wait3A_174 = tpu.memref_slice %arg18[%dma_wait3A_172, %dma_wait3A_173] : memref<128x16xf32, #tpu.memory_space<vmem>> -> memref<104x16xf32, #tpu.memory_space<vmem>>
      tpu.wait_dma2 semaphore(%run_scoped3A_156 : memref<!tpu.dma_semaphore, #tpu.memory_space<semaphore_mem>>) src(%dma_wait3A_174 : memref<104x16xf32, #tpu.memory_space<vmem>>) dst(%dma_wait3A_171 : memref<104x16xf32, #tpu.memory_space<vmem_shared>>)
      tpu.yield
    }) : () -> ()
    %mul3A_109 = arith.constant 624 : i32
    %mul3A_110 = arith.muli %arg1, %mul3A_109 : i32
    %add3A_111 = arith.constant 520 : i32
    %add3A_112 = arith.addi %mul3A_110, %add3A_111 : i32
    "tpu.region"() ({
      %run_scoped3A_156 = tpu.sem_alloc : memref<!tpu.dma_semaphore, #tpu.memory_space<semaphore_mem>>
      %dma_start3A = arith.constant 0 : i32
      %dma_start3A_157 = arith.constant 0 : i32
      %dma_start3A_158 = tpu.memref_slice %arg17[%dma_start3A, %dma_start3A_157] : memref<128x128xf32, #tpu.memory_space<vmem>> -> memref<104x128xf32, #tpu.memory_space<vmem>>
      %dma_start3A_159 = arith.constant 0 : i32
      %dma_start3A_160 = tpu.memref_slice %arg20[%add3A_112, %dma_start3A_159] : memref<10000x128xf32, #tpu.memory_space<vmem_shared>> -> memref<104x128xf32, #tpu.memory_space<vmem_shared>>
      %dma_start3A_161 = arith.constant 0 : i32
      %dma_start3A_162 = tpu.memref_slice %arg20[%add3A_112, %dma_start3A_161] : memref<10000x128xf32, #tpu.memory_space<vmem_shared>> -> memref<104x128xf32, #tpu.memory_space<vmem_shared>>
      %dma_start3A_163 = arith.constant 0 : i32
      %dma_start3A_164 = arith.constant 0 : i32
      %dma_start3A_165 = tpu.memref_slice %arg17[%dma_start3A_163, %dma_start3A_164] : memref<128x128xf32, #tpu.memory_space<vmem>> -> memref<104x128xf32, #tpu.memory_space<vmem>>
      tpu.enqueue_dma source(%dma_start3A_165 : memref<104x128xf32, #tpu.memory_space<vmem>>) target(%dma_start3A_162 : memref<104x128xf32, #tpu.memory_space<vmem_shared>>) target_semaphore(%run_scoped3A_156 : memref<!tpu.dma_semaphore, #tpu.memory_space<semaphore_mem>>)
      %dma_wait3A = arith.constant 0 : i32
      %dma_wait3A_166 = arith.constant 0 : i32
      %dma_wait3A_167 = tpu.memref_slice %arg17[%dma_wait3A, %dma_wait3A_166] : memref<128x128xf32, #tpu.memory_space<vmem>> -> memref<104x128xf32, #tpu.memory_space<vmem>>
      %dma_wait3A_168 = arith.constant 0 : i32
      %dma_wait3A_169 = tpu.memref_slice %arg20[%add3A_112, %dma_wait3A_168] : memref<10000x128xf32, #tpu.memory_space<vmem_shared>> -> memref<104x128xf32, #tpu.memory_space<vmem_shared>>
      %dma_wait3A_170 = arith.constant 0 : i32
      %dma_wait3A_171 = tpu.memref_slice %arg20[%add3A_112, %dma_wait3A_170] : memref<10000x128xf32, #tpu.memory_space<vmem_shared>> -> memref<104x128xf32, #tpu.memory_space<vmem_shared>>
      %dma_wait3A_172 = arith.constant 0 : i32
      %dma_wait3A_173 = arith.constant 0 : i32
      %dma_wait3A_174 = tpu.memref_slice %arg17[%dma_wait3A_172, %dma_wait3A_173] : memref<128x128xf32, #tpu.memory_space<vmem>> -> memref<104x128xf32, #tpu.memory_space<vmem>>
      tpu.wait_dma2 semaphore(%run_scoped3A_156 : memref<!tpu.dma_semaphore, #tpu.memory_space<semaphore_mem>>) src(%dma_wait3A_174 : memref<104x128xf32, #tpu.memory_space<vmem>>) dst(%dma_wait3A_171 : memref<104x128xf32, #tpu.memory_space<vmem_shared>>)
      tpu.yield
    }) : () -> ()
    "tpu.region"() ({
      %run_scoped3A_156 = tpu.sem_alloc : memref<!tpu.dma_semaphore, #tpu.memory_space<semaphore_mem>>
      %dma_start3A = arith.constant 0 : i32
      %dma_start3A_157 = arith.constant 0 : i32
      %dma_start3A_158 = tpu.memref_slice %arg18[%dma_start3A, %dma_start3A_157] : memref<128x16xf32, #tpu.memory_space<vmem>> -> memref<104x16xf32, #tpu.memory_space<vmem>>
      %dma_start3A_159 = arith.constant 0 : i32
      %dma_start3A_160 = tpu.memref_slice %arg21[%add3A_112, %dma_start3A_159] : memref<10000x16xf32, #tpu.memory_space<vmem_shared>> -> memref<104x16xf32, #tpu.memory_space<vmem_shared>>
      %dma_start3A_161 = arith.constant 0 : i32
      %dma_start3A_162 = tpu.memref_slice %arg21[%add3A_112, %dma_start3A_161] : memref<10000x16xf32, #tpu.memory_space<vmem_shared>> -> memref<104x16xf32, #tpu.memory_space<vmem_shared>>
      %dma_start3A_163 = arith.constant 0 : i32
      %dma_start3A_164 = arith.constant 0 : i32
      %dma_start3A_165 = tpu.memref_slice %arg18[%dma_start3A_163, %dma_start3A_164] : memref<128x16xf32, #tpu.memory_space<vmem>> -> memref<104x16xf32, #tpu.memory_space<vmem>>
      tpu.enqueue_dma source(%dma_start3A_165 : memref<104x16xf32, #tpu.memory_space<vmem>>) target(%dma_start3A_162 : memref<104x16xf32, #tpu.memory_space<vmem_shared>>) target_semaphore(%run_scoped3A_156 : memref<!tpu.dma_semaphore, #tpu.memory_space<semaphore_mem>>)
      %dma_wait3A = arith.constant 0 : i32
      %dma_wait3A_166 = arith.constant 0 : i32
      %dma_wait3A_167 = tpu.memref_slice %arg18[%dma_wait3A, %dma_wait3A_166] : memref<128x16xf32, #tpu.memory_space<vmem>> -> memref<104x16xf32, #tpu.memory_space<vmem>>
      %dma_wait3A_168 = arith.constant 0 : i32
      %dma_wait3A_169 = tpu.memref_slice %arg21[%add3A_112, %dma_wait3A_168] : memref<10000x16xf32, #tpu.memory_space<vmem_shared>> -> memref<104x16xf32, #tpu.memory_space<vmem_shared>>
      %dma_wait3A_170 = arith.constant 0 : i32
      %dma_wait3A_171 = tpu.memref_slice %arg21[%add3A_112, %dma_wait3A_170] : memref<10000x16xf32, #tpu.memory_space<vmem_shared>> -> memref<104x16xf32, #tpu.memory_space<vmem_shared>>
      %dma_wait3A_172 = arith.constant 0 : i32
      %dma_wait3A_173 = arith.constant 0 : i32
      %dma_wait3A_174 = tpu.memref_slice %arg18[%dma_wait3A_172, %dma_wait3A_173] : memref<128x16xf32, #tpu.memory_space<vmem>> -> memref<104x16xf32, #tpu.memory_space<vmem>>
      tpu.wait_dma2 semaphore(%run_scoped3A_156 : memref<!tpu.dma_semaphore, #tpu.memory_space<semaphore_mem>>) src(%dma_wait3A_174 : memref<104x16xf32, #tpu.memory_space<vmem>>) dst(%dma_wait3A_171 : memref<104x16xf32, #tpu.memory_space<vmem_shared>>)
      tpu.yield
    }) : () -> ()
    %eq3A_113 = arith.constant 15 : i32
    %eq3A_114 = arith.cmpi eq, %arg1, %eq3A_113 : i32
    %convert_element_type3A_115 = arith.extui %eq3A_114 : i1 to i32
    %cond3A_116 = arith.constant 0 : i32
    %cond3A_117 = arith.cmpi ne, %convert_element_type3A_115, %cond3A_116 : i32
    scf.if %cond3A_117 {
      "tpu.region"() ({
        %run_scoped3A_156 = tpu.sem_alloc : memref<!tpu.dma_semaphore, #tpu.memory_space<semaphore_mem>>
        %dma_start3A = arith.constant 0 : i32
        %dma_start3A_157 = arith.constant 0 : i32
        %dma_start3A_158 = tpu.memref_slice %arg17[%dma_start3A, %dma_start3A_157] : memref<128x128xf32, #tpu.memory_space<vmem>> -> memref<16x128xf32, #tpu.memory_space<vmem>>
        %dma_start3A_159 = arith.constant 9984 : i32
        %dma_start3A_160 = arith.constant 0 : i32
        %dma_start3A_161 = tpu.memref_slice %arg20[%dma_start3A_159, %dma_start3A_160] : memref<10000x128xf32, #tpu.memory_space<vmem_shared>> -> memref<16x128xf32, #tpu.memory_space<vmem_shared>>
        %dma_start3A_162 = arith.constant 9984 : i32
        %dma_start3A_163 = arith.constant 0 : i32
        %dma_start3A_164 = tpu.memref_slice %arg20[%dma_start3A_162, %dma_start3A_163] : memref<10000x128xf32, #tpu.memory_space<vmem_shared>> -> memref<16x128xf32, #tpu.memory_space<vmem_shared>>
        %dma_start3A_165 = arith.constant 0 : i32
        %dma_start3A_166 = arith.constant 0 : i32
        %dma_start3A_167 = tpu.memref_slice %arg17[%dma_start3A_165, %dma_start3A_166] : memref<128x128xf32, #tpu.memory_space<vmem>> -> memref<16x128xf32, #tpu.memory_space<vmem>>
        tpu.enqueue_dma source(%dma_start3A_167 : memref<16x128xf32, #tpu.memory_space<vmem>>) target(%dma_start3A_164 : memref<16x128xf32, #tpu.memory_space<vmem_shared>>) target_semaphore(%run_scoped3A_156 : memref<!tpu.dma_semaphore, #tpu.memory_space<semaphore_mem>>)
        %dma_wait3A = arith.constant 0 : i32
        %dma_wait3A_168 = arith.constant 0 : i32
        %dma_wait3A_169 = tpu.memref_slice %arg17[%dma_wait3A, %dma_wait3A_168] : memref<128x128xf32, #tpu.memory_space<vmem>> -> memref<16x128xf32, #tpu.memory_space<vmem>>
        %dma_wait3A_170 = arith.constant 9984 : i32
        %dma_wait3A_171 = arith.constant 0 : i32
        %dma_wait3A_172 = tpu.memref_slice %arg20[%dma_wait3A_170, %dma_wait3A_171] : memref<10000x128xf32, #tpu.memory_space<vmem_shared>> -> memref<16x128xf32, #tpu.memory_space<vmem_shared>>
        %dma_wait3A_173 = arith.constant 9984 : i32
        %dma_wait3A_174 = arith.constant 0 : i32
        %dma_wait3A_175 = tpu.memref_slice %arg20[%dma_wait3A_173, %dma_wait3A_174] : memref<10000x128xf32, #tpu.memory_space<vmem_shared>> -> memref<16x128xf32, #tpu.memory_space<vmem_shared>>
        %dma_wait3A_176 = arith.constant 0 : i32
        %dma_wait3A_177 = arith.constant 0 : i32
        %dma_wait3A_178 = tpu.memref_slice %arg17[%dma_wait3A_176, %dma_wait3A_177] : memref<128x128xf32, #tpu.memory_space<vmem>> -> memref<16x128xf32, #tpu.memory_space<vmem>>
        tpu.wait_dma2 semaphore(%run_scoped3A_156 : memref<!tpu.dma_semaphore, #tpu.memory_space<semaphore_mem>>) src(%dma_wait3A_178 : memref<16x128xf32, #tpu.memory_space<vmem>>) dst(%dma_wait3A_175 : memref<16x128xf32, #tpu.memory_space<vmem_shared>>)
        tpu.yield
      }) : () -> ()
      "tpu.region"() ({
        %run_scoped3A_156 = tpu.sem_alloc : memref<!tpu.dma_semaphore, #tpu.memory_space<semaphore_mem>>
        %dma_start3A = arith.constant 0 : i32
        %dma_start3A_157 = arith.constant 0 : i32
        %dma_start3A_158 = tpu.memref_slice %arg18[%dma_start3A, %dma_start3A_157] : memref<128x16xf32, #tpu.memory_space<vmem>> -> memref<16x16xf32, #tpu.memory_space<vmem>>
        %dma_start3A_159 = arith.constant 9984 : i32
        %dma_start3A_160 = arith.constant 0 : i32
        %dma_start3A_161 = tpu.memref_slice %arg21[%dma_start3A_159, %dma_start3A_160] : memref<10000x16xf32, #tpu.memory_space<vmem_shared>> -> memref<16x16xf32, #tpu.memory_space<vmem_shared>>
        %dma_start3A_162 = arith.constant 9984 : i32
        %dma_start3A_163 = arith.constant 0 : i32
        %dma_start3A_164 = tpu.memref_slice %arg21[%dma_start3A_162, %dma_start3A_163] : memref<10000x16xf32, #tpu.memory_space<vmem_shared>> -> memref<16x16xf32, #tpu.memory_space<vmem_shared>>
        %dma_start3A_165 = arith.constant 0 : i32
        %dma_start3A_166 = arith.constant 0 : i32
        %dma_start3A_167 = tpu.memref_slice %arg18[%dma_start3A_165, %dma_start3A_166] : memref<128x16xf32, #tpu.memory_space<vmem>> -> memref<16x16xf32, #tpu.memory_space<vmem>>
        tpu.enqueue_dma source(%dma_start3A_167 : memref<16x16xf32, #tpu.memory_space<vmem>>) target(%dma_start3A_164 : memref<16x16xf32, #tpu.memory_space<vmem_shared>>) target_semaphore(%run_scoped3A_156 : memref<!tpu.dma_semaphore, #tpu.memory_space<semaphore_mem>>)
        %dma_wait3A = arith.constant 0 : i32
        %dma_wait3A_168 = arith.constant 0 : i32
        %dma_wait3A_169 = tpu.memref_slice %arg18[%dma_wait3A, %dma_wait3A_168] : memref<128x16xf32, #tpu.memory_space<vmem>> -> memref<16x16xf32, #tpu.memory_space<vmem>>
        %dma_wait3A_170 = arith.constant 9984 : i32
        %dma_wait3A_171 = arith.constant 0 : i32
        %dma_wait3A_172 = tpu.memref_slice %arg21[%dma_wait3A_170, %dma_wait3A_171] : memref<10000x16xf32, #tpu.memory_space<vmem_shared>> -> memref<16x16xf32, #tpu.memory_space<vmem_shared>>
        %dma_wait3A_173 = arith.constant 9984 : i32
        %dma_wait3A_174 = arith.constant 0 : i32
        %dma_wait3A_175 = tpu.memref_slice %arg21[%dma_wait3A_173, %dma_wait3A_174] : memref<10000x16xf32, #tpu.memory_space<vmem_shared>> -> memref<16x16xf32, #tpu.memory_space<vmem_shared>>
        %dma_wait3A_176 = arith.constant 0 : i32
        %dma_wait3A_177 = arith.constant 0 : i32
        %dma_wait3A_178 = tpu.memref_slice %arg18[%dma_wait3A_176, %dma_wait3A_177] : memref<128x16xf32, #tpu.memory_space<vmem>> -> memref<16x16xf32, #tpu.memory_space<vmem>>
        tpu.wait_dma2 semaphore(%run_scoped3A_156 : memref<!tpu.dma_semaphore, #tpu.memory_space<semaphore_mem>>) src(%dma_wait3A_178 : memref<16x16xf32, #tpu.memory_space<vmem>>) dst(%dma_wait3A_175 : memref<16x16xf32, #tpu.memory_space<vmem_shared>>)
        tpu.yield
      }) : () -> ()
    } else {
    }
    %barrier3A_118 = arith.constant 0 : index
    tpu.barrier barrier_id(%barrier3A_118)
    %run_scoped3A_119 = arith.constant 2 : i32
    "tpu.region"() ({
      %run_scoped3A_156 = tpu.sem_alloc : memref<!tpu.dma_semaphore, #tpu.memory_space<semaphore_mem>>
      %dma_start3A = arith.constant 0 : i32
      %dma_start3A_157 = tpu.memref_slice %arg2[%run_scoped3A_119, %dma_start3A] : memref<4x10000xf32, #tpu.memory_space<hbm>> -> memref<1x10000xf32, #tpu.memory_space<hbm>>
      %dma_start3A_158 = tpu.memref_squeeze %dma_start3A_157 : memref<1x10000xf32, #tpu.memory_space<hbm>> -> memref<10000xf32, #tpu.memory_space<hbm>>
      %dma_start3A_159 = arith.constant 0 : i32
      %dma_start3A_160 = tpu.memref_slice %arg2[%run_scoped3A_119, %dma_start3A_159] : memref<4x10000xf32, #tpu.memory_space<hbm>> -> memref<1x10000xf32, #tpu.memory_space<hbm>>
      %dma_start3A_161 = tpu.memref_squeeze %dma_start3A_160 : memref<1x10000xf32, #tpu.memory_space<hbm>> -> memref<10000xf32, #tpu.memory_space<hbm>>
      tpu.enqueue_dma source(%dma_start3A_161 : memref<10000xf32, #tpu.memory_space<hbm>>) target(%arg13 : memref<10000xf32, #tpu.memory_space<vmem>>) target_semaphore(%run_scoped3A_156 : memref<!tpu.dma_semaphore, #tpu.memory_space<semaphore_mem>>)
      %dma_wait3A = arith.constant 0 : i32
      %dma_wait3A_162 = tpu.memref_slice %arg2[%run_scoped3A_119, %dma_wait3A] : memref<4x10000xf32, #tpu.memory_space<hbm>> -> memref<1x10000xf32, #tpu.memory_space<hbm>>
      %dma_wait3A_163 = tpu.memref_squeeze %dma_wait3A_162 : memref<1x10000xf32, #tpu.memory_space<hbm>> -> memref<10000xf32, #tpu.memory_space<hbm>>
      %dma_wait3A_164 = arith.constant 0 : i32
      %dma_wait3A_165 = tpu.memref_slice %arg2[%run_scoped3A_119, %dma_wait3A_164] : memref<4x10000xf32, #tpu.memory_space<hbm>> -> memref<1x10000xf32, #tpu.memory_space<hbm>>
      %dma_wait3A_166 = tpu.memref_squeeze %dma_wait3A_165 : memref<1x10000xf32, #tpu.memory_space<hbm>> -> memref<10000xf32, #tpu.memory_space<hbm>>
      tpu.wait_dma2 semaphore(%run_scoped3A_156 : memref<!tpu.dma_semaphore, #tpu.memory_space<semaphore_mem>>) src(%dma_wait3A_166 : memref<10000xf32, #tpu.memory_space<hbm>>) dst(%arg13 : memref<10000xf32, #tpu.memory_space<vmem>>)
      tpu.yield
    }) : () -> ()
    %run_scoped3A_120 = arith.constant 3 : i32
    "tpu.region"() ({
      %run_scoped3A_156 = tpu.sem_alloc : memref<!tpu.dma_semaphore, #tpu.memory_space<semaphore_mem>>
      %dma_start3A = arith.constant 0 : i32
      %dma_start3A_157 = tpu.memref_slice %arg2[%run_scoped3A_120, %dma_start3A] : memref<4x10000xf32, #tpu.memory_space<hbm>> -> memref<1x10000xf32, #tpu.memory_space<hbm>>
      %dma_start3A_158 = tpu.memref_squeeze %dma_start3A_157 : memref<1x10000xf32, #tpu.memory_space<hbm>> -> memref<10000xf32, #tpu.memory_space<hbm>>
      %dma_start3A_159 = arith.constant 0 : i32
      %dma_start3A_160 = tpu.memref_slice %arg2[%run_scoped3A_120, %dma_start3A_159] : memref<4x10000xf32, #tpu.memory_space<hbm>> -> memref<1x10000xf32, #tpu.memory_space<hbm>>
      %dma_start3A_161 = tpu.memref_squeeze %dma_start3A_160 : memref<1x10000xf32, #tpu.memory_space<hbm>> -> memref<10000xf32, #tpu.memory_space<hbm>>
      tpu.enqueue_dma source(%dma_start3A_161 : memref<10000xf32, #tpu.memory_space<hbm>>) target(%arg14 : memref<10000xf32, #tpu.memory_space<vmem>>) target_semaphore(%run_scoped3A_156 : memref<!tpu.dma_semaphore, #tpu.memory_space<semaphore_mem>>)
      %dma_wait3A = arith.constant 0 : i32
      %dma_wait3A_162 = tpu.memref_slice %arg2[%run_scoped3A_120, %dma_wait3A] : memref<4x10000xf32, #tpu.memory_space<hbm>> -> memref<1x10000xf32, #tpu.memory_space<hbm>>
      %dma_wait3A_163 = tpu.memref_squeeze %dma_wait3A_162 : memref<1x10000xf32, #tpu.memory_space<hbm>> -> memref<10000xf32, #tpu.memory_space<hbm>>
      %dma_wait3A_164 = arith.constant 0 : i32
      %dma_wait3A_165 = tpu.memref_slice %arg2[%run_scoped3A_120, %dma_wait3A_164] : memref<4x10000xf32, #tpu.memory_space<hbm>> -> memref<1x10000xf32, #tpu.memory_space<hbm>>
      %dma_wait3A_166 = tpu.memref_squeeze %dma_wait3A_165 : memref<1x10000xf32, #tpu.memory_space<hbm>> -> memref<10000xf32, #tpu.memory_space<hbm>>
      tpu.wait_dma2 semaphore(%run_scoped3A_156 : memref<!tpu.dma_semaphore, #tpu.memory_space<semaphore_mem>>) src(%dma_wait3A_166 : memref<10000xf32, #tpu.memory_space<hbm>>) dst(%arg14 : memref<10000xf32, #tpu.memory_space<vmem>>)
      tpu.yield
    }) : () -> ()
    %scan3A_121 = arith.constant 0 : i32
    %scan3A_122 = arith.constant 20 : i32
    %scan3A_123 = arith.addi %scan3A_121, %scan3A_122 : i32
    %scan3A_124 = arith.constant 1 : i32
    scf.for %scan3A_156 = %scan3A_121 to %scan3A_123 step %scan3A_124  : i32 {
      %mul3A_157 = arith.constant 1 : i32
      %mul3A_158 = arith.muli %scan3A_156, %mul3A_157 : i32
      %add3A_159 = arith.constant 0 : i32
      %add3A_160 = arith.addi %add3A_159, %mul3A_158 : i32
      %mul3A_161 = arith.constant 4 : i32
      %mul3A_162 = arith.muli %add3A_160, %mul3A_161 : i32
      %add3A_163 = arith.addi %add3A_8, %mul3A_162 : i32
      "tpu.region"() ({
        %run_scoped3A_185 = tpu.sem_alloc : memref<!tpu.dma_semaphore, #tpu.memory_space<semaphore_mem>>
        %dma_start3A = arith.constant 0 : i32
        %dma_start3A_186 = tpu.memref_slice %arg5[%add3A_163, %dma_start3A] : memref<2504x128xi32, #tpu.memory_space<hbm>> -> memref<4x128xi32, #tpu.memory_space<hbm>>
        %dma_start3A_187 = arith.constant 0 : i32
        %dma_start3A_188 = tpu.memref_slice %arg5[%add3A_163, %dma_start3A_187] : memref<2504x128xi32, #tpu.memory_space<hbm>> -> memref<4x128xi32, #tpu.memory_space<hbm>>
        tpu.enqueue_dma source(%dma_start3A_188 : memref<4x128xi32, #tpu.memory_space<hbm>>) target(%arg15 : memref<4x128xi32, #tpu.memory_space<vmem>>) target_semaphore(%run_scoped3A_185 : memref<!tpu.dma_semaphore, #tpu.memory_space<semaphore_mem>>)
        %dma_wait3A = arith.constant 0 : i32
        %dma_wait3A_189 = tpu.memref_slice %arg5[%add3A_163, %dma_wait3A] : memref<2504x128xi32, #tpu.memory_space<hbm>> -> memref<4x128xi32, #tpu.memory_space<hbm>>
        %dma_wait3A_190 = arith.constant 0 : i32
        %dma_wait3A_191 = tpu.memref_slice %arg5[%add3A_163, %dma_wait3A_190] : memref<2504x128xi32, #tpu.memory_space<hbm>> -> memref<4x128xi32, #tpu.memory_space<hbm>>
        tpu.wait_dma2 semaphore(%run_scoped3A_185 : memref<!tpu.dma_semaphore, #tpu.memory_space<semaphore_mem>>) src(%dma_wait3A_191 : memref<4x128xi32, #tpu.memory_space<hbm>>) dst(%arg15 : memref<4x128xi32, #tpu.memory_space<vmem>>)
        tpu.yield
      }) : () -> ()
      "tpu.region"() ({
        %run_scoped3A_185 = tpu.sem_alloc : memref<!tpu.dma_semaphore, #tpu.memory_space<semaphore_mem>>
        %dma_start3A = arith.constant 0 : i32
        %dma_start3A_186 = tpu.memref_slice %arg6[%add3A_163, %dma_start3A] : memref<2504x128xi32, #tpu.memory_space<hbm>> -> memref<4x128xi32, #tpu.memory_space<hbm>>
        %dma_start3A_187 = arith.constant 0 : i32
        %dma_start3A_188 = tpu.memref_slice %arg6[%add3A_163, %dma_start3A_187] : memref<2504x128xi32, #tpu.memory_space<hbm>> -> memref<4x128xi32, #tpu.memory_space<hbm>>
        tpu.enqueue_dma source(%dma_start3A_188 : memref<4x128xi32, #tpu.memory_space<hbm>>) target(%arg16 : memref<4x128xi32, #tpu.memory_space<vmem>>) target_semaphore(%run_scoped3A_185 : memref<!tpu.dma_semaphore, #tpu.memory_space<semaphore_mem>>)
        %dma_wait3A = arith.constant 0 : i32
        %dma_wait3A_189 = tpu.memref_slice %arg6[%add3A_163, %dma_wait3A] : memref<2504x128xi32, #tpu.memory_space<hbm>> -> memref<4x128xi32, #tpu.memory_space<hbm>>
        %dma_wait3A_190 = arith.constant 0 : i32
        %dma_wait3A_191 = tpu.memref_slice %arg6[%add3A_163, %dma_wait3A_190] : memref<2504x128xi32, #tpu.memory_space<hbm>> -> memref<4x128xi32, #tpu.memory_space<hbm>>
        tpu.wait_dma2 semaphore(%run_scoped3A_185 : memref<!tpu.dma_semaphore, #tpu.memory_space<semaphore_mem>>) src(%dma_wait3A_191 : memref<4x128xi32, #tpu.memory_space<hbm>>) dst(%arg16 : memref<4x128xi32, #tpu.memory_space<vmem>>)
        tpu.yield
      }) : () -> ()
      %mul3A_164 = arith.constant 4 : i32
      %mul3A_165 = arith.muli %add3A_160, %mul3A_164 : i32
      %sub3A = arith.subi %add3A_4, %mul3A_165 : i32
      %min3A_166 = arith.constant 4 : i32
      %min3A_167 = arith.minsi %sub3A, %min3A_166 : i32
      %sub3A_168 = arith.constant 0 : i32
      %sub3A_169 = arith.subi %min3A_167, %sub3A_168 : i32
      %sub3A_170 = arith.constant 1 : i32
      %sub3A_171 = arith.constant 1 : i32
      %sub3A_172 = arith.subi %sub3A_170, %sub3A_171 : i32
      %add3A_173 = arith.addi %sub3A_169, %sub3A_172 : i32
      %div3A = arith.constant 1 : i32
      %div3A_174 = arith.divsi %add3A_173, %div3A : i32
      %while3A = arith.constant 1 : i32
      %while3A_175 = arith.constant 0 : i32
      %while3A_176 = arith.constant 0 : i32
      %while3A_177 = arith.subi %div3A_174, %while3A_176 : i32
      %while3A_178 = arith.addi %while3A_176, %while3A_177 : i32
      %while3A_179 = arith.constant 1 : i32
      %while3A_180 = arith.divsi %while3A_177, %while3A_179 : i32
      %while3A_181 = arith.muli %while3A_180, %while3A_179 : i32
      %while3A_182 = arith.addi %while3A_176, %while3A_181 : i32
      %while3A_183 = arith.constant 1 : i32
      scf.for %while3A_185 = %while3A_176 to %while3A_182 step %while3A_183  : i32 {
        %mul3A_186 = arith.muli %while3A_185, %while3A : i32
        %add3A_187 = arith.addi %while3A_175, %mul3A_186 : i32
        %dma_start3A = arith.constant 0 : i32
        %dma_start3A_188 = tpu.memref_slice %arg15[%add3A_187, %dma_start3A] : memref<4x128xi32, #tpu.memory_space<vmem>> -> memref<1x128xi32, #tpu.memory_space<vmem>>
        %dma_start3A_189 = tpu.memref_squeeze %dma_start3A_188 : memref<1x128xi32, #tpu.memory_space<vmem>> -> memref<128xi32, #tpu.memory_space<vmem>>
        %dma_start3A_190 = arith.constant 0 : i32
        %dma_start3A_191 = arith.constant 0 : i32
        %dma_start3A_192 = tpu.memref_slice %arg8[%dma_start3A_190, %dma_start3A_191] : memref<10000x128xf32, #tpu.memory_space<hbm>> -> memref<10000x128xf32, #tpu.memory_space<hbm>>
        tpu.enqueue_indirect_dma source(%dma_start3A_192 : memref<10000x128xf32, #tpu.memory_space<hbm>>) target(%arg17 : memref<128x128xf32, #tpu.memory_space<vmem>>) offsets(%dma_start3A_189 : memref<128xi32, #tpu.memory_space<vmem>>) semaphore(%arg22 : memref<!tpu.dma_semaphore, #tpu.memory_space<semaphore_mem>>)
        %dma_wait3A = arith.constant 0 : i32
        %dma_wait3A_193 = tpu.memref_slice %arg15[%add3A_187, %dma_wait3A] : memref<4x128xi32, #tpu.memory_space<vmem>> -> memref<1x128xi32, #tpu.memory_space<vmem>>
        %dma_wait3A_194 = tpu.memref_squeeze %dma_wait3A_193 : memref<1x128xi32, #tpu.memory_space<vmem>> -> memref<128xi32, #tpu.memory_space<vmem>>
        %dma_wait3A_195 = arith.constant 0 : i32
        %dma_wait3A_196 = arith.constant 0 : i32
        %dma_wait3A_197 = tpu.memref_slice %arg8[%dma_wait3A_195, %dma_wait3A_196] : memref<10000x128xf32, #tpu.memory_space<hbm>> -> memref<10000x128xf32, #tpu.memory_space<hbm>>
        tpu.wait_indirect_dma semaphore(%arg22 : memref<!tpu.dma_semaphore, #tpu.memory_space<semaphore_mem>>) src(%dma_wait3A_197 : memref<10000x128xf32, #tpu.memory_space<hbm>>) dst(%arg17 : memref<128x128xf32, #tpu.memory_space<vmem>>)
        %get3A = arith.index_cast %add3A_187 : i32 to index
        %get3A_198 = arith.constant 0 : index
        %get3A_199 = tpu.vector_load %arg15[%get3A, %get3A_198] {strides = array<i32>} : memref<4x128xi32, #tpu.memory_space<vmem>>, vector<16xi32>,
        %get3A_200 = arith.index_cast %add3A_187 : i32 to index
        %get3A_201 = arith.constant 0 : index
        %get3A_202 = tpu.vector_load %arg16[%get3A_200, %get3A_201] {strides = array<i32>} : memref<4x128xi32, #tpu.memory_space<vmem>>, vector<16xi32>,
        %gather3A = tpu.vector_load_idx %arg13[%get3A_199] : memref<10000xf32, #tpu.memory_space<vmem>>[vector<16xi32>], vector<16xf32>,
        %gather3A_203 = tpu.vector_load_idx %arg14[%get3A_202] : memref<10000xf32, #tpu.memory_space<vmem>>[vector<16xi32>], vector<16xf32>,
        %add3A_204 = arith.addf %gather3A, %gather3A_203 : vector<16xf32>
        %ge3A = arith.constant 0.000000e+00 : f32
        %ge3A_205 = vector.broadcast %ge3A : f32 to vector<16xf32>
        %ge3A_206 = arith.cmpf oge, %add3A_204, %ge3A_205 : vector<16xf32>
        %mul3A_207 = arith.constant 0.00999999977 : f32
        %mul3A_208 = vector.broadcast %mul3A_207 : f32 to vector<16xf32>
        %mul3A_209 = arith.mulf %mul3A_208, %add3A_204 : vector<16xf32>
        %select_n3A_210 = arith.select %ge3A_206, %add3A_204, %mul3A_209 : vector<16xi1>, vector<16xf32>
        %exp3A = math.exp %select_n3A_210 : vector<16xf32>
        %swap3A = arith.constant 0 : index
        %swap3A_211 = tpu.vector_load %arg19[%swap3A] {strides = array<i32>} : memref<128xf32, #tpu.memory_space<vmem>>, vector<16xf32>,
        tpu.vector_store %arg19[%swap3A], %exp3A {strides = array<i32>} : memref<128xf32, #tpu.memory_space<vmem>>, vector<16xf32>,
        %get3A_212 = arith.index_cast %add3A_187 : i32 to index
        %get3A_213 = arith.constant 16 : index
        %get3A_214 = tpu.vector_load %arg15[%get3A_212, %get3A_213] {strides = array<i32>} : memref<4x128xi32, #tpu.memory_space<vmem>>, vector<16xi32>,
        %get3A_215 = arith.index_cast %add3A_187 : i32 to index
        %get3A_216 = arith.constant 16 : index
        %get3A_217 = tpu.vector_load %arg16[%get3A_215, %get3A_216] {strides = array<i32>} : memref<4x128xi32, #tpu.memory_space<vmem>>, vector<16xi32>,
        %gather3A_218 = tpu.vector_load_idx %arg13[%get3A_214] : memref<10000xf32, #tpu.memory_space<vmem>>[vector<16xi32>], vector<16xf32>,
        %gather3A_219 = tpu.vector_load_idx %arg14[%get3A_217] : memref<10000xf32, #tpu.memory_space<vmem>>[vector<16xi32>], vector<16xf32>,
        %add3A_220 = arith.addf %gather3A_218, %gather3A_219 : vector<16xf32>
        %ge3A_221 = arith.constant 0.000000e+00 : f32
        %ge3A_222 = vector.broadcast %ge3A_221 : f32 to vector<16xf32>
        %ge3A_223 = arith.cmpf oge, %add3A_220, %ge3A_222 : vector<16xf32>
        %mul3A_224 = arith.constant 0.00999999977 : f32
        %mul3A_225 = vector.broadcast %mul3A_224 : f32 to vector<16xf32>
        %mul3A_226 = arith.mulf %mul3A_225, %add3A_220 : vector<16xf32>
        %select_n3A_227 = arith.select %ge3A_223, %add3A_220, %mul3A_226 : vector<16xi1>, vector<16xf32>
        %exp3A_228 = math.exp %select_n3A_227 : vector<16xf32>
        %swap3A_229 = arith.constant 16 : index
        %swap3A_230 = tpu.vector_load %arg19[%swap3A_229] {strides = array<i32>} : memref<128xf32, #tpu.memory_space<vmem>>, vector<16xf32>,
        tpu.vector_store %arg19[%swap3A_229], %exp3A_228 {strides = array<i32>} : memref<128xf32, #tpu.memory_space<vmem>>, vector<16xf32>,
        %get3A_231 = arith.index_cast %add3A_187 : i32 to index
        %get3A_232 = arith.constant 32 : index
        %get3A_233 = tpu.vector_load %arg15[%get3A_231, %get3A_232] {strides = array<i32>} : memref<4x128xi32, #tpu.memory_space<vmem>>, vector<16xi32>,
        %get3A_234 = arith.index_cast %add3A_187 : i32 to index
        %get3A_235 = arith.constant 32 : index
        %get3A_236 = tpu.vector_load %arg16[%get3A_234, %get3A_235] {strides = array<i32>} : memref<4x128xi32, #tpu.memory_space<vmem>>, vector<16xi32>,
        %gather3A_237 = tpu.vector_load_idx %arg13[%get3A_233] : memref<10000xf32, #tpu.memory_space<vmem>>[vector<16xi32>], vector<16xf32>,
        %gather3A_238 = tpu.vector_load_idx %arg14[%get3A_236] : memref<10000xf32, #tpu.memory_space<vmem>>[vector<16xi32>], vector<16xf32>,
        %add3A_239 = arith.addf %gather3A_237, %gather3A_238 : vector<16xf32>
        %ge3A_240 = arith.constant 0.000000e+00 : f32
        %ge3A_241 = vector.broadcast %ge3A_240 : f32 to vector<16xf32>
        %ge3A_242 = arith.cmpf oge, %add3A_239, %ge3A_241 : vector<16xf32>
        %mul3A_243 = arith.constant 0.00999999977 : f32
        %mul3A_244 = vector.broadcast %mul3A_243 : f32 to vector<16xf32>
        %mul3A_245 = arith.mulf %mul3A_244, %add3A_239 : vector<16xf32>
        %select_n3A_246 = arith.select %ge3A_242, %add3A_239, %mul3A_245 : vector<16xi1>, vector<16xf32>
        %exp3A_247 = math.exp %select_n3A_246 : vector<16xf32>
        %swap3A_248 = arith.constant 32 : index
        %swap3A_249 = tpu.vector_load %arg19[%swap3A_248] {strides = array<i32>} : memref<128xf32, #tpu.memory_space<vmem>>, vector<16xf32>,
        tpu.vector_store %arg19[%swap3A_248], %exp3A_247 {strides = array<i32>} : memref<128xf32, #tpu.memory_space<vmem>>, vector<16xf32>,
        %get3A_250 = arith.index_cast %add3A_187 : i32 to index
        %get3A_251 = arith.constant 48 : index
        %get3A_252 = tpu.vector_load %arg15[%get3A_250, %get3A_251] {strides = array<i32>} : memref<4x128xi32, #tpu.memory_space<vmem>>, vector<16xi32>,
        %get3A_253 = arith.index_cast %add3A_187 : i32 to index
        %get3A_254 = arith.constant 48 : index
        %get3A_255 = tpu.vector_load %arg16[%get3A_253, %get3A_254] {strides = array<i32>} : memref<4x128xi32, #tpu.memory_space<vmem>>, vector<16xi32>,
        %gather3A_256 = tpu.vector_load_idx %arg13[%get3A_252] : memref<10000xf32, #tpu.memory_space<vmem>>[vector<16xi32>], vector<16xf32>,
        %gather3A_257 = tpu.vector_load_idx %arg14[%get3A_255] : memref<10000xf32, #tpu.memory_space<vmem>>[vector<16xi32>], vector<16xf32>,
        %add3A_258 = arith.addf %gather3A_256, %gather3A_257 : vector<16xf32>
        %ge3A_259 = arith.constant 0.000000e+00 : f32
        %ge3A_260 = vector.broadcast %ge3A_259 : f32 to vector<16xf32>
        %ge3A_261 = arith.cmpf oge, %add3A_258, %ge3A_260 : vector<16xf32>
        %mul3A_262 = arith.constant 0.00999999977 : f32
        %mul3A_263 = vector.broadcast %mul3A_262 : f32 to vector<16xf32>
        %mul3A_264 = arith.mulf %mul3A_263, %add3A_258 : vector<16xf32>
        %select_n3A_265 = arith.select %ge3A_261, %add3A_258, %mul3A_264 : vector<16xi1>, vector<16xf32>
        %exp3A_266 = math.exp %select_n3A_265 : vector<16xf32>
        %swap3A_267 = arith.constant 48 : index
        %swap3A_268 = tpu.vector_load %arg19[%swap3A_267] {strides = array<i32>} : memref<128xf32, #tpu.memory_space<vmem>>, vector<16xf32>,
        tpu.vector_store %arg19[%swap3A_267], %exp3A_266 {strides = array<i32>} : memref<128xf32, #tpu.memory_space<vmem>>, vector<16xf32>,
        %get3A_269 = arith.index_cast %add3A_187 : i32 to index
        %get3A_270 = arith.constant 64 : index
        %get3A_271 = tpu.vector_load %arg15[%get3A_269, %get3A_270] {strides = array<i32>} : memref<4x128xi32, #tpu.memory_space<vmem>>, vector<16xi32>,
        %get3A_272 = arith.index_cast %add3A_187 : i32 to index
        %get3A_273 = arith.constant 64 : index
        %get3A_274 = tpu.vector_load %arg16[%get3A_272, %get3A_273] {strides = array<i32>} : memref<4x128xi32, #tpu.memory_space<vmem>>, vector<16xi32>,
        %gather3A_275 = tpu.vector_load_idx %arg13[%get3A_271] : memref<10000xf32, #tpu.memory_space<vmem>>[vector<16xi32>], vector<16xf32>,
        %gather3A_276 = tpu.vector_load_idx %arg14[%get3A_274] : memref<10000xf32, #tpu.memory_space<vmem>>[vector<16xi32>], vector<16xf32>,
        %add3A_277 = arith.addf %gather3A_275, %gather3A_276 : vector<16xf32>
        %ge3A_278 = arith.constant 0.000000e+00 : f32
        %ge3A_279 = vector.broadcast %ge3A_278 : f32 to vector<16xf32>
        %ge3A_280 = arith.cmpf oge, %add3A_277, %ge3A_279 : vector<16xf32>
        %mul3A_281 = arith.constant 0.00999999977 : f32
        %mul3A_282 = vector.broadcast %mul3A_281 : f32 to vector<16xf32>
        %mul3A_283 = arith.mulf %mul3A_282, %add3A_277 : vector<16xf32>
        %select_n3A_284 = arith.select %ge3A_280, %add3A_277, %mul3A_283 : vector<16xi1>, vector<16xf32>
        %exp3A_285 = math.exp %select_n3A_284 : vector<16xf32>
        %swap3A_286 = arith.constant 64 : index
        %swap3A_287 = tpu.vector_load %arg19[%swap3A_286] {strides = array<i32>} : memref<128xf32, #tpu.memory_space<vmem>>, vector<16xf32>,
        tpu.vector_store %arg19[%swap3A_286], %exp3A_285 {strides = array<i32>} : memref<128xf32, #tpu.memory_space<vmem>>, vector<16xf32>,
        %get3A_288 = arith.index_cast %add3A_187 : i32 to index
        %get3A_289 = arith.constant 80 : index
        %get3A_290 = tpu.vector_load %arg15[%get3A_288, %get3A_289] {strides = array<i32>} : memref<4x128xi32, #tpu.memory_space<vmem>>, vector<16xi32>,
        %get3A_291 = arith.index_cast %add3A_187 : i32 to index
        %get3A_292 = arith.constant 80 : index
        %get3A_293 = tpu.vector_load %arg16[%get3A_291, %get3A_292] {strides = array<i32>} : memref<4x128xi32, #tpu.memory_space<vmem>>, vector<16xi32>,
        %gather3A_294 = tpu.vector_load_idx %arg13[%get3A_290] : memref<10000xf32, #tpu.memory_space<vmem>>[vector<16xi32>], vector<16xf32>,
        %gather3A_295 = tpu.vector_load_idx %arg14[%get3A_293] : memref<10000xf32, #tpu.memory_space<vmem>>[vector<16xi32>], vector<16xf32>,
        %add3A_296 = arith.addf %gather3A_294, %gather3A_295 : vector<16xf32>
        %ge3A_297 = arith.constant 0.000000e+00 : f32
        %ge3A_298 = vector.broadcast %ge3A_297 : f32 to vector<16xf32>
        %ge3A_299 = arith.cmpf oge, %add3A_296, %ge3A_298 : vector<16xf32>
        %mul3A_300 = arith.constant 0.00999999977 : f32
        %mul3A_301 = vector.broadcast %mul3A_300 : f32 to vector<16xf32>
        %mul3A_302 = arith.mulf %mul3A_301, %add3A_296 : vector<16xf32>
        %select_n3A_303 = arith.select %ge3A_299, %add3A_296, %mul3A_302 : vector<16xi1>, vector<16xf32>
        %exp3A_304 = math.exp %select_n3A_303 : vector<16xf32>
        %swap3A_305 = arith.constant 80 : index
        %swap3A_306 = tpu.vector_load %arg19[%swap3A_305] {strides = array<i32>} : memref<128xf32, #tpu.memory_space<vmem>>, vector<16xf32>,
        tpu.vector_store %arg19[%swap3A_305], %exp3A_304 {strides = array<i32>} : memref<128xf32, #tpu.memory_space<vmem>>, vector<16xf32>,
        %get3A_307 = arith.index_cast %add3A_187 : i32 to index
        %get3A_308 = arith.constant 96 : index
        %get3A_309 = tpu.vector_load %arg15[%get3A_307, %get3A_308] {strides = array<i32>} : memref<4x128xi32, #tpu.memory_space<vmem>>, vector<16xi32>,
        %get3A_310 = arith.index_cast %add3A_187 : i32 to index
        %get3A_311 = arith.constant 96 : index
        %get3A_312 = tpu.vector_load %arg16[%get3A_310, %get3A_311] {strides = array<i32>} : memref<4x128xi32, #tpu.memory_space<vmem>>, vector<16xi32>,
        %gather3A_313 = tpu.vector_load_idx %arg13[%get3A_309] : memref<10000xf32, #tpu.memory_space<vmem>>[vector<16xi32>], vector<16xf32>,
        %gather3A_314 = tpu.vector_load_idx %arg14[%get3A_312] : memref<10000xf32, #tpu.memory_space<vmem>>[vector<16xi32>], vector<16xf32>,
        %add3A_315 = arith.addf %gather3A_313, %gather3A_314 : vector<16xf32>
        %ge3A_316 = arith.constant 0.000000e+00 : f32
        %ge3A_317 = vector.broadcast %ge3A_316 : f32 to vector<16xf32>
        %ge3A_318 = arith.cmpf oge, %add3A_315, %ge3A_317 : vector<16xf32>
        %mul3A_319 = arith.constant 0.00999999977 : f32
        %mul3A_320 = vector.broadcast %mul3A_319 : f32 to vector<16xf32>
        %mul3A_321 = arith.mulf %mul3A_320, %add3A_315 : vector<16xf32>
        %select_n3A_322 = arith.select %ge3A_318, %add3A_315, %mul3A_321 : vector<16xi1>, vector<16xf32>
        %exp3A_323 = math.exp %select_n3A_322 : vector<16xf32>
        %swap3A_324 = arith.constant 96 : index
        %swap3A_325 = tpu.vector_load %arg19[%swap3A_324] {strides = array<i32>} : memref<128xf32, #tpu.memory_space<vmem>>, vector<16xf32>,
        tpu.vector_store %arg19[%swap3A_324], %exp3A_323 {strides = array<i32>} : memref<128xf32, #tpu.memory_space<vmem>>, vector<16xf32>,
        %get3A_326 = arith.index_cast %add3A_187 : i32 to index
        %get3A_327 = arith.constant 112 : index
        %get3A_328 = tpu.vector_load %arg15[%get3A_326, %get3A_327] {strides = array<i32>} : memref<4x128xi32, #tpu.memory_space<vmem>>, vector<16xi32>,
        %get3A_329 = arith.index_cast %add3A_187 : i32 to index
        %get3A_330 = arith.constant 112 : index
        %get3A_331 = tpu.vector_load %arg16[%get3A_329, %get3A_330] {strides = array<i32>} : memref<4x128xi32, #tpu.memory_space<vmem>>, vector<16xi32>,
        %gather3A_332 = tpu.vector_load_idx %arg13[%get3A_328] : memref<10000xf32, #tpu.memory_space<vmem>>[vector<16xi32>], vector<16xf32>,
        %gather3A_333 = tpu.vector_load_idx %arg14[%get3A_331] : memref<10000xf32, #tpu.memory_space<vmem>>[vector<16xi32>], vector<16xf32>,
        %add3A_334 = arith.addf %gather3A_332, %gather3A_333 : vector<16xf32>
        %ge3A_335 = arith.constant 0.000000e+00 : f32
        %ge3A_336 = vector.broadcast %ge3A_335 : f32 to vector<16xf32>
        %ge3A_337 = arith.cmpf oge, %add3A_334, %ge3A_336 : vector<16xf32>
        %mul3A_338 = arith.constant 0.00999999977 : f32
        %mul3A_339 = vector.broadcast %mul3A_338 : f32 to vector<16xf32>
        %mul3A_340 = arith.mulf %mul3A_339, %add3A_334 : vector<16xf32>
        %select_n3A_341 = arith.select %ge3A_337, %add3A_334, %mul3A_340 : vector<16xi1>, vector<16xf32>
        %exp3A_342 = math.exp %select_n3A_341 : vector<16xf32>
        %swap3A_343 = arith.constant 112 : index
        %swap3A_344 = tpu.vector_load %arg19[%swap3A_343] {strides = array<i32>} : memref<128xf32, #tpu.memory_space<vmem>>, vector<16xf32>,
        tpu.vector_store %arg19[%swap3A_343], %exp3A_342 {strides = array<i32>} : memref<128xf32, #tpu.memory_space<vmem>>, vector<16xf32>,
        %scan3A_345 = arith.constant 0 : i32
        %scan3A_346 = arith.constant 128 : i32
        %scan3A_347 = arith.addi %scan3A_345, %scan3A_346 : i32
        %scan3A_348 = arith.constant 1 : i32
        scf.for %scan3A_350 = %scan3A_345 to %scan3A_347 step %scan3A_348  : i32 {
          %mul3A_351 = arith.constant 1 : i32
          %mul3A_352 = arith.muli %scan3A_350, %mul3A_351 : i32
          %add3A_353 = arith.constant 0 : i32
          %add3A_354 = arith.addi %add3A_353, %mul3A_352 : i32
          %broadcast_in_dim3A_355 = vector.broadcast %add3A_354 : i32 to vector<16xi32>
          %gather3A_356 = tpu.vector_load_idx %arg19[%broadcast_in_dim3A_355] : memref<128xf32, #tpu.memory_space<vmem>>[vector<16xi32>], vector<16xf32>,
          %get3A_357 = arith.index_cast %add3A_354 : i32 to index
          %get3A_358 = arith.constant 0 : index
          %get3A_359 = tpu.vector_load %arg17[%get3A_357, %get3A_358] {strides = array<i32>} : memref<128x128xf32, #tpu.memory_space<vmem>>, vector<16xf32>,
          %mul3A_360 = arith.mulf %get3A_359, %gather3A_356 : vector<16xf32>
          %swap3A_361 = arith.index_cast %add3A_354 : i32 to index
          %swap3A_362 = arith.constant 0 : index
          %swap3A_363 = tpu.vector_load %arg17[%swap3A_361, %swap3A_362] {strides = array<i32>} : memref<128x128xf32, #tpu.memory_space<vmem>>, vector<16xf32>,
          tpu.vector_store %arg17[%swap3A_361, %swap3A_362], %mul3A_360 {strides = array<i32>} : memref<128x128xf32, #tpu.memory_space<vmem>>, vector<16xf32>,
          %get3A_364 = arith.index_cast %add3A_354 : i32 to index
          %get3A_365 = arith.constant 16 : index
          %get3A_366 = tpu.vector_load %arg17[%get3A_364, %get3A_365] {strides = array<i32>} : memref<128x128xf32, #tpu.memory_space<vmem>>, vector<16xf32>,
          %mul3A_367 = arith.mulf %get3A_366, %gather3A_356 : vector<16xf32>
          %swap3A_368 = arith.index_cast %add3A_354 : i32 to index
          %swap3A_369 = arith.constant 16 : index
          %swap3A_370 = tpu.vector_load %arg17[%swap3A_368, %swap3A_369] {strides = array<i32>} : memref<128x128xf32, #tpu.memory_space<vmem>>, vector<16xf32>,
          tpu.vector_store %arg17[%swap3A_368, %swap3A_369], %mul3A_367 {strides = array<i32>} : memref<128x128xf32, #tpu.memory_space<vmem>>, vector<16xf32>,
          %get3A_371 = arith.index_cast %add3A_354 : i32 to index
          %get3A_372 = arith.constant 32 : index
          %get3A_373 = tpu.vector_load %arg17[%get3A_371, %get3A_372] {strides = array<i32>} : memref<128x128xf32, #tpu.memory_space<vmem>>, vector<16xf32>,
          %mul3A_374 = arith.mulf %get3A_373, %gather3A_356 : vector<16xf32>
          %swap3A_375 = arith.index_cast %add3A_354 : i32 to index
          %swap3A_376 = arith.constant 32 : index
          %swap3A_377 = tpu.vector_load %arg17[%swap3A_375, %swap3A_376] {strides = array<i32>} : memref<128x128xf32, #tpu.memory_space<vmem>>, vector<16xf32>,
          tpu.vector_store %arg17[%swap3A_375, %swap3A_376], %mul3A_374 {strides = array<i32>} : memref<128x128xf32, #tpu.memory_space<vmem>>, vector<16xf32>,
          %get3A_378 = arith.index_cast %add3A_354 : i32 to index
          %get3A_379 = arith.constant 48 : index
          %get3A_380 = tpu.vector_load %arg17[%get3A_378, %get3A_379] {strides = array<i32>} : memref<128x128xf32, #tpu.memory_space<vmem>>, vector<16xf32>,
          %mul3A_381 = arith.mulf %get3A_380, %gather3A_356 : vector<16xf32>
          %swap3A_382 = arith.index_cast %add3A_354 : i32 to index
          %swap3A_383 = arith.constant 48 : index
          %swap3A_384 = tpu.vector_load %arg17[%swap3A_382, %swap3A_383] {strides = array<i32>} : memref<128x128xf32, #tpu.memory_space<vmem>>, vector<16xf32>,
          tpu.vector_store %arg17[%swap3A_382, %swap3A_383], %mul3A_381 {strides = array<i32>} : memref<128x128xf32, #tpu.memory_space<vmem>>, vector<16xf32>,
          %get3A_385 = arith.index_cast %add3A_354 : i32 to index
          %get3A_386 = arith.constant 64 : index
          %get3A_387 = tpu.vector_load %arg17[%get3A_385, %get3A_386] {strides = array<i32>} : memref<128x128xf32, #tpu.memory_space<vmem>>, vector<16xf32>,
          %mul3A_388 = arith.mulf %get3A_387, %gather3A_356 : vector<16xf32>
          %swap3A_389 = arith.index_cast %add3A_354 : i32 to index
          %swap3A_390 = arith.constant 64 : index
          %swap3A_391 = tpu.vector_load %arg17[%swap3A_389, %swap3A_390] {strides = array<i32>} : memref<128x128xf32, #tpu.memory_space<vmem>>, vector<16xf32>,
          tpu.vector_store %arg17[%swap3A_389, %swap3A_390], %mul3A_388 {strides = array<i32>} : memref<128x128xf32, #tpu.memory_space<vmem>>, vector<16xf32>,
          %get3A_392 = arith.index_cast %add3A_354 : i32 to index
          %get3A_393 = arith.constant 80 : index
          %get3A_394 = tpu.vector_load %arg17[%get3A_392, %get3A_393] {strides = array<i32>} : memref<128x128xf32, #tpu.memory_space<vmem>>, vector<16xf32>,
          %mul3A_395 = arith.mulf %get3A_394, %gather3A_356 : vector<16xf32>
          %swap3A_396 = arith.index_cast %add3A_354 : i32 to index
          %swap3A_397 = arith.constant 80 : index
          %swap3A_398 = tpu.vector_load %arg17[%swap3A_396, %swap3A_397] {strides = array<i32>} : memref<128x128xf32, #tpu.memory_space<vmem>>, vector<16xf32>,
          tpu.vector_store %arg17[%swap3A_396, %swap3A_397], %mul3A_395 {strides = array<i32>} : memref<128x128xf32, #tpu.memory_space<vmem>>, vector<16xf32>,
          %get3A_399 = arith.index_cast %add3A_354 : i32 to index
          %get3A_400 = arith.constant 96 : index
          %get3A_401 = tpu.vector_load %arg17[%get3A_399, %get3A_400] {strides = array<i32>} : memref<128x128xf32, #tpu.memory_space<vmem>>, vector<16xf32>,
          %mul3A_402 = arith.mulf %get3A_401, %gather3A_356 : vector<16xf32>
          %swap3A_403 = arith.index_cast %add3A_354 : i32 to index
          %swap3A_404 = arith.constant 96 : index
          %swap3A_405 = tpu.vector_load %arg17[%swap3A_403, %swap3A_404] {strides = array<i32>} : memref<128x128xf32, #tpu.memory_space<vmem>>, vector<16xf32>,
          tpu.vector_store %arg17[%swap3A_403, %swap3A_404], %mul3A_402 {strides = array<i32>} : memref<128x128xf32, #tpu.memory_space<vmem>>, vector<16xf32>,
          %get3A_406 = arith.index_cast %add3A_354 : i32 to index
          %get3A_407 = arith.constant 112 : index
          %get3A_408 = tpu.vector_load %arg17[%get3A_406, %get3A_407] {strides = array<i32>} : memref<128x128xf32, #tpu.memory_space<vmem>>, vector<16xf32>,
          %mul3A_409 = arith.mulf %get3A_408, %gather3A_356 : vector<16xf32>
          %swap3A_410 = arith.index_cast %add3A_354 : i32 to index
          %swap3A_411 = arith.constant 112 : index
          %swap3A_412 = tpu.vector_load %arg17[%swap3A_410, %swap3A_411] {strides = array<i32>} : memref<128x128xf32, #tpu.memory_space<vmem>>, vector<16xf32>,
          tpu.vector_store %arg17[%swap3A_410, %swap3A_411], %mul3A_409 {strides = array<i32>} : memref<128x128xf32, #tpu.memory_space<vmem>>, vector<16xf32>,
          %mul3A_413 = arith.mulf %gather3A_356, %select_n3A_14 : vector<16xf32>
          %swap3A_414 = arith.index_cast %add3A_354 : i32 to index
          %swap3A_415 = arith.constant 0 : index
          %swap3A_416 = tpu.vector_load %arg18[%swap3A_414, %swap3A_415] {strides = array<i32>} : memref<128x16xf32, #tpu.memory_space<vmem>>, vector<16xf32>,
          tpu.vector_store %arg18[%swap3A_414, %swap3A_415], %mul3A_413 {strides = array<i32>} : memref<128x16xf32, #tpu.memory_space<vmem>>, vector<16xf32>,
        }
        %scan3A_349 = arith.constant 128 : i32
        "tpu.region"() ({
          %run_scoped3A_350 = tpu.sem_alloc : memref<!tpu.dma_semaphore, #tpu.memory_space<semaphore_mem>>
          %dma_start3A_351 = arith.constant 0 : i32
          %dma_start3A_352 = tpu.memref_slice %arg16[%add3A_187, %dma_start3A_351] : memref<4x128xi32, #tpu.memory_space<vmem>> -> memref<1x128xi32, #tpu.memory_space<vmem>>
          %dma_start3A_353 = tpu.memref_squeeze %dma_start3A_352 : memref<1x128xi32, #tpu.memory_space<vmem>> -> memref<128xi32, #tpu.memory_space<vmem>>
          %dma_start3A_354 = arith.constant 0 : i32
          %dma_start3A_355 = arith.constant 0 : i32
          %dma_start3A_356 = tpu.memref_slice %arg20[%dma_start3A_354, %dma_start3A_355] : memref<10000x128xf32, #tpu.memory_space<vmem_shared>> -> memref<10000x128xf32, #tpu.memory_space<vmem_shared>>
          tpu.enqueue_indirect_dma source(%arg17 : memref<128x128xf32, #tpu.memory_space<vmem>>) target(%dma_start3A_356 : memref<10000x128xf32, #tpu.memory_space<vmem_shared>>) offsets(%dma_start3A_353 : memref<128xi32, #tpu.memory_space<vmem>>) semaphore(%run_scoped3A_350 : memref<!tpu.dma_semaphore, #tpu.memory_space<semaphore_mem>>) {add = true}
          %dma_wait3A_357 = arith.constant 0 : i32
          %dma_wait3A_358 = tpu.memref_slice %arg16[%add3A_187, %dma_wait3A_357] : memref<4x128xi32, #tpu.memory_space<vmem>> -> memref<1x128xi32, #tpu.memory_space<vmem>>
          %dma_wait3A_359 = tpu.memref_squeeze %dma_wait3A_358 : memref<1x128xi32, #tpu.memory_space<vmem>> -> memref<128xi32, #tpu.memory_space<vmem>>
          %dma_wait3A_360 = arith.constant 0 : i32
          %dma_wait3A_361 = arith.constant 0 : i32
          %dma_wait3A_362 = tpu.memref_slice %arg20[%dma_wait3A_360, %dma_wait3A_361] : memref<10000x128xf32, #tpu.memory_space<vmem_shared>> -> memref<10000x128xf32, #tpu.memory_space<vmem_shared>>
          tpu.wait_indirect_dma semaphore(%run_scoped3A_350 : memref<!tpu.dma_semaphore, #tpu.memory_space<semaphore_mem>>) src(%arg17 : memref<128x128xf32, #tpu.memory_space<vmem>>) dst(%dma_wait3A_362 : memref<10000x128xf32, #tpu.memory_space<vmem_shared>>)
          tpu.yield
        }) : () -> ()
        "tpu.region"() ({
          %run_scoped3A_350 = tpu.sem_alloc : memref<!tpu.dma_semaphore, #tpu.memory_space<semaphore_mem>>
          %dma_start3A_351 = arith.constant 0 : i32
          %dma_start3A_352 = tpu.memref_slice %arg16[%add3A_187, %dma_start3A_351] : memref<4x128xi32, #tpu.memory_space<vmem>> -> memref<1x128xi32, #tpu.memory_space<vmem>>
          %dma_start3A_353 = tpu.memref_squeeze %dma_start3A_352 : memref<1x128xi32, #tpu.memory_space<vmem>> -> memref<128xi32, #tpu.memory_space<vmem>>
          %dma_start3A_354 = arith.constant 0 : i32
          %dma_start3A_355 = arith.constant 0 : i32
          %dma_start3A_356 = tpu.memref_slice %arg21[%dma_start3A_354, %dma_start3A_355] : memref<10000x16xf32, #tpu.memory_space<vmem_shared>> -> memref<10000x16xf32, #tpu.memory_space<vmem_shared>>
          tpu.enqueue_indirect_dma source(%arg18 : memref<128x16xf32, #tpu.memory_space<vmem>>) target(%dma_start3A_356 : memref<10000x16xf32, #tpu.memory_space<vmem_shared>>) offsets(%dma_start3A_353 : memref<128xi32, #tpu.memory_space<vmem>>) semaphore(%run_scoped3A_350 : memref<!tpu.dma_semaphore, #tpu.memory_space<semaphore_mem>>) {add = true}
          %dma_wait3A_357 = arith.constant 0 : i32
          %dma_wait3A_358 = tpu.memref_slice %arg16[%add3A_187, %dma_wait3A_357] : memref<4x128xi32, #tpu.memory_space<vmem>> -> memref<1x128xi32, #tpu.memory_space<vmem>>
          %dma_wait3A_359 = tpu.memref_squeeze %dma_wait3A_358 : memref<1x128xi32, #tpu.memory_space<vmem>> -> memref<128xi32, #tpu.memory_space<vmem>>
          %dma_wait3A_360 = arith.constant 0 : i32
          %dma_wait3A_361 = arith.constant 0 : i32
          %dma_wait3A_362 = tpu.memref_slice %arg21[%dma_wait3A_360, %dma_wait3A_361] : memref<10000x16xf32, #tpu.memory_space<vmem_shared>> -> memref<10000x16xf32, #tpu.memory_space<vmem_shared>>
          tpu.wait_indirect_dma semaphore(%run_scoped3A_350 : memref<!tpu.dma_semaphore, #tpu.memory_space<semaphore_mem>>) src(%arg18 : memref<128x16xf32, #tpu.memory_space<vmem>>) dst(%dma_wait3A_362 : memref<10000x16xf32, #tpu.memory_space<vmem_shared>>)
          tpu.yield
        }) : () -> ()
      }
      %while3A_184 = arith.constant 1 : i32
      scf.for %while3A_185 = %while3A_182 to %while3A_178 step %while3A_184  : i32 {
        %mul3A_186 = arith.muli %while3A_185, %while3A : i32
        %add3A_187 = arith.addi %while3A_175, %mul3A_186 : i32
        %dma_start3A = arith.constant 0 : i32
        %dma_start3A_188 = tpu.memref_slice %arg15[%add3A_187, %dma_start3A] : memref<4x128xi32, #tpu.memory_space<vmem>> -> memref<1x128xi32, #tpu.memory_space<vmem>>
        %dma_start3A_189 = tpu.memref_squeeze %dma_start3A_188 : memref<1x128xi32, #tpu.memory_space<vmem>> -> memref<128xi32, #tpu.memory_space<vmem>>
        %dma_start3A_190 = arith.constant 0 : i32
        %dma_start3A_191 = arith.constant 0 : i32
        %dma_start3A_192 = tpu.memref_slice %arg8[%dma_start3A_190, %dma_start3A_191] : memref<10000x128xf32, #tpu.memory_space<hbm>> -> memref<10000x128xf32, #tpu.memory_space<hbm>>
        tpu.enqueue_indirect_dma source(%dma_start3A_192 : memref<10000x128xf32, #tpu.memory_space<hbm>>) target(%arg17 : memref<128x128xf32, #tpu.memory_space<vmem>>) offsets(%dma_start3A_189 : memref<128xi32, #tpu.memory_space<vmem>>) semaphore(%arg22 : memref<!tpu.dma_semaphore, #tpu.memory_space<semaphore_mem>>)
        %dma_wait3A = arith.constant 0 : i32
        %dma_wait3A_193 = tpu.memref_slice %arg15[%add3A_187, %dma_wait3A] : memref<4x128xi32, #tpu.memory_space<vmem>> -> memref<1x128xi32, #tpu.memory_space<vmem>>
        %dma_wait3A_194 = tpu.memref_squeeze %dma_wait3A_193 : memref<1x128xi32, #tpu.memory_space<vmem>> -> memref<128xi32, #tpu.memory_space<vmem>>
        %dma_wait3A_195 = arith.constant 0 : i32
        %dma_wait3A_196 = arith.constant 0 : i32
        %dma_wait3A_197 = tpu.memref_slice %arg8[%dma_wait3A_195, %dma_wait3A_196] : memref<10000x128xf32, #tpu.memory_space<hbm>> -> memref<10000x128xf32, #tpu.memory_space<hbm>>
        tpu.wait_indirect_dma semaphore(%arg22 : memref<!tpu.dma_semaphore, #tpu.memory_space<semaphore_mem>>) src(%dma_wait3A_197 : memref<10000x128xf32, #tpu.memory_space<hbm>>) dst(%arg17 : memref<128x128xf32, #tpu.memory_space<vmem>>)
        %get3A = arith.index_cast %add3A_187 : i32 to index
        %get3A_198 = arith.constant 0 : index
        %get3A_199 = tpu.vector_load %arg15[%get3A, %get3A_198] {strides = array<i32>} : memref<4x128xi32, #tpu.memory_space<vmem>>, vector<16xi32>,
        %get3A_200 = arith.index_cast %add3A_187 : i32 to index
        %get3A_201 = arith.constant 0 : index
        %get3A_202 = tpu.vector_load %arg16[%get3A_200, %get3A_201] {strides = array<i32>} : memref<4x128xi32, #tpu.memory_space<vmem>>, vector<16xi32>,
        %gather3A = tpu.vector_load_idx %arg13[%get3A_199] : memref<10000xf32, #tpu.memory_space<vmem>>[vector<16xi32>], vector<16xf32>,
        %gather3A_203 = tpu.vector_load_idx %arg14[%get3A_202] : memref<10000xf32, #tpu.memory_space<vmem>>[vector<16xi32>], vector<16xf32>,
        %add3A_204 = arith.addf %gather3A, %gather3A_203 : vector<16xf32>
        %ge3A = arith.constant 0.000000e+00 : f32
        %ge3A_205 = vector.broadcast %ge3A : f32 to vector<16xf32>
        %ge3A_206 = arith.cmpf oge, %add3A_204, %ge3A_205 : vector<16xf32>
        %mul3A_207 = arith.constant 0.00999999977 : f32
        %mul3A_208 = vector.broadcast %mul3A_207 : f32 to vector<16xf32>
        %mul3A_209 = arith.mulf %mul3A_208, %add3A_204 : vector<16xf32>
        %select_n3A_210 = arith.select %ge3A_206, %add3A_204, %mul3A_209 : vector<16xi1>, vector<16xf32>
        %exp3A = math.exp %select_n3A_210 : vector<16xf32>
        %swap3A = arith.constant 0 : index
        %swap3A_211 = tpu.vector_load %arg19[%swap3A] {strides = array<i32>} : memref<128xf32, #tpu.memory_space<vmem>>, vector<16xf32>,
        tpu.vector_store %arg19[%swap3A], %exp3A {strides = array<i32>} : memref<128xf32, #tpu.memory_space<vmem>>, vector<16xf32>,
        %get3A_212 = arith.index_cast %add3A_187 : i32 to index
        %get3A_213 = arith.constant 16 : index
        %get3A_214 = tpu.vector_load %arg15[%get3A_212, %get3A_213] {strides = array<i32>} : memref<4x128xi32, #tpu.memory_space<vmem>>, vector<16xi32>,
        %get3A_215 = arith.index_cast %add3A_187 : i32 to index
        %get3A_216 = arith.constant 16 : index
        %get3A_217 = tpu.vector_load %arg16[%get3A_215, %get3A_216] {strides = array<i32>} : memref<4x128xi32, #tpu.memory_space<vmem>>, vector<16xi32>,
        %gather3A_218 = tpu.vector_load_idx %arg13[%get3A_214] : memref<10000xf32, #tpu.memory_space<vmem>>[vector<16xi32>], vector<16xf32>,
        %gather3A_219 = tpu.vector_load_idx %arg14[%get3A_217] : memref<10000xf32, #tpu.memory_space<vmem>>[vector<16xi32>], vector<16xf32>,
        %add3A_220 = arith.addf %gather3A_218, %gather3A_219 : vector<16xf32>
        %ge3A_221 = arith.constant 0.000000e+00 : f32
        %ge3A_222 = vector.broadcast %ge3A_221 : f32 to vector<16xf32>
        %ge3A_223 = arith.cmpf oge, %add3A_220, %ge3A_222 : vector<16xf32>
        %mul3A_224 = arith.constant 0.00999999977 : f32
        %mul3A_225 = vector.broadcast %mul3A_224 : f32 to vector<16xf32>
        %mul3A_226 = arith.mulf %mul3A_225, %add3A_220 : vector<16xf32>
        %select_n3A_227 = arith.select %ge3A_223, %add3A_220, %mul3A_226 : vector<16xi1>, vector<16xf32>
        %exp3A_228 = math.exp %select_n3A_227 : vector<16xf32>
        %swap3A_229 = arith.constant 16 : index
        %swap3A_230 = tpu.vector_load %arg19[%swap3A_229] {strides = array<i32>} : memref<128xf32, #tpu.memory_space<vmem>>, vector<16xf32>,
        tpu.vector_store %arg19[%swap3A_229], %exp3A_228 {strides = array<i32>} : memref<128xf32, #tpu.memory_space<vmem>>, vector<16xf32>,
        %get3A_231 = arith.index_cast %add3A_187 : i32 to index
        %get3A_232 = arith.constant 32 : index
        %get3A_233 = tpu.vector_load %arg15[%get3A_231, %get3A_232] {strides = array<i32>} : memref<4x128xi32, #tpu.memory_space<vmem>>, vector<16xi32>,
        %get3A_234 = arith.index_cast %add3A_187 : i32 to index
        %get3A_235 = arith.constant 32 : index
        %get3A_236 = tpu.vector_load %arg16[%get3A_234, %get3A_235] {strides = array<i32>} : memref<4x128xi32, #tpu.memory_space<vmem>>, vector<16xi32>,
        %gather3A_237 = tpu.vector_load_idx %arg13[%get3A_233] : memref<10000xf32, #tpu.memory_space<vmem>>[vector<16xi32>], vector<16xf32>,
        %gather3A_238 = tpu.vector_load_idx %arg14[%get3A_236] : memref<10000xf32, #tpu.memory_space<vmem>>[vector<16xi32>], vector<16xf32>,
        %add3A_239 = arith.addf %gather3A_237, %gather3A_238 : vector<16xf32>
        %ge3A_240 = arith.constant 0.000000e+00 : f32
        %ge3A_241 = vector.broadcast %ge3A_240 : f32 to vector<16xf32>
        %ge3A_242 = arith.cmpf oge, %add3A_239, %ge3A_241 : vector<16xf32>
        %mul3A_243 = arith.constant 0.00999999977 : f32
        %mul3A_244 = vector.broadcast %mul3A_243 : f32 to vector<16xf32>
        %mul3A_245 = arith.mulf %mul3A_244, %add3A_239 : vector<16xf32>
        %select_n3A_246 = arith.select %ge3A_242, %add3A_239, %mul3A_245 : vector<16xi1>, vector<16xf32>
        %exp3A_247 = math.exp %select_n3A_246 : vector<16xf32>
        %swap3A_248 = arith.constant 32 : index
        %swap3A_249 = tpu.vector_load %arg19[%swap3A_248] {strides = array<i32>} : memref<128xf32, #tpu.memory_space<vmem>>, vector<16xf32>,
        tpu.vector_store %arg19[%swap3A_248], %exp3A_247 {strides = array<i32>} : memref<128xf32, #tpu.memory_space<vmem>>, vector<16xf32>,
        %get3A_250 = arith.index_cast %add3A_187 : i32 to index
        %get3A_251 = arith.constant 48 : index
        %get3A_252 = tpu.vector_load %arg15[%get3A_250, %get3A_251] {strides = array<i32>} : memref<4x128xi32, #tpu.memory_space<vmem>>, vector<16xi32>,
        %get3A_253 = arith.index_cast %add3A_187 : i32 to index
        %get3A_254 = arith.constant 48 : index
        %get3A_255 = tpu.vector_load %arg16[%get3A_253, %get3A_254] {strides = array<i32>} : memref<4x128xi32, #tpu.memory_space<vmem>>, vector<16xi32>,
        %gather3A_256 = tpu.vector_load_idx %arg13[%get3A_252] : memref<10000xf32, #tpu.memory_space<vmem>>[vector<16xi32>], vector<16xf32>,
        %gather3A_257 = tpu.vector_load_idx %arg14[%get3A_255] : memref<10000xf32, #tpu.memory_space<vmem>>[vector<16xi32>], vector<16xf32>,
        %add3A_258 = arith.addf %gather3A_256, %gather3A_257 : vector<16xf32>
        %ge3A_259 = arith.constant 0.000000e+00 : f32
        %ge3A_260 = vector.broadcast %ge3A_259 : f32 to vector<16xf32>
        %ge3A_261 = arith.cmpf oge, %add3A_258, %ge3A_260 : vector<16xf32>
        %mul3A_262 = arith.constant 0.00999999977 : f32
        %mul3A_263 = vector.broadcast %mul3A_262 : f32 to vector<16xf32>
        %mul3A_264 = arith.mulf %mul3A_263, %add3A_258 : vector<16xf32>
        %select_n3A_265 = arith.select %ge3A_261, %add3A_258, %mul3A_264 : vector<16xi1>, vector<16xf32>
        %exp3A_266 = math.exp %select_n3A_265 : vector<16xf32>
        %swap3A_267 = arith.constant 48 : index
        %swap3A_268 = tpu.vector_load %arg19[%swap3A_267] {strides = array<i32>} : memref<128xf32, #tpu.memory_space<vmem>>, vector<16xf32>,
        tpu.vector_store %arg19[%swap3A_267], %exp3A_266 {strides = array<i32>} : memref<128xf32, #tpu.memory_space<vmem>>, vector<16xf32>,
        %get3A_269 = arith.index_cast %add3A_187 : i32 to index
        %get3A_270 = arith.constant 64 : index
        %get3A_271 = tpu.vector_load %arg15[%get3A_269, %get3A_270] {strides = array<i32>} : memref<4x128xi32, #tpu.memory_space<vmem>>, vector<16xi32>,
        %get3A_272 = arith.index_cast %add3A_187 : i32 to index
        %get3A_273 = arith.constant 64 : index
        %get3A_274 = tpu.vector_load %arg16[%get3A_272, %get3A_273] {strides = array<i32>} : memref<4x128xi32, #tpu.memory_space<vmem>>, vector<16xi32>,
        %gather3A_275 = tpu.vector_load_idx %arg13[%get3A_271] : memref<10000xf32, #tpu.memory_space<vmem>>[vector<16xi32>], vector<16xf32>,
        %gather3A_276 = tpu.vector_load_idx %arg14[%get3A_274] : memref<10000xf32, #tpu.memory_space<vmem>>[vector<16xi32>], vector<16xf32>,
        %add3A_277 = arith.addf %gather3A_275, %gather3A_276 : vector<16xf32>
        %ge3A_278 = arith.constant 0.000000e+00 : f32
        %ge3A_279 = vector.broadcast %ge3A_278 : f32 to vector<16xf32>
        %ge3A_280 = arith.cmpf oge, %add3A_277, %ge3A_279 : vector<16xf32>
        %mul3A_281 = arith.constant 0.00999999977 : f32
        %mul3A_282 = vector.broadcast %mul3A_281 : f32 to vector<16xf32>
        %mul3A_283 = arith.mulf %mul3A_282, %add3A_277 : vector<16xf32>
        %select_n3A_284 = arith.select %ge3A_280, %add3A_277, %mul3A_283 : vector<16xi1>, vector<16xf32>
        %exp3A_285 = math.exp %select_n3A_284 : vector<16xf32>
        %swap3A_286 = arith.constant 64 : index
        %swap3A_287 = tpu.vector_load %arg19[%swap3A_286] {strides = array<i32>} : memref<128xf32, #tpu.memory_space<vmem>>, vector<16xf32>,
        tpu.vector_store %arg19[%swap3A_286], %exp3A_285 {strides = array<i32>} : memref<128xf32, #tpu.memory_space<vmem>>, vector<16xf32>,
        %get3A_288 = arith.index_cast %add3A_187 : i32 to index
        %get3A_289 = arith.constant 80 : index
        %get3A_290 = tpu.vector_load %arg15[%get3A_288, %get3A_289] {strides = array<i32>} : memref<4x128xi32, #tpu.memory_space<vmem>>, vector<16xi32>,
        %get3A_291 = arith.index_cast %add3A_187 : i32 to index
        %get3A_292 = arith.constant 80 : index
        %get3A_293 = tpu.vector_load %arg16[%get3A_291, %get3A_292] {strides = array<i32>} : memref<4x128xi32, #tpu.memory_space<vmem>>, vector<16xi32>,
        %gather3A_294 = tpu.vector_load_idx %arg13[%get3A_290] : memref<10000xf32, #tpu.memory_space<vmem>>[vector<16xi32>], vector<16xf32>,
        %gather3A_295 = tpu.vector_load_idx %arg14[%get3A_293] : memref<10000xf32, #tpu.memory_space<vmem>>[vector<16xi32>], vector<16xf32>,
        %add3A_296 = arith.addf %gather3A_294, %gather3A_295 : vector<16xf32>
        %ge3A_297 = arith.constant 0.000000e+00 : f32
        %ge3A_298 = vector.broadcast %ge3A_297 : f32 to vector<16xf32>
        %ge3A_299 = arith.cmpf oge, %add3A_296, %ge3A_298 : vector<16xf32>
        %mul3A_300 = arith.constant 0.00999999977 : f32
        %mul3A_301 = vector.broadcast %mul3A_300 : f32 to vector<16xf32>
        %mul3A_302 = arith.mulf %mul3A_301, %add3A_296 : vector<16xf32>
        %select_n3A_303 = arith.select %ge3A_299, %add3A_296, %mul3A_302 : vector<16xi1>, vector<16xf32>
        %exp3A_304 = math.exp %select_n3A_303 : vector<16xf32>
        %swap3A_305 = arith.constant 80 : index
        %swap3A_306 = tpu.vector_load %arg19[%swap3A_305] {strides = array<i32>} : memref<128xf32, #tpu.memory_space<vmem>>, vector<16xf32>,
        tpu.vector_store %arg19[%swap3A_305], %exp3A_304 {strides = array<i32>} : memref<128xf32, #tpu.memory_space<vmem>>, vector<16xf32>,
        %get3A_307 = arith.index_cast %add3A_187 : i32 to index
        %get3A_308 = arith.constant 96 : index
        %get3A_309 = tpu.vector_load %arg15[%get3A_307, %get3A_308] {strides = array<i32>} : memref<4x128xi32, #tpu.memory_space<vmem>>, vector<16xi32>,
        %get3A_310 = arith.index_cast %add3A_187 : i32 to index
        %get3A_311 = arith.constant 96 : index
        %get3A_312 = tpu.vector_load %arg16[%get3A_310, %get3A_311] {strides = array<i32>} : memref<4x128xi32, #tpu.memory_space<vmem>>, vector<16xi32>,
        %gather3A_313 = tpu.vector_load_idx %arg13[%get3A_309] : memref<10000xf32, #tpu.memory_space<vmem>>[vector<16xi32>], vector<16xf32>,
        %gather3A_314 = tpu.vector_load_idx %arg14[%get3A_312] : memref<10000xf32, #tpu.memory_space<vmem>>[vector<16xi32>], vector<16xf32>,
        %add3A_315 = arith.addf %gather3A_313, %gather3A_314 : vector<16xf32>
        %ge3A_316 = arith.constant 0.000000e+00 : f32
        %ge3A_317 = vector.broadcast %ge3A_316 : f32 to vector<16xf32>
        %ge3A_318 = arith.cmpf oge, %add3A_315, %ge3A_317 : vector<16xf32>
        %mul3A_319 = arith.constant 0.00999999977 : f32
        %mul3A_320 = vector.broadcast %mul3A_319 : f32 to vector<16xf32>
        %mul3A_321 = arith.mulf %mul3A_320, %add3A_315 : vector<16xf32>
        %select_n3A_322 = arith.select %ge3A_318, %add3A_315, %mul3A_321 : vector<16xi1>, vector<16xf32>
        %exp3A_323 = math.exp %select_n3A_322 : vector<16xf32>
        %swap3A_324 = arith.constant 96 : index
        %swap3A_325 = tpu.vector_load %arg19[%swap3A_324] {strides = array<i32>} : memref<128xf32, #tpu.memory_space<vmem>>, vector<16xf32>,
        tpu.vector_store %arg19[%swap3A_324], %exp3A_323 {strides = array<i32>} : memref<128xf32, #tpu.memory_space<vmem>>, vector<16xf32>,
        %get3A_326 = arith.index_cast %add3A_187 : i32 to index
        %get3A_327 = arith.constant 112 : index
        %get3A_328 = tpu.vector_load %arg15[%get3A_326, %get3A_327] {strides = array<i32>} : memref<4x128xi32, #tpu.memory_space<vmem>>, vector<16xi32>,
        %get3A_329 = arith.index_cast %add3A_187 : i32 to index
        %get3A_330 = arith.constant 112 : index
        %get3A_331 = tpu.vector_load %arg16[%get3A_329, %get3A_330] {strides = array<i32>} : memref<4x128xi32, #tpu.memory_space<vmem>>, vector<16xi32>,
        %gather3A_332 = tpu.vector_load_idx %arg13[%get3A_328] : memref<10000xf32, #tpu.memory_space<vmem>>[vector<16xi32>], vector<16xf32>,
        %gather3A_333 = tpu.vector_load_idx %arg14[%get3A_331] : memref<10000xf32, #tpu.memory_space<vmem>>[vector<16xi32>], vector<16xf32>,
        %add3A_334 = arith.addf %gather3A_332, %gather3A_333 : vector<16xf32>
        %ge3A_335 = arith.constant 0.000000e+00 : f32
        %ge3A_336 = vector.broadcast %ge3A_335 : f32 to vector<16xf32>
        %ge3A_337 = arith.cmpf oge, %add3A_334, %ge3A_336 : vector<16xf32>
        %mul3A_338 = arith.constant 0.00999999977 : f32
        %mul3A_339 = vector.broadcast %mul3A_338 : f32 to vector<16xf32>
        %mul3A_340 = arith.mulf %mul3A_339, %add3A_334 : vector<16xf32>
        %select_n3A_341 = arith.select %ge3A_337, %add3A_334, %mul3A_340 : vector<16xi1>, vector<16xf32>
        %exp3A_342 = math.exp %select_n3A_341 : vector<16xf32>
        %swap3A_343 = arith.constant 112 : index
        %swap3A_344 = tpu.vector_load %arg19[%swap3A_343] {strides = array<i32>} : memref<128xf32, #tpu.memory_space<vmem>>, vector<16xf32>,
        tpu.vector_store %arg19[%swap3A_343], %exp3A_342 {strides = array<i32>} : memref<128xf32, #tpu.memory_space<vmem>>, vector<16xf32>,
        %scan3A_345 = arith.constant 0 : i32
        %scan3A_346 = arith.constant 128 : i32
        %scan3A_347 = arith.addi %scan3A_345, %scan3A_346 : i32
        %scan3A_348 = arith.constant 1 : i32
        scf.for %scan3A_350 = %scan3A_345 to %scan3A_347 step %scan3A_348  : i32 {
          %mul3A_351 = arith.constant 1 : i32
          %mul3A_352 = arith.muli %scan3A_350, %mul3A_351 : i32
          %add3A_353 = arith.constant 0 : i32
          %add3A_354 = arith.addi %add3A_353, %mul3A_352 : i32
          %broadcast_in_dim3A_355 = vector.broadcast %add3A_354 : i32 to vector<16xi32>
          %gather3A_356 = tpu.vector_load_idx %arg19[%broadcast_in_dim3A_355] : memref<128xf32, #tpu.memory_space<vmem>>[vector<16xi32>], vector<16xf32>,
          %get3A_357 = arith.index_cast %add3A_354 : i32 to index
          %get3A_358 = arith.constant 0 : index
          %get3A_359 = tpu.vector_load %arg17[%get3A_357, %get3A_358] {strides = array<i32>} : memref<128x128xf32, #tpu.memory_space<vmem>>, vector<16xf32>,
          %mul3A_360 = arith.mulf %get3A_359, %gather3A_356 : vector<16xf32>
          %swap3A_361 = arith.index_cast %add3A_354 : i32 to index
          %swap3A_362 = arith.constant 0 : index
          %swap3A_363 = tpu.vector_load %arg17[%swap3A_361, %swap3A_362] {strides = array<i32>} : memref<128x128xf32, #tpu.memory_space<vmem>>, vector<16xf32>,
          tpu.vector_store %arg17[%swap3A_361, %swap3A_362], %mul3A_360 {strides = array<i32>} : memref<128x128xf32, #tpu.memory_space<vmem>>, vector<16xf32>,
          %get3A_364 = arith.index_cast %add3A_354 : i32 to index
          %get3A_365 = arith.constant 16 : index
          %get3A_366 = tpu.vector_load %arg17[%get3A_364, %get3A_365] {strides = array<i32>} : memref<128x128xf32, #tpu.memory_space<vmem>>, vector<16xf32>,
          %mul3A_367 = arith.mulf %get3A_366, %gather3A_356 : vector<16xf32>
          %swap3A_368 = arith.index_cast %add3A_354 : i32 to index
          %swap3A_369 = arith.constant 16 : index
          %swap3A_370 = tpu.vector_load %arg17[%swap3A_368, %swap3A_369] {strides = array<i32>} : memref<128x128xf32, #tpu.memory_space<vmem>>, vector<16xf32>,
          tpu.vector_store %arg17[%swap3A_368, %swap3A_369], %mul3A_367 {strides = array<i32>} : memref<128x128xf32, #tpu.memory_space<vmem>>, vector<16xf32>,
          %get3A_371 = arith.index_cast %add3A_354 : i32 to index
          %get3A_372 = arith.constant 32 : index
          %get3A_373 = tpu.vector_load %arg17[%get3A_371, %get3A_372] {strides = array<i32>} : memref<128x128xf32, #tpu.memory_space<vmem>>, vector<16xf32>,
          %mul3A_374 = arith.mulf %get3A_373, %gather3A_356 : vector<16xf32>
          %swap3A_375 = arith.index_cast %add3A_354 : i32 to index
          %swap3A_376 = arith.constant 32 : index
          %swap3A_377 = tpu.vector_load %arg17[%swap3A_375, %swap3A_376] {strides = array<i32>} : memref<128x128xf32, #tpu.memory_space<vmem>>, vector<16xf32>,
          tpu.vector_store %arg17[%swap3A_375, %swap3A_376], %mul3A_374 {strides = array<i32>} : memref<128x128xf32, #tpu.memory_space<vmem>>, vector<16xf32>,
          %get3A_378 = arith.index_cast %add3A_354 : i32 to index
          %get3A_379 = arith.constant 48 : index
          %get3A_380 = tpu.vector_load %arg17[%get3A_378, %get3A_379] {strides = array<i32>} : memref<128x128xf32, #tpu.memory_space<vmem>>, vector<16xf32>,
          %mul3A_381 = arith.mulf %get3A_380, %gather3A_356 : vector<16xf32>
          %swap3A_382 = arith.index_cast %add3A_354 : i32 to index
          %swap3A_383 = arith.constant 48 : index
          %swap3A_384 = tpu.vector_load %arg17[%swap3A_382, %swap3A_383] {strides = array<i32>} : memref<128x128xf32, #tpu.memory_space<vmem>>, vector<16xf32>,
          tpu.vector_store %arg17[%swap3A_382, %swap3A_383], %mul3A_381 {strides = array<i32>} : memref<128x128xf32, #tpu.memory_space<vmem>>, vector<16xf32>,
          %get3A_385 = arith.index_cast %add3A_354 : i32 to index
          %get3A_386 = arith.constant 64 : index
          %get3A_387 = tpu.vector_load %arg17[%get3A_385, %get3A_386] {strides = array<i32>} : memref<128x128xf32, #tpu.memory_space<vmem>>, vector<16xf32>,
          %mul3A_388 = arith.mulf %get3A_387, %gather3A_356 : vector<16xf32>
          %swap3A_389 = arith.index_cast %add3A_354 : i32 to index
          %swap3A_390 = arith.constant 64 : index
          %swap3A_391 = tpu.vector_load %arg17[%swap3A_389, %swap3A_390] {strides = array<i32>} : memref<128x128xf32, #tpu.memory_space<vmem>>, vector<16xf32>,
          tpu.vector_store %arg17[%swap3A_389, %swap3A_390], %mul3A_388 {strides = array<i32>} : memref<128x128xf32, #tpu.memory_space<vmem>>, vector<16xf32>,
          %get3A_392 = arith.index_cast %add3A_354 : i32 to index
          %get3A_393 = arith.constant 80 : index
          %get3A_394 = tpu.vector_load %arg17[%get3A_392, %get3A_393] {strides = array<i32>} : memref<128x128xf32, #tpu.memory_space<vmem>>, vector<16xf32>,
          %mul3A_395 = arith.mulf %get3A_394, %gather3A_356 : vector<16xf32>
          %swap3A_396 = arith.index_cast %add3A_354 : i32 to index
          %swap3A_397 = arith.constant 80 : index
          %swap3A_398 = tpu.vector_load %arg17[%swap3A_396, %swap3A_397] {strides = array<i32>} : memref<128x128xf32, #tpu.memory_space<vmem>>, vector<16xf32>,
          tpu.vector_store %arg17[%swap3A_396, %swap3A_397], %mul3A_395 {strides = array<i32>} : memref<128x128xf32, #tpu.memory_space<vmem>>, vector<16xf32>,
          %get3A_399 = arith.index_cast %add3A_354 : i32 to index
          %get3A_400 = arith.constant 96 : index
          %get3A_401 = tpu.vector_load %arg17[%get3A_399, %get3A_400] {strides = array<i32>} : memref<128x128xf32, #tpu.memory_space<vmem>>, vector<16xf32>,
          %mul3A_402 = arith.mulf %get3A_401, %gather3A_356 : vector<16xf32>
          %swap3A_403 = arith.index_cast %add3A_354 : i32 to index
          %swap3A_404 = arith.constant 96 : index
          %swap3A_405 = tpu.vector_load %arg17[%swap3A_403, %swap3A_404] {strides = array<i32>} : memref<128x128xf32, #tpu.memory_space<vmem>>, vector<16xf32>,
          tpu.vector_store %arg17[%swap3A_403, %swap3A_404], %mul3A_402 {strides = array<i32>} : memref<128x128xf32, #tpu.memory_space<vmem>>, vector<16xf32>,
          %get3A_406 = arith.index_cast %add3A_354 : i32 to index
          %get3A_407 = arith.constant 112 : index
          %get3A_408 = tpu.vector_load %arg17[%get3A_406, %get3A_407] {strides = array<i32>} : memref<128x128xf32, #tpu.memory_space<vmem>>, vector<16xf32>,
          %mul3A_409 = arith.mulf %get3A_408, %gather3A_356 : vector<16xf32>
          %swap3A_410 = arith.index_cast %add3A_354 : i32 to index
          %swap3A_411 = arith.constant 112 : index
          %swap3A_412 = tpu.vector_load %arg17[%swap3A_410, %swap3A_411] {strides = array<i32>} : memref<128x128xf32, #tpu.memory_space<vmem>>, vector<16xf32>,
          tpu.vector_store %arg17[%swap3A_410, %swap3A_411], %mul3A_409 {strides = array<i32>} : memref<128x128xf32, #tpu.memory_space<vmem>>, vector<16xf32>,
          %mul3A_413 = arith.mulf %gather3A_356, %select_n3A_14 : vector<16xf32>
          %swap3A_414 = arith.index_cast %add3A_354 : i32 to index
          %swap3A_415 = arith.constant 0 : index
          %swap3A_416 = tpu.vector_load %arg18[%swap3A_414, %swap3A_415] {strides = array<i32>} : memref<128x16xf32, #tpu.memory_space<vmem>>, vector<16xf32>,
          tpu.vector_store %arg18[%swap3A_414, %swap3A_415], %mul3A_413 {strides = array<i32>} : memref<128x16xf32, #tpu.memory_space<vmem>>, vector<16xf32>,
        }
        %scan3A_349 = arith.constant 128 : i32
        "tpu.region"() ({
          %run_scoped3A_350 = tpu.sem_alloc : memref<!tpu.dma_semaphore, #tpu.memory_space<semaphore_mem>>
          %dma_start3A_351 = arith.constant 0 : i32
          %dma_start3A_352 = tpu.memref_slice %arg16[%add3A_187, %dma_start3A_351] : memref<4x128xi32, #tpu.memory_space<vmem>> -> memref<1x128xi32, #tpu.memory_space<vmem>>
          %dma_start3A_353 = tpu.memref_squeeze %dma_start3A_352 : memref<1x128xi32, #tpu.memory_space<vmem>> -> memref<128xi32, #tpu.memory_space<vmem>>
          %dma_start3A_354 = arith.constant 0 : i32
          %dma_start3A_355 = arith.constant 0 : i32
          %dma_start3A_356 = tpu.memref_slice %arg20[%dma_start3A_354, %dma_start3A_355] : memref<10000x128xf32, #tpu.memory_space<vmem_shared>> -> memref<10000x128xf32, #tpu.memory_space<vmem_shared>>
          tpu.enqueue_indirect_dma source(%arg17 : memref<128x128xf32, #tpu.memory_space<vmem>>) target(%dma_start3A_356 : memref<10000x128xf32, #tpu.memory_space<vmem_shared>>) offsets(%dma_start3A_353 : memref<128xi32, #tpu.memory_space<vmem>>) semaphore(%run_scoped3A_350 : memref<!tpu.dma_semaphore, #tpu.memory_space<semaphore_mem>>) {add = true}
          %dma_wait3A_357 = arith.constant 0 : i32
          %dma_wait3A_358 = tpu.memref_slice %arg16[%add3A_187, %dma_wait3A_357] : memref<4x128xi32, #tpu.memory_space<vmem>> -> memref<1x128xi32, #tpu.memory_space<vmem>>
          %dma_wait3A_359 = tpu.memref_squeeze %dma_wait3A_358 : memref<1x128xi32, #tpu.memory_space<vmem>> -> memref<128xi32, #tpu.memory_space<vmem>>
          %dma_wait3A_360 = arith.constant 0 : i32
          %dma_wait3A_361 = arith.constant 0 : i32
          %dma_wait3A_362 = tpu.memref_slice %arg20[%dma_wait3A_360, %dma_wait3A_361] : memref<10000x128xf32, #tpu.memory_space<vmem_shared>> -> memref<10000x128xf32, #tpu.memory_space<vmem_shared>>
          tpu.wait_indirect_dma semaphore(%run_scoped3A_350 : memref<!tpu.dma_semaphore, #tpu.memory_space<semaphore_mem>>) src(%arg17 : memref<128x128xf32, #tpu.memory_space<vmem>>) dst(%dma_wait3A_362 : memref<10000x128xf32, #tpu.memory_space<vmem_shared>>)
          tpu.yield
        }) : () -> ()
        "tpu.region"() ({
          %run_scoped3A_350 = tpu.sem_alloc : memref<!tpu.dma_semaphore, #tpu.memory_space<semaphore_mem>>
          %dma_start3A_351 = arith.constant 0 : i32
          %dma_start3A_352 = tpu.memref_slice %arg16[%add3A_187, %dma_start3A_351] : memref<4x128xi32, #tpu.memory_space<vmem>> -> memref<1x128xi32, #tpu.memory_space<vmem>>
          %dma_start3A_353 = tpu.memref_squeeze %dma_start3A_352 : memref<1x128xi32, #tpu.memory_space<vmem>> -> memref<128xi32, #tpu.memory_space<vmem>>
          %dma_start3A_354 = arith.constant 0 : i32
          %dma_start3A_355 = arith.constant 0 : i32
          %dma_start3A_356 = tpu.memref_slice %arg21[%dma_start3A_354, %dma_start3A_355] : memref<10000x16xf32, #tpu.memory_space<vmem_shared>> -> memref<10000x16xf32, #tpu.memory_space<vmem_shared>>
          tpu.enqueue_indirect_dma source(%arg18 : memref<128x16xf32, #tpu.memory_space<vmem>>) target(%dma_start3A_356 : memref<10000x16xf32, #tpu.memory_space<vmem_shared>>) offsets(%dma_start3A_353 : memref<128xi32, #tpu.memory_space<vmem>>) semaphore(%run_scoped3A_350 : memref<!tpu.dma_semaphore, #tpu.memory_space<semaphore_mem>>) {add = true}
          %dma_wait3A_357 = arith.constant 0 : i32
          %dma_wait3A_358 = tpu.memref_slice %arg16[%add3A_187, %dma_wait3A_357] : memref<4x128xi32, #tpu.memory_space<vmem>> -> memref<1x128xi32, #tpu.memory_space<vmem>>
          %dma_wait3A_359 = tpu.memref_squeeze %dma_wait3A_358 : memref<1x128xi32, #tpu.memory_space<vmem>> -> memref<128xi32, #tpu.memory_space<vmem>>
          %dma_wait3A_360 = arith.constant 0 : i32
          %dma_wait3A_361 = arith.constant 0 : i32
          %dma_wait3A_362 = tpu.memref_slice %arg21[%dma_wait3A_360, %dma_wait3A_361] : memref<10000x16xf32, #tpu.memory_space<vmem_shared>> -> memref<10000x16xf32, #tpu.memory_space<vmem_shared>>
          tpu.wait_indirect_dma semaphore(%run_scoped3A_350 : memref<!tpu.dma_semaphore, #tpu.memory_space<semaphore_mem>>) src(%arg18 : memref<128x16xf32, #tpu.memory_space<vmem>>) dst(%dma_wait3A_362 : memref<10000x16xf32, #tpu.memory_space<vmem_shared>>)
          tpu.yield
        }) : () -> ()
      }
    }
    %scan3A_125 = arith.constant 20 : i32
    %barrier3A_126 = arith.constant 0 : index
    tpu.barrier barrier_id(%barrier3A_126)
    %mul3A_127 = arith.constant 624 : i32
    %mul3A_128 = arith.muli %arg1, %mul3A_127 : i32
    %add3A_129 = arith.constant 0 : i32
    %add3A_130 = arith.addi %mul3A_128, %add3A_129 : i32
    "tpu.region"() ({
      %run_scoped3A_156 = tpu.sem_alloc : memref<!tpu.dma_semaphore, #tpu.memory_space<semaphore_mem>>
      %dma_start3A = arith.constant 0 : i32
      %dma_start3A_157 = arith.constant 0 : i32
      %dma_start3A_158 = tpu.memref_slice %arg11[%arg0, %dma_start3A, %dma_start3A_157] : memref<2x10000x128xf32, #tpu.memory_space<hbm>> -> memref<1x10000x128xf32, #tpu.memory_space<hbm>>
      %dma_start3A_159 = tpu.memref_squeeze %dma_start3A_158 : memref<1x10000x128xf32, #tpu.memory_space<hbm>> -> memref<10000x128xf32, #tpu.memory_space<hbm>>
      %dma_start3A_160 = arith.constant 0 : i32
      %dma_start3A_161 = tpu.memref_slice %dma_start3A_159[%add3A_130, %dma_start3A_160] : memref<10000x128xf32, #tpu.memory_space<hbm>> -> memref<104x128xf32, #tpu.memory_space<hbm>>
      %dma_start3A_162 = arith.constant 0 : i32
      %dma_start3A_163 = tpu.memref_slice %arg20[%add3A_130, %dma_start3A_162] : memref<10000x128xf32, #tpu.memory_space<vmem_shared>> -> memref<104x128xf32, #tpu.memory_space<vmem_shared>>
      tpu.enqueue_dma source(%dma_start3A_163 : memref<104x128xf32, #tpu.memory_space<vmem_shared>>) target(%dma_start3A_161 : memref<104x128xf32, #tpu.memory_space<hbm>>) target_semaphore(%run_scoped3A_156 : memref<!tpu.dma_semaphore, #tpu.memory_space<semaphore_mem>>)
      %dma_wait3A = arith.constant 0 : i32
      %dma_wait3A_164 = arith.constant 0 : i32
      %dma_wait3A_165 = tpu.memref_slice %arg11[%arg0, %dma_wait3A, %dma_wait3A_164] : memref<2x10000x128xf32, #tpu.memory_space<hbm>> -> memref<1x10000x128xf32, #tpu.memory_space<hbm>>
      %dma_wait3A_166 = tpu.memref_squeeze %dma_wait3A_165 : memref<1x10000x128xf32, #tpu.memory_space<hbm>> -> memref<10000x128xf32, #tpu.memory_space<hbm>>
      %dma_wait3A_167 = arith.constant 0 : i32
      %dma_wait3A_168 = tpu.memref_slice %dma_wait3A_166[%add3A_130, %dma_wait3A_167] : memref<10000x128xf32, #tpu.memory_space<hbm>> -> memref<104x128xf32, #tpu.memory_space<hbm>>
      %dma_wait3A_169 = arith.constant 0 : i32
      %dma_wait3A_170 = tpu.memref_slice %arg20[%add3A_130, %dma_wait3A_169] : memref<10000x128xf32, #tpu.memory_space<vmem_shared>> -> memref<104x128xf32, #tpu.memory_space<vmem_shared>>
      tpu.wait_dma2 semaphore(%run_scoped3A_156 : memref<!tpu.dma_semaphore, #tpu.memory_space<semaphore_mem>>) src(%dma_wait3A_170 : memref<104x128xf32, #tpu.memory_space<vmem_shared>>) dst(%dma_wait3A_168 : memref<104x128xf32, #tpu.memory_space<hbm>>)
      tpu.yield
    }) : () -> ()
    "tpu.region"() ({
      %run_scoped3A_156 = tpu.sem_alloc : memref<!tpu.dma_semaphore, #tpu.memory_space<semaphore_mem>>
      %dma_start3A = arith.constant 0 : i32
      %dma_start3A_157 = arith.constant 0 : i32
      %dma_start3A_158 = tpu.memref_slice %arg12[%arg0, %dma_start3A, %dma_start3A_157] : memref<2x10000x16xf32, #tpu.memory_space<hbm>> -> memref<1x10000x16xf32, #tpu.memory_space<hbm>>
      %dma_start3A_159 = tpu.memref_squeeze %dma_start3A_158 : memref<1x10000x16xf32, #tpu.memory_space<hbm>> -> memref<10000x16xf32, #tpu.memory_space<hbm>>
      %dma_start3A_160 = arith.constant 0 : i32
      %dma_start3A_161 = tpu.memref_slice %dma_start3A_159[%add3A_130, %dma_start3A_160] : memref<10000x16xf32, #tpu.memory_space<hbm>> -> memref<104x16xf32, #tpu.memory_space<hbm>>
      %dma_start3A_162 = arith.constant 0 : i32
      %dma_start3A_163 = tpu.memref_slice %arg21[%add3A_130, %dma_start3A_162] : memref<10000x16xf32, #tpu.memory_space<vmem_shared>> -> memref<104x16xf32, #tpu.memory_space<vmem_shared>>
      tpu.enqueue_dma source(%dma_start3A_163 : memref<104x16xf32, #tpu.memory_space<vmem_shared>>) target(%dma_start3A_161 : memref<104x16xf32, #tpu.memory_space<hbm>>) target_semaphore(%run_scoped3A_156 : memref<!tpu.dma_semaphore, #tpu.memory_space<semaphore_mem>>)
      %dma_wait3A = arith.constant 0 : i32
      %dma_wait3A_164 = arith.constant 0 : i32
      %dma_wait3A_165 = tpu.memref_slice %arg12[%arg0, %dma_wait3A, %dma_wait3A_164] : memref<2x10000x16xf32, #tpu.memory_space<hbm>> -> memref<1x10000x16xf32, #tpu.memory_space<hbm>>
      %dma_wait3A_166 = tpu.memref_squeeze %dma_wait3A_165 : memref<1x10000x16xf32, #tpu.memory_space<hbm>> -> memref<10000x16xf32, #tpu.memory_space<hbm>>
      %dma_wait3A_167 = arith.constant 0 : i32
      %dma_wait3A_168 = tpu.memref_slice %dma_wait3A_166[%add3A_130, %dma_wait3A_167] : memref<10000x16xf32, #tpu.memory_space<hbm>> -> memref<104x16xf32, #tpu.memory_space<hbm>>
      %dma_wait3A_169 = arith.constant 0 : i32
      %dma_wait3A_170 = tpu.memref_slice %arg21[%add3A_130, %dma_wait3A_169] : memref<10000x16xf32, #tpu.memory_space<vmem_shared>> -> memref<104x16xf32, #tpu.memory_space<vmem_shared>>
      tpu.wait_dma2 semaphore(%run_scoped3A_156 : memref<!tpu.dma_semaphore, #tpu.memory_space<semaphore_mem>>) src(%dma_wait3A_170 : memref<104x16xf32, #tpu.memory_space<vmem_shared>>) dst(%dma_wait3A_168 : memref<104x16xf32, #tpu.memory_space<hbm>>)
      tpu.yield
    }) : () -> ()
    %mul3A_131 = arith.constant 624 : i32
    %mul3A_132 = arith.muli %arg1, %mul3A_131 : i32
    %add3A_133 = arith.constant 104 : i32
    %add3A_134 = arith.addi %mul3A_132, %add3A_133 : i32
    "tpu.region"() ({
      %run_scoped3A_156 = tpu.sem_alloc : memref<!tpu.dma_semaphore, #tpu.memory_space<semaphore_mem>>
      %dma_start3A = arith.constant 0 : i32
      %dma_start3A_157 = arith.constant 0 : i32
      %dma_start3A_158 = tpu.memref_slice %arg11[%arg0, %dma_start3A, %dma_start3A_157] : memref<2x10000x128xf32, #tpu.memory_space<hbm>> -> memref<1x10000x128xf32, #tpu.memory_space<hbm>>
      %dma_start3A_159 = tpu.memref_squeeze %dma_start3A_158 : memref<1x10000x128xf32, #tpu.memory_space<hbm>> -> memref<10000x128xf32, #tpu.memory_space<hbm>>
      %dma_start3A_160 = arith.constant 0 : i32
      %dma_start3A_161 = tpu.memref_slice %dma_start3A_159[%add3A_134, %dma_start3A_160] : memref<10000x128xf32, #tpu.memory_space<hbm>> -> memref<104x128xf32, #tpu.memory_space<hbm>>
      %dma_start3A_162 = arith.constant 0 : i32
      %dma_start3A_163 = tpu.memref_slice %arg20[%add3A_134, %dma_start3A_162] : memref<10000x128xf32, #tpu.memory_space<vmem_shared>> -> memref<104x128xf32, #tpu.memory_space<vmem_shared>>
      tpu.enqueue_dma source(%dma_start3A_163 : memref<104x128xf32, #tpu.memory_space<vmem_shared>>) target(%dma_start3A_161 : memref<104x128xf32, #tpu.memory_space<hbm>>) target_semaphore(%run_scoped3A_156 : memref<!tpu.dma_semaphore, #tpu.memory_space<semaphore_mem>>)
      %dma_wait3A = arith.constant 0 : i32
      %dma_wait3A_164 = arith.constant 0 : i32
      %dma_wait3A_165 = tpu.memref_slice %arg11[%arg0, %dma_wait3A, %dma_wait3A_164] : memref<2x10000x128xf32, #tpu.memory_space<hbm>> -> memref<1x10000x128xf32, #tpu.memory_space<hbm>>
      %dma_wait3A_166 = tpu.memref_squeeze %dma_wait3A_165 : memref<1x10000x128xf32, #tpu.memory_space<hbm>> -> memref<10000x128xf32, #tpu.memory_space<hbm>>
      %dma_wait3A_167 = arith.constant 0 : i32
      %dma_wait3A_168 = tpu.memref_slice %dma_wait3A_166[%add3A_134, %dma_wait3A_167] : memref<10000x128xf32, #tpu.memory_space<hbm>> -> memref<104x128xf32, #tpu.memory_space<hbm>>
      %dma_wait3A_169 = arith.constant 0 : i32
      %dma_wait3A_170 = tpu.memref_slice %arg20[%add3A_134, %dma_wait3A_169] : memref<10000x128xf32, #tpu.memory_space<vmem_shared>> -> memref<104x128xf32, #tpu.memory_space<vmem_shared>>
      tpu.wait_dma2 semaphore(%run_scoped3A_156 : memref<!tpu.dma_semaphore, #tpu.memory_space<semaphore_mem>>) src(%dma_wait3A_170 : memref<104x128xf32, #tpu.memory_space<vmem_shared>>) dst(%dma_wait3A_168 : memref<104x128xf32, #tpu.memory_space<hbm>>)
      tpu.yield
    }) : () -> ()
    "tpu.region"() ({
      %run_scoped3A_156 = tpu.sem_alloc : memref<!tpu.dma_semaphore, #tpu.memory_space<semaphore_mem>>
      %dma_start3A = arith.constant 0 : i32
      %dma_start3A_157 = arith.constant 0 : i32
      %dma_start3A_158 = tpu.memref_slice %arg12[%arg0, %dma_start3A, %dma_start3A_157] : memref<2x10000x16xf32, #tpu.memory_space<hbm>> -> memref<1x10000x16xf32, #tpu.memory_space<hbm>>
      %dma_start3A_159 = tpu.memref_squeeze %dma_start3A_158 : memref<1x10000x16xf32, #tpu.memory_space<hbm>> -> memref<10000x16xf32, #tpu.memory_space<hbm>>
      %dma_start3A_160 = arith.constant 0 : i32
      %dma_start3A_161 = tpu.memref_slice %dma_start3A_159[%add3A_134, %dma_start3A_160] : memref<10000x16xf32, #tpu.memory_space<hbm>> -> memref<104x16xf32, #tpu.memory_space<hbm>>
      %dma_start3A_162 = arith.constant 0 : i32
      %dma_start3A_163 = tpu.memref_slice %arg21[%add3A_134, %dma_start3A_162] : memref<10000x16xf32, #tpu.memory_space<vmem_shared>> -> memref<104x16xf32, #tpu.memory_space<vmem_shared>>
      tpu.enqueue_dma source(%dma_start3A_163 : memref<104x16xf32, #tpu.memory_space<vmem_shared>>) target(%dma_start3A_161 : memref<104x16xf32, #tpu.memory_space<hbm>>) target_semaphore(%run_scoped3A_156 : memref<!tpu.dma_semaphore, #tpu.memory_space<semaphore_mem>>)
      %dma_wait3A = arith.constant 0 : i32
      %dma_wait3A_164 = arith.constant 0 : i32
      %dma_wait3A_165 = tpu.memref_slice %arg12[%arg0, %dma_wait3A, %dma_wait3A_164] : memref<2x10000x16xf32, #tpu.memory_space<hbm>> -> memref<1x10000x16xf32, #tpu.memory_space<hbm>>
      %dma_wait3A_166 = tpu.memref_squeeze %dma_wait3A_165 : memref<1x10000x16xf32, #tpu.memory_space<hbm>> -> memref<10000x16xf32, #tpu.memory_space<hbm>>
      %dma_wait3A_167 = arith.constant 0 : i32
      %dma_wait3A_168 = tpu.memref_slice %dma_wait3A_166[%add3A_134, %dma_wait3A_167] : memref<10000x16xf32, #tpu.memory_space<hbm>> -> memref<104x16xf32, #tpu.memory_space<hbm>>
      %dma_wait3A_169 = arith.constant 0 : i32
      %dma_wait3A_170 = tpu.memref_slice %arg21[%add3A_134, %dma_wait3A_169] : memref<10000x16xf32, #tpu.memory_space<vmem_shared>> -> memref<104x16xf32, #tpu.memory_space<vmem_shared>>
      tpu.wait_dma2 semaphore(%run_scoped3A_156 : memref<!tpu.dma_semaphore, #tpu.memory_space<semaphore_mem>>) src(%dma_wait3A_170 : memref<104x16xf32, #tpu.memory_space<vmem_shared>>) dst(%dma_wait3A_168 : memref<104x16xf32, #tpu.memory_space<hbm>>)
      tpu.yield
    }) : () -> ()
    %mul3A_135 = arith.constant 624 : i32
    %mul3A_136 = arith.muli %arg1, %mul3A_135 : i32
    %add3A_137 = arith.constant 208 : i32
    %add3A_138 = arith.addi %mul3A_136, %add3A_137 : i32
    "tpu.region"() ({
      %run_scoped3A_156 = tpu.sem_alloc : memref<!tpu.dma_semaphore, #tpu.memory_space<semaphore_mem>>
      %dma_start3A = arith.constant 0 : i32
      %dma_start3A_157 = arith.constant 0 : i32
      %dma_start3A_158 = tpu.memref_slice %arg11[%arg0, %dma_start3A, %dma_start3A_157] : memref<2x10000x128xf32, #tpu.memory_space<hbm>> -> memref<1x10000x128xf32, #tpu.memory_space<hbm>>
      %dma_start3A_159 = tpu.memref_squeeze %dma_start3A_158 : memref<1x10000x128xf32, #tpu.memory_space<hbm>> -> memref<10000x128xf32, #tpu.memory_space<hbm>>
      %dma_start3A_160 = arith.constant 0 : i32
      %dma_start3A_161 = tpu.memref_slice %dma_start3A_159[%add3A_138, %dma_start3A_160] : memref<10000x128xf32, #tpu.memory_space<hbm>> -> memref<104x128xf32, #tpu.memory_space<hbm>>
      %dma_start3A_162 = arith.constant 0 : i32
      %dma_start3A_163 = tpu.memref_slice %arg20[%add3A_138, %dma_start3A_162] : memref<10000x128xf32, #tpu.memory_space<vmem_shared>> -> memref<104x128xf32, #tpu.memory_space<vmem_shared>>
      tpu.enqueue_dma source(%dma_start3A_163 : memref<104x128xf32, #tpu.memory_space<vmem_shared>>) target(%dma_start3A_161 : memref<104x128xf32, #tpu.memory_space<hbm>>) target_semaphore(%run_scoped3A_156 : memref<!tpu.dma_semaphore, #tpu.memory_space<semaphore_mem>>)
      %dma_wait3A = arith.constant 0 : i32
      %dma_wait3A_164 = arith.constant 0 : i32
      %dma_wait3A_165 = tpu.memref_slice %arg11[%arg0, %dma_wait3A, %dma_wait3A_164] : memref<2x10000x128xf32, #tpu.memory_space<hbm>> -> memref<1x10000x128xf32, #tpu.memory_space<hbm>>
      %dma_wait3A_166 = tpu.memref_squeeze %dma_wait3A_165 : memref<1x10000x128xf32, #tpu.memory_space<hbm>> -> memref<10000x128xf32, #tpu.memory_space<hbm>>
      %dma_wait3A_167 = arith.constant 0 : i32
      %dma_wait3A_168 = tpu.memref_slice %dma_wait3A_166[%add3A_138, %dma_wait3A_167] : memref<10000x128xf32, #tpu.memory_space<hbm>> -> memref<104x128xf32, #tpu.memory_space<hbm>>
      %dma_wait3A_169 = arith.constant 0 : i32
      %dma_wait3A_170 = tpu.memref_slice %arg20[%add3A_138, %dma_wait3A_169] : memref<10000x128xf32, #tpu.memory_space<vmem_shared>> -> memref<104x128xf32, #tpu.memory_space<vmem_shared>>
      tpu.wait_dma2 semaphore(%run_scoped3A_156 : memref<!tpu.dma_semaphore, #tpu.memory_space<semaphore_mem>>) src(%dma_wait3A_170 : memref<104x128xf32, #tpu.memory_space<vmem_shared>>) dst(%dma_wait3A_168 : memref<104x128xf32, #tpu.memory_space<hbm>>)
      tpu.yield
    }) : () -> ()
    "tpu.region"() ({
      %run_scoped3A_156 = tpu.sem_alloc : memref<!tpu.dma_semaphore, #tpu.memory_space<semaphore_mem>>
      %dma_start3A = arith.constant 0 : i32
      %dma_start3A_157 = arith.constant 0 : i32
      %dma_start3A_158 = tpu.memref_slice %arg12[%arg0, %dma_start3A, %dma_start3A_157] : memref<2x10000x16xf32, #tpu.memory_space<hbm>> -> memref<1x10000x16xf32, #tpu.memory_space<hbm>>
      %dma_start3A_159 = tpu.memref_squeeze %dma_start3A_158 : memref<1x10000x16xf32, #tpu.memory_space<hbm>> -> memref<10000x16xf32, #tpu.memory_space<hbm>>
      %dma_start3A_160 = arith.constant 0 : i32
      %dma_start3A_161 = tpu.memref_slice %dma_start3A_159[%add3A_138, %dma_start3A_160] : memref<10000x16xf32, #tpu.memory_space<hbm>> -> memref<104x16xf32, #tpu.memory_space<hbm>>
      %dma_start3A_162 = arith.constant 0 : i32
      %dma_start3A_163 = tpu.memref_slice %arg21[%add3A_138, %dma_start3A_162] : memref<10000x16xf32, #tpu.memory_space<vmem_shared>> -> memref<104x16xf32, #tpu.memory_space<vmem_shared>>
      tpu.enqueue_dma source(%dma_start3A_163 : memref<104x16xf32, #tpu.memory_space<vmem_shared>>) target(%dma_start3A_161 : memref<104x16xf32, #tpu.memory_space<hbm>>) target_semaphore(%run_scoped3A_156 : memref<!tpu.dma_semaphore, #tpu.memory_space<semaphore_mem>>)
      %dma_wait3A = arith.constant 0 : i32
      %dma_wait3A_164 = arith.constant 0 : i32
      %dma_wait3A_165 = tpu.memref_slice %arg12[%arg0, %dma_wait3A, %dma_wait3A_164] : memref<2x10000x16xf32, #tpu.memory_space<hbm>> -> memref<1x10000x16xf32, #tpu.memory_space<hbm>>
      %dma_wait3A_166 = tpu.memref_squeeze %dma_wait3A_165 : memref<1x10000x16xf32, #tpu.memory_space<hbm>> -> memref<10000x16xf32, #tpu.memory_space<hbm>>
      %dma_wait3A_167 = arith.constant 0 : i32
      %dma_wait3A_168 = tpu.memref_slice %dma_wait3A_166[%add3A_138, %dma_wait3A_167] : memref<10000x16xf32, #tpu.memory_space<hbm>> -> memref<104x16xf32, #tpu.memory_space<hbm>>
      %dma_wait3A_169 = arith.constant 0 : i32
      %dma_wait3A_170 = tpu.memref_slice %arg21[%add3A_138, %dma_wait3A_169] : memref<10000x16xf32, #tpu.memory_space<vmem_shared>> -> memref<104x16xf32, #tpu.memory_space<vmem_shared>>
      tpu.wait_dma2 semaphore(%run_scoped3A_156 : memref<!tpu.dma_semaphore, #tpu.memory_space<semaphore_mem>>) src(%dma_wait3A_170 : memref<104x16xf32, #tpu.memory_space<vmem_shared>>) dst(%dma_wait3A_168 : memref<104x16xf32, #tpu.memory_space<hbm>>)
      tpu.yield
    }) : () -> ()
    %mul3A_139 = arith.constant 624 : i32
    %mul3A_140 = arith.muli %arg1, %mul3A_139 : i32
    %add3A_141 = arith.constant 312 : i32
    %add3A_142 = arith.addi %mul3A_140, %add3A_141 : i32
    "tpu.region"() ({
      %run_scoped3A_156 = tpu.sem_alloc : memref<!tpu.dma_semaphore, #tpu.memory_space<semaphore_mem>>
      %dma_start3A = arith.constant 0 : i32
      %dma_start3A_157 = arith.constant 0 : i32
      %dma_start3A_158 = tpu.memref_slice %arg11[%arg0, %dma_start3A, %dma_start3A_157] : memref<2x10000x128xf32, #tpu.memory_space<hbm>> -> memref<1x10000x128xf32, #tpu.memory_space<hbm>>
      %dma_start3A_159 = tpu.memref_squeeze %dma_start3A_158 : memref<1x10000x128xf32, #tpu.memory_space<hbm>> -> memref<10000x128xf32, #tpu.memory_space<hbm>>
      %dma_start3A_160 = arith.constant 0 : i32
      %dma_start3A_161 = tpu.memref_slice %dma_start3A_159[%add3A_142, %dma_start3A_160] : memref<10000x128xf32, #tpu.memory_space<hbm>> -> memref<104x128xf32, #tpu.memory_space<hbm>>
      %dma_start3A_162 = arith.constant 0 : i32
      %dma_start3A_163 = tpu.memref_slice %arg20[%add3A_142, %dma_start3A_162] : memref<10000x128xf32, #tpu.memory_space<vmem_shared>> -> memref<104x128xf32, #tpu.memory_space<vmem_shared>>
      tpu.enqueue_dma source(%dma_start3A_163 : memref<104x128xf32, #tpu.memory_space<vmem_shared>>) target(%dma_start3A_161 : memref<104x128xf32, #tpu.memory_space<hbm>>) target_semaphore(%run_scoped3A_156 : memref<!tpu.dma_semaphore, #tpu.memory_space<semaphore_mem>>)
      %dma_wait3A = arith.constant 0 : i32
      %dma_wait3A_164 = arith.constant 0 : i32
      %dma_wait3A_165 = tpu.memref_slice %arg11[%arg0, %dma_wait3A, %dma_wait3A_164] : memref<2x10000x128xf32, #tpu.memory_space<hbm>> -> memref<1x10000x128xf32, #tpu.memory_space<hbm>>
      %dma_wait3A_166 = tpu.memref_squeeze %dma_wait3A_165 : memref<1x10000x128xf32, #tpu.memory_space<hbm>> -> memref<10000x128xf32, #tpu.memory_space<hbm>>
      %dma_wait3A_167 = arith.constant 0 : i32
      %dma_wait3A_168 = tpu.memref_slice %dma_wait3A_166[%add3A_142, %dma_wait3A_167] : memref<10000x128xf32, #tpu.memory_space<hbm>> -> memref<104x128xf32, #tpu.memory_space<hbm>>
      %dma_wait3A_169 = arith.constant 0 : i32
      %dma_wait3A_170 = tpu.memref_slice %arg20[%add3A_142, %dma_wait3A_169] : memref<10000x128xf32, #tpu.memory_space<vmem_shared>> -> memref<104x128xf32, #tpu.memory_space<vmem_shared>>
      tpu.wait_dma2 semaphore(%run_scoped3A_156 : memref<!tpu.dma_semaphore, #tpu.memory_space<semaphore_mem>>) src(%dma_wait3A_170 : memref<104x128xf32, #tpu.memory_space<vmem_shared>>) dst(%dma_wait3A_168 : memref<104x128xf32, #tpu.memory_space<hbm>>)
      tpu.yield
    }) : () -> ()
    "tpu.region"() ({
      %run_scoped3A_156 = tpu.sem_alloc : memref<!tpu.dma_semaphore, #tpu.memory_space<semaphore_mem>>
      %dma_start3A = arith.constant 0 : i32
      %dma_start3A_157 = arith.constant 0 : i32
      %dma_start3A_158 = tpu.memref_slice %arg12[%arg0, %dma_start3A, %dma_start3A_157] : memref<2x10000x16xf32, #tpu.memory_space<hbm>> -> memref<1x10000x16xf32, #tpu.memory_space<hbm>>
      %dma_start3A_159 = tpu.memref_squeeze %dma_start3A_158 : memref<1x10000x16xf32, #tpu.memory_space<hbm>> -> memref<10000x16xf32, #tpu.memory_space<hbm>>
      %dma_start3A_160 = arith.constant 0 : i32
      %dma_start3A_161 = tpu.memref_slice %dma_start3A_159[%add3A_142, %dma_start3A_160] : memref<10000x16xf32, #tpu.memory_space<hbm>> -> memref<104x16xf32, #tpu.memory_space<hbm>>
      %dma_start3A_162 = arith.constant 0 : i32
      %dma_start3A_163 = tpu.memref_slice %arg21[%add3A_142, %dma_start3A_162] : memref<10000x16xf32, #tpu.memory_space<vmem_shared>> -> memref<104x16xf32, #tpu.memory_space<vmem_shared>>
      tpu.enqueue_dma source(%dma_start3A_163 : memref<104x16xf32, #tpu.memory_space<vmem_shared>>) target(%dma_start3A_161 : memref<104x16xf32, #tpu.memory_space<hbm>>) target_semaphore(%run_scoped3A_156 : memref<!tpu.dma_semaphore, #tpu.memory_space<semaphore_mem>>)
      %dma_wait3A = arith.constant 0 : i32
      %dma_wait3A_164 = arith.constant 0 : i32
      %dma_wait3A_165 = tpu.memref_slice %arg12[%arg0, %dma_wait3A, %dma_wait3A_164] : memref<2x10000x16xf32, #tpu.memory_space<hbm>> -> memref<1x10000x16xf32, #tpu.memory_space<hbm>>
      %dma_wait3A_166 = tpu.memref_squeeze %dma_wait3A_165 : memref<1x10000x16xf32, #tpu.memory_space<hbm>> -> memref<10000x16xf32, #tpu.memory_space<hbm>>
      %dma_wait3A_167 = arith.constant 0 : i32
      %dma_wait3A_168 = tpu.memref_slice %dma_wait3A_166[%add3A_142, %dma_wait3A_167] : memref<10000x16xf32, #tpu.memory_space<hbm>> -> memref<104x16xf32, #tpu.memory_space<hbm>>
      %dma_wait3A_169 = arith.constant 0 : i32
      %dma_wait3A_170 = tpu.memref_slice %arg21[%add3A_142, %dma_wait3A_169] : memref<10000x16xf32, #tpu.memory_space<vmem_shared>> -> memref<104x16xf32, #tpu.memory_space<vmem_shared>>
      tpu.wait_dma2 semaphore(%run_scoped3A_156 : memref<!tpu.dma_semaphore, #tpu.memory_space<semaphore_mem>>) src(%dma_wait3A_170 : memref<104x16xf32, #tpu.memory_space<vmem_shared>>) dst(%dma_wait3A_168 : memref<104x16xf32, #tpu.memory_space<hbm>>)
      tpu.yield
    }) : () -> ()
    %mul3A_143 = arith.constant 624 : i32
    %mul3A_144 = arith.muli %arg1, %mul3A_143 : i32
    %add3A_145 = arith.constant 416 : i32
    %add3A_146 = arith.addi %mul3A_144, %add3A_145 : i32
    "tpu.region"() ({
      %run_scoped3A_156 = tpu.sem_alloc : memref<!tpu.dma_semaphore, #tpu.memory_space<semaphore_mem>>
      %dma_start3A = arith.constant 0 : i32
      %dma_start3A_157 = arith.constant 0 : i32
      %dma_start3A_158 = tpu.memref_slice %arg11[%arg0, %dma_start3A, %dma_start3A_157] : memref<2x10000x128xf32, #tpu.memory_space<hbm>> -> memref<1x10000x128xf32, #tpu.memory_space<hbm>>
      %dma_start3A_159 = tpu.memref_squeeze %dma_start3A_158 : memref<1x10000x128xf32, #tpu.memory_space<hbm>> -> memref<10000x128xf32, #tpu.memory_space<hbm>>
      %dma_start3A_160 = arith.constant 0 : i32
      %dma_start3A_161 = tpu.memref_slice %dma_start3A_159[%add3A_146, %dma_start3A_160] : memref<10000x128xf32, #tpu.memory_space<hbm>> -> memref<104x128xf32, #tpu.memory_space<hbm>>
      %dma_start3A_162 = arith.constant 0 : i32
      %dma_start3A_163 = tpu.memref_slice %arg20[%add3A_146, %dma_start3A_162] : memref<10000x128xf32, #tpu.memory_space<vmem_shared>> -> memref<104x128xf32, #tpu.memory_space<vmem_shared>>
      tpu.enqueue_dma source(%dma_start3A_163 : memref<104x128xf32, #tpu.memory_space<vmem_shared>>) target(%dma_start3A_161 : memref<104x128xf32, #tpu.memory_space<hbm>>) target_semaphore(%run_scoped3A_156 : memref<!tpu.dma_semaphore, #tpu.memory_space<semaphore_mem>>)
      %dma_wait3A = arith.constant 0 : i32
      %dma_wait3A_164 = arith.constant 0 : i32
      %dma_wait3A_165 = tpu.memref_slice %arg11[%arg0, %dma_wait3A, %dma_wait3A_164] : memref<2x10000x128xf32, #tpu.memory_space<hbm>> -> memref<1x10000x128xf32, #tpu.memory_space<hbm>>
      %dma_wait3A_166 = tpu.memref_squeeze %dma_wait3A_165 : memref<1x10000x128xf32, #tpu.memory_space<hbm>> -> memref<10000x128xf32, #tpu.memory_space<hbm>>
      %dma_wait3A_167 = arith.constant 0 : i32
      %dma_wait3A_168 = tpu.memref_slice %dma_wait3A_166[%add3A_146, %dma_wait3A_167] : memref<10000x128xf32, #tpu.memory_space<hbm>> -> memref<104x128xf32, #tpu.memory_space<hbm>>
      %dma_wait3A_169 = arith.constant 0 : i32
      %dma_wait3A_170 = tpu.memref_slice %arg20[%add3A_146, %dma_wait3A_169] : memref<10000x128xf32, #tpu.memory_space<vmem_shared>> -> memref<104x128xf32, #tpu.memory_space<vmem_shared>>
      tpu.wait_dma2 semaphore(%run_scoped3A_156 : memref<!tpu.dma_semaphore, #tpu.memory_space<semaphore_mem>>) src(%dma_wait3A_170 : memref<104x128xf32, #tpu.memory_space<vmem_shared>>) dst(%dma_wait3A_168 : memref<104x128xf32, #tpu.memory_space<hbm>>)
      tpu.yield
    }) : () -> ()
    "tpu.region"() ({
      %run_scoped3A_156 = tpu.sem_alloc : memref<!tpu.dma_semaphore, #tpu.memory_space<semaphore_mem>>
      %dma_start3A = arith.constant 0 : i32
      %dma_start3A_157 = arith.constant 0 : i32
      %dma_start3A_158 = tpu.memref_slice %arg12[%arg0, %dma_start3A, %dma_start3A_157] : memref<2x10000x16xf32, #tpu.memory_space<hbm>> -> memref<1x10000x16xf32, #tpu.memory_space<hbm>>
      %dma_start3A_159 = tpu.memref_squeeze %dma_start3A_158 : memref<1x10000x16xf32, #tpu.memory_space<hbm>> -> memref<10000x16xf32, #tpu.memory_space<hbm>>
      %dma_start3A_160 = arith.constant 0 : i32
      %dma_start3A_161 = tpu.memref_slice %dma_start3A_159[%add3A_146, %dma_start3A_160] : memref<10000x16xf32, #tpu.memory_space<hbm>> -> memref<104x16xf32, #tpu.memory_space<hbm>>
      %dma_start3A_162 = arith.constant 0 : i32
      %dma_start3A_163 = tpu.memref_slice %arg21[%add3A_146, %dma_start3A_162] : memref<10000x16xf32, #tpu.memory_space<vmem_shared>> -> memref<104x16xf32, #tpu.memory_space<vmem_shared>>
      tpu.enqueue_dma source(%dma_start3A_163 : memref<104x16xf32, #tpu.memory_space<vmem_shared>>) target(%dma_start3A_161 : memref<104x16xf32, #tpu.memory_space<hbm>>) target_semaphore(%run_scoped3A_156 : memref<!tpu.dma_semaphore, #tpu.memory_space<semaphore_mem>>)
      %dma_wait3A = arith.constant 0 : i32
      %dma_wait3A_164 = arith.constant 0 : i32
      %dma_wait3A_165 = tpu.memref_slice %arg12[%arg0, %dma_wait3A, %dma_wait3A_164] : memref<2x10000x16xf32, #tpu.memory_space<hbm>> -> memref<1x10000x16xf32, #tpu.memory_space<hbm>>
      %dma_wait3A_166 = tpu.memref_squeeze %dma_wait3A_165 : memref<1x10000x16xf32, #tpu.memory_space<hbm>> -> memref<10000x16xf32, #tpu.memory_space<hbm>>
      %dma_wait3A_167 = arith.constant 0 : i32
      %dma_wait3A_168 = tpu.memref_slice %dma_wait3A_166[%add3A_146, %dma_wait3A_167] : memref<10000x16xf32, #tpu.memory_space<hbm>> -> memref<104x16xf32, #tpu.memory_space<hbm>>
      %dma_wait3A_169 = arith.constant 0 : i32
      %dma_wait3A_170 = tpu.memref_slice %arg21[%add3A_146, %dma_wait3A_169] : memref<10000x16xf32, #tpu.memory_space<vmem_shared>> -> memref<104x16xf32, #tpu.memory_space<vmem_shared>>
      tpu.wait_dma2 semaphore(%run_scoped3A_156 : memref<!tpu.dma_semaphore, #tpu.memory_space<semaphore_mem>>) src(%dma_wait3A_170 : memref<104x16xf32, #tpu.memory_space<vmem_shared>>) dst(%dma_wait3A_168 : memref<104x16xf32, #tpu.memory_space<hbm>>)
      tpu.yield
    }) : () -> ()
    %mul3A_147 = arith.constant 624 : i32
    %mul3A_148 = arith.muli %arg1, %mul3A_147 : i32
    %add3A_149 = arith.constant 520 : i32
    %add3A_150 = arith.addi %mul3A_148, %add3A_149 : i32
    "tpu.region"() ({
      %run_scoped3A_156 = tpu.sem_alloc : memref<!tpu.dma_semaphore, #tpu.memory_space<semaphore_mem>>
      %dma_start3A = arith.constant 0 : i32
      %dma_start3A_157 = arith.constant 0 : i32
      %dma_start3A_158 = tpu.memref_slice %arg11[%arg0, %dma_start3A, %dma_start3A_157] : memref<2x10000x128xf32, #tpu.memory_space<hbm>> -> memref<1x10000x128xf32, #tpu.memory_space<hbm>>
      %dma_start3A_159 = tpu.memref_squeeze %dma_start3A_158 : memref<1x10000x128xf32, #tpu.memory_space<hbm>> -> memref<10000x128xf32, #tpu.memory_space<hbm>>
      %dma_start3A_160 = arith.constant 0 : i32
      %dma_start3A_161 = tpu.memref_slice %dma_start3A_159[%add3A_150, %dma_start3A_160] : memref<10000x128xf32, #tpu.memory_space<hbm>> -> memref<104x128xf32, #tpu.memory_space<hbm>>
      %dma_start3A_162 = arith.constant 0 : i32
      %dma_start3A_163 = tpu.memref_slice %arg20[%add3A_150, %dma_start3A_162] : memref<10000x128xf32, #tpu.memory_space<vmem_shared>> -> memref<104x128xf32, #tpu.memory_space<vmem_shared>>
      tpu.enqueue_dma source(%dma_start3A_163 : memref<104x128xf32, #tpu.memory_space<vmem_shared>>) target(%dma_start3A_161 : memref<104x128xf32, #tpu.memory_space<hbm>>) target_semaphore(%run_scoped3A_156 : memref<!tpu.dma_semaphore, #tpu.memory_space<semaphore_mem>>)
      %dma_wait3A = arith.constant 0 : i32
      %dma_wait3A_164 = arith.constant 0 : i32
      %dma_wait3A_165 = tpu.memref_slice %arg11[%arg0, %dma_wait3A, %dma_wait3A_164] : memref<2x10000x128xf32, #tpu.memory_space<hbm>> -> memref<1x10000x128xf32, #tpu.memory_space<hbm>>
      %dma_wait3A_166 = tpu.memref_squeeze %dma_wait3A_165 : memref<1x10000x128xf32, #tpu.memory_space<hbm>> -> memref<10000x128xf32, #tpu.memory_space<hbm>>
      %dma_wait3A_167 = arith.constant 0 : i32
      %dma_wait3A_168 = tpu.memref_slice %dma_wait3A_166[%add3A_150, %dma_wait3A_167] : memref<10000x128xf32, #tpu.memory_space<hbm>> -> memref<104x128xf32, #tpu.memory_space<hbm>>
      %dma_wait3A_169 = arith.constant 0 : i32
      %dma_wait3A_170 = tpu.memref_slice %arg20[%add3A_150, %dma_wait3A_169] : memref<10000x128xf32, #tpu.memory_space<vmem_shared>> -> memref<104x128xf32, #tpu.memory_space<vmem_shared>>
      tpu.wait_dma2 semaphore(%run_scoped3A_156 : memref<!tpu.dma_semaphore, #tpu.memory_space<semaphore_mem>>) src(%dma_wait3A_170 : memref<104x128xf32, #tpu.memory_space<vmem_shared>>) dst(%dma_wait3A_168 : memref<104x128xf32, #tpu.memory_space<hbm>>)
      tpu.yield
    }) : () -> ()
    "tpu.region"() ({
      %run_scoped3A_156 = tpu.sem_alloc : memref<!tpu.dma_semaphore, #tpu.memory_space<semaphore_mem>>
      %dma_start3A = arith.constant 0 : i32
      %dma_start3A_157 = arith.constant 0 : i32
      %dma_start3A_158 = tpu.memref_slice %arg12[%arg0, %dma_start3A, %dma_start3A_157] : memref<2x10000x16xf32, #tpu.memory_space<hbm>> -> memref<1x10000x16xf32, #tpu.memory_space<hbm>>
      %dma_start3A_159 = tpu.memref_squeeze %dma_start3A_158 : memref<1x10000x16xf32, #tpu.memory_space<hbm>> -> memref<10000x16xf32, #tpu.memory_space<hbm>>
      %dma_start3A_160 = arith.constant 0 : i32
      %dma_start3A_161 = tpu.memref_slice %dma_start3A_159[%add3A_150, %dma_start3A_160] : memref<10000x16xf32, #tpu.memory_space<hbm>> -> memref<104x16xf32, #tpu.memory_space<hbm>>
      %dma_start3A_162 = arith.constant 0 : i32
      %dma_start3A_163 = tpu.memref_slice %arg21[%add3A_150, %dma_start3A_162] : memref<10000x16xf32, #tpu.memory_space<vmem_shared>> -> memref<104x16xf32, #tpu.memory_space<vmem_shared>>
      tpu.enqueue_dma source(%dma_start3A_163 : memref<104x16xf32, #tpu.memory_space<vmem_shared>>) target(%dma_start3A_161 : memref<104x16xf32, #tpu.memory_space<hbm>>) target_semaphore(%run_scoped3A_156 : memref<!tpu.dma_semaphore, #tpu.memory_space<semaphore_mem>>)
      %dma_wait3A = arith.constant 0 : i32
      %dma_wait3A_164 = arith.constant 0 : i32
      %dma_wait3A_165 = tpu.memref_slice %arg12[%arg0, %dma_wait3A, %dma_wait3A_164] : memref<2x10000x16xf32, #tpu.memory_space<hbm>> -> memref<1x10000x16xf32, #tpu.memory_space<hbm>>
      %dma_wait3A_166 = tpu.memref_squeeze %dma_wait3A_165 : memref<1x10000x16xf32, #tpu.memory_space<hbm>> -> memref<10000x16xf32, #tpu.memory_space<hbm>>
      %dma_wait3A_167 = arith.constant 0 : i32
      %dma_wait3A_168 = tpu.memref_slice %dma_wait3A_166[%add3A_150, %dma_wait3A_167] : memref<10000x16xf32, #tpu.memory_space<hbm>> -> memref<104x16xf32, #tpu.memory_space<hbm>>
      %dma_wait3A_169 = arith.constant 0 : i32
      %dma_wait3A_170 = tpu.memref_slice %arg21[%add3A_150, %dma_wait3A_169] : memref<10000x16xf32, #tpu.memory_space<vmem_shared>> -> memref<104x16xf32, #tpu.memory_space<vmem_shared>>
      tpu.wait_dma2 semaphore(%run_scoped3A_156 : memref<!tpu.dma_semaphore, #tpu.memory_space<semaphore_mem>>) src(%dma_wait3A_170 : memref<104x16xf32, #tpu.memory_space<vmem_shared>>) dst(%dma_wait3A_168 : memref<104x16xf32, #tpu.memory_space<hbm>>)
      tpu.yield
    }) : () -> ()
    %eq3A_151 = arith.constant 15 : i32
    %eq3A_152 = arith.cmpi eq, %arg1, %eq3A_151 : i32
    %convert_element_type3A_153 = arith.extui %eq3A_152 : i1 to i32
    %cond3A_154 = arith.constant 0 : i32
    %cond3A_155 = arith.cmpi ne, %convert_element_type3A_153, %cond3A_154 : i32
    scf.if %cond3A_155 {
      "tpu.region"() ({
        %run_scoped3A_156 = tpu.sem_alloc : memref<!tpu.dma_semaphore, #tpu.memory_space<semaphore_mem>>
        %dma_start3A = arith.constant 0 : i32
        %dma_start3A_157 = arith.constant 0 : i32
        %dma_start3A_158 = tpu.memref_slice %arg11[%arg0, %dma_start3A, %dma_start3A_157] : memref<2x10000x128xf32, #tpu.memory_space<hbm>> -> memref<1x10000x128xf32, #tpu.memory_space<hbm>>
        %dma_start3A_159 = tpu.memref_squeeze %dma_start3A_158 : memref<1x10000x128xf32, #tpu.memory_space<hbm>> -> memref<10000x128xf32, #tpu.memory_space<hbm>>
        %dma_start3A_160 = arith.constant 9984 : i32
        %dma_start3A_161 = arith.constant 0 : i32
        %dma_start3A_162 = tpu.memref_slice %dma_start3A_159[%dma_start3A_160, %dma_start3A_161] : memref<10000x128xf32, #tpu.memory_space<hbm>> -> memref<16x128xf32, #tpu.memory_space<hbm>>
        %dma_start3A_163 = arith.constant 9984 : i32
        %dma_start3A_164 = arith.constant 0 : i32
        %dma_start3A_165 = tpu.memref_slice %arg20[%dma_start3A_163, %dma_start3A_164] : memref<10000x128xf32, #tpu.memory_space<vmem_shared>> -> memref<16x128xf32, #tpu.memory_space<vmem_shared>>
        tpu.enqueue_dma source(%dma_start3A_165 : memref<16x128xf32, #tpu.memory_space<vmem_shared>>) target(%dma_start3A_162 : memref<16x128xf32, #tpu.memory_space<hbm>>) target_semaphore(%run_scoped3A_156 : memref<!tpu.dma_semaphore, #tpu.memory_space<semaphore_mem>>)
        %dma_wait3A = arith.constant 0 : i32
        %dma_wait3A_166 = arith.constant 0 : i32
        %dma_wait3A_167 = tpu.memref_slice %arg11[%arg0, %dma_wait3A, %dma_wait3A_166] : memref<2x10000x128xf32, #tpu.memory_space<hbm>> -> memref<1x10000x128xf32, #tpu.memory_space<hbm>>
        %dma_wait3A_168 = tpu.memref_squeeze %dma_wait3A_167 : memref<1x10000x128xf32, #tpu.memory_space<hbm>> -> memref<10000x128xf32, #tpu.memory_space<hbm>>
        %dma_wait3A_169 = arith.constant 9984 : i32
        %dma_wait3A_170 = arith.constant 0 : i32
        %dma_wait3A_171 = tpu.memref_slice %dma_wait3A_168[%dma_wait3A_169, %dma_wait3A_170] : memref<10000x128xf32, #tpu.memory_space<hbm>> -> memref<16x128xf32, #tpu.memory_space<hbm>>
        %dma_wait3A_172 = arith.constant 9984 : i32
        %dma_wait3A_173 = arith.constant 0 : i32
        %dma_wait3A_174 = tpu.memref_slice %arg20[%dma_wait3A_172, %dma_wait3A_173] : memref<10000x128xf32, #tpu.memory_space<vmem_shared>> -> memref<16x128xf32, #tpu.memory_space<vmem_shared>>
        tpu.wait_dma2 semaphore(%run_scoped3A_156 : memref<!tpu.dma_semaphore, #tpu.memory_space<semaphore_mem>>) src(%dma_wait3A_174 : memref<16x128xf32, #tpu.memory_space<vmem_shared>>) dst(%dma_wait3A_171 : memref<16x128xf32, #tpu.memory_space<hbm>>)
        tpu.yield
      }) : () -> ()
      "tpu.region"() ({
        %run_scoped3A_156 = tpu.sem_alloc : memref<!tpu.dma_semaphore, #tpu.memory_space<semaphore_mem>>
        %dma_start3A = arith.constant 0 : i32
        %dma_start3A_157 = arith.constant 0 : i32
        %dma_start3A_158 = tpu.memref_slice %arg12[%arg0, %dma_start3A, %dma_start3A_157] : memref<2x10000x16xf32, #tpu.memory_space<hbm>> -> memref<1x10000x16xf32, #tpu.memory_space<hbm>>
        %dma_start3A_159 = tpu.memref_squeeze %dma_start3A_158 : memref<1x10000x16xf32, #tpu.memory_space<hbm>> -> memref<10000x16xf32, #tpu.memory_space<hbm>>
        %dma_start3A_160 = arith.constant 9984 : i32
        %dma_start3A_161 = arith.constant 0 : i32
        %dma_start3A_162 = tpu.memref_slice %dma_start3A_159[%dma_start3A_160, %dma_start3A_161] : memref<10000x16xf32, #tpu.memory_space<hbm>> -> memref<16x16xf32, #tpu.memory_space<hbm>>
        %dma_start3A_163 = arith.constant 9984 : i32
        %dma_start3A_164 = arith.constant 0 : i32
        %dma_start3A_165 = tpu.memref_slice %arg21[%dma_start3A_163, %dma_start3A_164] : memref<10000x16xf32, #tpu.memory_space<vmem_shared>> -> memref<16x16xf32, #tpu.memory_space<vmem_shared>>
        tpu.enqueue_dma source(%dma_start3A_165 : memref<16x16xf32, #tpu.memory_space<vmem_shared>>) target(%dma_start3A_162 : memref<16x16xf32, #tpu.memory_space<hbm>>) target_semaphore(%run_scoped3A_156 : memref<!tpu.dma_semaphore, #tpu.memory_space<semaphore_mem>>)
        %dma_wait3A = arith.constant 0 : i32
        %dma_wait3A_166 = arith.constant 0 : i32
        %dma_wait3A_167 = tpu.memref_slice %arg12[%arg0, %dma_wait3A, %dma_wait3A_166] : memref<2x10000x16xf32, #tpu.memory_space<hbm>> -> memref<1x10000x16xf32, #tpu.memory_space<hbm>>
        %dma_wait3A_168 = tpu.memref_squeeze %dma_wait3A_167 : memref<1x10000x16xf32, #tpu.memory_space<hbm>> -> memref<10000x16xf32, #tpu.memory_space<hbm>>
        %dma_wait3A_169 = arith.constant 9984 : i32
        %dma_wait3A_170 = arith.constant 0 : i32
        %dma_wait3A_171 = tpu.memref_slice %dma_wait3A_168[%dma_wait3A_169, %dma_wait3A_170] : memref<10000x16xf32, #tpu.memory_space<hbm>> -> memref<16x16xf32, #tpu.memory_space<hbm>>
        %dma_wait3A_172 = arith.constant 9984 : i32
        %dma_wait3A_173 = arith.constant 0 : i32
        %dma_wait3A_174 = tpu.memref_slice %arg21[%dma_wait3A_172, %dma_wait3A_173] : memref<10000x16xf32, #tpu.memory_space<vmem_shared>> -> memref<16x16xf32, #tpu.memory_space<vmem_shared>>
        tpu.wait_dma2 semaphore(%run_scoped3A_156 : memref<!tpu.dma_semaphore, #tpu.memory_space<semaphore_mem>>) src(%dma_wait3A_174 : memref<16x16xf32, #tpu.memory_space<vmem_shared>>) dst(%dma_wait3A_171 : memref<16x16xf32, #tpu.memory_space<hbm>>)
        tpu.yield
      }) : () -> ()
    } else {
    }
    return
  }
}

module attributes {stable_mosaic.version = 14 : i64} {
  func.func @_scalar_table_body(%arg0: memref<10000x128xf32, #tpu.memory_space<vmem>>, %arg1: memref<10000x128xf32, #tpu.memory_space<vmem>>, %arg2: memref<10000x128xf32, #tpu.memory_space<vmem>>, %arg3: memref<1x128xf32, #tpu.memory_space<vmem>>, %arg4: memref<1x128xf32, #tpu.memory_space<vmem>>, %arg5: memref<1x128xf32, #tpu.memory_space<vmem>>, %arg6: memref<1x128xf32, #tpu.memory_space<vmem>>, %arg7: memref<4x10000xf32, #tpu.memory_space<vmem>>) attributes {dimension_semantics = [], scalar_prefetch = 0 : i64, scratch_operands = 0 : i64, tpu.core_type = #tpu.core_type<tc>} {
    %get3A = arith.constant 0 : index
    %get3A_0 = arith.constant 0 : index
    %get3A_1 = vector.load %arg0[%get3A, %get3A_0] : memref<10000x128xf32, #tpu.memory_space<vmem>>, vector<10000x128xf32>
    %get3A_2 = arith.constant 0 : index
    %get3A_3 = arith.constant 0 : index
    %get3A_4 = vector.load %arg1[%get3A_2, %get3A_3] : memref<10000x128xf32, #tpu.memory_space<vmem>>, vector<10000x128xf32>
    %get3A_5 = arith.constant 0 : index
    %get3A_6 = arith.constant 0 : index
    %get3A_7 = vector.load %arg2[%get3A_5, %get3A_6] : memref<10000x128xf32, #tpu.memory_space<vmem>>, vector<10000x128xf32>
    %get3A_8 = arith.constant 0 : index
    %get3A_9 = arith.constant 0 : index
    %get3A_10 = vector.load %arg3[%get3A_8, %get3A_9] : memref<1x128xf32, #tpu.memory_space<vmem>>, vector<1x128xf32>
    %squeeze3A = vector.shape_cast %get3A_10 : vector<1x128xf32> to vector<128xf32>
    %broadcast_in_dim3A = vector.shape_cast %squeeze3A : vector<128xf32> to vector<1x128xf32>
    %mul3A = vector.broadcast %broadcast_in_dim3A : vector<1x128xf32> to vector<10000x128xf32>
    %mul3A_11 = arith.mulf %get3A_1, %mul3A : vector<10000x128xf32>
    %reduce_sum3A = arith.constant dense<0.000000e+00> : vector<10000xf32>
    %reduce_sum3A_12 = vector.multi_reduction <add>, %mul3A_11, %reduce_sum3A [1] : vector<10000x128xf32> to vector<10000xf32>
    %get3A_13 = arith.constant 0 : index
    %get3A_14 = arith.constant 0 : index
    %get3A_15 = vector.load %arg4[%get3A_13, %get3A_14] : memref<1x128xf32, #tpu.memory_space<vmem>>, vector<1x128xf32>
    %squeeze3A_16 = vector.shape_cast %get3A_15 : vector<1x128xf32> to vector<128xf32>
    %broadcast_in_dim3A_17 = vector.shape_cast %squeeze3A_16 : vector<128xf32> to vector<1x128xf32>
    %mul3A_18 = vector.broadcast %broadcast_in_dim3A_17 : vector<1x128xf32> to vector<10000x128xf32>
    %mul3A_19 = arith.mulf %get3A_7, %mul3A_18 : vector<10000x128xf32>
    %reduce_sum3A_20 = arith.constant dense<0.000000e+00> : vector<10000xf32>
    %reduce_sum3A_21 = vector.multi_reduction <add>, %mul3A_19, %reduce_sum3A_20 [1] : vector<10000x128xf32> to vector<10000xf32>
    %get3A_22 = arith.constant 0 : index
    %get3A_23 = arith.constant 0 : index
    %get3A_24 = vector.load %arg5[%get3A_22, %get3A_23] : memref<1x128xf32, #tpu.memory_space<vmem>>, vector<1x128xf32>
    %squeeze3A_25 = vector.shape_cast %get3A_24 : vector<1x128xf32> to vector<128xf32>
    %broadcast_in_dim3A_26 = vector.shape_cast %squeeze3A_25 : vector<128xf32> to vector<1x128xf32>
    %mul3A_27 = vector.broadcast %broadcast_in_dim3A_26 : vector<1x128xf32> to vector<10000x128xf32>
    %mul3A_28 = arith.mulf %get3A_4, %mul3A_27 : vector<10000x128xf32>
    %reduce_sum3A_29 = arith.constant dense<0.000000e+00> : vector<10000xf32>
    %reduce_sum3A_30 = vector.multi_reduction <add>, %mul3A_28, %reduce_sum3A_29 [1] : vector<10000x128xf32> to vector<10000xf32>
    %get3A_31 = arith.constant 0 : index
    %get3A_32 = arith.constant 0 : index
    %get3A_33 = vector.load %arg6[%get3A_31, %get3A_32] : memref<1x128xf32, #tpu.memory_space<vmem>>, vector<1x128xf32>
    %squeeze3A_34 = vector.shape_cast %get3A_33 : vector<1x128xf32> to vector<128xf32>
    %broadcast_in_dim3A_35 = vector.shape_cast %squeeze3A_34 : vector<128xf32> to vector<1x128xf32>
    %mul3A_36 = vector.broadcast %broadcast_in_dim3A_35 : vector<1x128xf32> to vector<10000x128xf32>
    %mul3A_37 = arith.mulf %get3A_7, %mul3A_36 : vector<10000x128xf32>
    %reduce_sum3A_38 = arith.constant dense<0.000000e+00> : vector<10000xf32>
    %reduce_sum3A_39 = vector.multi_reduction <add>, %mul3A_37, %reduce_sum3A_38 [1] : vector<10000x128xf32> to vector<10000xf32>
    %stack3A = vector.shape_cast %reduce_sum3A_12 : vector<10000xf32> to vector<1x10000xf32>
    %stack3A_40 = vector.shape_cast %reduce_sum3A_21 : vector<10000xf32> to vector<1x10000xf32>
    %stack3A_41 = vector.shape_cast %reduce_sum3A_30 : vector<10000xf32> to vector<1x10000xf32>
    %stack3A_42 = vector.shape_cast %reduce_sum3A_39 : vector<10000xf32> to vector<1x10000xf32>
    %stack3A_43 = tpu.concatenate %stack3A, %stack3A_40, %stack3A_41, %stack3A_42 in 0 : vector<1x10000xf32>, vector<1x10000xf32>, vector<1x10000xf32>, vector<1x10000xf32> -> vector<4x10000xf32>
    %swap3A = arith.constant 0 : index
    %swap3A_44 = arith.constant 0 : index
    %swap3A_45 = vector.load %arg7[%swap3A, %swap3A_44] : memref<4x10000xf32, #tpu.memory_space<vmem>>, vector<4x10000xf32>
    tpu.vector_store %arg7[%swap3A, %swap3A_44], %stack3A_43 {strides = array<i32>} : memref<4x10000xf32, #tpu.memory_space<vmem>>, vector<4x10000xf32>,
    return
  }
}

module attributes {stable_mosaic.version = 14 : i64} {
  func.func @_post_body(%arg0: i32, %arg1: memref<2x1000x128xf32, #tpu.memory_space<vmem>>, %arg2: memref<2x1000x16xf32, #tpu.memory_space<vmem>>, %arg3: memref<2x1000x128xf32, #tpu.memory_space<vmem>>, %arg4: memref<2x1000x16xf32, #tpu.memory_space<vmem>>, %arg5: memref<128x128xf32, #tpu.memory_space<vmem>>, %arg6: memref<128xf32, #tpu.memory_space<vmem>>, %arg7: memref<1000x128xf32, #tpu.memory_space<vmem>>, %arg8: memref<1000x128xf32, #tpu.memory_space<vmem>>, %arg9: memref<2x128xf32, #tpu.memory_space<vmem>>) attributes {dimension_semantics = [#tpu.dimension_semantics<arbitrary>], iteration_bounds = array<i64: 10>, scalar_prefetch = 0 : i64, scratch_operands = 0 : i64, tpu.core_type = #tpu.core_type<tc>, window_params = [{transform_indices = @transform_0, window_bounds = array<i64: 2, 1000, 128>}, {transform_indices = @transform_1, window_bounds = array<i64: 2, 1000, 16>}, {transform_indices = @transform_2, window_bounds = array<i64: 2, 1000, 128>}, {transform_indices = @transform_3, window_bounds = array<i64: 2, 1000, 16>}, {pipeline_mode = #tpu.pipeline_mode<synchronous>, transform_indices = @transform_4, window_bounds = array<i64: 128, 128>}, {pipeline_mode = #tpu.pipeline_mode<synchronous>, transform_indices = @transform_5, window_bounds = array<i64: 128>}, {transform_indices = @transform_6, window_bounds = array<i64: 1000, 128>}, {transform_indices = @transform_7, window_bounds = array<i64: 1000, 128>}, {pipeline_mode = #tpu.pipeline_mode<synchronous>, transform_indices = @transform_8, window_bounds = array<i64: 2, 128>}]} {
    %eq3A = arith.constant 0 : i32
    %eq3A_0 = arith.cmpi eq, %arg0, %eq3A : i32
    %convert_element_type3A = arith.extui %eq3A_0 : i1 to i32
    %cond3A = arith.constant 0 : i32
    %cond3A_1 = arith.cmpi ne, %convert_element_type3A, %cond3A : i32
    scf.if %cond3A_1 {
      %broadcast_in_dim3A_132 = arith.constant 0.000000e+00 : f32
      %broadcast_in_dim3A_133 = vector.broadcast %broadcast_in_dim3A_132 : f32 to vector<2x128xf32>
      %swap3A_134 = arith.constant 0 : index
      %swap3A_135 = arith.constant 0 : index
      %swap3A_136 = vector.load %arg9[%swap3A_134, %swap3A_135] : memref<2x128xf32, #tpu.memory_space<vmem>>, vector<2x128xf32>
      tpu.vector_store %arg9[%swap3A_134, %swap3A_135], %broadcast_in_dim3A_133 {strides = array<i32>} : memref<2x128xf32, #tpu.memory_space<vmem>>, vector<2x128xf32>,
    } else {
    }
    %get3A = arith.constant 0 : index
    %get3A_2 = arith.constant 0 : index
    %get3A_3 = vector.load %arg5[%get3A, %get3A_2] : memref<128x128xf32, #tpu.memory_space<vmem>>, vector<128x128xf32>
    %get3A_4 = arith.constant 0 : index
    %get3A_5 = vector.load %arg6[%get3A_4] : memref<128xf32, #tpu.memory_space<vmem>>, vector<128xf32>
    %get3A_6 = arith.constant 0 : index
    %get3A_7 = arith.constant 0 : index
    %get3A_8 = arith.constant 0 : index
    %get3A_9 = vector.load %arg1[%get3A_6, %get3A_7, %get3A_8] : memref<2x1000x128xf32, #tpu.memory_space<vmem>>, vector<2x1000x128xf32>
    %slice3A = vector.extract_strided_slice %get3A_9 {offsets = [0, 0, 0], sizes = [1, 1000, 128], strides = [1, 1, 1]} : vector<2x1000x128xf32> to vector<1x1000x128xf32>
    %squeeze3A = vector.shape_cast %slice3A : vector<1x1000x128xf32> to vector<1000x128xf32>
    %get3A_10 = arith.constant 0 : index
    %get3A_11 = arith.constant 0 : index
    %get3A_12 = arith.constant 0 : index
    %get3A_13 = vector.load %arg1[%get3A_10, %get3A_11, %get3A_12] : memref<2x1000x128xf32, #tpu.memory_space<vmem>>, vector<2x1000x128xf32>
    %slice3A_14 = vector.extract_strided_slice %get3A_13 {offsets = [1, 0, 0], sizes = [1, 1000, 128], strides = [1, 1, 1]} : vector<2x1000x128xf32> to vector<1x1000x128xf32>
    %squeeze3A_15 = vector.shape_cast %slice3A_14 : vector<1x1000x128xf32> to vector<1000x128xf32>
    %add3A = arith.addf %squeeze3A, %squeeze3A_15 : vector<1000x128xf32>
    %get3A_16 = arith.constant 0 : index
    %get3A_17 = arith.constant 0 : index
    %get3A_18 = arith.constant 0 : index
    %get3A_19 = vector.load %arg2[%get3A_16, %get3A_17, %get3A_18] : memref<2x1000x16xf32, #tpu.memory_space<vmem>>, vector<2x1000x16xf32>
    %slice3A_20 = vector.extract_strided_slice %get3A_19 {offsets = [0, 0, 0], sizes = [1, 1000, 16], strides = [1, 1, 1]} : vector<2x1000x16xf32> to vector<1x1000x16xf32>
    %squeeze3A_21 = vector.shape_cast %slice3A_20 : vector<1x1000x16xf32> to vector<1000x16xf32>
    %get3A_22 = arith.constant 0 : index
    %get3A_23 = arith.constant 0 : index
    %get3A_24 = arith.constant 0 : index
    %get3A_25 = vector.load %arg2[%get3A_22, %get3A_23, %get3A_24] : memref<2x1000x16xf32, #tpu.memory_space<vmem>>, vector<2x1000x16xf32>
    %slice3A_26 = vector.extract_strided_slice %get3A_25 {offsets = [1, 0, 0], sizes = [1, 1000, 16], strides = [1, 1, 1]} : vector<2x1000x16xf32> to vector<1x1000x16xf32>
    %squeeze3A_27 = vector.shape_cast %slice3A_26 : vector<1x1000x16xf32> to vector<1000x16xf32>
    %add3A_28 = arith.addf %squeeze3A_21, %squeeze3A_27 : vector<1000x16xf32>
    %slice3A_29 = vector.extract_strided_slice %add3A_28 {offsets = [0, 0], sizes = [1000, 1], strides = [1, 1]} : vector<1000x16xf32> to vector<1000x1xf32>
    %gt3A = arith.constant 0.000000e+00 : f32
    %gt3A_30 = vector.broadcast %gt3A : f32 to vector<1000x1xf32>
    %gt3A_31 = arith.cmpf ogt, %slice3A_29, %gt3A_30 : vector<1000x1xf32>
    %gt3A_32 = arith.constant 0.000000e+00 : f32
    %gt3A_33 = vector.broadcast %gt3A_32 : f32 to vector<1000x1xf32>
    %gt3A_34 = arith.cmpf ogt, %slice3A_29, %gt3A_33 : vector<1000x1xf32>
    %jit3A = arith.constant 1.000000e+00 : f32
    %broadcast_in_dim3A = vector.broadcast %jit3A : f32 to vector<1000x1xf32>
    %select_n3A = arith.select %gt3A_34, %slice3A_29, %broadcast_in_dim3A : vector<1000x1xi1>, vector<1000x1xf32>
    %div3A = vector.broadcast %select_n3A : vector<1000x1xf32> to vector<1000x128xf32>
    %div3A_35 = arith.divf %add3A, %div3A : vector<1000x128xf32>
    %jit3A_36 = arith.constant 0.000000e+00 : f32
    %broadcast_in_dim3A_37 = vector.shape_cast %gt3A_31 : vector<1000x1xi1> to vector<1000x1xi1>
    %broadcast_in_dim3A_38 = vector.broadcast %broadcast_in_dim3A_37 : vector<1000x1xi1> to vector<1000x128xi1>
    %broadcast_in_dim3A_39 = vector.broadcast %jit3A_36 : f32 to vector<1000x128xf32>
    %select_n3A_40 = arith.select %broadcast_in_dim3A_38, %div3A_35, %broadcast_in_dim3A_39 : vector<1000x128xi1>, vector<1000x128xf32>
    %gt3A_41 = arith.constant 0.000000e+00 : f32
    %gt3A_42 = vector.broadcast %gt3A_41 : f32 to vector<1000x128xf32>
    %gt3A_43 = arith.cmpf ogt, %select_n3A_40, %gt3A_42 : vector<1000x128xf32>
    %exp3A = math.exp %select_n3A_40 : vector<1000x128xf32>
    %sub3A = arith.constant 1.000000e+00 : f32
    %sub3A_44 = vector.broadcast %sub3A : f32 to vector<1000x128xf32>
    %sub3A_45 = arith.subf %exp3A, %sub3A_44 : vector<1000x128xf32>
    %select_n3A_46 = arith.select %gt3A_43, %select_n3A_40, %sub3A_45 : vector<1000x128xi1>, vector<1000x128xf32>
    %swap3A = arith.constant 0 : index
    %swap3A_47 = arith.constant 0 : index
    %swap3A_48 = vector.load %arg7[%swap3A, %swap3A_47] : memref<1000x128xf32, #tpu.memory_space<vmem>>, vector<1000x128xf32>
    tpu.vector_store %arg7[%swap3A, %swap3A_47], %select_n3A_46 {strides = array<i32>} : memref<1000x128xf32, #tpu.memory_space<vmem>>, vector<1000x128xf32>,
    %dot_general3A = arith.constant dense<0.000000e+00> : vector<1000x128xf32>
    %dot_general3A_49 = tpu.matmul %select_n3A_46, %get3A_3, %dot_general3A {dimension_numbers = #tpu.dot_dimension_numbers<[1], [1], [0], [0], [0, 0, 1, 0], [], []>, transpose_lhs_hint = false} : vector<1000x128xf32>, vector<128x128xf32>, vector<1000x128xf32> -> vector<1000x128xf32>
    %broadcast_in_dim3A_50 = vector.shape_cast %get3A_5 : vector<128xf32> to vector<1x128xf32>
    %add3A_51 = vector.broadcast %broadcast_in_dim3A_50 : vector<1x128xf32> to vector<1000x128xf32>
    %add3A_52 = arith.addf %dot_general3A_49, %add3A_51 : vector<1000x128xf32>
    %tanh3A = math.tanh %add3A_52 : vector<1000x128xf32>
    %get3A_53 = arith.constant 0 : index
    %get3A_54 = arith.constant 0 : index
    %get3A_55 = vector.load %arg9[%get3A_53, %get3A_54] : memref<2x128xf32, #tpu.memory_space<vmem>>, vector<1x128xf32>
    %reduce_sum3A = arith.constant dense<0.000000e+00> : vector<128xf32>
    %reduce_sum3A_56 = vector.multi_reduction <add>, %tanh3A, %reduce_sum3A [0] : vector<1000x128xf32> to vector<128xf32>
    %broadcast_in_dim3A_57 = vector.shape_cast %reduce_sum3A_56 : vector<128xf32> to vector<1x128xf32>
    %add3A_58 = arith.addf %get3A_55, %broadcast_in_dim3A_57 : vector<1x128xf32>
    %swap3A_59 = arith.constant 0 : index
    %swap3A_60 = arith.constant 0 : index
    %swap3A_61 = vector.load %arg9[%swap3A_59, %swap3A_60] : memref<2x128xf32, #tpu.memory_space<vmem>>, vector<1x128xf32>
    tpu.vector_store %arg9[%swap3A_59, %swap3A_60], %add3A_58 {strides = array<i32>} : memref<2x128xf32, #tpu.memory_space<vmem>>, vector<1x128xf32>,
    %get3A_62 = arith.constant 0 : index
    %get3A_63 = arith.constant 0 : index
    %get3A_64 = arith.constant 0 : index
    %get3A_65 = vector.load %arg3[%get3A_62, %get3A_63, %get3A_64] : memref<2x1000x128xf32, #tpu.memory_space<vmem>>, vector<2x1000x128xf32>
    %slice3A_66 = vector.extract_strided_slice %get3A_65 {offsets = [0, 0, 0], sizes = [1, 1000, 128], strides = [1, 1, 1]} : vector<2x1000x128xf32> to vector<1x1000x128xf32>
    %squeeze3A_67 = vector.shape_cast %slice3A_66 : vector<1x1000x128xf32> to vector<1000x128xf32>
    %get3A_68 = arith.constant 0 : index
    %get3A_69 = arith.constant 0 : index
    %get3A_70 = arith.constant 0 : index
    %get3A_71 = vector.load %arg3[%get3A_68, %get3A_69, %get3A_70] : memref<2x1000x128xf32, #tpu.memory_space<vmem>>, vector<2x1000x128xf32>
    %slice3A_72 = vector.extract_strided_slice %get3A_71 {offsets = [1, 0, 0], sizes = [1, 1000, 128], strides = [1, 1, 1]} : vector<2x1000x128xf32> to vector<1x1000x128xf32>
    %squeeze3A_73 = vector.shape_cast %slice3A_72 : vector<1x1000x128xf32> to vector<1000x128xf32>
    %add3A_74 = arith.addf %squeeze3A_67, %squeeze3A_73 : vector<1000x128xf32>
    %get3A_75 = arith.constant 0 : index
    %get3A_76 = arith.constant 0 : index
    %get3A_77 = arith.constant 0 : index
    %get3A_78 = vector.load %arg4[%get3A_75, %get3A_76, %get3A_77] : memref<2x1000x16xf32, #tpu.memory_space<vmem>>, vector<2x1000x16xf32>
    %slice3A_79 = vector.extract_strided_slice %get3A_78 {offsets = [0, 0, 0], sizes = [1, 1000, 16], strides = [1, 1, 1]} : vector<2x1000x16xf32> to vector<1x1000x16xf32>
    %squeeze3A_80 = vector.shape_cast %slice3A_79 : vector<1x1000x16xf32> to vector<1000x16xf32>
    %get3A_81 = arith.constant 0 : index
    %get3A_82 = arith.constant 0 : index
    %get3A_83 = arith.constant 0 : index
    %get3A_84 = vector.load %arg4[%get3A_81, %get3A_82, %get3A_83] : memref<2x1000x16xf32, #tpu.memory_space<vmem>>, vector<2x1000x16xf32>
    %slice3A_85 = vector.extract_strided_slice %get3A_84 {offsets = [1, 0, 0], sizes = [1, 1000, 16], strides = [1, 1, 1]} : vector<2x1000x16xf32> to vector<1x1000x16xf32>
    %squeeze3A_86 = vector.shape_cast %slice3A_85 : vector<1x1000x16xf32> to vector<1000x16xf32>
    %add3A_87 = arith.addf %squeeze3A_80, %squeeze3A_86 : vector<1000x16xf32>
    %slice3A_88 = vector.extract_strided_slice %add3A_87 {offsets = [0, 0], sizes = [1000, 1], strides = [1, 1]} : vector<1000x16xf32> to vector<1000x1xf32>
    %gt3A_89 = arith.constant 0.000000e+00 : f32
    %gt3A_90 = vector.broadcast %gt3A_89 : f32 to vector<1000x1xf32>
    %gt3A_91 = arith.cmpf ogt, %slice3A_88, %gt3A_90 : vector<1000x1xf32>
    %gt3A_92 = arith.constant 0.000000e+00 : f32
    %gt3A_93 = vector.broadcast %gt3A_92 : f32 to vector<1000x1xf32>
    %gt3A_94 = arith.cmpf ogt, %slice3A_88, %gt3A_93 : vector<1000x1xf32>
    %jit3A_95 = arith.constant 1.000000e+00 : f32
    %broadcast_in_dim3A_96 = vector.broadcast %jit3A_95 : f32 to vector<1000x1xf32>
    %select_n3A_97 = arith.select %gt3A_94, %slice3A_88, %broadcast_in_dim3A_96 : vector<1000x1xi1>, vector<1000x1xf32>
    %div3A_98 = vector.broadcast %select_n3A_97 : vector<1000x1xf32> to vector<1000x128xf32>
    %div3A_99 = arith.divf %add3A_74, %div3A_98 : vector<1000x128xf32>
    %jit3A_100 = arith.constant 0.000000e+00 : f32
    %broadcast_in_dim3A_101 = vector.shape_cast %gt3A_91 : vector<1000x1xi1> to vector<1000x1xi1>
    %broadcast_in_dim3A_102 = vector.broadcast %broadcast_in_dim3A_101 : vector<1000x1xi1> to vector<1000x128xi1>
    %broadcast_in_dim3A_103 = vector.broadcast %jit3A_100 : f32 to vector<1000x128xf32>
    %select_n3A_104 = arith.select %broadcast_in_dim3A_102, %div3A_99, %broadcast_in_dim3A_103 : vector<1000x128xi1>, vector<1000x128xf32>
    %gt3A_105 = arith.constant 0.000000e+00 : f32
    %gt3A_106 = vector.broadcast %gt3A_105 : f32 to vector<1000x128xf32>
    %gt3A_107 = arith.cmpf ogt, %select_n3A_104, %gt3A_106 : vector<1000x128xf32>
    %exp3A_108 = math.exp %select_n3A_104 : vector<1000x128xf32>
    %sub3A_109 = arith.constant 1.000000e+00 : f32
    %sub3A_110 = vector.broadcast %sub3A_109 : f32 to vector<1000x128xf32>
    %sub3A_111 = arith.subf %exp3A_108, %sub3A_110 : vector<1000x128xf32>
    %select_n3A_112 = arith.select %gt3A_107, %select_n3A_104, %sub3A_111 : vector<1000x128xi1>, vector<1000x128xf32>
    %swap3A_113 = arith.constant 0 : index
    %swap3A_114 = arith.constant 0 : index
    %swap3A_115 = vector.load %arg8[%swap3A_113, %swap3A_114] : memref<1000x128xf32, #tpu.memory_space<vmem>>, vector<1000x128xf32>
    tpu.vector_store %arg8[%swap3A_113, %swap3A_114], %select_n3A_112 {strides = array<i32>} : memref<1000x128xf32, #tpu.memory_space<vmem>>, vector<1000x128xf32>,
    %dot_general3A_116 = arith.constant dense<0.000000e+00> : vector<1000x128xf32>
    %dot_general3A_117 = tpu.matmul %select_n3A_112, %get3A_3, %dot_general3A_116 {dimension_numbers = #tpu.dot_dimension_numbers<[1], [1], [0], [0], [0, 0, 1, 0], [], []>, transpose_lhs_hint = false} : vector<1000x128xf32>, vector<128x128xf32>, vector<1000x128xf32> -> vector<1000x128xf32>
    %broadcast_in_dim3A_118 = vector.shape_cast %get3A_5 : vector<128xf32> to vector<1x128xf32>
    %add3A_119 = vector.broadcast %broadcast_in_dim3A_118 : vector<1x128xf32> to vector<1000x128xf32>
    %add3A_120 = arith.addf %dot_general3A_117, %add3A_119 : vector<1000x128xf32>
    %tanh3A_121 = math.tanh %add3A_120 : vector<1000x128xf32>
    %get3A_122 = arith.constant 1 : index
    %get3A_123 = arith.constant 0 : index
    %get3A_124 = vector.load %arg9[%get3A_122, %get3A_123] : memref<2x128xf32, #tpu.memory_space<vmem>>, vector<1x128xf32>
    %reduce_sum3A_125 = arith.constant dense<0.000000e+00> : vector<128xf32>
    %reduce_sum3A_126 = vector.multi_reduction <add>, %tanh3A_121, %reduce_sum3A_125 [0] : vector<1000x128xf32> to vector<128xf32>
    %broadcast_in_dim3A_127 = vector.shape_cast %reduce_sum3A_126 : vector<128xf32> to vector<1x128xf32>
    %add3A_128 = arith.addf %get3A_124, %broadcast_in_dim3A_127 : vector<1x128xf32>
    %swap3A_129 = arith.constant 1 : index
    %swap3A_130 = arith.constant 0 : index
    %swap3A_131 = vector.load %arg9[%swap3A_129, %swap3A_130] : memref<2x128xf32, #tpu.memory_space<vmem>>, vector<1x128xf32>
    tpu.vector_store %arg9[%swap3A_129, %swap3A_130], %add3A_128 {strides = array<i32>} : memref<2x128xf32, #tpu.memory_space<vmem>>, vector<1x128xf32>,
    return
  }
  func.func @transform_0(%arg0: i32) -> (i32, i32, i32) {
    %c0_i32 = arith.constant 0 : i32
    %c0_i32_0 = arith.constant 0 : i32
    %c0_i32_1 = arith.constant 0 : i32
    return %c0_i32, %arg0, %c0_i32_0 : i32, i32, i32
  }
  func.func @transform_1(%arg0: i32) -> (i32, i32, i32) {
    %c0_i32 = arith.constant 0 : i32
    %c0_i32_0 = arith.constant 0 : i32
    %c0_i32_1 = arith.constant 0 : i32
    return %c0_i32, %arg0, %c0_i32_0 : i32, i32, i32
  }
  func.func @transform_2(%arg0: i32) -> (i32, i32, i32) {
    %c0_i32 = arith.constant 0 : i32
    %c0_i32_0 = arith.constant 0 : i32
    %c0_i32_1 = arith.constant 0 : i32
    return %c0_i32, %arg0, %c0_i32_0 : i32, i32, i32
  }
  func.func @transform_3(%arg0: i32) -> (i32, i32, i32) {
    %c0_i32 = arith.constant 0 : i32
    %c0_i32_0 = arith.constant 0 : i32
    %c0_i32_1 = arith.constant 0 : i32
    return %c0_i32, %arg0, %c0_i32_0 : i32, i32, i32
  }
  func.func @transform_4(%arg0: i32) -> (i32, i32) {
    %c0_i32 = arith.constant 0 : i32
    %c0_i32_0 = arith.constant 0 : i32
    %c0_i32_1 = arith.constant 0 : i32
    return %c0_i32, %c0_i32_0 : i32, i32
  }
  func.func @transform_5(%arg0: i32) -> i32 {
    %c0_i32 = arith.constant 0 : i32
    %c0_i32_0 = arith.constant 0 : i32
    return %c0_i32 : i32
  }
  func.func @transform_6(%arg0: i32) -> (i32, i32) {
    %c0_i32 = arith.constant 0 : i32
    %c0_i32_0 = arith.constant 0 : i32
    return %arg0, %c0_i32 : i32, i32
  }
  func.func @transform_7(%arg0: i32) -> (i32, i32) {
    %c0_i32 = arith.constant 0 : i32
    %c0_i32_0 = arith.constant 0 : i32
    return %arg0, %c0_i32 : i32, i32
  }
  func.func @transform_8(%arg0: i32) -> (i32, i32) {
    %c0_i32 = arith.constant 0 : i32
    %c0_i32_0 = arith.constant 0 : i32
    %c0_i32_1 = arith.constant 0 : i32
    return %c0_i32, %c0_i32_0 : i32, i32
  }
}

module attributes {stable_mosaic.version = 14 : i64} {
  func.func @_combine_body(%arg0: i32, %arg1: memref<1000x128xf32, #tpu.memory_space<vmem>>, %arg2: memref<1000x128xf32, #tpu.memory_space<vmem>>, %arg3: memref<2x128xf32, #tpu.memory_space<vmem>>, %arg4: memref<1x128xf32, #tpu.memory_space<vmem>>, %arg5: memref<1000x128xf32, #tpu.memory_space<vmem>>) attributes {dimension_semantics = [#tpu.dimension_semantics<arbitrary>], iteration_bounds = array<i64: 10>, scalar_prefetch = 0 : i64, scratch_operands = 0 : i64, tpu.core_type = #tpu.core_type<tc>, window_params = [{transform_indices = @transform_0, window_bounds = array<i64: 1000, 128>}, {transform_indices = @transform_1, window_bounds = array<i64: 1000, 128>}, {pipeline_mode = #tpu.pipeline_mode<synchronous>, transform_indices = @transform_2, window_bounds = array<i64: 2, 128>}, {pipeline_mode = #tpu.pipeline_mode<synchronous>, transform_indices = @transform_3, window_bounds = array<i64: 1, 128>}, {transform_indices = @transform_4, window_bounds = array<i64: 1000, 128>}]} {
    %get3A = arith.constant 0 : index
    %get3A_0 = arith.constant 0 : index
    %get3A_1 = vector.load %arg3[%get3A, %get3A_0] : memref<2x128xf32, #tpu.memory_space<vmem>>, vector<2x128xf32>
    %mul3A = arith.constant 9.99999974E-5 : f32
    %mul3A_2 = vector.broadcast %mul3A : f32 to vector<2x128xf32>
    %mul3A_3 = arith.mulf %get3A_1, %mul3A_2 : vector<2x128xf32>
    %get3A_4 = arith.constant 0 : index
    %get3A_5 = arith.constant 0 : index
    %get3A_6 = vector.load %arg4[%get3A_4, %get3A_5] : memref<1x128xf32, #tpu.memory_space<vmem>>, vector<1x128xf32>
    %squeeze3A = vector.shape_cast %get3A_6 : vector<1x128xf32> to vector<128xf32>
    %slice3A = vector.extract_strided_slice %mul3A_3 {offsets = [0, 0], sizes = [1, 128], strides = [1, 1]} : vector<2x128xf32> to vector<1x128xf32>
    %squeeze3A_7 = vector.shape_cast %slice3A : vector<1x128xf32> to vector<128xf32>
    %mul3A_8 = arith.mulf %squeeze3A_7, %squeeze3A : vector<128xf32>
    %reduce_sum3A = vector.shape_cast %mul3A_8 : vector<128xf32> to vector<1x128xf32>
    %reduce_sum3A_9 = arith.constant dense<0.000000e+00> : vector<1xf32>
    %reduce_sum3A_10 = vector.multi_reduction <add>, %reduce_sum3A, %reduce_sum3A_9 [1] : vector<1x128xf32> to vector<1xf32>
    %reduce_sum3A_11 = vector.shape_cast %reduce_sum3A_10 : vector<1xf32> to vector<1x1xf32>
    %reduce_sum3A_12 = vector.extract %reduce_sum3A_11[0, 0] : f32 from vector<1x1xf32>
    %slice3A_13 = vector.extract_strided_slice %mul3A_3 {offsets = [1, 0], sizes = [1, 128], strides = [1, 1]} : vector<2x128xf32> to vector<1x128xf32>
    %squeeze3A_14 = vector.shape_cast %slice3A_13 : vector<1x128xf32> to vector<128xf32>
    %mul3A_15 = arith.mulf %squeeze3A_14, %squeeze3A : vector<128xf32>
    %reduce_sum3A_16 = vector.shape_cast %mul3A_15 : vector<128xf32> to vector<1x128xf32>
    %reduce_sum3A_17 = arith.constant dense<0.000000e+00> : vector<1xf32>
    %reduce_sum3A_18 = vector.multi_reduction <add>, %reduce_sum3A_16, %reduce_sum3A_17 [1] : vector<1x128xf32> to vector<1xf32>
    %reduce_sum3A_19 = vector.shape_cast %reduce_sum3A_18 : vector<1xf32> to vector<1x1xf32>
    %reduce_sum3A_20 = vector.extract %reduce_sum3A_19[0, 0] : f32 from vector<1x1xf32>
    %max3A = arith.maximumf %reduce_sum3A_12, %reduce_sum3A_20 : f32
    %sub3A = arith.subf %reduce_sum3A_12, %max3A : f32
    %exp3A = math.exp %sub3A : f32
    %sub3A_21 = arith.subf %reduce_sum3A_20, %max3A : f32
    %exp3A_22 = math.exp %sub3A_21 : f32
    %add3A = arith.addf %exp3A, %exp3A_22 : f32
    %get3A_23 = arith.constant 0 : index
    %get3A_24 = arith.constant 0 : index
    %get3A_25 = vector.load %arg1[%get3A_23, %get3A_24] : memref<1000x128xf32, #tpu.memory_space<vmem>>, vector<1000x128xf32>
    %mul3A_26 = vector.broadcast %exp3A : f32 to vector<1000x128xf32>
    %mul3A_27 = arith.mulf %mul3A_26, %get3A_25 : vector<1000x128xf32>
    %get3A_28 = arith.constant 0 : index
    %get3A_29 = arith.constant 0 : index
    %get3A_30 = vector.load %arg2[%get3A_28, %get3A_29] : memref<1000x128xf32, #tpu.memory_space<vmem>>, vector<1000x128xf32>
    %mul3A_31 = vector.broadcast %exp3A_22 : f32 to vector<1000x128xf32>
    %mul3A_32 = arith.mulf %mul3A_31, %get3A_30 : vector<1000x128xf32>
    %add3A_33 = arith.addf %mul3A_27, %mul3A_32 : vector<1000x128xf32>
    %div3A = vector.broadcast %add3A : f32 to vector<1000x128xf32>
    %div3A_34 = arith.divf %add3A_33, %div3A : vector<1000x128xf32>
    %swap3A = arith.constant 0 : index
    %swap3A_35 = arith.constant 0 : index
    %swap3A_36 = vector.load %arg5[%swap3A, %swap3A_35] : memref<1000x128xf32, #tpu.memory_space<vmem>>, vector<1000x128xf32>
    tpu.vector_store %arg5[%swap3A, %swap3A_35], %div3A_34 {strides = array<i32>} : memref<1000x128xf32, #tpu.memory_space<vmem>>, vector<1000x128xf32>,
    return
  }
  func.func @transform_0(%arg0: i32) -> (i32, i32) {
    %c0_i32 = arith.constant 0 : i32
    %c0_i32_0 = arith.constant 0 : i32
    return %arg0, %c0_i32 : i32, i32
  }
  func.func @transform_1(%arg0: i32) -> (i32, i32) {
    %c0_i32 = arith.constant 0 : i32
    %c0_i32_0 = arith.constant 0 : i32
    return %arg0, %c0_i32 : i32, i32
  }
  func.func @transform_2(%arg0: i32) -> (i32, i32) {
    %c0_i32 = arith.constant 0 : i32
    %c0_i32_0 = arith.constant 0 : i32
    %c0_i32_1 = arith.constant 0 : i32
    return %c0_i32, %c0_i32_0 : i32, i32
  }
  func.func @transform_3(%arg0: i32) -> (i32, i32) {
    %c0_i32 = arith.constant 0 : i32
    %c0_i32_0 = arith.constant 0 : i32
    %c0_i32_1 = arith.constant 0 : i32
    return %c0_i32, %c0_i32_0 : i32, i32
  }
  func.func @transform_4(%arg0: i32) -> (i32, i32) {
    %c0_i32 = arith.constant 0 : i32
    %c0_i32_0 = arith.constant 0 : i32
    return %arg0, %c0_i32 : i32, i32
  }
}

</mosaic_0001>

<sc_bundles>
// kernel: kernel.6.cloned.1.call-start
scs
__scs_entry_jumppad:
0x0: {  	(pc) =	sbr.rel $0x88, $3  }
0x1: {  	(tag) =	ssettag $0x0;
	lr =	simm.s32 $0x1  }
0x2: {  	[smem:$0x3F95] =	sst lr;
	_ =	strace $0xD0000000  }
0x3: {  	_ = 	snop  }
0x4: {  	_ = 	snop  }
0x5: {  	_ = 	snop  }
0x6: {  	_ = 	snop  }
0x7: {  	_ = 	snop  }
__scs_overlays_trampoline_lowered:
0x8: {  	[smem:$0x3FA4] =	sst s0  }
0x9: {  	[smem:$0x3FA5] =	sst s1  }
0xa: {  	[smem:$0x3FA6] =	sst s2  }
0xb: {  	[smem:$0x3FA7] =	sst s3  }
0xc: {  	[smem:$0x3FA8] =	sst s4  }
0xd: {  	[smem:$0x3FA9] =	sst s5  }
0xe: {  	[smem:$0x3FAA] =	sst s6  }
0xf: {  	[smem:$0x3FAB] =	sst s7  }
0x10: {  	[smem:$0x3FAC] =	sst s8  }
0x11: {  	[smem:$0x3FAD] =	sst s9;
	s0 =	simm.s32 @!p0 $0x0  }
0x12: {  	s1 =	sld [smem:$0x3F93];
	s0 =	simm.s32 @p0 $0x1  }
0x13: {  	[smem:$0x3FAE] =	sst s0;
	s0 =	simm.s32 @!p1 $0x0  }
0x14: {  	s2 =	sld [smem:$0x3F92];
	s0 =	simm.s32 @p1 $0x1  }
0x15: {  	[smem:$0x3FAF] =	sst s0;
	s0 =	simm.s32 @!p2 $0x0  }
0x16: {  	s3 =	sld [smem:$0x3FDB];
	s0 =	simm.s32 @p2 $0x1  }
0x17: {  	s4 =	simm.s32 $0x1BF5;
	[smem:$0x3FB1] =	sst s0  }
0x18: {  	s0 =	sld [smem:$0x3F94];
	_ =	swait.ge [sflag:s4], $0x0  }
0x19: {  	s7 =	sld [smem:$0x3F95]  }
0x1a: {  	s8 =	sadd.s32 $0xFFFFE003, lr  }
0x1b: {  	s9 =	sadd.s32 $0xFFFFFEF7, lr;
	s5 =	simm.s32 $0xFFFFFFFF;
	p2 =	slt.u32 s8, $0xFFFFF086  }
0x1c: {  	p1 =	slt.u32 s9, $0xF7A;
	s5 =	simm.s32 @!p2 $0x0  }
0x1d: {  	s5 =	simm.s32 @p1 $0x1;
	p0 =	seq.s32 s7, s2  }
0x1e: {  	s7 =	smul.u32 @!p0 $0xF7A, s2;
	p2 =	seq.s32 @!p0 s5, $0x0  }
0x1f: {  	s9 =	smul.u32 $0xF7A, s1;
	s8 =	simm.s32 @!p0 $0x1BF5;
	p2 =	por !p2, p0  }
0x20: {  	[sflag:s8] =	ssyncset.s32 @!p0 $0xFFFFF086;
	s6 =	sadd.s32 @!p0 s3, s7;
	s7 =	simm.s32 @!p0 $0x108  }
0x21: {  	s3 =	sadd.s32 s3, s9;
	s6 =	sadd.s32 @!p0 $0x88, s6;
	s7 =	simm.s32 @p2 $0x1082  }
0x22: {  	[simem:s7], [sflag:s8] =	dma.local @!p0 [hbm:s6], $0xF7A  }
0x23: {  	s9 =	sor.u32 $0xD0000000, s2;
	s6 =	simm.s32 $0x108;
	_ =	swait.ge @!p0 [sflag:s8], $0x0  }
0x24: {  	s3 =	sadd.s32 $0x88, s3;
	s6 =	simm.s32 @!p1 $0x1082;
	[sflag:s4] =	ssyncset.s32 $0xFFFFF086  }
0x25: {  	[simem:s6], [sflag:s4] =	dma.local [hbm:s3], $0xF7A  }
0x26: {  	[smem:$0x3F95] =	sst s1;
	(tag) =	ssettag s2;
	_ =	strace s9  }
0x27: {  	s1 =	sld [smem:$0x3FA5]  }
0x28: {  	s2 =	sld [smem:$0x3FA6]  }
0x29: {  	s4 =	sld [smem:$0x3FA8]  }
0x2a: {  	p0 =	seq.s32 s5, $0x0;
	s5 =	sld [smem:$0x3FA9]  }
0x2b: {  	s6 =	sld [smem:$0x3FAA]  }
0x2c: {  	s7 =	sld [smem:$0x3FAB]  }
0x2d: {  	s3 =	simm.s32 $0x108;
	s8 =	sld [smem:$0x3FAC]  }
0x2e: {  	s3 =	simm.s32 @!p0 $0x1082;
	s9 =	sld [smem:$0x3FAD]  }
0x2f: {  	lr =	sadd.s32 s0, s3;
	s0 =	sld [smem:$0x3FA4]  }
0x30: {  	s3 =	sld [smem:$0x3FA7]  }
0x31: {  	[smem:$0x3FB0] =	sst s10  }
0x32: {  	s10 =	sld [smem:$0x3FAE];
	_ =	sdelay $0x3  }
0x33: {  	p0 =	seq.s32 s10, $0x1;
	s10 =	sld [smem:$0x3FB0];
	_ =	sdelay $0x3  }
0x34: {  	[smem:$0x3FB0] =	sst s10  }
0x35: {  	s10 =	sld [smem:$0x3FAF];
	_ =	sdelay $0x3  }
0x36: {  	p1 =	seq.s32 s10, $0x1;
	s10 =	sld [smem:$0x3FB0];
	_ =	sdelay $0x3  }
0x37: {  	[smem:$0x3FB0] =	sst s10  }
0x38: {  	s10 =	sld [smem:$0x3FB1]  }
0x39: {  	_ = 	snop;
	(pc) =	sbr.ind lr, $3  }
0x3a: {  	_ = 	snop  }
0x3b: {  	_ = 	snop  }
0x3c: {  	p2 =	seq.s32 s10, $0x1;
	s10 =	sld [smem:$0x3FB0]  }
0x3d: {  	_ =	shalt  }
0x3e: {  	_ =	shalt  }
0x3f: {  	_ =	shalt  }
0x40: {  	_ =	shalt  }
0x41: {  	_ =	shalt  }
0x42: {  	_ =	shalt  }
0x43: {  	_ =	shalt  }
0x44: {  	_ =	shalt  }
0x45: {  	_ =	shalt  }
0x46: {  	_ =	shalt  }
0x47: {  	_ =	shalt  }
0x48: {  	_ =	shalt  }
0x49: {  	_ =	shalt  }
0x4a: {  	_ =	shalt  }
0x4b: {  	_ =	shalt  }
0x4c: {  	_ =	shalt  }
0x4d: {  	_ =	shalt  }
0x4e: {  	_ =	shalt  }
0x4f: {  	_ =	shalt  }
0x50: {  	_ =	shalt  }
0x51: {  	_ =	shalt  }
0x52: {  	_ =	shalt  }
0x53: {  	_ =	shalt  }
0x54: {  	_ =	shalt  }
0x55: {  	_ =	shalt  }
0x56: {  	_ =	shalt  }
0x57: {  	_ =	shalt  }
0x58: {  	_ =	shalt  }
0x59: {  	_ =	shalt  }
0x5a: {  	_ =	shalt  }
0x5b: {  	_ =	shalt  }
0x5c: {  	_ =	shalt  }
0x5d: {  	_ =	shalt  }
0x5e: {  	_ =	shalt  }
0x5f: {  	_ =	shalt  }
0x60: {  	_ =	shalt  }
0x61: {  	_ =	shalt  }
0x62: {  	_ =	shalt  }
0x63: {  	_ =	shalt  }
0x64: {  	_ =	shalt  }
0x65: {  	_ =	shalt  }
0x66: {  	_ =	shalt  }
0x67: {  	_ =	shalt  }
0x68: {  	_ =	shalt  }
0x69: {  	_ =	shalt  }
0x6a: {  	_ =	shalt  }
0x6b: {  	_ =	shalt  }
0x6c: {  	_ =	shalt  }
0x6d: {  	_ =	shalt  }
0x6e: {  	_ =	shalt  }
0x6f: {  	_ =	shalt  }
0x70: {  	_ =	shalt  }
0x71: {  	_ =	shalt  }
0x72: {  	_ =	shalt  }
0x73: {  	_ =	shalt  }
0x74: {  	_ =	shalt  }
0x75: {  	_ =	shalt  }
0x76: {  	_ =	shalt  }
0x77: {  	_ =	shalt  }
0x78: {  	_ =	shalt  }
0x79: {  	_ =	shalt  }
0x7a: {  	_ =	shalt  }
0x7b: {  	_ =	shalt  }
0x7c: {  	_ =	shalt  }
0x7d: {  	_ =	shalt  }
0x7e: {  	_ =	shalt  }
0x7f: {  	_ =	shalt  }
0x80: {  	_ =	shalt  }
0x81: {  	_ =	shalt  }
0x82: {  	_ =	shalt  }
0x83: {  	_ =	shalt  }
0x84: {  	_ =	shalt  }
0x85: {  	_ =	shalt  }
0x86: {  	_ =	shalt  }
0x87: {  	_ =	shalt  }
.Lfunc_end0:
.L_simem_size_0:
called_computation_lowered:
.L_overlay_start_0:
0x88: {  	s2 =	sld [smem:$0x3FD9]  }
0x89: {  	s3 =	sld [smem:$0x3FFE];
	_ =	sdelay $0x1  }
0x8a: {  	s1 =	srdreg.scid  }
0x8b: {  	s0 =	sand.u32 $0x1, s1  }
0x8c: {  	s17 =	sshll.u32 s0, $0xA;
	s2 =	sadd.s32 s3, s2  }
0x8d: {  	s2 =	sadd.s32 s2, s17  }
0x8e: {  	[smem:$0x3FBC] =	sst s2  }
0x8f: {  	_ = 	snop  }
0x90: {  	s2 =	sld [smem:$0x3FC9]  }
0x91: {  	s18 =	sld [smem:$0x3FC8]  }
0x92: {  	s4 =	sld [smem:$0x3FD0];
	(tm) =	ssettm $0x1  }
0x93: {  	s5 =	sld [smem:$0x3FFB];
	_ =	sdelay $0x3  }
0x94: {  	_ =	strace s5  }
0x95: {  	s5 =	sld [smem:$0x3FFC];
	_ =	sdelay $0x3  }
0x96: {  	_ =	strace s5  }
0x97: {  	s5 =	sld [smem:$0x3FFD];
	_ =	sdelay $0x3  }
0x98: {  	_ =	strace s5  }
0x99: {  	_ =	strace $0x8FFFFFFF  }
0x9a: {  	s19 =	sld [smem:$0x3FDB];
	_ =	sdelay $0x1  }
0x9b: {  	s6 =	simm.s32 $_scs_section_size  }
0x9c: {  	s7 =	simm.s32 $_size__tile_overlayer_lowered;
	s8 =	simm.s32 $_tile_overlayer_lowered  }
0x9d: {  	s22 =	simm.s32 $0x1BFF;
	s21 =	sshll.u32 s8, $0x1;
	s5 =	sadd.s32 s6, s19  }
0x9e: {  	s9 =	simm.s32 $0x0;
	s20 =	sshll.u32 s7, $0x1;
	s7 =	sadd.s32 s21, s5  }
0x9f: {  	[timem:s9], [sflag:s22] =	dma.local [hbm:s7], s20  }
0xa0: {  	_ =	swait.ge [sflag:s22], s20  }
0xa1: {  	s6 =	ssub.s32 $0x0, s20;
	[sflag:s22] =	ssyncset.done $0x0  }
0xa2: {  	[sflag:s22] =	ssyncadd.s32 s6;
	_ =	sdelay $0x1  }
0xa3: {  	s23 =	simm.s32 $0x1B8B  }
0xa4: {  	_ =	swait.ge [sflag:s23], $0x1  }
0xa5: {  	[sflag:s23] =	ssyncset.done $0x0  }
0xa6: {  	s25 =	simm.s32 $0x1B8E;
	s24 =	sld [smem:$0x3FFE];
	[sflag:s23] =	ssyncadd.s32 $0xFFFFFFFF  }
0xa7: {  	s26 =	simm.s32 $execute0_lowered;
	[smem:$0x3FD2] =	sst s25  }
0xa8: {  	s7 =	sshll.u32 s26, $0x1;
	_ =	strace $0x80000046;
	[dreg:$0x1] =	wrdreg $0xFFFFFFFF  }
0xa9: {  	s28 =	simm.s32 $_size_execute0_lowered;
	s5 =	sadd.s32 s5, s7;
	[dreg:$0x0] =	wrdreg $0x0  }
0xaa: {  	s7 =	sshll.u32 s28, $0x1;
	[dreg:$0x2] =	wrdreg s5  }
0xab: {  	[dreg:$0x3] =	wrdreg s7  }
0xac: {  	[dreg:$0x4] =	wrdreg $0xC0  }
0xad: {  	_ =	task [dreg:s9], $0x5FFFF  }
0xae: {  	[dreg:$0x1] =	wrdreg $0xFFFFFFFF  }
0xaf: {  	[dreg:$0x0] =	wrdreg $0x60  }
0xb0: {  	[dreg:$0x2] =	wrdreg s24  }
0xb1: {  	[dreg:$0x3] =	wrdreg s4  }
0xb2: {  	[dreg:$0x4] =	wrdreg s2  }
0xb3: {  	[dreg:$0x5] =	wrdreg s18  }
0xb4: {  	[dreg:$0x6] =	wrdreg $0x9AA00  }
0xb5: {  	[dreg:$0x7] =	wrdreg $0x1D3200  }
0xb6: {  	[dreg:$0x8] =	wrdreg $0x9  }
0xb7: {  	_ =	task.clear_ibuf [dreg:s9], $0x9FFFF;
	_ =	strace $0x90000046  }
0xb8: {  	s29 =	simm.s32 $0x9;
	_ =	strace $0x80000048  }
0xb9: {  	_ =	swait.ge [sflag:s29], $0x1  }
0xba: {  	[sflag:s29] =	ssyncadd.s32 $0xFFFFFFFF  }
0xbb: {  	_ =	strace $0x90000048  }
0xbc: {  	_ =	sfence  }
0xbd: {  	s30 =	sld [smem:$0x0];
	_ =	sdelay $0x2  }
0xbe: {  	s31 =	sshll.u32 s1, $0xD;
	s1 =	sshrl.u32 s1, $0x2  }
0xbf: {  	s3 =	sand.u32 $0x4000, s31;
	s1 =	sadd.s32 s1, s30  }
0xc0: {  	s0 =	sor.u32 s3, s0;
	s1 =	sshll.u32 s1, $0x11  }
0xc1: {  	s0 =	sor.u32 s1, s0  }
0xc2: {  	s0 =	sadd.s32 $0x8F2B, s0  }
0xc3: {  	[sflag:s0] =	ssyncadd.remote.s32 $0x1  }
0xc4: {  	_ =	sfence.sel $0xFFFF  }
0xc5: {  	[dreg:$0x0] =	wrdreg $0xFFFFFFFF;
	(pc) =	sbr.abs _section_cstart, $3  }
0xc6: {  	[dreg:$0x1] =	wrdreg $0xFFFFFFFF  }
0xc7: {  	_ =	task.clear_ibuf [dreg:s9], $0x2FFFF;
	_ =	strace $0x9FFFFFFF  }
0xc8: {  	(tm) =	ssettm $0x7FFFFFFF  }
0xc9: {  	_ =	shalt  }
tec
execute0_lowered:
.L_overlay_start_1:
0x0: {  	(tag) =	ssettag $0x1  }
0x1: {  	s0 =	rddreg [dreg:$0x0]  }
0x2: {  	s2 =	rddreg [dreg:$0x2]  }
0x3: {  	s3 =	rddreg [dreg:$0x3]  }
0x4: {  	s4 =	rddreg [dreg:$0x4]  }
0x5: {  	s5 =	rddreg [dreg:$0x5];
	s18 =	stileid.u32  }
0x6: {  	s19 =	simm.s32 $0x0;
	s1 =	srdreg.scid;
	s26 =	smul.u32 $0x270, s18  }
0x7: {  	s11 =	simm.s32 $0x4F;
	[smem:$0x7FF] =	sst s19;
	s29 =	smul.u32 $0x13800, s18  }
0x8: {  	s1 =	sand.u32 $0x1, s1;
	s7 =	sshll.u32 s18, $0x1;
	s14 =	smul.u32 $0x2700, s18  }
0x9: {  	p0 =	slt.u32 s18, $0x2;
	_ =	strace $0x80000047;
	s6 =	smul.u32 $0x27100, s1  }
0xa: {  	s8 =	smul.u32 $0x4E20, s1;
	s9 =	ssub.s32 $0x2, s1;
	s1 =	sor.u32 s1, s7  }
0xb: {  	s11 =	simm.s32 @!p0 $0x4E;
	s25 =	sshrl.u32 s9, $0x1;
	s10 =	smul.u32 $0x4E, s1  }
0xc: {  	s1 =	smin.u32 s1, $0x4;
	[dreg:$0x8] =	wrdreg s11;
	s21 =	sadd.s32 s29, s4  }
0xd: {  	s28 =	sadd.s32 $0x68, s26;
	s11 =	sshrl.u32 s29, $0x3;
	[dreg:$0xe] =	wrdreg s21  }
0xe: {  	s13 =	sadd.s32 $0xD0, s26;
	s22 =	sadd.s32 s14, s5;
	[dreg:$0xf] =	wrdreg s11  }
0xf: {  	s31 =	sadd.s32 $0x138, s26;
	s23 =	sshrl.u32 s14, $0x3;
	[dreg:$0x10] =	wrdreg s22  }
0x10: {  	s15 =	sadd.s32 $0x1A0, s26;
	s29 =	sadd.s32 $0x16400, s0;
	[dreg:$0x11] =	wrdreg s23  }
0x11: {  	s7 =	ssub.s32 s9, s25;
	s25 =	sshll.u32 s15, $0x1;
	[dreg:$0x1e] =	wrdreg s29  }
0x12: {  	s9 =	sadd.s32 $0x208, s26;
	s26 =	sadd.s32 $0x1400, s0;
	[dreg:$0x19] =	wrdreg s25  }
0x13: {  	s12 =	sshll.u32 s28, $0x7;
	s24 =	sshll.u32 s28, $0x4;
	[dreg:$0x1c] =	wrdreg s26  }
0x14: {  	s16 =	sshll.u32 s31, $0x7;
	s12 =	sadd.s32 s12, s4;
	[dreg:$0x12] =	wrdreg s24  }
0x15: {  	s17 =	sshll.u32 s15, $0x7;
	s16 =	sadd.s32 s16, s4;
	[dreg:$0x9] =	wrdreg s12  }
0x16: {  	s1 =	sadd.s32 s1, s10;
	s17 =	sadd.s32 s17, s4;
	[dreg:$0xb] =	wrdreg s16  }
0x17: {  	s20 =	sshll.u32 s9, $0x7;
	s10 =	sshll.u32 s28, $0x1;
	[dreg:$0xc] =	wrdreg s17  }
0x18: {  	s14 =	sshll.u32 s9, $0x4;
	s9 =	sshll.u32 s9, $0x1;
	[dreg:$0x13] =	wrdreg s10  }
0x19: {  	s8 =	sadd.s32 s8, s0;
	s28 =	sadd.s32 $0x2800, s0;
	[dreg:$0x1b] =	wrdreg s9  }
0x1a: {  	s21 =	sadd.s32 $0x2A000, s8;
	[dreg:$0x1d] =	wrdreg s28  }
0x1b: {  	s22 =	smax.u32 s7, $0x1;
	[smem:$0x7F4] =	sst s21  }
0x1c: {  	s24 =	sadd.s32 s24, s5;
	[smem:$0x7F5] =	sst s22  }
0x1d: {  	s30 =	sshll.u32 s13, $0x7;
	[smem:$0x7F7] =	sst s24  }
0x1e: {  	s12 =	sadd.s32 s30, s4;
	[dreg:$0x1a] =	wrdreg s14  }
0x1f: {  	s16 =	sadd.s32 s20, s4;
	[dreg:$0xa] =	wrdreg s12  }
0x20: {  	s10 =	sshll.u32 s13, $0x4;
	s13 =	sshll.u32 s13, $0x1;
	[dreg:$0xd] =	wrdreg s16  }
0x21: {  	s6 =	sadd.s32 s6, s0;
	s30 =	sadd.s32 $0xC600, s0;
	[dreg:$0x15] =	wrdreg s13  }
0x22: {  	s17 =	sadd.s32 $0x82000, s6;
	[dreg:$0x1f] =	wrdreg s30  }
0x23: {  	s20 =	sadd.s32 $0x20200, s8;
	[smem:$0x7F2] =	sst s17  }
0x24: {  	s23 =	sshll.u32 s1, $0x4;
	[smem:$0x7F3] =	sst s20  }
0x25: {  	[smem:$0x7F6] =	sst s23  }
0x26: {  	s29 =	sadd.s32 s14, s5;
	[dreg:$0x14] =	wrdreg s10  }
0x27: {  	s12 =	sshll.u32 s31, $0x1;
	[smem:$0x7FB] =	sst s29  }
0x28: {  	s13 =	sshll.u32 s31, $0x4;
	s31 =	sadd.s32 $0x18E2, s0;
	[dreg:$0x17] =	wrdreg s12  }
0x29: {  	s16 =	sadd.s32 $0x33E00, s6;
	[smem:$0x7EE] =	sst s31  }
0x2a: {  	s25 =	sadd.s32 s10, s5;
	[smem:$0x7F1] =	sst s16  }
0x2b: {  	[smem:$0x7F8] =	sst s25  }
0x2c: {  	s30 =	sadd.s32 $0x138000, s4;
	[dreg:$0x16] =	wrdreg s13  }
0x2d: {  	s12 =	sshll.u32 s15, $0x4;
	s15 =	sadd.s32 $0x1DC4, s0;
	[smem:$0x7FC] =	sst s30  }
0x2e: {  	p0 =	sne.s32 s18, $0xF;
	s0 =	sadd.s32 $0x22A6, s0;
	[smem:$0x7EF] =	sst s15  }
0x2f: {  	s8 =	simm.s32 $0x5220;
	s26 =	sadd.s32 s13, s5;
	[smem:$0x7F0] =	sst s0  }
0x30: {  	s24 =	simm.s32 $0x2;
	s9 =	simm.s32 $0x2710;
	[smem:$0x7F9] =	sst s26  }
0x31: {  	s14 =	simm.s32 $0x9A20;
	s31 =	sadd.s32 $0x27000, s5;
	[dreg:$0x18] =	wrdreg s12  }
0x32: {  	v0 =	vimm.f32 $0.0e+00;
	vm0 =	vcmask $0x300;
	s13 =	simm.s32 $0x1;
	s28 =	sadd.s32 s12, s5;
	[smem:$0x7FD] =	sst s31  }
0x33: {  	v1 =	vsel vm0, $0x3F800000, v0;
	s26 =	simm.s32 $0x9220;
	s12 =	simm.s32 $0x80;
	[smem:$0x7FA] =	sst s28  }
.LBB2_1:
0x34: {  	s0 =	simm.s32 $0x5260  }
0x35: {  	[tilespmem:s0+$0xFFFFFFD0] =	vst v0  }
0x36: {  	[tilespmem:s0+$0xFFFFFFE0] =	vst v0  }
0x37: {  	[tilespmem:s0+$0xFFFFFFF0] =	vst v0  }
0x38: {  	[tilespmem:s0+$0x0] =	vst v0  }
0x39: {  	[tilespmem:s0+$0x10] =	vst v0  }
0x3a: {  	[tilespmem:s0+$0x20] =	vst v0  }
0x3b: {  	[tilespmem:s0+$0x30] =	vst v0  }
0x3c: {  	[dreg:$0x7] =	wrdreg s19;
	s6 =	simm.s32 $0x0;
	s1 =	simm.s32 $0x40;
	[tilespmem:s0+$0xFFFFFFC0] =	vst v0  }
.LBB2_2:
0x3d: {  	p1 =	sne.s32 s1, $0x1FC0;
	[tilespmem:s6+$0x9220] =	vst v0;
	s0 =	sadd.s32 $0x80, s0  }
0x3e: {  	[tilespmem:s0+$0xFFFFFFD0] =	vst v0  }
0x3f: {  	[tilespmem:s0+$0xFFFFFFE0] =	vst v0  }
0x40: {  	[tilespmem:s0+$0xFFFFFFF0] =	vst v0  }
.Ltmp0:
0x41: {  	[tilespmem:s0+$0x0] =	vst v0;
	(pc) =	sbr.rel @p1 .LBB2_2-.Ltmp0, $4  }
0x42: {  	[tilespmem:s0+$0x10] =	vst v0  }
0x43: {  	[tilespmem:s0+$0x20] =	vst v0  }
0x44: {  	[tilespmem:s0+$0x30] =	vst v0  }
0x45: {  	s6 =	sshra.s32 s1, $0x2;
	s1 =	sadd.s32 $0x40, s1;
	[tilespmem:s0+$0xFFFFFFC0] =	vst v0  }
0x46: {  	[tilespmem:s6+$0x9220] =	vst v0;
	s0 =	rddreg [dreg:$0xe]  }
0x47: {  	[spmem:s0] =	stream.linear.scatter [tilespmem:s8], [sflag:$0x2], $0x3400, $0x38;
	[tilespmem:$0x1FA30] =	vst v63  }
0x48: {  	_ =	swait.ge [sflag:s24], $0x3400  }
0x49: {  	[sflag:s24] =	ssyncset.done $0x0  }
0x4a: {  	s16 =	rddreg [dreg:$0x10];
	[sflag:s24] =	ssyncadd.s32 $0xFFFFCC00  }
0x4b: {  	[spmem:s16] =	stream.linear.scatter [tilespmem:s26], [sflag:$0x2], $0x680, $0x38;
	[tilespmem:$0x1FA30] =	vst v63  }
0x4c: {  	_ =	swait.ge [sflag:s24], $0x680  }
0x4d: {  	[sflag:s24] =	ssyncset.done $0x0  }
0x4e: {  	s17 =	rddreg [dreg:$0x9];
	[sflag:s24] =	ssyncadd.s32 $0xFFFFF980  }
0x4f: {  	[spmem:s17] =	stream.linear.scatter [tilespmem:s8], [sflag:$0x2], $0x3400, $0x38;
	[tilespmem:$0x1FA30] =	vst v63  }
0x50: {  	_ =	swait.ge [sflag:s24], $0x3400  }
0x51: {  	s18 =	sld [smem:$0x7F7]  }
0x52: {  	[sflag:s24] =	ssyncset.done $0x0  }
0x53: {  	[sflag:s24] =	ssyncadd.s32 $0xFFFFCC00  }
0x54: {  	[spmem:s18] =	stream.linear.scatter [tilespmem:s26], [sflag:$0x2], $0x680, $0x38;
	[tilespmem:$0x1FA30] =	vst v63  }
0x55: {  	_ =	swait.ge [sflag:s24], $0x680  }
0x56: {  	[sflag:s24] =	ssyncset.done $0x0  }
0x57: {  	s19 =	rddreg [dreg:$0xa];
	[sflag:s24] =	ssyncadd.s32 $0xFFFFF980  }
0x58: {  	[spmem:s19] =	stream.linear.scatter [tilespmem:s8], [sflag:$0x2], $0x3400, $0x38;
	[tilespmem:$0x1FA30] =	vst v63  }
0x59: {  	_ =	swait.ge [sflag:s24], $0x3400  }
0x5a: {  	s20 =	sld [smem:$0x7F8]  }
0x5b: {  	[sflag:s24] =	ssyncset.done $0x0  }
0x5c: {  	[sflag:s24] =	ssyncadd.s32 $0xFFFFCC00  }
0x5d: {  	[spmem:s20] =	stream.linear.scatter [tilespmem:s26], [sflag:$0x2], $0x680, $0x38;
	[tilespmem:$0x1FA30] =	vst v63  }
0x5e: {  	_ =	swait.ge [sflag:s24], $0x680  }
0x5f: {  	[sflag:s24] =	ssyncset.done $0x0  }
0x60: {  	s21 =	rddreg [dreg:$0xb];
	[sflag:s24] =	ssyncadd.s32 $0xFFFFF980  }
0x61: {  	[spmem:s21] =	stream.linear.scatter [tilespmem:s8], [sflag:$0x2], $0x3400, $0x38;
	[tilespmem:$0x1FA30] =	vst v63  }
0x62: {  	_ =	swait.ge [sflag:s24], $0x3400  }
0x63: {  	s22 =	sld [smem:$0x7F9]  }
0x64: {  	[sflag:s24] =	ssyncset.done $0x0  }
0x65: {  	[sflag:s24] =	ssyncadd.s32 $0xFFFFCC00  }
0x66: {  	[spmem:s22] =	stream.linear.scatter [tilespmem:s26], [sflag:$0x2], $0x680, $0x38;
	[tilespmem:$0x1FA30] =	vst v63  }
0x67: {  	_ =	swait.ge [sflag:s24], $0x680  }
0x68: {  	[sflag:s24] =	ssyncset.done $0x0  }
0x69: {  	s23 =	rddreg [dreg:$0xc];
	[sflag:s24] =	ssyncadd.s32 $0xFFFFF980  }
0x6a: {  	[spmem:s23] =	stream.linear.scatter [tilespmem:s8], [sflag:$0x2], $0x3400, $0x38;
	[tilespmem:$0x1FA30] =	vst v63  }
0x6b: {  	_ =	swait.ge [sflag:s24], $0x3400  }
0x6c: {  	s25 =	sld [smem:$0x7FA]  }
0x6d: {  	[sflag:s24] =	ssyncset.done $0x0  }
0x6e: {  	[sflag:s24] =	ssyncadd.s32 $0xFFFFCC00  }
0x6f: {  	[spmem:s25] =	stream.linear.scatter [tilespmem:s26], [sflag:$0x2], $0x680, $0x38;
	[tilespmem:$0x1FA30] =	vst v63  }
0x70: {  	_ =	swait.ge [sflag:s24], $0x680  }
0x71: {  	[sflag:s24] =	ssyncset.done $0x0  }
0x72: {  	s28 =	rddreg [dreg:$0xd];
	[sflag:s24] =	ssyncadd.s32 $0xFFFFF980  }
0x73: {  	[spmem:s28] =	stream.linear.scatter [tilespmem:s8], [sflag:$0x2], $0x3400, $0x38;
	[tilespmem:$0x1FA30] =	vst v63  }
0x74: {  	_ =	swait.ge [sflag:s24], $0x3400  }
0x75: {  	s29 =	sld [smem:$0x7FB]  }
0x76: {  	[sflag:s24] =	ssyncset.done $0x0  }
0x77: {  	[sflag:s24] =	ssyncadd.s32 $0xFFFFCC00  }
0x78: {  	[spmem:s29] =	stream.linear.scatter [tilespmem:s26], [sflag:$0x2], $0x680, $0x38;
	[tilespmem:$0x1FA30] =	vst v63  }
0x79: {  	_ =	swait.ge [sflag:s24], $0x680  }
0x7a: {  	s1 =	sld [smem:$0x7FC]  }
0x7b: {  	[sflag:s24] =	ssyncset.done $0x0  }
0x7c: {  	s0 =	simm.s32 @!p0 $0x5220;
	[sflag:s24] =	ssyncadd.s32 $0xFFFFF980  }
0x7d: {  	[spmem:s1] =	stream.linear.scatter @!p0 [tilespmem:s0], [sflag:$0x2], $0x800, $0x38;
	[tilespmem:$0x1FA30] =	vst v63  }
0x7e: {  	s0 =	simm.s32 @!p0 $0x2  }
0x7f: {  	_ =	swait.ge @!p0 [sflag:s0], $0x800  }
0x80: {  	s6 =	sld [smem:$0x7FD]  }
0x81: {  	[sflag:s0] =	ssyncset.done @!p0 $0x0  }
0x82: {  	s1 =	simm.s32 @!p0 $0x9220;
	[sflag:s0] =	ssyncadd.s32 @!p0 $0xFFFFF800  }
0x83: {  	[spmem:s6] =	stream.linear.scatter @!p0 [tilespmem:s1], [sflag:$0x2], $0x100, $0x38;
	[tilespmem:$0x1FA30] =	vst v63  }
0x84: {  	_ =	swait.ge @!p0 [sflag:s0], $0x100  }
0x85: {  	[sflag:s0] =	ssyncset.done @!p0 $0x0  }
0x86: {  	[sflag:s0] =	ssyncadd.s32 @!p0 $0xFFFFFF00  }
0x87: {  	[bflag:$0x0] =	sbarrier.arrive $0xFFFF  }
0x88: {  	s16 =	simm.s32 $0x0;
	s30 =	rddreg [dreg:$0x1c]  }
0x89: {  	[tilespmem:s16], [sflag:$0x2] =	stream.linear.gather [hbm4b:s30+s16], $0x2710, $0x38;
	[tilespmem:$0x1FA30] =	vst v63  }
0x8a: {  	_ =	swait.ge [sflag:s24], $0x2710  }
0x8b: {  	s31 =	sld [smem:$0x7EE]  }
0x8c: {  	[sflag:s24] =	ssyncset.done $0x0  }
0x8d: {  	[sflag:s24] =	ssyncadd.s32 $0xFFFFD8F0  }
0x8e: {  	[tilespmem:s9], [sflag:$0x2] =	stream.linear.gather [hbm4b:s31+s16], $0x2710, $0x38;
	[tilespmem:$0x1FA30] =	vst v63  }
0x8f: {  	_ =	swait.ge [sflag:s24], $0x2710  }
0x90: {  	[sflag:s24] =	ssyncset.done $0x0  }
0x91: {  	s20 =	simm.s32 $0x0;
	s18 =	rddreg [dreg:$0x8];
	[sflag:s24] =	ssyncadd.s32 $0xFFFFD8F0  }
.LBB2_4:
0x92: {  	s1 =	sld [smem:$0x7F6];
	_ =	sdelay $0x1  }
0x93: {  	s0 =	sshll.u32 s20, $0x6  }
0x94: {  	s0 =	sadd.s32 s1, s0  }
0x95: {  	s29 =	rddreg [dreg:$0x1];
	s0 =	sand.u32 $0x1FFFFFF0, s0  }
0x96: {  	s6 =	simm.s32 $0x4E20;
	s1 =	sadd.s32 s29, s0  }
0x97: {  	[tilespmem:s6], [sflag:$0x2] =	stream.linear.gather [hbm4b:s1+s16], $0x200, $0x38;
	[tilespmem:$0x1FA30] =	vst v63  }
0x98: {  	_ =	swait.ge [sflag:s24], $0x200  }
0x99: {  	[sflag:s24] =	ssyncset.done $0x0;
	s30 =	rddreg [dreg:$0x1d]  }
0x9a: {  	s31 =	simm.s32 $0x5020;
	[sflag:s24] =	ssyncadd.s32 $0xFFFFFE00;
	s0 =	sadd.s32 s30, s0  }
0x9b: {  	[tilespmem:s31], [sflag:$0x2] =	stream.linear.gather [hbm4b:s0+s16], $0x200, $0x38;
	[tilespmem:$0x1FA30] =	vst v63  }
0x9c: {  	_ =	swait.ge [sflag:s24], $0x200  }
0x9d: {  	p1 =	slt.s32 s18, $0x4;
	s21 =	smov.u32 s18;
	[sflag:s24] =	ssyncset.done $0x0  }
0x9e: {  	s22 =	simm.s32 $0x0;
	s21 =	simm.s32 @!p1 $0x4;
	[sflag:s24] =	ssyncadd.s32 $0xFFFFFE00  }
.LBB2_5:
0x9f: {  	s0 =	sshll.u32 s22, $0x7  }
0xa0: {  	s1 =	sadd.s32 $0x4E20, s0  }
0xa1: {  	[tilespmem:s8], [sflag:$0x1] =	stream.indirect.gather [hbm4b:s2+s12], $0x80, s1, s12, $0xb8;
	[tilespmem:$0x1FA30] =	vst v63  }
0xa2: {  	_ =	swait.ge [sflag:s13], $0x4000  }
0xa3: {  	[sflag:s13] =	ssyncset.done $0x0  }
0xa4: {  	[sflag:s13] =	ssyncadd.s32 $0xFFFFC000  }
0xa5: {  	v2 =	vld [tilespmem:s0+$0x4E20]  }
0xa6: {  	v3 =	vld [tilespmem:s0+$0x5020];
	_ =	sdelay $0x5  }
0xa7: {  	s17 =	simm.s32 $0x0  }
0xa8: {  	v2 =	vld.idx.msk [tilespmem:v2+s17+$0x0], $0xffff  }
0xa9: {  	v3 =	vld.idx.msk [tilespmem:v3+s9+$0x0], $0xffff;
	_ =	sdelay $0x4  }
0xaa: {  	v2 =	vadd.f32 v3, v2;
	_ =	sdelay $0x1  }
0xab: {  	v3 =	vmul.f32 $9.999999770e-03, v2  }
0xac: {  	vm0 =	vge.f32 v2, $0.0e+00  }
0xad: {  	v2 =	vsel vm0, v2, v3  }
0xae: {  	v2 =	vmul.f32 $1.442695020e+00, v2;
	_ =	sdelay $0x1  }
0xaf: {  	(erf) = vpow2.f32 v2;
	_ =	sdelay $0x8  }
0xb0: {  	v2 =	vpop (erf)  }
0xb1: {  	[tilespmem:$0x9A20] =	vst v2  }
0xb2: {  	v2 =	vld [tilespmem:s0+$0x4E30]  }
0xb3: {  	v3 =	vld [tilespmem:s0+$0x5030];
	_ =	sdelay $0x6  }
0xb4: {  	v2 =	vld.idx.msk [tilespmem:v2+s17+$0x0], $0xffff  }
0xb5: {  	v3 =	vld.idx.msk [tilespmem:v3+s9+$0x0], $0xffff;
	_ =	sdelay $0x4  }
0xb6: {  	v2 =	vadd.f32 v3, v2;
	_ =	sdelay $0x1  }
0xb7: {  	v3 =	vmul.f32 $9.999999770e-03, v2  }
0xb8: {  	vm9 =	vge.f32 v2, $0.0e+00  }
0xb9: {  	v2 =	vsel vm9, v2, v3  }
0xba: {  	v2 =	vmul.f32 $1.442695020e+00, v2;
	_ =	sdelay $0x1  }
0xbb: {  	(erf) = vpow2.f32 v2;
	_ =	sdelay $0x8  }
0xbc: {  	v2 =	vpop (erf)  }
0xbd: {  	[tilespmem:$0x9A30] =	vst v2  }
0xbe: {  	v2 =	vld [tilespmem:s0+$0x4E40]  }
0xbf: {  	v3 =	vld [tilespmem:s0+$0x5040];
	_ =	sdelay $0x6  }
0xc0: {  	v2 =	vld.idx.msk [tilespmem:v2+s17+$0x0], $0xffff  }
0xc1: {  	v3 =	vld.idx.msk [tilespmem:v3+s9+$0x0], $0xffff;
	_ =	sdelay $0x4  }
0xc2: {  	v2 =	vadd.f32 v3, v2;
	_ =	sdelay $0x1  }
0xc3: {  	v3 =	vmul.f32 $9.999999770e-03, v2  }
0xc4: {  	vm10 =	vge.f32 v2, $0.0e+00  }
0xc5: {  	v2 =	vsel vm10, v2, v3  }
0xc6: {  	v2 =	vmul.f32 $1.442695020e+00, v2;
	_ =	sdelay $0x1  }
0xc7: {  	(erf) = vpow2.f32 v2;
	_ =	sdelay $0x8  }
0xc8: {  	v2 =	vpop (erf)  }
0xc9: {  	[tilespmem:$0x9A40] =	vst v2  }
0xca: {  	v2 =	vld [tilespmem:s0+$0x4E50]  }
0xcb: {  	v3 =	vld [tilespmem:s0+$0x5050];
	_ =	sdelay $0x6  }
0xcc: {  	v2 =	vld.idx.msk [tilespmem:v2+s17+$0x0], $0xffff  }
0xcd: {  	v3 =	vld.idx.msk [tilespmem:v3+s9+$0x0], $0xffff;
	_ =	sdelay $0x4  }
0xce: {  	v2 =	vadd.f32 v3, v2;
	_ =	sdelay $0x1  }
0xcf: {  	v3 =	vmul.f32 $9.999999770e-03, v2  }
0xd0: {  	vm11 =	vge.f32 v2, $0.0e+00  }
0xd1: {  	v2 =	vsel vm11, v2, v3  }
0xd2: {  	v2 =	vmul.f32 $1.442695020e+00, v2;
	_ =	sdelay $0x1  }
0xd3: {  	(erf) = vpow2.f32 v2;
	_ =	sdelay $0x8  }
0xd4: {  	v2 =	vpop (erf)  }
0xd5: {  	[tilespmem:$0x9A50] =	vst v2  }
0xd6: {  	v2 =	vld [tilespmem:s0+$0x4E60]  }
0xd7: {  	v3 =	vld [tilespmem:s0+$0x5060];
	_ =	sdelay $0x6  }
0xd8: {  	v2 =	vld.idx.msk [tilespmem:v2+s17+$0x0], $0xffff  }
0xd9: {  	v3 =	vld.idx.msk [tilespmem:v3+s9+$0x0], $0xffff;
	_ =	sdelay $0x4  }
0xda: {  	v2 =	vadd.f32 v3, v2;
	_ =	sdelay $0x1  }
0xdb: {  	v3 =	vmul.f32 $9.999999770e-03, v2  }
0xdc: {  	vm12 =	vge.f32 v2, $0.0e+00  }
0xdd: {  	v2 =	vsel vm12, v2, v3  }
0xde: {  	v2 =	vmul.f32 $1.442695020e+00, v2;
	_ =	sdelay $0x1  }
0xdf: {  	(erf) = vpow2.f32 v2;
	_ =	sdelay $0x8  }
0xe0: {  	v2 =	vpop (erf)  }
0xe1: {  	[tilespmem:$0x9A60] =	vst v2  }
0xe2: {  	v2 =	vld [tilespmem:s0+$0x4E70]  }
0xe3: {  	v3 =	vld [tilespmem:s0+$0x5070];
	_ =	sdelay $0x6  }
0xe4: {  	v2 =	vld.idx.msk [tilespmem:v2+s17+$0x0], $0xffff  }
0xe5: {  	v3 =	vld.idx.msk [tilespmem:v3+s9+$0x0], $0xffff;
	_ =	sdelay $0x4  }
0xe6: {  	v2 =	vadd.f32 v3, v2;
	_ =	sdelay $0x1  }
0xe7: {  	v3 =	vmul.f32 $9.999999770e-03, v2  }
0xe8: {  	vm13 =	vge.f32 v2, $0.0e+00  }
0xe9: {  	v2 =	vsel vm13, v2, v3  }
0xea: {  	v2 =	vmul.f32 $1.442695020e+00, v2;
	_ =	sdelay $0x1  }
0xeb: {  	(erf) = vpow2.f32 v2;
	_ =	sdelay $0x8  }
0xec: {  	v2 =	vpop (erf)  }
0xed: {  	[tilespmem:$0x9A70] =	vst v2  }
0xee: {  	v2 =	vld [tilespmem:s0+$0x4E80]  }
0xef: {  	v3 =	vld [tilespmem:s0+$0x5080];
	_ =	sdelay $0x6  }
0xf0: {  	v2 =	vld.idx.msk [tilespmem:v2+s17+$0x0], $0xffff  }
0xf1: {  	v3 =	vld.idx.msk [tilespmem:v3+s9+$0x0], $0xffff;
	_ =	sdelay $0x4  }
0xf2: {  	v2 =	vadd.f32 v3, v2;
	_ =	sdelay $0x1  }
0xf3: {  	v3 =	vmul.f32 $9.999999770e-03, v2  }
0xf4: {  	vm14 =	vge.f32 v2, $0.0e+00  }
0xf5: {  	v2 =	vsel vm14, v2, v3  }
0xf6: {  	v2 =	vmul.f32 $1.442695020e+00, v2;
	_ =	sdelay $0x1  }
0xf7: {  	(erf) = vpow2.f32 v2;
	_ =	sdelay $0x8  }
0xf8: {  	v2 =	vpop (erf)  }
0xf9: {  	[tilespmem:$0x9A80] =	vst v2  }
0xfa: {  	v2 =	vld [tilespmem:s0+$0x4E90]  }
0xfb: {  	v3 =	vld [tilespmem:s0+$0x5090];
	_ =	sdelay $0x6  }
0xfc: {  	v2 =	vld.idx.msk [tilespmem:v2+s17+$0x0], $0xffff  }
0xfd: {  	v3 =	vld.idx.msk [tilespmem:v3+s9+$0x0], $0xffff;
	_ =	sdelay $0x4  }
0xfe: {  	v2 =	vadd.f32 v3, v2;
	_ =	sdelay $0x1  }
0xff: {  	v3 =	vmul.f32 $9.999999770e-03, v2  }
0x100: {  	vm15 =	vge.f32 v2, $0.0e+00  }
0x101: {  	v2 =	vsel vm15, v2, v3  }
0x102: {  	v2 =	vmul.f32 $1.442695020e+00, v2;
	_ =	sdelay $0x1  }
0x103: {  	(erf) = vpow2.f32 v2;
	_ =	sdelay $0x7  }
0x104: {  	v2 =	vmov s17  }
0x105: {  	v3 =	vpop (erf)  }
0x106: {  	s30 =	simm.s32 $0x5260;
	[tilespmem:$0x9A90] =	vst v3  }
0x107: {  	v7 =	vld [tilespmem:s30+$0xFFFFFFF0]  }
0x108: {  	v8 =	vld [tilespmem:s30+$0xFFFFFFC0]  }
0x109: {  	s31 =	simm.s32 $0x9220;
	s19 =	simm.s32 $0x1;
	v6 =	vld.idx.msk [tilespmem:v2+s14+$0x0], $0xffff  }
0x10a: {  	s11 =	simm.s32 $0x2;
	s6 =	simm.s32 $0x9240;
	s15 =	simm.s32 $0x5360;
	v12 =	vld [tilespmem:s30+$0xFFFFFFD0]  }
0x10b: {  	s25 =	simm.s32 $0x3;
	s7 =	simm.s32 $0x9250;
	s29 =	simm.s32 $0x53E0;
	v11 =	vld [tilespmem:s30+$0x10]  }
0x10c: {  	s28 =	simm.s32 $0x4;
	s10 =	simm.s32 $0x5460;
	s23 =	sadd.s32 $0x5020, s0;
	v9 =	vld [tilespmem:s30+$0xFFFFFFE0]  }
0x10d: {  	v4 =	vmov s11;
	s11 =	simm.s32 $0x5;
	s1 =	simm.s32 $0x52E0;
	s0 =	simm.s32 $0x9260;
	v10 =	vld [tilespmem:s30+$0x30]  }
0x10e: {  	v5 =	vmov s19;
	s17 =	simm.s32 $0x9230;
	v3 =	vmov s25;
	s25 =	simm.s32 $0x9260;
	v2 =	vmov s28;
	v13 =	vld [tilespmem:s30+$0x20];
	s28 =	simm.s32 $0x5460  }
.LBB2_6:
0x10f: {  	p1 =	sne.s32 s11, $0x7F;
	s0 =	sadd.s32 $0x10, s0;
	s10 =	sadd.s32 $0x80, s10;
	v12 =	vmul.f32 v12, v6;
	v7 =	vmul.f32 v7, v6;
	v14 =	vld [tilespmem:s30+$0x0]  }
0x110: {  	v8 =	vmul.f32 v8, v6;
	s19 =	smov.u32 s11;
	s11 =	sadd.s32 $0x1, s11;
	v11 =	vmul.f32 v11, v6  }
0x111: {  	[tilespmem:s30+$0xFFFFFFD0] =	vst v12  }
0x112: {  	[tilespmem:s30+$0xFFFFFFC0] =	vst v8  }
0x113: {  	v10 =	vmul.f32 v10, v6;
	[tilespmem:s30+$0x10] =	vst v11;
	v8 =	vmul.f32 v13, v6  }
0x114: {  	v9 =	vmul.f32 v9, v6;
	v11 =	vmov s19;
	[tilespmem:s30+$0xFFFFFFF0] =	vst v7;
	v7 =	vmul.f32 v14, v6  }
0x115: {  	[tilespmem:s30+$0x30] =	vst v10  }
0x116: {  	v6 =	vmul.f32 v1, v6;
	[tilespmem:s30+$0x0] =	vst v7  }
0x117: {  	[tilespmem:s30+$0x20] =	vst v8  }
0x118: {  	[tilespmem:s30+$0xFFFFFFE0] =	vst v9;
	s30 =	smov.u32 s1;
	s1 =	smov.u32 s15;
	s15 =	smov.u32 s29  }
0x119: {  	[tilespmem:s31+$0x0] =	vst v6;
	s31 =	smov.u32 s17;
	s17 =	smov.u32 s6;
	s6 =	smov.u32 s7  }
0x11a: {  	s29 =	smov.u32 s28;
	s7 =	smov.u32 s25;
	s25 =	smov.u32 s0;
	v7 =	vld [tilespmem:s30+$0xFFFFFFF0]  }
0x11b: {  	s28 =	smov.u32 s10;
	v8 =	vld [tilespmem:s30+$0xFFFFFFC0]  }
0x11c: {  	v6 =	vld.idx.msk [tilespmem:v5+s14+$0x0], $0xffff;
	v5 =	vmovc v4;
	v4 =	vmov v3;
	v3 =	vmov v2;
	v2 =	vmov v11  }
.Ltmp1:
0x11d: {  	v12 =	vld [tilespmem:s30+$0xFFFFFFD0];
	(pc) =	sbr.rel @p1 .LBB2_6-.Ltmp1, $4  }
0x11e: {  	v11 =	vld [tilespmem:s30+$0x10]  }
0x11f: {  	v9 =	vld [tilespmem:s30+$0xFFFFFFE0]  }
0x120: {  	v10 =	vld [tilespmem:s30+$0x30]  }
0x121: {  	v13 =	vld [tilespmem:s30+$0x20]  }
0x122: {  	v12 =	vmul.f32 v12, v6  }
0x123: {  	v8 =	vmul.f32 v8, v6  }
0x124: {  	v14 =	vld [tilespmem:s30+$0x0];
	v7 =	vmul.f32 v7, v6;
	[tilespmem:s30+$0xFFFFFFD0] =	vst v12  }
0x125: {  	v11 =	vmul.f32 v11, v6;
	[tilespmem:s30+$0xFFFFFFC0] =	vst v8  }
0x126: {  	[tilespmem:s30+$0xFFFFFFF0] =	vst v7;
	v35 =	vmul.f32 v9, v6  }
0x127: {  	[tilespmem:s30+$0x10] =	vst v11;
	v32 =	vmul.f32 v10, v6  }
0x128: {  	v34 =	vmul.f32 v13, v6;
	[tilespmem:s30+$0xFFFFFFE0] =	vst v35  }
0x129: {  	v33 =	vmul.f32 v14, v6;
	[tilespmem:s30+$0x30] =	vst v32  }
0x12a: {  	v36 =	vmul.f32 v1, v6;
	[tilespmem:s30+$0x20] =	vst v34  }
0x12b: {  	[tilespmem:s30+$0x0] =	vst v33  }
0x12c: {  	[tilespmem:s31+$0x0] =	vst v36  }
0x12d: {  	v5 =	vld.idx.msk [tilespmem:v5+s14+$0x0], $0xffff  }
0x12e: {  	v7 =	vld [tilespmem:s1+$0xFFFFFFD0]  }
0x12f: {  	v8 =	vld [tilespmem:s1+$0xFFFFFFC0]  }
0x130: {  	v37 =	vld [tilespmem:s1+$0x10]  }
0x131: {  	v6 =	vld [tilespmem:s1+$0xFFFFFFF0]  }
0x132: {  	v11 =	vld [tilespmem:s1+$0x30]  }
0x133: {  	v12 =	vld [tilespmem:s1+$0x0];
	v7 =	vmul.f32 v7, v5  }
0x134: {  	v39 =	vld [tilespmem:s1+$0x20];
	v8 =	vmul.f32 v8, v5  }
0x135: {  	v38 =	vld [tilespmem:s1+$0xFFFFFFE0];
	v9 =	vmul.f32 v37, v5;
	[tilespmem:s1+$0xFFFFFFD0] =	vst v7  }
0x136: {  	v6 =	vmul.f32 v6, v5;
	[tilespmem:s1+$0xFFFFFFC0] =	vst v8  }
0x137: {  	v40 =	vmul.f32 v11, v5;
	[tilespmem:s1+$0x10] =	vst v9  }
0x138: {  	v41 =	vmul.f32 v12, v5;
	[tilespmem:s1+$0xFFFFFFF0] =	vst v6  }
0x139: {  	v42 =	vmul.f32 v39, v5;
	[tilespmem:s1+$0x30] =	vst v40  }
0x13a: {  	v43 =	vmul.f32 v38, v5;
	[tilespmem:s1+$0x0] =	vst v41  }
0x13b: {  	v5 =	vmul.f32 v1, v5;
	[tilespmem:s1+$0x20] =	vst v42  }
0x13c: {  	[tilespmem:s1+$0xFFFFFFE0] =	vst v43  }
0x13d: {  	[tilespmem:s17+$0x0] =	vst v5  }
0x13e: {  	v4 =	vld.idx.msk [tilespmem:v4+s14+$0x0], $0xffff  }
0x13f: {  	v6 =	vld [tilespmem:s15+$0xFFFFFFD0]  }
0x140: {  	v7 =	vld [tilespmem:s15+$0xFFFFFFC0]  }
0x141: {  	v8 =	vld [tilespmem:s15+$0x10]  }
0x142: {  	v5 =	vld [tilespmem:s15+$0xFFFFFFF0]  }
0x143: {  	v44 =	vld [tilespmem:s15+$0x30]  }
0x144: {  	v45 =	vld [tilespmem:s15+$0x0];
	v6 =	vmul.f32 v6, v4  }
0x145: {  	v46 =	vld [tilespmem:s15+$0x20];
	v7 =	vmul.f32 v7, v4  }
0x146: {  	v9 =	vld [tilespmem:s15+$0xFFFFFFE0];
	v8 =	vmul.f32 v8, v4;
	[tilespmem:s15+$0xFFFFFFD0] =	vst v6  }
0x147: {  	v5 =	vmul.f32 v5, v4;
	[tilespmem:s15+$0xFFFFFFC0] =	vst v7  }
0x148: {  	v47 =	vmul.f32 v44, v4;
	[tilespmem:s15+$0x10] =	vst v8  }
0x149: {  	v48 =	vmul.f32 v45, v4;
	[tilespmem:s15+$0xFFFFFFF0] =	vst v5  }
0x14a: {  	v49 =	vmul.f32 v46, v4;
	[tilespmem:s15+$0x30] =	vst v47  }
0x14b: {  	v50 =	vmul.f32 v9, v4;
	[tilespmem:s15+$0x0] =	vst v48  }
0x14c: {  	v4 =	vmul.f32 v1, v4;
	[tilespmem:s15+$0x20] =	vst v49  }
0x14d: {  	[tilespmem:s15+$0xFFFFFFE0] =	vst v50  }
0x14e: {  	[tilespmem:s6+$0x0] =	vst v4  }
0x14f: {  	v3 =	vld.idx.msk [tilespmem:v3+s14+$0x0], $0xffff  }
0x150: {  	v5 =	vld [tilespmem:s29+$0xFFFFFFD0]  }
0x151: {  	v6 =	vld [tilespmem:s29+$0xFFFFFFC0]  }
0x152: {  	v7 =	vld [tilespmem:s29+$0x10]  }
0x153: {  	v4 =	vld [tilespmem:s29+$0xFFFFFFF0]  }
0x154: {  	v51 =	vld [tilespmem:s29+$0x30]  }
0x155: {  	v52 =	vld [tilespmem:s29+$0x0];
	v5 =	vmul.f32 v5, v3  }
0x156: {  	v53 =	vld [tilespmem:s29+$0x20];
	v6 =	vmul.f32 v6, v3  }
0x157: {  	v8 =	vld [tilespmem:s29+$0xFFFFFFE0];
	v7 =	vmul.f32 v7, v3;
	[tilespmem:s29+$0xFFFFFFD0] =	vst v5  }
0x158: {  	v4 =	vmul.f32 v4, v3;
	[tilespmem:s29+$0xFFFFFFC0] =	vst v6  }
0x159: {  	v54 =	vmul.f32 v51, v3;
	[tilespmem:s29+$0x10] =	vst v7  }
0x15a: {  	v55 =	vmul.f32 v52, v3;
	[tilespmem:s29+$0xFFFFFFF0] =	vst v4  }
0x15b: {  	v56 =	vmul.f32 v53, v3;
	[tilespmem:s29+$0x30] =	vst v54  }
0x15c: {  	v57 =	vmul.f32 v8, v3;
	[tilespmem:s29+$0x0] =	vst v55  }
0x15d: {  	v3 =	vmul.f32 v1, v3;
	[tilespmem:s29+$0x20] =	vst v56  }
0x15e: {  	[tilespmem:s29+$0xFFFFFFE0] =	vst v57  }
0x15f: {  	[tilespmem:s7+$0x0] =	vst v3  }
0x160: {  	v2 =	vld.idx.msk [tilespmem:v2+s14+$0x0], $0xffff  }
0x161: {  	v4 =	vld [tilespmem:s28+$0xFFFFFFD0]  }
0x162: {  	v5 =	vld [tilespmem:s28+$0xFFFFFFC0]  }
0x163: {  	v6 =	vld [tilespmem:s28+$0x10]  }
0x164: {  	v3 =	vld [tilespmem:s28+$0xFFFFFFF0]  }
0x165: {  	v58 =	vld [tilespmem:s28+$0x30]  }
0x166: {  	v60 =	vld [tilespmem:s28+$0x20];
	v4 =	vmul.f32 v4, v2  }
0x167: {  	v7 =	vld [tilespmem:s28+$0xFFFFFFE0];
	v5 =	vmul.f32 v5, v2  }
0x168: {  	v59 =	vld [tilespmem:s28+$0x0];
	v6 =	vmul.f32 v6, v2;
	[tilespmem:s28+$0xFFFFFFD0] =	vst v4  }
0x169: {  	v3 =	vmul.f32 v3, v2;
	[tilespmem:s28+$0xFFFFFFC0] =	vst v5  }
0x16a: {  	v61 =	vmul.f32 v58, v2;
	[tilespmem:s28+$0x10] =	vst v6  }
0x16b: {  	v62 =	vmul.f32 v60, v2;
	[tilespmem:s28+$0xFFFFFFF0] =	vst v3  }
0x16c: {  	v63 =	vmul.f32 v7, v2;
	[tilespmem:s28+$0x30] =	vst v61  }
0x16d: {  	v3 =	vmul.f32 v59, v2;
	[tilespmem:s28+$0x20] =	vst v62  }
0x16e: {  	v2 =	vmul.f32 v1, v2;
	[tilespmem:s28+$0xFFFFFFE0] =	vst v63  }
0x16f: {  	[tilespmem:s28+$0x0] =	vst v3  }
0x170: {  	[tilespmem:s25+$0x0] =	vst v2  }
0x171: {  	[spmem:s4] =	stream.indirect.scatter.add.f32 [tilespmem:s8], [sflag:$0x2], $0x80, s23, s12, $0xb8;
	[tilespmem:$0x1FA30] =	vst v63  }
0x172: {  	s22 =	sadd.s32 $0x1, s22;
	_ =	swait.ge [sflag:s24], $0x4000  }
0x173: {  	p1 =	sne.s32 s22, s21;
	[sflag:s24] =	ssyncset.done $0x0  }
.Ltmp2:
0x174: {  	[sflag:s24] =	ssyncadd.s32 $0xFFFFC000;
	(pc) =	sbr.rel @p1 .LBB2_5-.Ltmp2, $4  }
0x175: {  	[spmem:s5] =	stream.indirect.scatter.add.f32 [tilespmem:s26], [sflag:$0x2], $0x10, s23, s12, $0xb8;
	[tilespmem:$0x1FA30] =	vst v63  }
0x176: {  	_ =	swait.ge [sflag:s24], $0x800  }
0x177: {  	[sflag:s24] =	ssyncset.done $0x0  }
0x178: {  	[sflag:s24] =	ssyncadd.s32 $0xFFFFF800  }
0x179: {  	s20 =	sadd.s32 $0x1, s20  }
0x17a: {  	p1 =	sne.s32 s20, $0x14  }
.Ltmp3:
0x17b: {  	_ = 	snop;
	(pc) =	sbr.rel @p1 .LBB2_4-.Ltmp3, $2  }
0x17c: {  	_ =	sdelay $0x2  }
0x17d: {  	s18 =	sadd.s32 $0xFFFFFFFC, s18  }
0x17e: {  	[bflag:$0x0] =	sbarrier.arrive $0xFFFF  }
0x17f: {  	s0 =	stileid.u32;
	s6 =	sld [smem:$0x7F1]  }
0x180: {  	s0 =	sshll.u32 s0, $0x6;
	s22 =	rddreg [dreg:$0xe]  }
0x181: {  	s1 =	rddreg [dreg:$0xf];
	s10 =	sor.u32 $0x1C02, s0;
	s0 =	sshrl.u32 s22, $0x3  }
0x182: {  	[smem:$0x7DF] =	sst s0;
	s1 =	sadd.s32 s1, s6  }
0x183: {  	[hbm:s1], [sflag:s10] =	dma.local [spmem:s0], $0x680  }
0x184: {  	_ =	swait.ge [sflag:s24], $0x680  }
0x185: {  	s7 =	sld [smem:$0x7F3]  }
0x186: {  	s25 =	rddreg [dreg:$0x10]  }
0x187: {  	[sflag:s24] =	ssyncset.done $0x0;
	s23 =	rddreg [dreg:$0x11];
	s1 =	sshrl.u32 s25, $0x3  }
0x188: {  	[sflag:s24] =	ssyncadd.s32 $0xFFFFF980;
	[smem:$0x7E0] =	sst s1;
	s0 =	sadd.s32 s23, s7  }
0x189: {  	[hbm:s0], [sflag:s10] =	dma.local [spmem:s1], $0xD0  }
0x18a: {  	_ =	swait.ge [sflag:s24], $0xD0  }
0x18b: {  	s29 =	rddreg [dreg:$0x9]  }
0x18c: {  	[sflag:s24] =	ssyncset.done $0x0;
	s28 =	rddreg [dreg:$0x12];
	s1 =	sshrl.u32 s29, $0x3  }
0x18d: {  	[sflag:s24] =	ssyncadd.s32 $0xFFFFFF30;
	s0 =	sadd.s32 s28, s6;
	[smem:$0x7E1] =	sst s1  }
0x18e: {  	[hbm:s0], [sflag:s10] =	dma.local [spmem:s1], $0x680  }
0x18f: {  	_ =	swait.ge [sflag:s24], $0x680  }
0x190: {  	s31 =	sld [smem:$0x7F7];
	_ =	sdelay $0x2  }
0x191: {  	[sflag:s24] =	ssyncset.done $0x0;
	s30 =	rddreg [dreg:$0x13];
	s1 =	sshrl.u32 s31, $0x3  }
0x192: {  	[sflag:s24] =	ssyncadd.s32 $0xFFFFF980;
	s0 =	sadd.s32 s30, s7;
	[smem:$0x7E2] =	sst s1  }
0x193: {  	[hbm:s0], [sflag:s10] =	dma.local [spmem:s1], $0xD0  }
0x194: {  	_ =	swait.ge [sflag:s24], $0xD0  }
0x195: {  	s1 =	rddreg [dreg:$0x14]  }
0x196: {  	s11 =	rddreg [dreg:$0xa]  }
0x197: {  	[sflag:s24] =	ssyncset.done $0x0;
	s0 =	sadd.s32 s1, s6;
	s1 =	sshrl.u32 s11, $0x3  }
0x198: {  	[sflag:s24] =	ssyncadd.s32 $0xFFFFFF30;
	[smem:$0x7E3] =	sst s1  }
0x199: {  	[hbm:s0], [sflag:s10] =	dma.local [spmem:s1], $0x680  }
0x19a: {  	_ =	swait.ge [sflag:s24], $0x680  }
0x19b: {  	s16 =	sld [smem:$0x7F8];
	_ =	sdelay $0x2  }
0x19c: {  	[sflag:s24] =	ssyncset.done $0x0;
	s15 =	rddreg [dreg:$0x15];
	s1 =	sshrl.u32 s16, $0x3  }
0x19d: {  	[sflag:s24] =	ssyncadd.s32 $0xFFFFF980;
	s0 =	sadd.s32 s15, s7;
	[smem:$0x7E4] =	sst s1  }
0x19e: {  	[hbm:s0], [sflag:s10] =	dma.local [spmem:s1], $0xD0  }
0x19f: {  	_ =	swait.ge [sflag:s24], $0xD0  }
0x1a0: {  	s18 =	rddreg [dreg:$0xb]  }
0x1a1: {  	[sflag:s24] =	ssyncset.done $0x0;
	s17 =	rddreg [dreg:$0x16];
	s1 =	sshrl.u32 s18, $0x3  }
0x1a2: {  	[sflag:s24] =	ssyncadd.s32 $0xFFFFFF30;
	s0 =	sadd.s32 s17, s6;
	[smem:$0x7E5] =	sst s1  }
0x1a3: {  	[hbm:s0], [sflag:s10] =	dma.local [spmem:s1], $0x680  }
0x1a4: {  	_ =	swait.ge [sflag:s24], $0x680  }
0x1a5: {  	s20 =	sld [smem:$0x7F9];
	_ =	sdelay $0x2  }
0x1a6: {  	[sflag:s24] =	ssyncset.done $0x0;
	s19 =	rddreg [dreg:$0x17];
	s1 =	sshrl.u32 s20, $0x3  }
0x1a7: {  	[sflag:s24] =	ssyncadd.s32 $0xFFFFF980;
	s0 =	sadd.s32 s19, s7;
	[smem:$0x7E6] =	sst s1  }
0x1a8: {  	[hbm:s0], [sflag:s10] =	dma.local [spmem:s1], $0xD0  }
0x1a9: {  	_ =	swait.ge [sflag:s24], $0xD0  }
0x1aa: {  	s22 =	rddreg [dreg:$0xc]  }
0x1ab: {  	[sflag:s24] =	ssyncset.done $0x0;
	s21 =	rddreg [dreg:$0x18];
	s1 =	sshrl.u32 s22, $0x3  }
0x1ac: {  	[sflag:s24] =	ssyncadd.s32 $0xFFFFFF30;
	s0 =	sadd.s32 s21, s6;
	[smem:$0x7E7] =	sst s1  }
0x1ad: {  	[hbm:s0], [sflag:s10] =	dma.local [spmem:s1], $0x680  }
0x1ae: {  	_ =	swait.ge [sflag:s24], $0x680  }
0x1af: {  	s25 =	sld [smem:$0x7FA];
	_ =	sdelay $0x2  }
0x1b0: {  	[sflag:s24] =	ssyncset.done $0x0;
	s23 =	rddreg [dreg:$0x19];
	s1 =	sshrl.u32 s25, $0x3  }
0x1b1: {  	[sflag:s24] =	ssyncadd.s32 $0xFFFFF980;
	s0 =	sadd.s32 s23, s7;
	[smem:$0x7E8] =	sst s1  }
0x1b2: {  	[hbm:s0], [sflag:s10] =	dma.local [spmem:s1], $0xD0  }
0x1b3: {  	_ =	swait.ge [sflag:s24], $0xD0  }
0x1b4: {  	s29 =	rddreg [dreg:$0xd]  }
0x1b5: {  	[sflag:s24] =	ssyncset.done $0x0;
	s28 =	rddreg [dreg:$0x1a];
	s1 =	sshrl.u32 s29, $0x3  }
0x1b6: {  	[sflag:s24] =	ssyncadd.s32 $0xFFFFFF30;
	s0 =	sadd.s32 s28, s6;
	[smem:$0x7E9] =	sst s1  }
0x1b7: {  	[hbm:s0], [sflag:s10] =	dma.local [spmem:s1], $0x680  }
0x1b8: {  	_ =	swait.ge [sflag:s24], $0x680  }
0x1b9: {  	s31 =	sld [smem:$0x7FB];
	_ =	sdelay $0x2  }
0x1ba: {  	[sflag:s24] =	ssyncset.done $0x0;
	s30 =	rddreg [dreg:$0x1b];
	s1 =	sshrl.u32 s31, $0x3  }
0x1bb: {  	[sflag:s24] =	ssyncadd.s32 $0xFFFFF980;
	s0 =	sadd.s32 s30, s7;
	[smem:$0x7EA] =	sst s1  }
0x1bc: {  	[hbm:s0], [sflag:s10] =	dma.local [spmem:s1], $0xD0  }
0x1bd: {  	_ =	swait.ge [sflag:s24], $0xD0  }
0x1be: {  	s1 =	sld [smem:$0x7FC];
	_ =	sdelay $0x2  }
0x1bf: {  	[sflag:s24] =	ssyncset.done $0x0;
	s1 =	sshrl.u32 @!p0 s1, $0x3  }
0x1c0: {  	s0 =	sadd.s32 @!p0 $0x27000, s6;
	[sflag:s24] =	ssyncadd.s32 $0xFFFFFF30;
	[smem:$0x7EB] =	sst s1  }
0x1c1: {  	[hbm:s0], [sflag:s10] =	dma.local @!p0 [spmem:s1], $0x100  }
0x1c2: {  	s0 =	simm.s32 @!p0 $0x2  }
0x1c3: {  	_ =	swait.ge @!p0 [sflag:s0], $0x100  }
0x1c4: {  	s6 =	sld [smem:$0x7FD];
	_ =	sdelay $0x2  }
0x1c5: {  	[sflag:s0] =	ssyncset.done @!p0 $0x0;
	[smem:$0x7EC] =	sst s10;
	s6 =	sshrl.u32 @!p0 s6, $0x3  }
0x1c6: {  	s1 =	sadd.s32 @!p0 $0x4E00, s7;
	[sflag:s0] =	ssyncadd.s32 @!p0 $0xFFFFFF00;
	[smem:$0x7ED] =	sst s6  }
0x1c7: {  	[hbm:s1], [sflag:s10] =	dma.local @!p0 [spmem:s6], $0x20  }
0x1c8: {  	_ =	swait.ge @!p0 [sflag:s0], $0x20  }
0x1c9: {  	[sflag:s0] =	ssyncset.done @!p0 $0x0  }
0x1ca: {  	[sflag:s0] =	ssyncadd.s32 @!p0 $0xFFFFFFE0;
	s0 =	simm.s32 $0x5260  }
0x1cb: {  	[tilespmem:s0+$0xFFFFFFD0] =	vst v0  }
0x1cc: {  	[tilespmem:s0+$0xFFFFFFE0] =	vst v0  }
0x1cd: {  	[tilespmem:s0+$0xFFFFFFF0] =	vst v0  }
0x1ce: {  	[tilespmem:s0+$0x0] =	vst v0  }
0x1cf: {  	[tilespmem:s0+$0x10] =	vst v0  }
0x1d0: {  	[tilespmem:s0+$0x20] =	vst v0  }
0x1d1: {  	[tilespmem:s0+$0x30] =	vst v0  }
0x1d2: {  	s6 =	simm.s32 $0x0;
	s1 =	simm.s32 $0x40;
	[tilespmem:s0+$0xFFFFFFC0] =	vst v0  }
.LBB2_10:
0x1d3: {  	p1 =	sne.s32 s1, $0x1FC0;
	[tilespmem:s6+$0x9220] =	vst v0;
	s0 =	sadd.s32 $0x80, s0  }
0x1d4: {  	[tilespmem:s0+$0xFFFFFFD0] =	vst v0  }
0x1d5: {  	[tilespmem:s0+$0xFFFFFFE0] =	vst v0  }
0x1d6: {  	[tilespmem:s0+$0xFFFFFFF0] =	vst v0  }
.Ltmp4:
0x1d7: {  	[tilespmem:s0+$0x0] =	vst v0;
	(pc) =	sbr.rel @p1 .LBB2_10-.Ltmp4, $4  }
0x1d8: {  	[tilespmem:s0+$0x10] =	vst v0  }
0x1d9: {  	[tilespmem:s0+$0x20] =	vst v0  }
0x1da: {  	[tilespmem:s0+$0x30] =	vst v0  }
0x1db: {  	s6 =	sshra.s32 s1, $0x2;
	s1 =	sadd.s32 $0x40, s1;
	[tilespmem:s0+$0xFFFFFFC0] =	vst v0  }
0x1dc: {  	[tilespmem:s6+$0x9220] =	vst v0;
	s0 =	rddreg [dreg:$0xe]  }
0x1dd: {  	[spmem:s0] =	stream.linear.scatter [tilespmem:s8], [sflag:$0x2], $0x3400, $0x38;
	[tilespmem:$0x1FA30] =	vst v63  }
0x1de: {  	_ =	swait.ge [sflag:s24], $0x3400  }
0x1df: {  	[sflag:s24] =	ssyncset.done $0x0  }
0x1e0: {  	s15 =	rddreg [dreg:$0x10];
	[sflag:s24] =	ssyncadd.s32 $0xFFFFCC00  }
0x1e1: {  	[spmem:s15] =	stream.linear.scatter [tilespmem:s26], [sflag:$0x2], $0x680, $0x38;
	[tilespmem:$0x1FA30] =	vst v63  }
0x1e2: {  	_ =	swait.ge [sflag:s24], $0x680  }
0x1e3: {  	[sflag:s24] =	ssyncset.done $0x0  }
0x1e4: {  	s16 =	rddreg [dreg:$0x9];
	[sflag:s24] =	ssyncadd.s32 $0xFFFFF980  }
0x1e5: {  	[spmem:s16] =	stream.linear.scatter [tilespmem:s8], [sflag:$0x2], $0x3400, $0x38;
	[tilespmem:$0x1FA30] =	vst v63  }
0x1e6: {  	_ =	swait.ge [sflag:s24], $0x3400  }
0x1e7: {  	s17 =	sld [smem:$0x7F7]  }
0x1e8: {  	[sflag:s24] =	ssyncset.done $0x0  }
0x1e9: {  	[sflag:s24] =	ssyncadd.s32 $0xFFFFCC00  }
0x1ea: {  	[spmem:s17] =	stream.linear.scatter [tilespmem:s26], [sflag:$0x2], $0x680, $0x38;
	[tilespmem:$0x1FA30] =	vst v63  }
0x1eb: {  	_ =	swait.ge [sflag:s24], $0x680  }
0x1ec: {  	[sflag:s24] =	ssyncset.done $0x0  }
0x1ed: {  	s18 =	rddreg [dreg:$0xa];
	[sflag:s24] =	ssyncadd.s32 $0xFFFFF980  }
0x1ee: {  	[spmem:s18] =	stream.linear.scatter [tilespmem:s8], [sflag:$0x2], $0x3400, $0x38;
	[tilespmem:$0x1FA30] =	vst v63  }
0x1ef: {  	_ =	swait.ge [sflag:s24], $0x3400  }
0x1f0: {  	s19 =	sld [smem:$0x7F8]  }
0x1f1: {  	[sflag:s24] =	ssyncset.done $0x0  }
0x1f2: {  	[sflag:s24] =	ssyncadd.s32 $0xFFFFCC00  }
0x1f3: {  	[spmem:s19] =	stream.linear.scatter [tilespmem:s26], [sflag:$0x2], $0x680, $0x38;
	[tilespmem:$0x1FA30] =	vst v63  }
0x1f4: {  	_ =	swait.ge [sflag:s24], $0x680  }
0x1f5: {  	[sflag:s24] =	ssyncset.done $0x0  }
0x1f6: {  	s20 =	rddreg [dreg:$0xb];
	[sflag:s24] =	ssyncadd.s32 $0xFFFFF980  }
0x1f7: {  	[spmem:s20] =	stream.linear.scatter [tilespmem:s8], [sflag:$0x2], $0x3400, $0x38;
	[tilespmem:$0x1FA30] =	vst v63  }
0x1f8: {  	_ =	swait.ge [sflag:s24], $0x3400  }
0x1f9: {  	s21 =	sld [smem:$0x7F9]  }
0x1fa: {  	[sflag:s24] =	ssyncset.done $0x0  }
0x1fb: {  	[sflag:s24] =	ssyncadd.s32 $0xFFFFCC00  }
0x1fc: {  	[spmem:s21] =	stream.linear.scatter [tilespmem:s26], [sflag:$0x2], $0x680, $0x38;
	[tilespmem:$0x1FA30] =	vst v63  }
0x1fd: {  	_ =	swait.ge [sflag:s24], $0x680  }
0x1fe: {  	[sflag:s24] =	ssyncset.done $0x0  }
0x1ff: {  	s22 =	rddreg [dreg:$0xc];
	[sflag:s24] =	ssyncadd.s32 $0xFFFFF980  }
0x200: {  	[spmem:s22] =	stream.linear.scatter [tilespmem:s8], [sflag:$0x2], $0x3400, $0x38;
	[tilespmem:$0x1FA30] =	vst v63  }
0x201: {  	_ =	swait.ge [sflag:s24], $0x3400  }
0x202: {  	s23 =	sld [smem:$0x7FA]  }
0x203: {  	[sflag:s24] =	ssyncset.done $0x0  }
0x204: {  	[sflag:s24] =	ssyncadd.s32 $0xFFFFCC00  }
0x205: {  	[spmem:s23] =	stream.linear.scatter [tilespmem:s26], [sflag:$0x2], $0x680, $0x38;
	[tilespmem:$0x1FA30] =	vst v63  }
0x206: {  	_ =	swait.ge [sflag:s24], $0x680  }
0x207: {  	[sflag:s24] =	ssyncset.done $0x0  }
0x208: {  	s25 =	rddreg [dreg:$0xd];
	[sflag:s24] =	ssyncadd.s32 $0xFFFFF980  }
0x209: {  	[spmem:s25] =	stream.linear.scatter [tilespmem:s8], [sflag:$0x2], $0x3400, $0x38;
	[tilespmem:$0x1FA30] =	vst v63  }
0x20a: {  	_ =	swait.ge [sflag:s24], $0x3400  }
0x20b: {  	s29 =	sld [smem:$0x7FB]  }
0x20c: {  	[sflag:s24] =	ssyncset.done $0x0  }
0x20d: {  	[sflag:s24] =	ssyncadd.s32 $0xFFFFCC00  }
0x20e: {  	[spmem:s29] =	stream.linear.scatter [tilespmem:s26], [sflag:$0x2], $0x680, $0x38;
	[tilespmem:$0x1FA30] =	vst v63  }
0x20f: {  	_ =	swait.ge [sflag:s24], $0x680  }
0x210: {  	s1 =	sld [smem:$0x7FC]  }
0x211: {  	[sflag:s24] =	ssyncset.done $0x0  }
0x212: {  	s0 =	simm.s32 @!p0 $0x5220;
	[sflag:s24] =	ssyncadd.s32 $0xFFFFF980  }
0x213: {  	[spmem:s1] =	stream.linear.scatter @!p0 [tilespmem:s0], [sflag:$0x2], $0x800, $0x38;
	[tilespmem:$0x1FA30] =	vst v63  }
0x214: {  	s0 =	simm.s32 @!p0 $0x2  }
0x215: {  	_ =	swait.ge @!p0 [sflag:s0], $0x800  }
0x216: {  	s6 =	sld [smem:$0x7FD]  }
0x217: {  	[sflag:s0] =	ssyncset.done @!p0 $0x0  }
0x218: {  	s1 =	simm.s32 @!p0 $0x9220;
	[sflag:s0] =	ssyncadd.s32 @!p0 $0xFFFFF800  }
0x219: {  	[spmem:s6] =	stream.linear.scatter @!p0 [tilespmem:s1], [sflag:$0x2], $0x100, $0x38;
	[tilespmem:$0x1FA30] =	vst v63  }
0x21a: {  	_ =	swait.ge @!p0 [sflag:s0], $0x100  }
0x21b: {  	[sflag:s0] =	ssyncset.done @!p0 $0x0  }
0x21c: {  	[sflag:s0] =	ssyncadd.s32 @!p0 $0xFFFFFF00  }
0x21d: {  	[bflag:$0x0] =	sbarrier.arrive $0xFFFF  }
0x21e: {  	s30 =	sld [smem:$0x7EF];
	_ =	sdelay $0x1  }
0x21f: {  	s21 =	simm.s32 $0x0  }
0x220: {  	[tilespmem:s21], [sflag:$0x2] =	stream.linear.gather [hbm4b:s30+s21], $0x2710, $0x38;
	[tilespmem:$0x1FA30] =	vst v63  }
0x221: {  	_ =	swait.ge [sflag:s24], $0x2710  }
0x222: {  	s31 =	sld [smem:$0x7F0]  }
0x223: {  	[sflag:s24] =	ssyncset.done $0x0  }
0x224: {  	[sflag:s24] =	ssyncadd.s32 $0xFFFFD8F0  }
0x225: {  	[tilespmem:s9], [sflag:$0x2] =	stream.linear.gather [hbm4b:s31+s21], $0x2710, $0x38;
	[tilespmem:$0x1FA30] =	vst v63  }
0x226: {  	_ =	swait.ge [sflag:s24], $0x2710  }
0x227: {  	[sflag:s24] =	ssyncset.done $0x0  }
0x228: {  	s25 =	simm.s32 $0x0;
	s28 =	rddreg [dreg:$0x8];
	[sflag:s24] =	ssyncadd.s32 $0xFFFFD8F0  }
.LBB2_12:
0x229: {  	s1 =	sld [smem:$0x7F6];
	_ =	sdelay $0x1  }
0x22a: {  	s0 =	sshll.u32 s25, $0x6  }
0x22b: {  	s0 =	sadd.s32 s1, s0  }
0x22c: {  	s29 =	rddreg [dreg:$0x1e];
	s0 =	sand.u32 $0x1FFFFFF0, s0  }
0x22d: {  	s6 =	simm.s32 $0x4E20;
	s1 =	sadd.s32 s29, s0  }
0x22e: {  	[tilespmem:s6], [sflag:$0x2] =	stream.linear.gather [hbm4b:s1+s21], $0x200, $0x38;
	[tilespmem:$0x1FA30] =	vst v63  }
0x22f: {  	_ =	swait.ge [sflag:s24], $0x200  }
0x230: {  	[sflag:s24] =	ssyncset.done $0x0;
	s30 =	rddreg [dreg:$0x1f]  }
0x231: {  	s31 =	simm.s32 $0x5020;
	[sflag:s24] =	ssyncadd.s32 $0xFFFFFE00;
	s0 =	sadd.s32 s30, s0  }
0x232: {  	[tilespmem:s31], [sflag:$0x2] =	stream.linear.gather [hbm4b:s0+s21], $0x200, $0x38;
	[tilespmem:$0x1FA30] =	vst v63  }
0x233: {  	_ =	swait.ge [sflag:s24], $0x200  }
0x234: {  	p1 =	slt.s32 s28, $0x4;
	s23 =	smov.u32 s28;
	[sflag:s24] =	ssyncset.done $0x0  }
0x235: {  	s18 =	simm.s32 $0x0;
	s23 =	simm.s32 @!p1 $0x4;
	[sflag:s24] =	ssyncadd.s32 $0xFFFFFE00  }
.LBB2_13:
0x236: {  	s0 =	sshll.u32 s18, $0x7  }
0x237: {  	s1 =	sadd.s32 $0x4E20, s0  }
0x238: {  	[tilespmem:s8], [sflag:$0x1] =	stream.indirect.gather [hbm4b:s3+s12], $0x80, s1, s12, $0xb8;
	[tilespmem:$0x1FA30] =	vst v63  }
0x239: {  	_ =	swait.ge [sflag:s13], $0x4000  }
0x23a: {  	[sflag:s13] =	ssyncset.done $0x0  }
0x23b: {  	[sflag:s13] =	ssyncadd.s32 $0xFFFFC000  }
0x23c: {  	v2 =	vld [tilespmem:s0+$0x4E20]  }
0x23d: {  	v3 =	vld [tilespmem:s0+$0x5020];
	_ =	sdelay $0x5  }
0x23e: {  	s20 =	simm.s32 $0x0  }
0x23f: {  	v2 =	vld.idx.msk [tilespmem:v2+s20+$0x0], $0xffff  }
0x240: {  	v3 =	vld.idx.msk [tilespmem:v3+s9+$0x0], $0xffff;
	_ =	sdelay $0x4  }
0x241: {  	v2 =	vadd.f32 v3, v2;
	_ =	sdelay $0x1  }
0x242: {  	v3 =	vmul.f32 $9.999999770e-03, v2  }
0x243: {  	vm0 =	vge.f32 v2, $0.0e+00  }
0x244: {  	v2 =	vsel vm0, v2, v3  }
0x245: {  	v2 =	vmul.f32 $1.442695020e+00, v2;
	_ =	sdelay $0x1  }
0x246: {  	(erf) = vpow2.f32 v2;
	_ =	sdelay $0x8  }
0x247: {  	v2 =	vpop (erf)  }
0x248: {  	[tilespmem:$0x9A20] =	vst v2  }
0x249: {  	v2 =	vld [tilespmem:s0+$0x4E30]  }
0x24a: {  	v3 =	vld [tilespmem:s0+$0x5030];
	_ =	sdelay $0x6  }
0x24b: {  	v2 =	vld.idx.msk [tilespmem:v2+s20+$0x0], $0xffff  }
0x24c: {  	v3 =	vld.idx.msk [tilespmem:v3+s9+$0x0], $0xffff;
	_ =	sdelay $0x4  }
0x24d: {  	v2 =	vadd.f32 v3, v2;
	_ =	sdelay $0x1  }
0x24e: {  	v3 =	vmul.f32 $9.999999770e-03, v2  }
0x24f: {  	vm9 =	vge.f32 v2, $0.0e+00  }
0x250: {  	v2 =	vsel vm9, v2, v3  }
0x251: {  	v2 =	vmul.f32 $1.442695020e+00, v2;
	_ =	sdelay $0x1  }
0x252: {  	(erf) = vpow2.f32 v2;
	_ =	sdelay $0x8  }
0x253: {  	v2 =	vpop (erf)  }
0x254: {  	[tilespmem:$0x9A30] =	vst v2  }
0x255: {  	v2 =	vld [tilespmem:s0+$0x4E40]  }
0x256: {  	v3 =	vld [tilespmem:s0+$0x5040];
	_ =	sdelay $0x6  }
0x257: {  	v2 =	vld.idx.msk [tilespmem:v2+s20+$0x0], $0xffff  }
0x258: {  	v3 =	vld.idx.msk [tilespmem:v3+s9+$0x0], $0xffff;
	_ =	sdelay $0x4  }
0x259: {  	v2 =	vadd.f32 v3, v2;
	_ =	sdelay $0x1  }
0x25a: {  	v3 =	vmul.f32 $9.999999770e-03, v2  }
0x25b: {  	vm10 =	vge.f32 v2, $0.0e+00  }
0x25c: {  	v2 =	vsel vm10, v2, v3  }
0x25d: {  	v2 =	vmul.f32 $1.442695020e+00, v2;
	_ =	sdelay $0x1  }
0x25e: {  	(erf) = vpow2.f32 v2;
	_ =	sdelay $0x8  }
0x25f: {  	v2 =	vpop (erf)  }
0x260: {  	[tilespmem:$0x9A40] =	vst v2  }
0x261: {  	v2 =	vld [tilespmem:s0+$0x4E50]  }
0x262: {  	v3 =	vld [tilespmem:s0+$0x5050];
	_ =	sdelay $0x6  }
0x263: {  	v2 =	vld.idx.msk [tilespmem:v2+s20+$0x0], $0xffff  }
0x264: {  	v3 =	vld.idx.msk [tilespmem:v3+s9+$0x0], $0xffff;
	_ =	sdelay $0x4  }
0x265: {  	v2 =	vadd.f32 v3, v2;
	_ =	sdelay $0x1  }
0x266: {  	v3 =	vmul.f32 $9.999999770e-03, v2  }
0x267: {  	vm11 =	vge.f32 v2, $0.0e+00  }
0x268: {  	v2 =	vsel vm11, v2, v3  }
0x269: {  	v2 =	vmul.f32 $1.442695020e+00, v2;
	_ =	sdelay $0x1  }
0x26a: {  	(erf) = vpow2.f32 v2;
	_ =	sdelay $0x8  }
0x26b: {  	v2 =	vpop (erf)  }
0x26c: {  	[tilespmem:$0x9A50] =	vst v2  }
0x26d: {  	v2 =	vld [tilespmem:s0+$0x4E60]  }
0x26e: {  	v3 =	vld [tilespmem:s0+$0x5060];
	_ =	sdelay $0x6  }
0x26f: {  	v2 =	vld.idx.msk [tilespmem:v2+s20+$0x0], $0xffff  }
0x270: {  	v3 =	vld.idx.msk [tilespmem:v3+s9+$0x0], $0xffff;
	_ =	sdelay $0x4  }
0x271: {  	v2 =	vadd.f32 v3, v2;
	_ =	sdelay $0x1  }
0x272: {  	v3 =	vmul.f32 $9.999999770e-03, v2  }
0x273: {  	vm12 =	vge.f32 v2, $0.0e+00  }
0x274: {  	v2 =	vsel vm12, v2, v3  }
0x275: {  	v2 =	vmul.f32 $1.442695020e+00, v2;
	_ =	sdelay $0x1  }
0x276: {  	(erf) = vpow2.f32 v2;
	_ =	sdelay $0x8  }
0x277: {  	v2 =	vpop (erf)  }
0x278: {  	[tilespmem:$0x9A60] =	vst v2  }
0x279: {  	v2 =	vld [tilespmem:s0+$0x4E70]  }
0x27a: {  	v3 =	vld [tilespmem:s0+$0x5070];
	_ =	sdelay $0x6  }
0x27b: {  	v2 =	vld.idx.msk [tilespmem:v2+s20+$0x0], $0xffff  }
0x27c: {  	v3 =	vld.idx.msk [tilespmem:v3+s9+$0x0], $0xffff;
	_ =	sdelay $0x4  }
0x27d: {  	v2 =	vadd.f32 v3, v2;
	_ =	sdelay $0x1  }
0x27e: {  	v3 =	vmul.f32 $9.999999770e-03, v2  }
0x27f: {  	vm13 =	vge.f32 v2, $0.0e+00  }
0x280: {  	v2 =	vsel vm13, v2, v3  }
0x281: {  	v2 =	vmul.f32 $1.442695020e+00, v2;
	_ =	sdelay $0x1  }
0x282: {  	(erf) = vpow2.f32 v2;
	_ =	sdelay $0x8  }
0x283: {  	v2 =	vpop (erf)  }
0x284: {  	[tilespmem:$0x9A70] =	vst v2  }
0x285: {  	v2 =	vld [tilespmem:s0+$0x4E80]  }
0x286: {  	v3 =	vld [tilespmem:s0+$0x5080];
	_ =	sdelay $0x6  }
0x287: {  	v2 =	vld.idx.msk [tilespmem:v2+s20+$0x0], $0xffff  }
0x288: {  	v3 =	vld.idx.msk [tilespmem:v3+s9+$0x0], $0xffff;
	_ =	sdelay $0x4  }
0x289: {  	v2 =	vadd.f32 v3, v2;
	_ =	sdelay $0x1  }
0x28a: {  	v3 =	vmul.f32 $9.999999770e-03, v2  }
0x28b: {  	vm14 =	vge.f32 v2, $0.0e+00  }
0x28c: {  	v2 =	vsel vm14, v2, v3  }
0x28d: {  	v2 =	vmul.f32 $1.442695020e+00, v2;
	_ =	sdelay $0x1  }
0x28e: {  	(erf) = vpow2.f32 v2;
	_ =	sdelay $0x8  }
0x28f: {  	v2 =	vpop (erf)  }
0x290: {  	[tilespmem:$0x9A80] =	vst v2  }
0x291: {  	v2 =	vld [tilespmem:s0+$0x4E90]  }
0x292: {  	v3 =	vld [tilespmem:s0+$0x5090];
	_ =	sdelay $0x6  }
0x293: {  	v2 =	vld.idx.msk [tilespmem:v2+s20+$0x0], $0xffff  }
0x294: {  	v3 =	vld.idx.msk [tilespmem:v3+s9+$0x0], $0xffff;
	_ =	sdelay $0x4  }
0x295: {  	v2 =	vadd.f32 v3, v2;
	_ =	sdelay $0x1  }
0x296: {  	v3 =	vmul.f32 $9.999999770e-03, v2  }
0x297: {  	vm15 =	vge.f32 v2, $0.0e+00  }
0x298: {  	v2 =	vsel vm15, v2, v3  }
0x299: {  	v2 =	vmul.f32 $1.442695020e+00, v2;
	_ =	sdelay $0x1  }
0x29a: {  	(erf) = vpow2.f32 v2;
	_ =	sdelay $0x7  }
0x29b: {  	v2 =	vmov s20  }
0x29c: {  	v3 =	vpop (erf)  }
0x29d: {  	s31 =	simm.s32 $0x5260;
	[tilespmem:$0x9A90] =	vst v3  }
0x29e: {  	v7 =	vld [tilespmem:s31+$0xFFFFFFF0]  }
0x29f: {  	v8 =	vld [tilespmem:s31+$0xFFFFFFC0]  }
0x2a0: {  	s7 =	simm.s32 $0x1;
	s30 =	simm.s32 $0x52E0;
	v6 =	vld.idx.msk [tilespmem:v2+s14+$0x0], $0xffff  }
0x2a1: {  	s16 =	simm.s32 $0x2;
	s15 =	simm.s32 $0x9240;
	s17 =	simm.s32 $0x5360;
	v12 =	vld [tilespmem:s31+$0xFFFFFFD0]  }
0x2a2: {  	s19 =	simm.s32 $0x3;
	s29 =	simm.s32 $0x9250;
	s6 =	simm.s32 $0x53E0;
	v11 =	vld [tilespmem:s31+$0x10]  }
0x2a3: {  	s22 =	simm.s32 $0x4;
	s10 =	simm.s32 $0x9260;
	s11 =	simm.s32 $0x5460;
	v9 =	vld [tilespmem:s31+$0xFFFFFFE0]  }
0x2a4: {  	v5 =	vmov s7;
	v4 =	vmov s16;
	s16 =	simm.s32 $0x5;
	s7 =	simm.s32 $0x5460;
	s1 =	simm.s32 $0x9230;
	v10 =	vld [tilespmem:s31+$0x30]  }
0x2a5: {  	s20 =	sadd.s32 $0x5020, s0;
	s0 =	simm.s32 $0x9220;
	v3 =	vmov s19;
	v2 =	vmov s22;
	v13 =	vld [tilespmem:s31+$0x20];
	s22 =	simm.s32 $0x9260  }
.LBB2_14:
0x2a6: {  	p1 =	sne.s32 s16, $0x7F;
	s10 =	sadd.s32 $0x10, s10;
	s11 =	sadd.s32 $0x80, s11;
	v12 =	vmul.f32 v12, v6;
	v7 =	vmul.f32 v7, v6;
	v14 =	vld [tilespmem:s31+$0x0]  }
0x2a7: {  	v8 =	vmul.f32 v8, v6;
	s19 =	smov.u32 s16;
	s16 =	sadd.s32 $0x1, s16;
	v11 =	vmul.f32 v11, v6  }
0x2a8: {  	[tilespmem:s31+$0xFFFFFFD0] =	vst v12  }
0x2a9: {  	[tilespmem:s31+$0xFFFFFFC0] =	vst v8  }
0x2aa: {  	v10 =	vmul.f32 v10, v6;
	[tilespmem:s31+$0x10] =	vst v11;
	v8 =	vmul.f32 v13, v6  }
0x2ab: {  	v9 =	vmul.f32 v9, v6;
	v11 =	vmov s19;
	[tilespmem:s31+$0xFFFFFFF0] =	vst v7;
	v7 =	vmul.f32 v14, v6  }
0x2ac: {  	[tilespmem:s31+$0x30] =	vst v10  }
0x2ad: {  	v6 =	vmul.f32 v1, v6;
	[tilespmem:s31+$0x0] =	vst v7  }
0x2ae: {  	[tilespmem:s31+$0x20] =	vst v8  }
0x2af: {  	[tilespmem:s31+$0xFFFFFFE0] =	vst v9;
	s31 =	smov.u32 s30;
	s30 =	smov.u32 s17;
	s17 =	smov.u32 s6  }
0x2b0: {  	[tilespmem:s0+$0x0] =	vst v6;
	s0 =	smov.u32 s1;
	s1 =	smov.u32 s15;
	s15 =	smov.u32 s29  }
0x2b1: {  	s6 =	smov.u32 s7;
	s29 =	smov.u32 s22;
	s22 =	smov.u32 s10;
	v7 =	vld [tilespmem:s31+$0xFFFFFFF0]  }
0x2b2: {  	s7 =	smov.u32 s11;
	v8 =	vld [tilespmem:s31+$0xFFFFFFC0]  }
0x2b3: {  	v6 =	vld.idx.msk [tilespmem:v5+s14+$0x0], $0xffff;
	v5 =	vmovc v4;
	v4 =	vmov v3;
	v3 =	vmov v2;
	v2 =	vmov v11  }
.Ltmp5:
0x2b4: {  	v12 =	vld [tilespmem:s31+$0xFFFFFFD0];
	(pc) =	sbr.rel @p1 .LBB2_14-.Ltmp5, $4  }
0x2b5: {  	v11 =	vld [tilespmem:s31+$0x10]  }
0x2b6: {  	v9 =	vld [tilespmem:s31+$0xFFFFFFE0]  }
0x2b7: {  	v10 =	vld [tilespmem:s31+$0x30]  }
0x2b8: {  	v13 =	vld [tilespmem:s31+$0x20]  }
0x2b9: {  	v12 =	vmul.f32 v12, v6  }
0x2ba: {  	v8 =	vmul.f32 v8, v6  }
0x2bb: {  	v14 =	vld [tilespmem:s31+$0x0];
	v7 =	vmul.f32 v7, v6;
	[tilespmem:s31+$0xFFFFFFD0] =	vst v12  }
0x2bc: {  	v11 =	vmul.f32 v11, v6;
	[tilespmem:s31+$0xFFFFFFC0] =	vst v8  }
0x2bd: {  	[tilespmem:s31+$0xFFFFFFF0] =	vst v7;
	v35 =	vmul.f32 v9, v6  }
0x2be: {  	[tilespmem:s31+$0x10] =	vst v11;
	v32 =	vmul.f32 v10, v6  }
0x2bf: {  	v34 =	vmul.f32 v13, v6;
	[tilespmem:s31+$0xFFFFFFE0] =	vst v35  }
0x2c0: {  	v33 =	vmul.f32 v14, v6;
	[tilespmem:s31+$0x30] =	vst v32  }
0x2c1: {  	v36 =	vmul.f32 v1, v6;
	[tilespmem:s31+$0x20] =	vst v34  }
0x2c2: {  	[tilespmem:s31+$0x0] =	vst v33  }
0x2c3: {  	[tilespmem:s0+$0x0] =	vst v36  }
0x2c4: {  	v5 =	vld.idx.msk [tilespmem:v5+s14+$0x0], $0xffff  }
0x2c5: {  	v7 =	vld [tilespmem:s30+$0xFFFFFFD0]  }
0x2c6: {  	v8 =	vld [tilespmem:s30+$0xFFFFFFC0]  }
0x2c7: {  	v37 =	vld [tilespmem:s30+$0x10]  }
0x2c8: {  	v6 =	vld [tilespmem:s30+$0xFFFFFFF0]  }
0x2c9: {  	v11 =	vld [tilespmem:s30+$0x30]  }
0x2ca: {  	v12 =	vld [tilespmem:s30+$0x0];
	v7 =	vmul.f32 v7, v5  }
0x2cb: {  	v39 =	vld [tilespmem:s30+$0x20];
	v8 =	vmul.f32 v8, v5  }
0x2cc: {  	v38 =	vld [tilespmem:s30+$0xFFFFFFE0];
	v9 =	vmul.f32 v37, v5;
	[tilespmem:s30+$0xFFFFFFD0] =	vst v7  }
0x2cd: {  	v6 =	vmul.f32 v6, v5;
	[tilespmem:s30+$0xFFFFFFC0] =	vst v8  }
0x2ce: {  	v40 =	vmul.f32 v11, v5;
	[tilespmem:s30+$0x10] =	vst v9  }
0x2cf: {  	v41 =	vmul.f32 v12, v5;
	[tilespmem:s30+$0xFFFFFFF0] =	vst v6  }
0x2d0: {  	v42 =	vmul.f32 v39, v5;
	[tilespmem:s30+$0x30] =	vst v40  }
0x2d1: {  	v43 =	vmul.f32 v38, v5;
	[tilespmem:s30+$0x0] =	vst v41  }
0x2d2: {  	v5 =	vmul.f32 v1, v5;
	[tilespmem:s30+$0x20] =	vst v42  }
0x2d3: {  	[tilespmem:s30+$0xFFFFFFE0] =	vst v43  }
0x2d4: {  	[tilespmem:s1+$0x0] =	vst v5  }
0x2d5: {  	v4 =	vld.idx.msk [tilespmem:v4+s14+$0x0], $0xffff  }
0x2d6: {  	v6 =	vld [tilespmem:s17+$0xFFFFFFD0]  }
0x2d7: {  	v7 =	vld [tilespmem:s17+$0xFFFFFFC0]  }
0x2d8: {  	v8 =	vld [tilespmem:s17+$0x10]  }
0x2d9: {  	v5 =	vld [tilespmem:s17+$0xFFFFFFF0]  }
0x2da: {  	v44 =	vld [tilespmem:s17+$0x30]  }
0x2db: {  	v45 =	vld [tilespmem:s17+$0x0];
	v6 =	vmul.f32 v6, v4  }
0x2dc: {  	v46 =	vld [tilespmem:s17+$0x20];
	v7 =	vmul.f32 v7, v4  }
0x2dd: {  	v9 =	vld [tilespmem:s17+$0xFFFFFFE0];
	v8 =	vmul.f32 v8, v4;
	[tilespmem:s17+$0xFFFFFFD0] =	vst v6  }
0x2de: {  	v5 =	vmul.f32 v5, v4;
	[tilespmem:s17+$0xFFFFFFC0] =	vst v7  }
0x2df: {  	v47 =	vmul.f32 v44, v4;
	[tilespmem:s17+$0x10] =	vst v8  }
0x2e0: {  	v48 =	vmul.f32 v45, v4;
	[tilespmem:s17+$0xFFFFFFF0] =	vst v5  }
0x2e1: {  	v49 =	vmul.f32 v46, v4;
	[tilespmem:s17+$0x30] =	vst v47  }
0x2e2: {  	v50 =	vmul.f32 v9, v4;
	[tilespmem:s17+$0x0] =	vst v48  }
0x2e3: {  	v4 =	vmul.f32 v1, v4;
	[tilespmem:s17+$0x20] =	vst v49  }
0x2e4: {  	[tilespmem:s17+$0xFFFFFFE0] =	vst v50  }
0x2e5: {  	[tilespmem:s15+$0x0] =	vst v4  }
0x2e6: {  	v3 =	vld.idx.msk [tilespmem:v3+s14+$0x0], $0xffff  }
0x2e7: {  	v5 =	vld [tilespmem:s6+$0xFFFFFFD0]  }
0x2e8: {  	v6 =	vld [tilespmem:s6+$0xFFFFFFC0]  }
0x2e9: {  	v7 =	vld [tilespmem:s6+$0x10]  }
0x2ea: {  	v4 =	vld [tilespmem:s6+$0xFFFFFFF0]  }
0x2eb: {  	v51 =	vld [tilespmem:s6+$0x30]  }
0x2ec: {  	v52 =	vld [tilespmem:s6+$0x0];
	v5 =	vmul.f32 v5, v3  }
0x2ed: {  	v53 =	vld [tilespmem:s6+$0x20];
	v6 =	vmul.f32 v6, v3  }
0x2ee: {  	v8 =	vld [tilespmem:s6+$0xFFFFFFE0];
	v7 =	vmul.f32 v7, v3;
	[tilespmem:s6+$0xFFFFFFD0] =	vst v5  }
0x2ef: {  	v4 =	vmul.f32 v4, v3;
	[tilespmem:s6+$0xFFFFFFC0] =	vst v6  }
0x2f0: {  	v54 =	vmul.f32 v51, v3;
	[tilespmem:s6+$0x10] =	vst v7  }
0x2f1: {  	v55 =	vmul.f32 v52, v3;
	[tilespmem:s6+$0xFFFFFFF0] =	vst v4  }
0x2f2: {  	v56 =	vmul.f32 v53, v3;
	[tilespmem:s6+$0x30] =	vst v54  }
0x2f3: {  	v57 =	vmul.f32 v8, v3;
	[tilespmem:s6+$0x0] =	vst v55  }
0x2f4: {  	v3 =	vmul.f32 v1, v3;
	[tilespmem:s6+$0x20] =	vst v56  }
0x2f5: {  	[tilespmem:s6+$0xFFFFFFE0] =	vst v57  }
0x2f6: {  	[tilespmem:s29+$0x0] =	vst v3  }
0x2f7: {  	v2 =	vld.idx.msk [tilespmem:v2+s14+$0x0], $0xffff  }
0x2f8: {  	v4 =	vld [tilespmem:s7+$0xFFFFFFD0]  }
0x2f9: {  	v5 =	vld [tilespmem:s7+$0xFFFFFFC0]  }
0x2fa: {  	v6 =	vld [tilespmem:s7+$0x10]  }
0x2fb: {  	v3 =	vld [tilespmem:s7+$0xFFFFFFF0]  }
0x2fc: {  	v58 =	vld [tilespmem:s7+$0x30]  }
0x2fd: {  	v60 =	vld [tilespmem:s7+$0x20];
	v4 =	vmul.f32 v4, v2  }
0x2fe: {  	v7 =	vld [tilespmem:s7+$0xFFFFFFE0];
	v5 =	vmul.f32 v5, v2  }
0x2ff: {  	v59 =	vld [tilespmem:s7+$0x0];
	v6 =	vmul.f32 v6, v2;
	[tilespmem:s7+$0xFFFFFFD0] =	vst v4  }
0x300: {  	v3 =	vmul.f32 v3, v2;
	[tilespmem:s7+$0xFFFFFFC0] =	vst v5  }
0x301: {  	v61 =	vmul.f32 v58, v2;
	[tilespmem:s7+$0x10] =	vst v6  }
0x302: {  	v62 =	vmul.f32 v60, v2;
	[tilespmem:s7+$0xFFFFFFF0] =	vst v3  }
0x303: {  	v63 =	vmul.f32 v7, v2;
	[tilespmem:s7+$0x30] =	vst v61  }
0x304: {  	v3 =	vmul.f32 v59, v2;
	[tilespmem:s7+$0x20] =	vst v62  }
0x305: {  	v2 =	vmul.f32 v1, v2;
	[tilespmem:s7+$0xFFFFFFE0] =	vst v63  }
0x306: {  	[tilespmem:s7+$0x0] =	vst v3  }
0x307: {  	[tilespmem:s22+$0x0] =	vst v2  }
0x308: {  	[spmem:s4] =	stream.indirect.scatter.add.f32 [tilespmem:s8], [sflag:$0x2], $0x80, s20, s12, $0xb8;
	[tilespmem:$0x1FA30] =	vst v63  }
0x309: {  	s18 =	sadd.s32 $0x1, s18;
	_ =	swait.ge [sflag:s24], $0x4000  }
0x30a: {  	p1 =	sne.s32 s18, s23;
	[sflag:s24] =	ssyncset.done $0x0  }
.Ltmp6:
0x30b: {  	[sflag:s24] =	ssyncadd.s32 $0xFFFFC000;
	(pc) =	sbr.rel @p1 .LBB2_13-.Ltmp6, $4  }
0x30c: {  	[spmem:s5] =	stream.indirect.scatter.add.f32 [tilespmem:s26], [sflag:$0x2], $0x10, s20, s12, $0xb8;
	[tilespmem:$0x1FA30] =	vst v63  }
0x30d: {  	_ =	swait.ge [sflag:s24], $0x800  }
0x30e: {  	[sflag:s24] =	ssyncset.done $0x0  }
0x30f: {  	[sflag:s24] =	ssyncadd.s32 $0xFFFFF800  }
0x310: {  	s25 =	sadd.s32 $0x1, s25  }
0x311: {  	p1 =	sne.s32 s25, $0x14  }
.Ltmp7:
0x312: {  	_ = 	snop;
	(pc) =	sbr.rel @p1 .LBB2_12-.Ltmp7, $2  }
0x313: {  	_ =	sdelay $0x2  }
0x314: {  	s28 =	sadd.s32 $0xFFFFFFFC, s28  }
0x315: {  	[bflag:$0x0] =	sbarrier.arrive $0xFFFF  }
0x316: {  	s1 =	sld [smem:$0x7F2]  }
0x317: {  	s7 =	sld [smem:$0x7EC]  }
0x318: {  	s6 =	sld [smem:$0x7DF]  }
0x319: {  	s0 =	rddreg [dreg:$0xf]  }
0x31a: {  	s0 =	sadd.s32 s0, s1  }
0x31b: {  	[hbm:s0], [sflag:s7] =	dma.local [spmem:s6], $0x680  }
0x31c: {  	_ =	swait.ge [sflag:s24], $0x680  }
0x31d: {  	s6 =	sld [smem:$0x7F4]  }
0x31e: {  	s10 =	sld [smem:$0x7E0]  }
0x31f: {  	[sflag:s24] =	ssyncset.done $0x0;
	s22 =	rddreg [dreg:$0x11]  }
0x320: {  	[sflag:s24] =	ssyncadd.s32 $0xFFFFF980;
	s0 =	sadd.s32 s22, s6  }
0x321: {  	[hbm:s0], [sflag:s7] =	dma.local [spmem:s10], $0xD0  }
0x322: {  	_ =	swait.ge [sflag:s24], $0xD0  }
0x323: {  	s25 =	sld [smem:$0x7E1]  }
0x324: {  	[sflag:s24] =	ssyncset.done $0x0;
	s23 =	rddreg [dreg:$0x12]  }
0x325: {  	[sflag:s24] =	ssyncadd.s32 $0xFFFFFF30;
	s0 =	sadd.s32 s23, s1  }
0x326: {  	[hbm:s0], [sflag:s7] =	dma.local [spmem:s25], $0x680  }
0x327: {  	_ =	swait.ge [sflag:s24], $0x680  }
0x328: {  	s29 =	sld [smem:$0x7E2]  }
0x329: {  	[sflag:s24] =	ssyncset.done $0x0;
	s28 =	rddreg [dreg:$0x13]  }
0x32a: {  	[sflag:s24] =	ssyncadd.s32 $0xFFFFF980;
	s0 =	sadd.s32 s28, s6  }
0x32b: {  	[hbm:s0], [sflag:s7] =	dma.local [spmem:s29], $0xD0  }
0x32c: {  	_ =	swait.ge [sflag:s24], $0xD0  }
0x32d: {  	s31 =	sld [smem:$0x7E3]  }
0x32e: {  	[sflag:s24] =	ssyncset.done $0x0;
	s30 =	rddreg [dreg:$0x14]  }
0x32f: {  	[sflag:s24] =	ssyncadd.s32 $0xFFFFFF30;
	s0 =	sadd.s32 s30, s1  }
0x330: {  	[hbm:s0], [sflag:s7] =	dma.local [spmem:s31], $0x680  }
0x331: {  	_ =	swait.ge [sflag:s24], $0x680  }
0x332: {  	s15 =	sld [smem:$0x7E4]  }
0x333: {  	[sflag:s24] =	ssyncset.done $0x0;
	s11 =	rddreg [dreg:$0x15]  }
0x334: {  	[sflag:s24] =	ssyncadd.s32 $0xFFFFF980;
	s0 =	sadd.s32 s11, s6  }
0x335: {  	[hbm:s0], [sflag:s7] =	dma.local [spmem:s15], $0xD0  }
0x336: {  	_ =	swait.ge [sflag:s24], $0xD0  }
0x337: {  	s17 =	sld [smem:$0x7E5]  }
0x338: {  	[sflag:s24] =	ssyncset.done $0x0;
	s16 =	rddreg [dreg:$0x16]  }
0x339: {  	[sflag:s24] =	ssyncadd.s32 $0xFFFFFF30;
	s0 =	sadd.s32 s16, s1  }
0x33a: {  	[hbm:s0], [sflag:s7] =	dma.local [spmem:s17], $0x680  }
0x33b: {  	_ =	swait.ge [sflag:s24], $0x680  }
0x33c: {  	s19 =	sld [smem:$0x7E6]  }
0x33d: {  	[sflag:s24] =	ssyncset.done $0x0;
	s18 =	rddreg [dreg:$0x17]  }
0x33e: {  	[sflag:s24] =	ssyncadd.s32 $0xFFFFF980;
	s0 =	sadd.s32 s18, s6  }
0x33f: {  	[hbm:s0], [sflag:s7] =	dma.local [spmem:s19], $0xD0  }
0x340: {  	_ =	swait.ge [sflag:s24], $0xD0  }
0x341: {  	s21 =	sld [smem:$0x7E7]  }
0x342: {  	[sflag:s24] =	ssyncset.done $0x0;
	s20 =	rddreg [dreg:$0x18]  }
0x343: {  	[sflag:s24] =	ssyncadd.s32 $0xFFFFFF30;
	s0 =	sadd.s32 s20, s1  }
0x344: {  	[hbm:s0], [sflag:s7] =	dma.local [spmem:s21], $0x680  }
0x345: {  	_ =	swait.ge [sflag:s24], $0x680  }
0x346: {  	s23 =	sld [smem:$0x7E8]  }
0x347: {  	[sflag:s24] =	ssyncset.done $0x0;
	s22 =	rddreg [dreg:$0x19]  }
0x348: {  	[sflag:s24] =	ssyncadd.s32 $0xFFFFF980;
	s0 =	sadd.s32 s22, s6  }
0x349: {  	[hbm:s0], [sflag:s7] =	dma.local [spmem:s23], $0xD0  }
0x34a: {  	_ =	swait.ge [sflag:s24], $0xD0  }
0x34b: {  	s28 =	sld [smem:$0x7E9]  }
0x34c: {  	[sflag:s24] =	ssyncset.done $0x0;
	s25 =	rddreg [dreg:$0x1a]  }
0x34d: {  	[sflag:s24] =	ssyncadd.s32 $0xFFFFFF30;
	s0 =	sadd.s32 s25, s1  }
0x34e: {  	[hbm:s0], [sflag:s7] =	dma.local [spmem:s28], $0x680  }
0x34f: {  	_ =	swait.ge [sflag:s24], $0x680  }
0x350: {  	s30 =	sld [smem:$0x7EA]  }
0x351: {  	[sflag:s24] =	ssyncset.done $0x0;
	s29 =	rddreg [dreg:$0x1b]  }
0x352: {  	[sflag:s24] =	ssyncadd.s32 $0xFFFFF980;
	s0 =	sadd.s32 s29, s6  }
0x353: {  	[hbm:s0], [sflag:s7] =	dma.local [spmem:s30], $0xD0  }
0x354: {  	_ =	swait.ge [sflag:s24], $0xD0  }
0x355: {  	s0 =	sadd.s32 @!p0 $0x27000, s1;
	s1 =	sld [smem:$0x7EB]  }
0x356: {  	[sflag:s24] =	ssyncset.done $0x0  }
0x357: {  	[sflag:s24] =	ssyncadd.s32 $0xFFFFFF30  }
0x358: {  	[hbm:s0], [sflag:s7] =	dma.local @!p0 [spmem:s1], $0x100  }
0x359: {  	s0 =	simm.s32 @!p0 $0x2  }
0x35a: {  	_ =	swait.ge @!p0 [sflag:s0], $0x100  }
0x35b: {  	s1 =	sadd.s32 @!p0 $0x4E00, s6;
	s6 =	sld [smem:$0x7ED]  }
0x35c: {  	[sflag:s0] =	ssyncset.done @!p0 $0x0  }
0x35d: {  	[sflag:s0] =	ssyncadd.s32 @!p0 $0xFFFFFF00  }
0x35e: {  	[hbm:s1], [sflag:s7] =	dma.local @!p0 [spmem:s6], $0x20  }
0x35f: {  	_ =	swait.ge @!p0 [sflag:s0], $0x20  }
0x360: {  	s31 =	sld [smem:$0x7F5]  }
0x361: {  	s19 =	rddreg [dreg:$0x7]  }
0x362: {  	s19 =	sadd.s32 $0x1, s19  }
0x363: {  	p1 =	sne.s32 s19, s31  }
.Ltmp8:
0x364: {  	_ = 	snop;
	(pc) =	sbr.rel @p1 .LBB2_1-.Ltmp8, $3  }
0x365: {  	_ =	sdelay $0x1  }
0x366: {  	[sflag:s0] =	ssyncset.done @!p0 $0x0  }
0x367: {  	[sflag:s0] =	ssyncadd.s32 @!p0 $0xFFFFFFE0  }
0x368: {  	_ =	sfence.sel $0x180000  }
0x369: {  	[bflag:$0x0] =	sbarrier.arrive $0xFFFF  }
0x36a: {  	_ =	strace $0x90000047  }
0x36b: {  	s0 =	stileid.u32;
	[bflag:$0x2] =	sbarrier.arrive $0xFFFF  }
0x36c: {  	p0 =	sne.s32 s0, $0x0;
	s0 =	rddreg [dreg:$0x6]  }
0x36d: {  	s0 =	sadd.s32 @!p0 $0x100000, s0  }
0x36e: {  	[sflag:s0] =	ssyncadd.tile.s32 @!p0 $0x1;
	_ =	shalt  }
.Lfunc_end2:
_tile_overlayer_lowered:
.L_overlay_start_2:
0x36f: {  	(tag) =	ssettag $0x2  }
0x370: {  	s0 =	rddreg [dreg:$0x0];
	s2 =	stileid.u32  }
0x371: {  	s1 =	rddreg [dreg:$0x1];
	p0 =	sne.s32 s2, $0x0  }
0x372: {  	s3 =	rddreg [dreg:$0x2];
	[bflag:$0x3] =	sbarrier.arrive $0xFFFF;
	s2 =	simm.s32 @!p0 $0x1C02  }
0x373: {  	[timem:s3], [sflag:s2] =	dma.local @!p0 [hbm:s0], s1  }
0x374: {  	s0 =	simm.s32 @!p0 $0x2  }
0x375: {  	_ =	swait.ge @!p0 [sflag:s0], s1  }
0x376: {  	s1 =	ssub.s32 @!p0 $0x0, s1;
	[sflag:s0] =	ssyncset.done @!p0 $0x0  }
0x377: {  	[sflag:s0] =	ssyncadd.s32 @!p0 s1  }
0x378: {  	[bflag:$0x3] =	sbarrier.arrive $0xFFFF  }
0x379: {  	_ =	shalt  }

</sc_bundles>
